<compile_context>
chip_gen: v7x
topology: tpu7x:2x2x1
jax: 0.10.2.dev20260603
libtpu: 0.0.44.dev20260713+nightly
codegen_flags: <defaults>
</compile_context>

<pallas_src>
import functools

import jax
import jax.numpy as jnp
from jax import lax
from jax.experimental import pallas as pl
from jax.experimental.pallas import tpu as pltpu
from jax.experimental.pallas import tpu_sc as plsc

N = 10000
E = 160000
HID = 256
EDIM = 16
L = 3
FH = 6
SCALE = 1.0 / 16.0

NC = 2
NS = 16
NW = NC * NS

E_PAD = 163840
EPT_A = E_PAD // NW
EPT_B = E_PAD // NS
CA = 64
CB = 64
HALF = 128
ROWS_PER_TILE = N // NS
ZR = 25

BN = 1000



def _prologue_body(x_ref, t_ref, s_ref, wemb_ref, bemb_ref, wsth_ref,
                   wstt_ref, wsts_ref, bst_ref, lng_ref, lnb_ref, o_ref):
    h1 = jnp.dot(x_ref[...], wemb_ref[...],
                 preferred_element_type=jnp.float32) + bemb_ref[...]
    h2 = (jnp.dot(h1, wsth_ref[...], preferred_element_type=jnp.float32)
          + jnp.dot(t_ref[...], wstt_ref[...], preferred_element_type=jnp.float32)
          + jnp.dot(s_ref[...], wsts_ref[...], preferred_element_type=jnp.float32)
          + bst_ref[...])
    mu = jnp.mean(h2, axis=1, keepdims=True)
    var = jnp.mean((h2 - mu) ** 2, axis=1, keepdims=True)
    h = (h2 - mu) * lax.rsqrt(var + 1e-5) * lng_ref[...] + lnb_ref[...]
    o_ref[...] = jnp.maximum(h, 0.0)


def _stageq_body(h_ref, wq_ref, bq_ref, wk_ref, bk_ref, wv_ref, bv_ref,
                 wet_ref, q_ref, k_ref, qw_ref, v0_ref, v1_ref):
    h = h_ref[...]
    q = jnp.dot(h, wq_ref[...], preferred_element_type=jnp.float32) + bq_ref[...]
    k = jnp.dot(h, wk_ref[...], preferred_element_type=jnp.float32) + bk_ref[...]
    v = jnp.dot(h, wv_ref[...], preferred_element_type=jnp.float32) + bv_ref[...]
    q_ref[...] = q
    k_ref[...] = k
    qw_ref[...] = jnp.dot(q, wet_ref[...], preferred_element_type=jnp.float32)
    v0_ref[...] = v[:, :HALF]
    v1_ref[...] = v[:, HALF:]


def _epilogue_body(h_ref, u0_ref, u1_ref, t_ref, we_ref, wskip_ref, bskip_ref,
                   o_ref):
    h = h_ref[...]
    tt = t_ref[...]
    a16 = tt[:, :EDIM]
    den = jnp.maximum(tt[:, EDIM:EDIM + 1], 1e-16)
    u = jnp.concatenate([u0_ref[...], u1_ref[...]], axis=1)
    agg = (u + jnp.dot(a16, we_ref[...], preferred_element_type=jnp.float32)) / den
    out = agg + jnp.dot(h, wskip_ref[...],
                        preferred_element_type=jnp.float32) + bskip_ref[...]
    o_ref[...] = h + jnp.maximum(out, 0.0)


def _decoder_body(h_ref, wd_ref, bd_ref, o_ref):
    o_ref[...] = jnp.dot(h_ref[...], wd_ref[...],
                         preferred_element_type=jnp.float32) + bd_ref[...]


def _row_spec(cols):
    return pl.BlockSpec((BN, cols), lambda i: (i, 0))


def _full_spec(rows, cols):
    return pl.BlockSpec((rows, cols), lambda i: (0, 0))


def _tc_prologue(x96, t, s, W_emb, b_emb, Wst_h, Wst_t, Wst_s, b_st, ln_g, ln_b):
    return pl.pallas_call(
        _prologue_body,
        grid=(N // BN,),
        in_specs=[
            _row_spec(96), _row_spec(4), _row_spec(6),
            _full_spec(96, HID), _full_spec(1, HID),
            _full_spec(HID, HID), _full_spec(4, HID), _full_spec(6, HID),
            _full_spec(1, HID), _full_spec(1, HID), _full_spec(1, HID),
        ],
        out_specs=_row_spec(HID),
        out_shape=jax.ShapeDtypeStruct((N, HID), jnp.float32),
    )(x96, t, s, W_emb, b_emb, Wst_h, Wst_t, Wst_s, b_st, ln_g, ln_b)


def _tc_stageq(h, Wq, bq, Wk, bk, Wv, bv, WeT):
    return pl.pallas_call(
        _stageq_body,
        grid=(N // BN,),
        in_specs=[
            _row_spec(HID),
            _full_spec(HID, HID), _full_spec(1, HID),
            _full_spec(HID, HID), _full_spec(1, HID),
            _full_spec(HID, HID), _full_spec(1, HID),
            _full_spec(HID, EDIM),
        ],
        out_specs=[
            _row_spec(HID), _row_spec(HID), _row_spec(EDIM),
            _row_spec(HALF), _row_spec(HALF),
        ],
        out_shape=[
            jax.ShapeDtypeStruct((N, HID), jnp.float32),
            jax.ShapeDtypeStruct((N, HID), jnp.float32),
            jax.ShapeDtypeStruct((N, EDIM), jnp.float32),
            jax.ShapeDtypeStruct((N, HALF), jnp.float32),
            jax.ShapeDtypeStruct((N, HALF), jnp.float32),
        ],
    )(h, Wq, bq, Wk, bk, Wv, bv, WeT)


def _tc_epilogue(h, U0, U1, T, We, Wskip, bskip):
    return pl.pallas_call(
        _epilogue_body,
        grid=(N // BN,),
        in_specs=[
            _row_spec(HID), _row_spec(HALF), _row_spec(HALF), _row_spec(32),
            _full_spec(EDIM, HID), _full_spec(HID, HID), _full_spec(1, HID),
        ],
        out_specs=_row_spec(HID),
        out_shape=jax.ShapeDtypeStruct((N, HID), jnp.float32),
    )(h, U0, U1, T, We, Wskip, bskip)


def _tc_decoder(h, W_dec, b_dec):
    return pl.pallas_call(
        _decoder_body,
        grid=(N // BN,),
        in_specs=[
            _row_spec(HID), _full_spec(HID, 48), _full_spec(1, 48),
        ],
        out_specs=_row_spec(48),
        out_shape=jax.ShapeDtypeStruct((N, 48), jnp.float32),
    )(h, W_dec, b_dec)



_MESH = plsc.VectorSubcoreMesh(core_axis_name="c", subcore_axis_name="s",
                               num_cores=NC, num_subcores=NS)


def _passa_body(q_hbm, k_hbm, qw_hbm, src_hbm, dst_hbm, attr_hbm, ea_hbm,
                sidx, didx, qbuf, kbuf, qwbuf, attrbuf, eabuf, s1, s2, s3):
    cid = lax.axis_index("c")
    sid = lax.axis_index("s")
    wid = sid * NC + cid
    base = wid * EPT_A
    lane = lax.iota(jnp.int32, 16)

    def chunk(ci, carry):
        off = base + ci * CA
        pltpu.sync_copy(src_hbm.at[pl.ds(off, CA)], sidx)
        pltpu.sync_copy(dst_hbm.at[pl.ds(off, CA)], didx)
        cq = pltpu.async_copy(q_hbm.at[didx], qbuf, s1)
        ck = pltpu.async_copy(k_hbm.at[sidx], kbuf, s2)
        cw = pltpu.async_copy(qw_hbm.at[didx], qwbuf, s3)
        pltpu.sync_copy(attr_hbm.at[pl.ds(off, CA), :], attrbuf)
        cq.wait()
        ck.wait()
        cw.wait()

        def group(g, carry2):
            rows = g * 16 + lane

            def fblock(fb, acc):
                for j in range(16):
                    fvec = jnp.full((16,), fb * 16 + j, jnp.int32)
                    qv = plsc.load_gather(qbuf, [rows, fvec])
                    kv = plsc.load_gather(kbuf, [rows, fvec])
                    acc = acc + qv * kv
                return acc

            avec = lax.fori_loop(0, 16, fblock, jnp.zeros((16,), jnp.float32))
            for j in range(EDIM):
                fvec = jnp.full((16,), j, jnp.int32)
                av = plsc.load_gather(attrbuf, [rows, fvec])
                wv = plsc.load_gather(qwbuf, [rows, fvec])
                avec = avec + av * wv
            eav = jnp.exp(avec * SCALE)
            gid = off + g * 16 + lane
            eav = jnp.where(gid < E, eav, 0.0)
            eabuf[pl.ds(ci * CA + g * 16, 16)] = eav
            return carry2

        lax.fori_loop(0, CA // 16, group, 0)
        return carry

    lax.fori_loop(0, EPT_A // CA, chunk, 0)
    pltpu.sync_copy(eabuf, ea_hbm.at[pl.ds(base, EPT_A)])


_passa = functools.partial(
    pl.kernel,
    out_type=jax.ShapeDtypeStruct((E_PAD,), jnp.float32),
    mesh=_MESH,
    compiler_params=pltpu.CompilerParams(use_tc_tiling_on_sc=False, needs_layout_passes=False),
    scratch_types=[
        pltpu.VMEM((CA,), jnp.int32),
        pltpu.VMEM((CA,), jnp.int32),
        pltpu.VMEM((CA, HID), jnp.float32),
        pltpu.VMEM((CA, HID), jnp.float32),
        pltpu.VMEM((CA, EDIM), jnp.float32),
        pltpu.VMEM((CA, EDIM), jnp.float32),
        pltpu.VMEM((EPT_A,), jnp.float32),
        pltpu.SemaphoreType.DMA,
        pltpu.SemaphoreType.DMA,
        pltpu.SemaphoreType.DMA,
    ],
)(_passa_body)


def _passb_body(v0_hbm, v1_hbm, src_hbm, dst_hbm, attr_hbm, ea_hbm,
                u0_hbm, u1_hbm, t_hbm,
                sidx, didx, vbuf, trow, eab, attrb, zbuf, tzbuf, u_sp, t_sp,
                s1):
    cid = lax.axis_index("c")
    sid = lax.axis_index("s")
    lane = lax.iota(jnp.int32, 16)
    zero16 = jnp.zeros((16,), jnp.float32)

    def zrow(r, c):
        for fb in range(HALF // 16):
            zbuf[r, pl.ds(fb * 16, 16)] = zero16
        tzbuf[r, pl.ds(0, 16)] = zero16
        tzbuf[r, pl.ds(16, 16)] = zero16
        return c

    lax.fori_loop(0, ZR, zrow, 0)
    rbase = sid * ROWS_PER_TILE

    def zinit(i, c):
        pltpu.sync_copy(zbuf, u_sp.at[pl.ds(rbase + i * ZR, ZR)])
        pltpu.sync_copy(tzbuf, t_sp.at[pl.ds(rbase + i * ZR, ZR)])
        return c

    lax.fori_loop(0, ROWS_PER_TILE // ZR, zinit, 0)
    plsc.subcore_barrier()

    base = sid * EPT_B

    def chunk(ci, carry):
        off = base + ci * CB
        pltpu.sync_copy(src_hbm.at[pl.ds(off, CB)], sidx)
        pltpu.sync_copy(dst_hbm.at[pl.ds(off, CB)], didx)
        pltpu.sync_copy(ea_hbm.at[pl.ds(off, CB)], eab)
        pltpu.sync_copy(attr_hbm.at[pl.ds(off, CB), :], attrb)

        @pl.when(cid == 0)
        def _():
            pltpu.async_copy(v0_hbm.at[sidx], vbuf, s1).wait()

        @pl.when(cid == 1)
        def _():
            pltpu.async_copy(v1_hbm.at[sidx], vbuf, s1).wait()

        def edge(e, carry2):
            ea_b = plsc.load_gather(eab, [jnp.full((16,), e, jnp.int32)])
            for fb in range(HALF // 16):
                vbuf[e, pl.ds(fb * 16, 16)] = vbuf[e, pl.ds(fb * 16, 16)] * ea_b
            trow[e, pl.ds(0, 16)] = attrb[e, :] * ea_b
            trow[e, pl.ds(16, 16)] = jnp.where(lane == 0, ea_b, 0.0)
            return carry2

        lax.fori_loop(0, CB, edge, 0)
        pltpu.sync_copy(vbuf, u_sp.at[didx], add=True)

        @pl.when(cid == 1)
        def _():
            pltpu.sync_copy(trow, t_sp.at[didx], add=True)

        return carry

    lax.fori_loop(0, EPT_B // CB, chunk, 0)
    plsc.subcore_barrier()

    @pl.when(cid == 0)
    def _():
        pltpu.sync_copy(u_sp.at[pl.ds(rbase, ROWS_PER_TILE)],
                        u0_hbm.at[pl.ds(rbase, ROWS_PER_TILE)])

    @pl.when(cid == 1)
    def _():
        pltpu.sync_copy(u_sp.at[pl.ds(rbase, ROWS_PER_TILE)],
                        u1_hbm.at[pl.ds(rbase, ROWS_PER_TILE)])
        pltpu.sync_copy(t_sp.at[pl.ds(rbase, ROWS_PER_TILE)],
                        t_hbm.at[pl.ds(rbase, ROWS_PER_TILE)])


_passb = functools.partial(
    pl.kernel,
    out_type=[
        jax.ShapeDtypeStruct((N, HALF), jnp.float32),
        jax.ShapeDtypeStruct((N, HALF), jnp.float32),
        jax.ShapeDtypeStruct((N, 32), jnp.float32),
    ],
    mesh=_MESH,
    compiler_params=pltpu.CompilerParams(use_tc_tiling_on_sc=False, needs_layout_passes=False),
    scratch_types=[
        pltpu.VMEM((CB,), jnp.int32),
        pltpu.VMEM((CB,), jnp.int32),
        pltpu.VMEM((CB, HALF), jnp.float32),
        pltpu.VMEM((CB, 32), jnp.float32),
        pltpu.VMEM((CB,), jnp.float32),
        pltpu.VMEM((CB, EDIM), jnp.float32),
        pltpu.VMEM((ZR, HALF), jnp.float32),
        pltpu.VMEM((ZR, 32), jnp.float32),
        pltpu.VMEM_SHARED((N, HALF), jnp.float32),
        pltpu.VMEM_SHARED((N, 32), jnp.float32),
        pltpu.SemaphoreType.DMA,
    ],
)(_passb_body)



@jax.jit
def kernel(x, edge_index, edge_attr, t, s, W_emb, b_emb, W_st, b_st, ln_g,
           ln_b, Wq, bq, Wk, bk, Wv, bv, We, Wskip, bskip, W_dec, b_dec):
    x96 = x.reshape(N, -1)
    r2 = lambda a: a.reshape(1, -1)

    h = _tc_prologue(x96, t, s, W_emb, r2(b_emb), W_st[:HID], W_st[HID:HID + 4],
                     W_st[HID + 4:], r2(b_st), r2(ln_g), r2(ln_b))

    pad = E_PAD - E
    srcp = jnp.concatenate([edge_index[0], jnp.zeros((pad,), jnp.int32)])
    dstp = jnp.concatenate([edge_index[1], jnp.zeros((pad,), jnp.int32)])
    attrp = jnp.concatenate([edge_attr, jnp.zeros((pad, EDIM), jnp.float32)])

    for l in range(L):
        q, k, qw, v0, v1 = _tc_stageq(h, Wq[l], r2(bq[l]), Wk[l], r2(bk[l]),
                                      Wv[l], r2(bv[l]), We[l].T)
        ea = _passa(q, k, qw, srcp, dstp, attrp)
        U0, U1, T = _passb(v0, v1, srcp, dstp, attrp, ea)
        h = _tc_epilogue(h, U0, U1, T, We[l], Wskip[l], r2(bskip[l]))

    o = _tc_decoder(h, W_dec, r2(b_dec))
    return o.reshape(N, -1, FH)

# --- scband reference (transcript-rebuilt; emitter-appended) ---
"""Pipeline reference for scband-gnnmodule-48395691491937 (READ-ONLY COPY).

The authoritative reference and input builder live on the scoring server;
editing this copy changes nothing except your own understanding.
"""

import jax, jax.numpy as jnp
import numpy as np

N = 10000
E = 160000
IN_F = 8
IN_T = 12
HID = 256
EDIM = 16
T_DIM = 4
S_DIM = 6
OUT_F = 8
FH = 6
L = 3


def setup_inputs(seed: int = 0) -> dict:
    key = jax.random.key(seed)
    ks = jax.random.split(key, 32)

    def g(k, shape, scale=0.05):
        return jax.random.normal(k, shape, dtype=jnp.float32) * scale

    inp = {}
    inp["x"] = jax.random.normal(ks[0], (N, IN_T, IN_F), dtype=jnp.float32)
    inp["edge_index"] = jax.random.randint(ks[1], (2, E), 0, N, dtype=jnp.int32)
    inp["edge_attr"] = jax.random.normal(ks[2], (E, EDIM), dtype=jnp.float32)
    inp["t"] = jax.random.normal(ks[3], (N, T_DIM), dtype=jnp.float32)
    inp["s"] = jax.random.normal(ks[4], (N, S_DIM), dtype=jnp.float32)
    # mlp_embedder
    inp["W_emb"] = g(ks[5], (IN_T * IN_F, HID))
    inp["b_emb"] = jnp.zeros((HID,), jnp.float32)
    # spatio-temporal encoder (concat(x, t, s) -> linear)
    inp["W_st"] = g(ks[6], (HID + T_DIM + S_DIM, HID))
    inp["b_st"] = jnp.zeros((HID,), jnp.float32)
    # layer norm
    inp["ln_g"] = jnp.ones((HID,), jnp.float32)
    inp["ln_b"] = jnp.zeros((HID,), jnp.float32)
    # TransformerConv stacks (heads=1)
    inp["Wq"] = g(ks[7], (L, HID, HID))
    inp["bq"] = jnp.zeros((L, HID), jnp.float32)
    inp["Wk"] = g(ks[8], (L, HID, HID))
    inp["bk"] = jnp.zeros((L, HID), jnp.float32)
    inp["Wv"] = g(ks[9], (L, HID, HID))
    inp["bv"] = jnp.zeros((L, HID), jnp.float32)
    inp["We"] = g(ks[10], (L, EDIM, HID))
    inp["Wskip"] = g(ks[11], (L, HID, HID))
    inp["bskip"] = jnp.zeros((L, HID), jnp.float32)
    # decoder
    inp["W_dec"] = g(ks[12], (HID, OUT_F * FH))
    inp["b_dec"] = jnp.zeros((OUT_F * FH,), jnp.float32)
    return inp


def _layer_norm(h, g, b):
    mu = h.mean(-1, keepdims=True)
    var = ((h - mu) ** 2).mean(-1, keepdims=True)
    return (h - mu) / jnp.sqrt(var + 1e-5) * g + b


def reference(x, edge_index, edge_attr, t, s, W_emb, b_emb, W_st, b_st, ln_g, ln_b,
              Wq, bq, Wk, bk, Wv, bv, We, Wskip, bskip, W_dec, b_dec):
    h = x.reshape(-1, x.shape[-2] * x.shape[-1]) @ W_emb + b_emb
    h = jnp.concatenate([h, t, s], axis=-1) @ W_st + b_st
    h = _layer_norm(h, ln_g, ln_b)
    h = jax.nn.relu(h)
    src = edge_index[0]
    dst = edge_index[1]
    scale = 1.0 / jnp.sqrt(jnp.float32(HID))
    for l in range(L):
        q = h @ Wq[l] + bq[l]
        k = h @ Wk[l] + bk[l]
        v = h @ Wv[l] + bv[l]
        e = edge_attr @ We[l]
        k_e = jnp.take(k, src, axis=0) + e
        v_e = jnp.take(v, src, axis=0) + e
        alpha = (jnp.take(q, dst, axis=0) * k_e).sum(-1) * scale
        m = jax.ops.segment_max(alpha, dst, num_segments=N)
        m = jnp.where(jnp.isfinite(m), m, 0.0)
        ea = jnp.exp(alpha - jnp.take(m, dst))
        denom = jax.ops.segment_sum(ea, dst, num_segments=N)
        w = ea / jnp.maximum(jnp.take(denom, dst), 1e-16)
        agg = jax.ops.segment_sum(v_e * w[:, None], dst, num_segments=N)
        out = agg + (h @ Wskip[l] + bskip[l])
        h = h + jax.nn.relu(out)
    o = h @ W_dec + b_dec
    return o.reshape(o.shape[0], o.shape[1] // FH, FH)

if __name__ == "__main__":
    import jax
    _d = setup_inputs()
    print(jax.jit(kernel)(*tuple(_d.values())))

</pallas_src>

<mosaic_0001>
#map = affine_map<(d0, d1) -> (0, 0)>
#map1 = affine_map<(d0, d1) -> (0)>
module attributes {stable_mosaic.version = 14 : i64} {
  func.func @_passb_body(%arg0: i32, %arg1: i32, %arg2: memref<10000x128xf32, #tpu.memory_space<hbm>>, %arg3: memref<10000x128xf32, #tpu.memory_space<hbm>>, %arg4: memref<163840xi32, #tpu.memory_space<hbm>>, %arg5: memref<163840xi32, #tpu.memory_space<hbm>>, %arg6: memref<163840x16xf32, #tpu.memory_space<hbm>>, %arg7: memref<163840xf32, #tpu.memory_space<hbm>>, %arg8: memref<10000x128xf32, #tpu.memory_space<hbm>>, %arg9: memref<10000x128xf32, #tpu.memory_space<hbm>>, %arg10: memref<10000x32xf32, #tpu.memory_space<hbm>>, %arg11: memref<64xi32, #tpu.memory_space<vmem>>, %arg12: memref<64xi32, #tpu.memory_space<vmem>>, %arg13: memref<64x128xf32, #tpu.memory_space<vmem>>, %arg14: memref<64x32xf32, #tpu.memory_space<vmem>>, %arg15: memref<64xf32, #tpu.memory_space<vmem>>, %arg16: memref<64x16xf32, #tpu.memory_space<vmem>>, %arg17: memref<25x128xf32, #tpu.memory_space<vmem>>, %arg18: memref<25x32xf32, #tpu.memory_space<vmem>>, %arg19: memref<10000x128xf32, #tpu.memory_space<vmem_shared>>, %arg20: memref<10000x32xf32, #tpu.memory_space<vmem_shared>>, %arg21: memref<!tpu.dma_semaphore, #tpu.memory_space<semaphore_mem>>) attributes {dimension_semantics = [#tpu.dimension_semantics<core_parallel>, #tpu.dimension_semantics<subcore_parallel>], iteration_bounds = array<i64: 2, 16>, scalar_prefetch = 0 : i64, scratch_operands = 11 : i64, tpu.core_type = #tpu.core_type<sc_vector_subcore>, window_params = [{transform_indices = #map}, {transform_indices = #map}, {transform_indices = #map1}, {transform_indices = #map1}, {transform_indices = #map}, {transform_indices = #map1}, {transform_indices = #map}, {transform_indices = #map}, {transform_indices = #map}]} {
    %iota3A = tpu.iota {dimensions = array<i32: 0>} : vector<16xi32>
    %broadcast_in_dim3A = arith.constant 0.000000e+00 : f32
    %broadcast_in_dim3A_0 = vector.broadcast %broadcast_in_dim3A : f32 to vector<16xf32>
    %scan3A = arith.constant 0 : i32
    %scan3A_1 = arith.constant 0 : i32
    %scan3A_2 = arith.constant 25 : i32
    %scan3A_3 = arith.addi %scan3A_1, %scan3A_2 : i32
    %scan3A_4 = arith.constant 1 : i32
    scf.for %scan3A_29 = %scan3A_1 to %scan3A_3 step %scan3A_4  : i32 {
      %swap3A = arith.index_cast %scan3A_29 : i32 to index
      %swap3A_30 = arith.constant 0 : index
      %swap3A_31 = tpu.vector_load %arg17[%swap3A, %swap3A_30] {strides = array<i32>} : memref<25x128xf32, #tpu.memory_space<vmem>>, vector<16xf32>,
      tpu.vector_store %arg17[%swap3A, %swap3A_30], %broadcast_in_dim3A_0 {strides = array<i32>} : memref<25x128xf32, #tpu.memory_space<vmem>>, vector<16xf32>,
      %swap3A_32 = arith.index_cast %scan3A_29 : i32 to index
      %swap3A_33 = arith.constant 16 : index
      %swap3A_34 = tpu.vector_load %arg17[%swap3A_32, %swap3A_33] {strides = array<i32>} : memref<25x128xf32, #tpu.memory_space<vmem>>, vector<16xf32>,
      tpu.vector_store %arg17[%swap3A_32, %swap3A_33], %broadcast_in_dim3A_0 {strides = array<i32>} : memref<25x128xf32, #tpu.memory_space<vmem>>, vector<16xf32>,
      %swap3A_35 = arith.index_cast %scan3A_29 : i32 to index
      %swap3A_36 = arith.constant 32 : index
      %swap3A_37 = tpu.vector_load %arg17[%swap3A_35, %swap3A_36] {strides = array<i32>} : memref<25x128xf32, #tpu.memory_space<vmem>>, vector<16xf32>,
      tpu.vector_store %arg17[%swap3A_35, %swap3A_36], %broadcast_in_dim3A_0 {strides = array<i32>} : memref<25x128xf32, #tpu.memory_space<vmem>>, vector<16xf32>,
      %swap3A_38 = arith.index_cast %scan3A_29 : i32 to index
      %swap3A_39 = arith.constant 48 : index
      %swap3A_40 = tpu.vector_load %arg17[%swap3A_38, %swap3A_39] {strides = array<i32>} : memref<25x128xf32, #tpu.memory_space<vmem>>, vector<16xf32>,
      tpu.vector_store %arg17[%swap3A_38, %swap3A_39], %broadcast_in_dim3A_0 {strides = array<i32>} : memref<25x128xf32, #tpu.memory_space<vmem>>, vector<16xf32>,
      %swap3A_41 = arith.index_cast %scan3A_29 : i32 to index
      %swap3A_42 = arith.constant 64 : index
      %swap3A_43 = tpu.vector_load %arg17[%swap3A_41, %swap3A_42] {strides = array<i32>} : memref<25x128xf32, #tpu.memory_space<vmem>>, vector<16xf32>,
      tpu.vector_store %arg17[%swap3A_41, %swap3A_42], %broadcast_in_dim3A_0 {strides = array<i32>} : memref<25x128xf32, #tpu.memory_space<vmem>>, vector<16xf32>,
      %swap3A_44 = arith.index_cast %scan3A_29 : i32 to index
      %swap3A_45 = arith.constant 80 : index
      %swap3A_46 = tpu.vector_load %arg17[%swap3A_44, %swap3A_45] {strides = array<i32>} : memref<25x128xf32, #tpu.memory_space<vmem>>, vector<16xf32>,
      tpu.vector_store %arg17[%swap3A_44, %swap3A_45], %broadcast_in_dim3A_0 {strides = array<i32>} : memref<25x128xf32, #tpu.memory_space<vmem>>, vector<16xf32>,
      %swap3A_47 = arith.index_cast %scan3A_29 : i32 to index
      %swap3A_48 = arith.constant 96 : index
      %swap3A_49 = tpu.vector_load %arg17[%swap3A_47, %swap3A_48] {strides = array<i32>} : memref<25x128xf32, #tpu.memory_space<vmem>>, vector<16xf32>,
      tpu.vector_store %arg17[%swap3A_47, %swap3A_48], %broadcast_in_dim3A_0 {strides = array<i32>} : memref<25x128xf32, #tpu.memory_space<vmem>>, vector<16xf32>,
      %swap3A_50 = arith.index_cast %scan3A_29 : i32 to index
      %swap3A_51 = arith.constant 112 : index
      %swap3A_52 = tpu.vector_load %arg17[%swap3A_50, %swap3A_51] {strides = array<i32>} : memref<25x128xf32, #tpu.memory_space<vmem>>, vector<16xf32>,
      tpu.vector_store %arg17[%swap3A_50, %swap3A_51], %broadcast_in_dim3A_0 {strides = array<i32>} : memref<25x128xf32, #tpu.memory_space<vmem>>, vector<16xf32>,
      %swap3A_53 = arith.index_cast %scan3A_29 : i32 to index
      %swap3A_54 = arith.constant 0 : index
      %swap3A_55 = tpu.vector_load %arg18[%swap3A_53, %swap3A_54] {strides = array<i32>} : memref<25x32xf32, #tpu.memory_space<vmem>>, vector<16xf32>,
      tpu.vector_store %arg18[%swap3A_53, %swap3A_54], %broadcast_in_dim3A_0 {strides = array<i32>} : memref<25x32xf32, #tpu.memory_space<vmem>>, vector<16xf32>,
      %swap3A_56 = arith.index_cast %scan3A_29 : i32 to index
      %swap3A_57 = arith.constant 16 : index
      %swap3A_58 = tpu.vector_load %arg18[%swap3A_56, %swap3A_57] {strides = array<i32>} : memref<25x32xf32, #tpu.memory_space<vmem>>, vector<16xf32>,
      tpu.vector_store %arg18[%swap3A_56, %swap3A_57], %broadcast_in_dim3A_0 {strides = array<i32>} : memref<25x32xf32, #tpu.memory_space<vmem>>, vector<16xf32>,
    }
    %scan3A_5 = arith.constant 25 : i32
    %mul3A = arith.constant 625 : i32
    %mul3A_6 = arith.muli %arg1, %mul3A : i32
    %scan3A_7 = arith.constant 0 : i32
    %scan3A_8 = arith.constant 0 : i32
    %scan3A_9 = arith.constant 25 : i32
    %scan3A_10 = arith.addi %scan3A_8, %scan3A_9 : i32
    %scan3A_11 = arith.constant 1 : i32
    scf.for %scan3A_29 = %scan3A_8 to %scan3A_10 step %scan3A_11  : i32 {
      %mul3A_30 = arith.constant 25 : i32
      %mul3A_31 = arith.muli %scan3A_29, %mul3A_30 : i32
      %add3A = arith.addi %mul3A_6, %mul3A_31 : i32
      "tpu.region"() ({
        %run_scoped3A = tpu.sem_alloc : memref<!tpu.dma_semaphore, #tpu.memory_space<semaphore_mem>>
        %dma_start3A = arith.constant 0 : i32
        %dma_start3A_35 = tpu.memref_slice %arg19[%add3A, %dma_start3A] : memref<10000x128xf32, #tpu.memory_space<vmem_shared>> -> memref<25x128xf32, #tpu.memory_space<vmem_shared>>
        %dma_start3A_36 = arith.constant 0 : i32
        %dma_start3A_37 = tpu.memref_slice %arg19[%add3A, %dma_start3A_36] : memref<10000x128xf32, #tpu.memory_space<vmem_shared>> -> memref<25x128xf32, #tpu.memory_space<vmem_shared>>
        tpu.enqueue_dma source(%arg17 : memref<25x128xf32, #tpu.memory_space<vmem>>) target(%dma_start3A_37 : memref<25x128xf32, #tpu.memory_space<vmem_shared>>) target_semaphore(%run_scoped3A : memref<!tpu.dma_semaphore, #tpu.memory_space<semaphore_mem>>)
        %dma_wait3A = arith.constant 0 : i32
        %dma_wait3A_38 = tpu.memref_slice %arg19[%add3A, %dma_wait3A] : memref<10000x128xf32, #tpu.memory_space<vmem_shared>> -> memref<25x128xf32, #tpu.memory_space<vmem_shared>>
        %dma_wait3A_39 = arith.constant 0 : i32
        %dma_wait3A_40 = tpu.memref_slice %arg19[%add3A, %dma_wait3A_39] : memref<10000x128xf32, #tpu.memory_space<vmem_shared>> -> memref<25x128xf32, #tpu.memory_space<vmem_shared>>
        tpu.wait_dma2 semaphore(%run_scoped3A : memref<!tpu.dma_semaphore, #tpu.memory_space<semaphore_mem>>) src(%arg17 : memref<25x128xf32, #tpu.memory_space<vmem>>) dst(%dma_wait3A_40 : memref<25x128xf32, #tpu.memory_space<vmem_shared>>)
        tpu.yield
      }) : () -> ()
      %mul3A_32 = arith.constant 25 : i32
      %mul3A_33 = arith.muli %scan3A_29, %mul3A_32 : i32
      %add3A_34 = arith.addi %mul3A_6, %mul3A_33 : i32
      "tpu.region"() ({
        %run_scoped3A = tpu.sem_alloc : memref<!tpu.dma_semaphore, #tpu.memory_space<semaphore_mem>>
        %dma_start3A = arith.constant 0 : i32
        %dma_start3A_35 = tpu.memref_slice %arg20[%add3A_34, %dma_start3A] : memref<10000x32xf32, #tpu.memory_space<vmem_shared>> -> memref<25x32xf32, #tpu.memory_space<vmem_shared>>
        %dma_start3A_36 = arith.constant 0 : i32
        %dma_start3A_37 = tpu.memref_slice %arg20[%add3A_34, %dma_start3A_36] : memref<10000x32xf32, #tpu.memory_space<vmem_shared>> -> memref<25x32xf32, #tpu.memory_space<vmem_shared>>
        tpu.enqueue_dma source(%arg18 : memref<25x32xf32, #tpu.memory_space<vmem>>) target(%dma_start3A_37 : memref<25x32xf32, #tpu.memory_space<vmem_shared>>) target_semaphore(%run_scoped3A : memref<!tpu.dma_semaphore, #tpu.memory_space<semaphore_mem>>)
        %dma_wait3A = arith.constant 0 : i32
        %dma_wait3A_38 = tpu.memref_slice %arg20[%add3A_34, %dma_wait3A] : memref<10000x32xf32, #tpu.memory_space<vmem_shared>> -> memref<25x32xf32, #tpu.memory_space<vmem_shared>>
        %dma_wait3A_39 = arith.constant 0 : i32
        %dma_wait3A_40 = tpu.memref_slice %arg20[%add3A_34, %dma_wait3A_39] : memref<10000x32xf32, #tpu.memory_space<vmem_shared>> -> memref<25x32xf32, #tpu.memory_space<vmem_shared>>
        tpu.wait_dma2 semaphore(%run_scoped3A : memref<!tpu.dma_semaphore, #tpu.memory_space<semaphore_mem>>) src(%arg18 : memref<25x32xf32, #tpu.memory_space<vmem>>) dst(%dma_wait3A_40 : memref<25x32xf32, #tpu.memory_space<vmem_shared>>)
        tpu.yield
      }) : () -> ()
    }
    %scan3A_12 = arith.constant 25 : i32
    %barrier3A = arith.constant 0 : index
    tpu.barrier barrier_id(%barrier3A)
    %mul3A_13 = arith.constant 10240 : i32
    %mul3A_14 = arith.muli %arg1, %mul3A_13 : i32
    %scan3A_15 = arith.constant 0 : i32
    %scan3A_16 = arith.constant 0 : i32
    %scan3A_17 = arith.constant 160 : i32
    %scan3A_18 = arith.addi %scan3A_16, %scan3A_17 : i32
    %scan3A_19 = arith.constant 1 : i32
    scf.for %scan3A_29 = %scan3A_16 to %scan3A_18 step %scan3A_19  : i32 {
      %mul3A_30 = arith.constant 64 : i32
      %mul3A_31 = arith.muli %scan3A_29, %mul3A_30 : i32
      %add3A = arith.addi %mul3A_14, %mul3A_31 : i32
      "tpu.region"() ({
        %run_scoped3A = tpu.sem_alloc : memref<!tpu.dma_semaphore, #tpu.memory_space<semaphore_mem>>
        %dma_start3A = tpu.memref_slice %arg4[%add3A] : memref<163840xi32, #tpu.memory_space<hbm>> -> memref<64xi32, #tpu.memory_space<hbm>>
        %dma_start3A_53 = tpu.memref_slice %arg4[%add3A] : memref<163840xi32, #tpu.memory_space<hbm>> -> memref<64xi32, #tpu.memory_space<hbm>>
        tpu.enqueue_dma source(%dma_start3A_53 : memref<64xi32, #tpu.memory_space<hbm>>) target(%arg11 : memref<64xi32, #tpu.memory_space<vmem>>) target_semaphore(%run_scoped3A : memref<!tpu.dma_semaphore, #tpu.memory_space<semaphore_mem>>)
        %dma_wait3A = tpu.memref_slice %arg4[%add3A] : memref<163840xi32, #tpu.memory_space<hbm>> -> memref<64xi32, #tpu.memory_space<hbm>>
        %dma_wait3A_54 = tpu.memref_slice %arg4[%add3A] : memref<163840xi32, #tpu.memory_space<hbm>> -> memref<64xi32, #tpu.memory_space<hbm>>
        tpu.wait_dma2 semaphore(%run_scoped3A : memref<!tpu.dma_semaphore, #tpu.memory_space<semaphore_mem>>) src(%dma_wait3A_54 : memref<64xi32, #tpu.memory_space<hbm>>) dst(%arg11 : memref<64xi32, #tpu.memory_space<vmem>>)
        tpu.yield
      }) : () -> ()
      "tpu.region"() ({
        %run_scoped3A = tpu.sem_alloc : memref<!tpu.dma_semaphore, #tpu.memory_space<semaphore_mem>>
        %dma_start3A = tpu.memref_slice %arg5[%add3A] : memref<163840xi32, #tpu.memory_space<hbm>> -> memref<64xi32, #tpu.memory_space<hbm>>
        %dma_start3A_53 = tpu.memref_slice %arg5[%add3A] : memref<163840xi32, #tpu.memory_space<hbm>> -> memref<64xi32, #tpu.memory_space<hbm>>
        tpu.enqueue_dma source(%dma_start3A_53 : memref<64xi32, #tpu.memory_space<hbm>>) target(%arg12 : memref<64xi32, #tpu.memory_space<vmem>>) target_semaphore(%run_scoped3A : memref<!tpu.dma_semaphore, #tpu.memory_space<semaphore_mem>>)
        %dma_wait3A = tpu.memref_slice %arg5[%add3A] : memref<163840xi32, #tpu.memory_space<hbm>> -> memref<64xi32, #tpu.memory_space<hbm>>
        %dma_wait3A_54 = tpu.memref_slice %arg5[%add3A] : memref<163840xi32, #tpu.memory_space<hbm>> -> memref<64xi32, #tpu.memory_space<hbm>>
        tpu.wait_dma2 semaphore(%run_scoped3A : memref<!tpu.dma_semaphore, #tpu.memory_space<semaphore_mem>>) src(%dma_wait3A_54 : memref<64xi32, #tpu.memory_space<hbm>>) dst(%arg12 : memref<64xi32, #tpu.memory_space<vmem>>)
        tpu.yield
      }) : () -> ()
      "tpu.region"() ({
        %run_scoped3A = tpu.sem_alloc : memref<!tpu.dma_semaphore, #tpu.memory_space<semaphore_mem>>
        %dma_start3A = tpu.memref_slice %arg7[%add3A] : memref<163840xf32, #tpu.memory_space<hbm>> -> memref<64xf32, #tpu.memory_space<hbm>>
        %dma_start3A_53 = tpu.memref_slice %arg7[%add3A] : memref<163840xf32, #tpu.memory_space<hbm>> -> memref<64xf32, #tpu.memory_space<hbm>>
        tpu.enqueue_dma source(%dma_start3A_53 : memref<64xf32, #tpu.memory_space<hbm>>) target(%arg15 : memref<64xf32, #tpu.memory_space<vmem>>) target_semaphore(%run_scoped3A : memref<!tpu.dma_semaphore, #tpu.memory_space<semaphore_mem>>)
        %dma_wait3A = tpu.memref_slice %arg7[%add3A] : memref<163840xf32, #tpu.memory_space<hbm>> -> memref<64xf32, #tpu.memory_space<hbm>>
        %dma_wait3A_54 = tpu.memref_slice %arg7[%add3A] : memref<163840xf32, #tpu.memory_space<hbm>> -> memref<64xf32, #tpu.memory_space<hbm>>
        tpu.wait_dma2 semaphore(%run_scoped3A : memref<!tpu.dma_semaphore, #tpu.memory_space<semaphore_mem>>) src(%dma_wait3A_54 : memref<64xf32, #tpu.memory_space<hbm>>) dst(%arg15 : memref<64xf32, #tpu.memory_space<vmem>>)
        tpu.yield
      }) : () -> ()
      "tpu.region"() ({
        %run_scoped3A = tpu.sem_alloc : memref<!tpu.dma_semaphore, #tpu.memory_space<semaphore_mem>>
        %dma_start3A = arith.constant 0 : i32
        %dma_start3A_53 = tpu.memref_slice %arg6[%add3A, %dma_start3A] : memref<163840x16xf32, #tpu.memory_space<hbm>> -> memref<64x16xf32, #tpu.memory_space<hbm>>
        %dma_start3A_54 = arith.constant 0 : i32
        %dma_start3A_55 = tpu.memref_slice %arg6[%add3A, %dma_start3A_54] : memref<163840x16xf32, #tpu.memory_space<hbm>> -> memref<64x16xf32, #tpu.memory_space<hbm>>
        tpu.enqueue_dma source(%dma_start3A_55 : memref<64x16xf32, #tpu.memory_space<hbm>>) target(%arg16 : memref<64x16xf32, #tpu.memory_space<vmem>>) target_semaphore(%run_scoped3A : memref<!tpu.dma_semaphore, #tpu.memory_space<semaphore_mem>>)
        %dma_wait3A = arith.constant 0 : i32
        %dma_wait3A_56 = tpu.memref_slice %arg6[%add3A, %dma_wait3A] : memref<163840x16xf32, #tpu.memory_space<hbm>> -> memref<64x16xf32, #tpu.memory_space<hbm>>
        %dma_wait3A_57 = arith.constant 0 : i32
        %dma_wait3A_58 = tpu.memref_slice %arg6[%add3A, %dma_wait3A_57] : memref<163840x16xf32, #tpu.memory_space<hbm>> -> memref<64x16xf32, #tpu.memory_space<hbm>>
        tpu.wait_dma2 semaphore(%run_scoped3A : memref<!tpu.dma_semaphore, #tpu.memory_space<semaphore_mem>>) src(%dma_wait3A_58 : memref<64x16xf32, #tpu.memory_space<hbm>>) dst(%arg16 : memref<64x16xf32, #tpu.memory_space<vmem>>)
        tpu.yield
      }) : () -> ()
      %eq3A_32 = arith.constant 0 : i32
      %eq3A_33 = arith.cmpi eq, %arg0, %eq3A_32 : i32
      %convert_element_type3A_34 = arith.extui %eq3A_33 : i1 to i32
      %cond3A_35 = arith.constant 0 : i32
      %cond3A_36 = arith.cmpi ne, %convert_element_type3A_34, %cond3A_35 : i32
      scf.if %cond3A_36 {
        %dma_start3A = arith.constant 0 : i32
        %dma_start3A_53 = arith.constant 0 : i32
        %dma_start3A_54 = tpu.memref_slice %arg2[%dma_start3A, %dma_start3A_53] : memref<10000x128xf32, #tpu.memory_space<hbm>> -> memref<10000x128xf32, #tpu.memory_space<hbm>>
        tpu.enqueue_indirect_dma source(%dma_start3A_54 : memref<10000x128xf32, #tpu.memory_space<hbm>>) target(%arg13 : memref<64x128xf32, #tpu.memory_space<vmem>>) offsets(%arg11 : memref<64xi32, #tpu.memory_space<vmem>>) semaphore(%arg21 : memref<!tpu.dma_semaphore, #tpu.memory_space<semaphore_mem>>)
        %dma_wait3A = arith.constant 0 : i32
        %dma_wait3A_55 = arith.constant 0 : i32
        %dma_wait3A_56 = tpu.memref_slice %arg2[%dma_wait3A, %dma_wait3A_55] : memref<10000x128xf32, #tpu.memory_space<hbm>> -> memref<10000x128xf32, #tpu.memory_space<hbm>>
        tpu.wait_indirect_dma semaphore(%arg21 : memref<!tpu.dma_semaphore, #tpu.memory_space<semaphore_mem>>) src(%dma_wait3A_56 : memref<10000x128xf32, #tpu.memory_space<hbm>>) dst(%arg13 : memref<64x128xf32, #tpu.memory_space<vmem>>)
      } else {
      }
      %eq3A_37 = arith.constant 1 : i32
      %eq3A_38 = arith.cmpi eq, %arg0, %eq3A_37 : i32
      %convert_element_type3A_39 = arith.extui %eq3A_38 : i1 to i32
      %cond3A_40 = arith.constant 0 : i32
      %cond3A_41 = arith.cmpi ne, %convert_element_type3A_39, %cond3A_40 : i32
      scf.if %cond3A_41 {
        %dma_start3A = arith.constant 0 : i32
        %dma_start3A_53 = arith.constant 0 : i32
        %dma_start3A_54 = tpu.memref_slice %arg3[%dma_start3A, %dma_start3A_53] : memref<10000x128xf32, #tpu.memory_space<hbm>> -> memref<10000x128xf32, #tpu.memory_space<hbm>>
        tpu.enqueue_indirect_dma source(%dma_start3A_54 : memref<10000x128xf32, #tpu.memory_space<hbm>>) target(%arg13 : memref<64x128xf32, #tpu.memory_space<vmem>>) offsets(%arg11 : memref<64xi32, #tpu.memory_space<vmem>>) semaphore(%arg21 : memref<!tpu.dma_semaphore, #tpu.memory_space<semaphore_mem>>)
        %dma_wait3A = arith.constant 0 : i32
        %dma_wait3A_55 = arith.constant 0 : i32
        %dma_wait3A_56 = tpu.memref_slice %arg3[%dma_wait3A, %dma_wait3A_55] : memref<10000x128xf32, #tpu.memory_space<hbm>> -> memref<10000x128xf32, #tpu.memory_space<hbm>>
        tpu.wait_indirect_dma semaphore(%arg21 : memref<!tpu.dma_semaphore, #tpu.memory_space<semaphore_mem>>) src(%dma_wait3A_56 : memref<10000x128xf32, #tpu.memory_space<hbm>>) dst(%arg13 : memref<64x128xf32, #tpu.memory_space<vmem>>)
      } else {
      }
      %scan3A_42 = arith.constant 0 : i32
      %scan3A_43 = arith.constant 0 : i32
      %scan3A_44 = arith.constant 64 : i32
      %scan3A_45 = arith.addi %scan3A_43, %scan3A_44 : i32
      %scan3A_46 = arith.constant 1 : i32
      scf.for %scan3A_53 = %scan3A_43 to %scan3A_45 step %scan3A_46  : i32 {
        %broadcast_in_dim3A_54 = vector.broadcast %scan3A_53 : i32 to vector<16xi32>
        %gather3A = tpu.vector_load_idx %arg15[%broadcast_in_dim3A_54] : memref<64xf32, #tpu.memory_space<vmem>>[vector<16xi32>], vector<16xf32>,
        %get3A = arith.index_cast %scan3A_53 : i32 to index
        %get3A_55 = arith.constant 0 : index
        %get3A_56 = tpu.vector_load %arg13[%get3A, %get3A_55] {strides = array<i32>} : memref<64x128xf32, #tpu.memory_space<vmem>>, vector<16xf32>,
        %mul3A_57 = arith.mulf %get3A_56, %gather3A : vector<16xf32>
        %swap3A = arith.index_cast %scan3A_53 : i32 to index
        %swap3A_58 = arith.constant 0 : index
        %swap3A_59 = tpu.vector_load %arg13[%swap3A, %swap3A_58] {strides = array<i32>} : memref<64x128xf32, #tpu.memory_space<vmem>>, vector<16xf32>,
        tpu.vector_store %arg13[%swap3A, %swap3A_58], %mul3A_57 {strides = array<i32>} : memref<64x128xf32, #tpu.memory_space<vmem>>, vector<16xf32>,
        %get3A_60 = arith.index_cast %scan3A_53 : i32 to index
        %get3A_61 = arith.constant 16 : index
        %get3A_62 = tpu.vector_load %arg13[%get3A_60, %get3A_61] {strides = array<i32>} : memref<64x128xf32, #tpu.memory_space<vmem>>, vector<16xf32>,
        %mul3A_63 = arith.mulf %get3A_62, %gather3A : vector<16xf32>
        %swap3A_64 = arith.index_cast %scan3A_53 : i32 to index
        %swap3A_65 = arith.constant 16 : index
        %swap3A_66 = tpu.vector_load %arg13[%swap3A_64, %swap3A_65] {strides = array<i32>} : memref<64x128xf32, #tpu.memory_space<vmem>>, vector<16xf32>,
        tpu.vector_store %arg13[%swap3A_64, %swap3A_65], %mul3A_63 {strides = array<i32>} : memref<64x128xf32, #tpu.memory_space<vmem>>, vector<16xf32>,
        %get3A_67 = arith.index_cast %scan3A_53 : i32 to index
        %get3A_68 = arith.constant 32 : index
        %get3A_69 = tpu.vector_load %arg13[%get3A_67, %get3A_68] {strides = array<i32>} : memref<64x128xf32, #tpu.memory_space<vmem>>, vector<16xf32>,
        %mul3A_70 = arith.mulf %get3A_69, %gather3A : vector<16xf32>
        %swap3A_71 = arith.index_cast %scan3A_53 : i32 to index
        %swap3A_72 = arith.constant 32 : index
        %swap3A_73 = tpu.vector_load %arg13[%swap3A_71, %swap3A_72] {strides = array<i32>} : memref<64x128xf32, #tpu.memory_space<vmem>>, vector<16xf32>,
        tpu.vector_store %arg13[%swap3A_71, %swap3A_72], %mul3A_70 {strides = array<i32>} : memref<64x128xf32, #tpu.memory_space<vmem>>, vector<16xf32>,
        %get3A_74 = arith.index_cast %scan3A_53 : i32 to index
        %get3A_75 = arith.constant 48 : index
        %get3A_76 = tpu.vector_load %arg13[%get3A_74, %get3A_75] {strides = array<i32>} : memref<64x128xf32, #tpu.memory_space<vmem>>, vector<16xf32>,
        %mul3A_77 = arith.mulf %get3A_76, %gather3A : vector<16xf32>
        %swap3A_78 = arith.index_cast %scan3A_53 : i32 to index
        %swap3A_79 = arith.constant 48 : index
        %swap3A_80 = tpu.vector_load %arg13[%swap3A_78, %swap3A_79] {strides = array<i32>} : memref<64x128xf32, #tpu.memory_space<vmem>>, vector<16xf32>,
        tpu.vector_store %arg13[%swap3A_78, %swap3A_79], %mul3A_77 {strides = array<i32>} : memref<64x128xf32, #tpu.memory_space<vmem>>, vector<16xf32>,
        %get3A_81 = arith.index_cast %scan3A_53 : i32 to index
        %get3A_82 = arith.constant 64 : index
        %get3A_83 = tpu.vector_load %arg13[%get3A_81, %get3A_82] {strides = array<i32>} : memref<64x128xf32, #tpu.memory_space<vmem>>, vector<16xf32>,
        %mul3A_84 = arith.mulf %get3A_83, %gather3A : vector<16xf32>
        %swap3A_85 = arith.index_cast %scan3A_53 : i32 to index
        %swap3A_86 = arith.constant 64 : index
        %swap3A_87 = tpu.vector_load %arg13[%swap3A_85, %swap3A_86] {strides = array<i32>} : memref<64x128xf32, #tpu.memory_space<vmem>>, vector<16xf32>,
        tpu.vector_store %arg13[%swap3A_85, %swap3A_86], %mul3A_84 {strides = array<i32>} : memref<64x128xf32, #tpu.memory_space<vmem>>, vector<16xf32>,
        %get3A_88 = arith.index_cast %scan3A_53 : i32 to index
        %get3A_89 = arith.constant 80 : index
        %get3A_90 = tpu.vector_load %arg13[%get3A_88, %get3A_89] {strides = array<i32>} : memref<64x128xf32, #tpu.memory_space<vmem>>, vector<16xf32>,
        %mul3A_91 = arith.mulf %get3A_90, %gather3A : vector<16xf32>
        %swap3A_92 = arith.index_cast %scan3A_53 : i32 to index
        %swap3A_93 = arith.constant 80 : index
        %swap3A_94 = tpu.vector_load %arg13[%swap3A_92, %swap3A_93] {strides = array<i32>} : memref<64x128xf32, #tpu.memory_space<vmem>>, vector<16xf32>,
        tpu.vector_store %arg13[%swap3A_92, %swap3A_93], %mul3A_91 {strides = array<i32>} : memref<64x128xf32, #tpu.memory_space<vmem>>, vector<16xf32>,
        %get3A_95 = arith.index_cast %scan3A_53 : i32 to index
        %get3A_96 = arith.constant 96 : index
        %get3A_97 = tpu.vector_load %arg13[%get3A_95, %get3A_96] {strides = array<i32>} : memref<64x128xf32, #tpu.memory_space<vmem>>, vector<16xf32>,
        %mul3A_98 = arith.mulf %get3A_97, %gather3A : vector<16xf32>
        %swap3A_99 = arith.index_cast %scan3A_53 : i32 to index
        %swap3A_100 = arith.constant 96 : index
        %swap3A_101 = tpu.vector_load %arg13[%swap3A_99, %swap3A_100] {strides = array<i32>} : memref<64x128xf32, #tpu.memory_space<vmem>>, vector<16xf32>,
        tpu.vector_store %arg13[%swap3A_99, %swap3A_100], %mul3A_98 {strides = array<i32>} : memref<64x128xf32, #tpu.memory_space<vmem>>, vector<16xf32>,
        %get3A_102 = arith.index_cast %scan3A_53 : i32 to index
        %get3A_103 = arith.constant 112 : index
        %get3A_104 = tpu.vector_load %arg13[%get3A_102, %get3A_103] {strides = array<i32>} : memref<64x128xf32, #tpu.memory_space<vmem>>, vector<16xf32>,
        %mul3A_105 = arith.mulf %get3A_104, %gather3A : vector<16xf32>
        %swap3A_106 = arith.index_cast %scan3A_53 : i32 to index
        %swap3A_107 = arith.constant 112 : index
        %swap3A_108 = tpu.vector_load %arg13[%swap3A_106, %swap3A_107] {strides = array<i32>} : memref<64x128xf32, #tpu.memory_space<vmem>>, vector<16xf32>,
        tpu.vector_store %arg13[%swap3A_106, %swap3A_107], %mul3A_105 {strides = array<i32>} : memref<64x128xf32, #tpu.memory_space<vmem>>, vector<16xf32>,
        %get3A_109 = arith.index_cast %scan3A_53 : i32 to index
        %get3A_110 = arith.constant 0 : index
        %get3A_111 = tpu.vector_load %arg16[%get3A_109, %get3A_110] {strides = array<i32>} : memref<64x16xf32, #tpu.memory_space<vmem>>, vector<16xf32>,
        %mul3A_112 = arith.mulf %get3A_111, %gather3A : vector<16xf32>
        %swap3A_113 = arith.index_cast %scan3A_53 : i32 to index
        %swap3A_114 = arith.constant 0 : index
        %swap3A_115 = tpu.vector_load %arg14[%swap3A_113, %swap3A_114] {strides = array<i32>} : memref<64x32xf32, #tpu.memory_space<vmem>>, vector<16xf32>,
        tpu.vector_store %arg14[%swap3A_113, %swap3A_114], %mul3A_112 {strides = array<i32>} : memref<64x32xf32, #tpu.memory_space<vmem>>, vector<16xf32>,
        %eq3A_116 = arith.constant 0 : i32
        %eq3A_117 = vector.broadcast %eq3A_116 : i32 to vector<16xi32>
        %eq3A_118 = arith.cmpi eq, %iota3A, %eq3A_117 : vector<16xi32>
        %jit3A = arith.constant 0.000000e+00 : f32
        %broadcast_in_dim3A_119 = vector.broadcast %jit3A : f32 to vector<16xf32>
        %select_n3A = arith.select %eq3A_118, %gather3A, %broadcast_in_dim3A_119 : vector<16xi1>, vector<16xf32>
        %swap3A_120 = arith.index_cast %scan3A_53 : i32 to index
        %swap3A_121 = arith.constant 16 : index
        %swap3A_122 = tpu.vector_load %arg14[%swap3A_120, %swap3A_121] {strides = array<i32>} : memref<64x32xf32, #tpu.memory_space<vmem>>, vector<16xf32>,
        tpu.vector_store %arg14[%swap3A_120, %swap3A_121], %select_n3A {strides = array<i32>} : memref<64x32xf32, #tpu.memory_space<vmem>>, vector<16xf32>,
      }
      %scan3A_47 = arith.constant 64 : i32
      "tpu.region"() ({
        %run_scoped3A = tpu.sem_alloc : memref<!tpu.dma_semaphore, #tpu.memory_space<semaphore_mem>>
        %dma_start3A = arith.constant 0 : i32
        %dma_start3A_53 = arith.constant 0 : i32
        %dma_start3A_54 = tpu.memref_slice %arg19[%dma_start3A, %dma_start3A_53] : memref<10000x128xf32, #tpu.memory_space<vmem_shared>> -> memref<10000x128xf32, #tpu.memory_space<vmem_shared>>
        tpu.enqueue_indirect_dma source(%arg13 : memref<64x128xf32, #tpu.memory_space<vmem>>) target(%dma_start3A_54 : memref<10000x128xf32, #tpu.memory_space<vmem_shared>>) offsets(%arg12 : memref<64xi32, #tpu.memory_space<vmem>>) semaphore(%run_scoped3A : memref<!tpu.dma_semaphore, #tpu.memory_space<semaphore_mem>>) {add = true}
        %dma_wait3A = arith.constant 0 : i32
        %dma_wait3A_55 = arith.constant 0 : i32
        %dma_wait3A_56 = tpu.memref_slice %arg19[%dma_wait3A, %dma_wait3A_55] : memref<10000x128xf32, #tpu.memory_space<vmem_shared>> -> memref<10000x128xf32, #tpu.memory_space<vmem_shared>>
        tpu.wait_indirect_dma semaphore(%run_scoped3A : memref<!tpu.dma_semaphore, #tpu.memory_space<semaphore_mem>>) src(%arg13 : memref<64x128xf32, #tpu.memory_space<vmem>>) dst(%dma_wait3A_56 : memref<10000x128xf32, #tpu.memory_space<vmem_shared>>)
        tpu.yield
      }) : () -> ()
      %eq3A_48 = arith.constant 1 : i32
      %eq3A_49 = arith.cmpi eq, %arg0, %eq3A_48 : i32
      %convert_element_type3A_50 = arith.extui %eq3A_49 : i1 to i32
      %cond3A_51 = arith.constant 0 : i32
      %cond3A_52 = arith.cmpi ne, %convert_element_type3A_50, %cond3A_51 : i32
      scf.if %cond3A_52 {
        "tpu.region"() ({
          %run_scoped3A = tpu.sem_alloc : memref<!tpu.dma_semaphore, #tpu.memory_space<semaphore_mem>>
          %dma_start3A = arith.constant 0 : i32
          %dma_start3A_53 = arith.constant 0 : i32
          %dma_start3A_54 = tpu.memref_slice %arg20[%dma_start3A, %dma_start3A_53] : memref<10000x32xf32, #tpu.memory_space<vmem_shared>> -> memref<10000x32xf32, #tpu.memory_space<vmem_shared>>
          tpu.enqueue_indirect_dma source(%arg14 : memref<64x32xf32, #tpu.memory_space<vmem>>) target(%dma_start3A_54 : memref<10000x32xf32, #tpu.memory_space<vmem_shared>>) offsets(%arg12 : memref<64xi32, #tpu.memory_space<vmem>>) semaphore(%run_scoped3A : memref<!tpu.dma_semaphore, #tpu.memory_space<semaphore_mem>>) {add = true}
          %dma_wait3A = arith.constant 0 : i32
          %dma_wait3A_55 = arith.constant 0 : i32
          %dma_wait3A_56 = tpu.memref_slice %arg20[%dma_wait3A, %dma_wait3A_55] : memref<10000x32xf32, #tpu.memory_space<vmem_shared>> -> memref<10000x32xf32, #tpu.memory_space<vmem_shared>>
          tpu.wait_indirect_dma semaphore(%run_scoped3A : memref<!tpu.dma_semaphore, #tpu.memory_space<semaphore_mem>>) src(%arg14 : memref<64x32xf32, #tpu.memory_space<vmem>>) dst(%dma_wait3A_56 : memref<10000x32xf32, #tpu.memory_space<vmem_shared>>)
          tpu.yield
        }) : () -> ()
      } else {
      }
    }
    %scan3A_20 = arith.constant 160 : i32
    %barrier3A_21 = arith.constant 0 : index
    tpu.barrier barrier_id(%barrier3A_21)
    %eq3A = arith.constant 0 : i32
    %eq3A_22 = arith.cmpi eq, %arg0, %eq3A : i32
    %convert_element_type3A = arith.extui %eq3A_22 : i1 to i32
    %cond3A = arith.constant 0 : i32
    %cond3A_23 = arith.cmpi ne, %convert_element_type3A, %cond3A : i32
    scf.if %cond3A_23 {
      "tpu.region"() ({
        %run_scoped3A = tpu.sem_alloc : memref<!tpu.dma_semaphore, #tpu.memory_space<semaphore_mem>>
        %dma_start3A = arith.constant 0 : i32
        %dma_start3A_29 = tpu.memref_slice %arg8[%mul3A_6, %dma_start3A] : memref<10000x128xf32, #tpu.memory_space<hbm>> -> memref<625x128xf32, #tpu.memory_space<hbm>>
        %dma_start3A_30 = arith.constant 0 : i32
        %dma_start3A_31 = tpu.memref_slice %arg19[%mul3A_6, %dma_start3A_30] : memref<10000x128xf32, #tpu.memory_space<vmem_shared>> -> memref<625x128xf32, #tpu.memory_space<vmem_shared>>
        tpu.enqueue_dma source(%dma_start3A_31 : memref<625x128xf32, #tpu.memory_space<vmem_shared>>) target(%dma_start3A_29 : memref<625x128xf32, #tpu.memory_space<hbm>>) target_semaphore(%run_scoped3A : memref<!tpu.dma_semaphore, #tpu.memory_space<semaphore_mem>>)
        %dma_wait3A = arith.constant 0 : i32
        %dma_wait3A_32 = tpu.memref_slice %arg8[%mul3A_6, %dma_wait3A] : memref<10000x128xf32, #tpu.memory_space<hbm>> -> memref<625x128xf32, #tpu.memory_space<hbm>>
        %dma_wait3A_33 = arith.constant 0 : i32
        %dma_wait3A_34 = tpu.memref_slice %arg19[%mul3A_6, %dma_wait3A_33] : memref<10000x128xf32, #tpu.memory_space<vmem_shared>> -> memref<625x128xf32, #tpu.memory_space<vmem_shared>>
        tpu.wait_dma2 semaphore(%run_scoped3A : memref<!tpu.dma_semaphore, #tpu.memory_space<semaphore_mem>>) src(%dma_wait3A_34 : memref<625x128xf32, #tpu.memory_space<vmem_shared>>) dst(%dma_wait3A_32 : memref<625x128xf32, #tpu.memory_space<hbm>>)
        tpu.yield
      }) : () -> ()
    } else {
    }
    %eq3A_24 = arith.constant 1 : i32
    %eq3A_25 = arith.cmpi eq, %arg0, %eq3A_24 : i32
    %convert_element_type3A_26 = arith.extui %eq3A_25 : i1 to i32
    %cond3A_27 = arith.constant 0 : i32
    %cond3A_28 = arith.cmpi ne, %convert_element_type3A_26, %cond3A_27 : i32
    scf.if %cond3A_28 {
      "tpu.region"() ({
        %run_scoped3A = tpu.sem_alloc : memref<!tpu.dma_semaphore, #tpu.memory_space<semaphore_mem>>
        %dma_start3A = arith.constant 0 : i32
        %dma_start3A_29 = tpu.memref_slice %arg9[%mul3A_6, %dma_start3A] : memref<10000x128xf32, #tpu.memory_space<hbm>> -> memref<625x128xf32, #tpu.memory_space<hbm>>
        %dma_start3A_30 = arith.constant 0 : i32
        %dma_start3A_31 = tpu.memref_slice %arg19[%mul3A_6, %dma_start3A_30] : memref<10000x128xf32, #tpu.memory_space<vmem_shared>> -> memref<625x128xf32, #tpu.memory_space<vmem_shared>>
        tpu.enqueue_dma source(%dma_start3A_31 : memref<625x128xf32, #tpu.memory_space<vmem_shared>>) target(%dma_start3A_29 : memref<625x128xf32, #tpu.memory_space<hbm>>) target_semaphore(%run_scoped3A : memref<!tpu.dma_semaphore, #tpu.memory_space<semaphore_mem>>)
        %dma_wait3A = arith.constant 0 : i32
        %dma_wait3A_32 = tpu.memref_slice %arg9[%mul3A_6, %dma_wait3A] : memref<10000x128xf32, #tpu.memory_space<hbm>> -> memref<625x128xf32, #tpu.memory_space<hbm>>
        %dma_wait3A_33 = arith.constant 0 : i32
        %dma_wait3A_34 = tpu.memref_slice %arg19[%mul3A_6, %dma_wait3A_33] : memref<10000x128xf32, #tpu.memory_space<vmem_shared>> -> memref<625x128xf32, #tpu.memory_space<vmem_shared>>
        tpu.wait_dma2 semaphore(%run_scoped3A : memref<!tpu.dma_semaphore, #tpu.memory_space<semaphore_mem>>) src(%dma_wait3A_34 : memref<625x128xf32, #tpu.memory_space<vmem_shared>>) dst(%dma_wait3A_32 : memref<625x128xf32, #tpu.memory_space<hbm>>)
        tpu.yield
      }) : () -> ()
      "tpu.region"() ({
        %run_scoped3A = tpu.sem_alloc : memref<!tpu.dma_semaphore, #tpu.memory_space<semaphore_mem>>
        %dma_start3A = arith.constant 0 : i32
        %dma_start3A_29 = tpu.memref_slice %arg10[%mul3A_6, %dma_start3A] : memref<10000x32xf32, #tpu.memory_space<hbm>> -> memref<625x32xf32, #tpu.memory_space<hbm>>
        %dma_start3A_30 = arith.constant 0 : i32
        %dma_start3A_31 = tpu.memref_slice %arg20[%mul3A_6, %dma_start3A_30] : memref<10000x32xf32, #tpu.memory_space<vmem_shared>> -> memref<625x32xf32, #tpu.memory_space<vmem_shared>>
        tpu.enqueue_dma source(%dma_start3A_31 : memref<625x32xf32, #tpu.memory_space<vmem_shared>>) target(%dma_start3A_29 : memref<625x32xf32, #tpu.memory_space<hbm>>) target_semaphore(%run_scoped3A : memref<!tpu.dma_semaphore, #tpu.memory_space<semaphore_mem>>)
        %dma_wait3A = arith.constant 0 : i32
        %dma_wait3A_32 = tpu.memref_slice %arg10[%mul3A_6, %dma_wait3A] : memref<10000x32xf32, #tpu.memory_space<hbm>> -> memref<625x32xf32, #tpu.memory_space<hbm>>
        %dma_wait3A_33 = arith.constant 0 : i32
        %dma_wait3A_34 = tpu.memref_slice %arg20[%mul3A_6, %dma_wait3A_33] : memref<10000x32xf32, #tpu.memory_space<vmem_shared>> -> memref<625x32xf32, #tpu.memory_space<vmem_shared>>
        tpu.wait_dma2 semaphore(%run_scoped3A : memref<!tpu.dma_semaphore, #tpu.memory_space<semaphore_mem>>) src(%dma_wait3A_34 : memref<625x32xf32, #tpu.memory_space<vmem_shared>>) dst(%dma_wait3A_32 : memref<625x32xf32, #tpu.memory_space<hbm>>)
        tpu.yield
      }) : () -> ()
    } else {
    }
    return
  }
}

#map = affine_map<(d0, d1) -> (0, 0)>
#map1 = affine_map<(d0, d1) -> (0)>
module attributes {stable_mosaic.version = 14 : i64} {
  func.func @_passa_body(%arg0: i32, %arg1: i32, %arg2: memref<10000x256xf32, #tpu.memory_space<hbm>>, %arg3: memref<10000x256xf32, #tpu.memory_space<hbm>>, %arg4: memref<10000x16xf32, #tpu.memory_space<hbm>>, %arg5: memref<163840xi32, #tpu.memory_space<hbm>>, %arg6: memref<163840xi32, #tpu.memory_space<hbm>>, %arg7: memref<163840x16xf32, #tpu.memory_space<hbm>>, %arg8: memref<163840xf32, #tpu.memory_space<hbm>>, %arg9: memref<64xi32, #tpu.memory_space<vmem>>, %arg10: memref<64xi32, #tpu.memory_space<vmem>>, %arg11: memref<64x256xf32, #tpu.memory_space<vmem>>, %arg12: memref<64x256xf32, #tpu.memory_space<vmem>>, %arg13: memref<64x16xf32, #tpu.memory_space<vmem>>, %arg14: memref<64x16xf32, #tpu.memory_space<vmem>>, %arg15: memref<5120xf32, #tpu.memory_space<vmem>>, %arg16: memref<!tpu.dma_semaphore, #tpu.memory_space<semaphore_mem>>, %arg17: memref<!tpu.dma_semaphore, #tpu.memory_space<semaphore_mem>>, %arg18: memref<!tpu.dma_semaphore, #tpu.memory_space<semaphore_mem>>) attributes {dimension_semantics = [#tpu.dimension_semantics<core_parallel>, #tpu.dimension_semantics<subcore_parallel>], iteration_bounds = array<i64: 2, 16>, scalar_prefetch = 0 : i64, scratch_operands = 10 : i64, tpu.core_type = #tpu.core_type<sc_vector_subcore>, window_params = [{transform_indices = #map}, {transform_indices = #map}, {transform_indices = #map}, {transform_indices = #map1}, {transform_indices = #map1}, {transform_indices = #map}, {transform_indices = #map1}]} {
    %mul3A = arith.constant 2 : i32
    %mul3A_0 = arith.muli %arg1, %mul3A : i32
    %add3A = arith.addi %mul3A_0, %arg0 : i32
    %mul3A_1 = arith.constant 5120 : i32
    %mul3A_2 = arith.muli %add3A, %mul3A_1 : i32
    %iota3A = tpu.iota {dimensions = array<i32: 0>} : vector<16xi32>
    %scan3A = arith.constant 0 : i32
    %scan3A_3 = arith.constant 0 : i32
    %scan3A_4 = arith.constant 80 : i32
    %scan3A_5 = arith.addi %scan3A_3, %scan3A_4 : i32
    %scan3A_6 = arith.constant 1 : i32
    scf.for %scan3A_8 = %scan3A_3 to %scan3A_5 step %scan3A_6  : i32 {
      %mul3A_9 = arith.constant 64 : i32
      %mul3A_10 = arith.muli %scan3A_8, %mul3A_9 : i32
      %add3A_11 = arith.addi %mul3A_2, %mul3A_10 : i32
      "tpu.region"() ({
        %run_scoped3A = tpu.sem_alloc : memref<!tpu.dma_semaphore, #tpu.memory_space<semaphore_mem>>
        %dma_start3A_34 = tpu.memref_slice %arg5[%add3A_11] : memref<163840xi32, #tpu.memory_space<hbm>> -> memref<64xi32, #tpu.memory_space<hbm>>
        %dma_start3A_35 = tpu.memref_slice %arg5[%add3A_11] : memref<163840xi32, #tpu.memory_space<hbm>> -> memref<64xi32, #tpu.memory_space<hbm>>
        tpu.enqueue_dma source(%dma_start3A_35 : memref<64xi32, #tpu.memory_space<hbm>>) target(%arg9 : memref<64xi32, #tpu.memory_space<vmem>>) target_semaphore(%run_scoped3A : memref<!tpu.dma_semaphore, #tpu.memory_space<semaphore_mem>>)
        %dma_wait3A_36 = tpu.memref_slice %arg5[%add3A_11] : memref<163840xi32, #tpu.memory_space<hbm>> -> memref<64xi32, #tpu.memory_space<hbm>>
        %dma_wait3A_37 = tpu.memref_slice %arg5[%add3A_11] : memref<163840xi32, #tpu.memory_space<hbm>> -> memref<64xi32, #tpu.memory_space<hbm>>
        tpu.wait_dma2 semaphore(%run_scoped3A : memref<!tpu.dma_semaphore, #tpu.memory_space<semaphore_mem>>) src(%dma_wait3A_37 : memref<64xi32, #tpu.memory_space<hbm>>) dst(%arg9 : memref<64xi32, #tpu.memory_space<vmem>>)
        tpu.yield
      }) : () -> ()
      "tpu.region"() ({
        %run_scoped3A = tpu.sem_alloc : memref<!tpu.dma_semaphore, #tpu.memory_space<semaphore_mem>>
        %dma_start3A_34 = tpu.memref_slice %arg6[%add3A_11] : memref<163840xi32, #tpu.memory_space<hbm>> -> memref<64xi32, #tpu.memory_space<hbm>>
        %dma_start3A_35 = tpu.memref_slice %arg6[%add3A_11] : memref<163840xi32, #tpu.memory_space<hbm>> -> memref<64xi32, #tpu.memory_space<hbm>>
        tpu.enqueue_dma source(%dma_start3A_35 : memref<64xi32, #tpu.memory_space<hbm>>) target(%arg10 : memref<64xi32, #tpu.memory_space<vmem>>) target_semaphore(%run_scoped3A : memref<!tpu.dma_semaphore, #tpu.memory_space<semaphore_mem>>)
        %dma_wait3A_36 = tpu.memref_slice %arg6[%add3A_11] : memref<163840xi32, #tpu.memory_space<hbm>> -> memref<64xi32, #tpu.memory_space<hbm>>
        %dma_wait3A_37 = tpu.memref_slice %arg6[%add3A_11] : memref<163840xi32, #tpu.memory_space<hbm>> -> memref<64xi32, #tpu.memory_space<hbm>>
        tpu.wait_dma2 semaphore(%run_scoped3A : memref<!tpu.dma_semaphore, #tpu.memory_space<semaphore_mem>>) src(%dma_wait3A_37 : memref<64xi32, #tpu.memory_space<hbm>>) dst(%arg10 : memref<64xi32, #tpu.memory_space<vmem>>)
        tpu.yield
      }) : () -> ()
      %dma_start3A = arith.constant 0 : i32
      %dma_start3A_12 = arith.constant 0 : i32
      %dma_start3A_13 = tpu.memref_slice %arg2[%dma_start3A, %dma_start3A_12] : memref<10000x256xf32, #tpu.memory_space<hbm>> -> memref<10000x256xf32, #tpu.memory_space<hbm>>
      tpu.enqueue_indirect_dma source(%dma_start3A_13 : memref<10000x256xf32, #tpu.memory_space<hbm>>) target(%arg11 : memref<64x256xf32, #tpu.memory_space<vmem>>) offsets(%arg10 : memref<64xi32, #tpu.memory_space<vmem>>) semaphore(%arg16 : memref<!tpu.dma_semaphore, #tpu.memory_space<semaphore_mem>>)
      %dma_start3A_14 = arith.constant 0 : i32
      %dma_start3A_15 = arith.constant 0 : i32
      %dma_start3A_16 = tpu.memref_slice %arg3[%dma_start3A_14, %dma_start3A_15] : memref<10000x256xf32, #tpu.memory_space<hbm>> -> memref<10000x256xf32, #tpu.memory_space<hbm>>
      tpu.enqueue_indirect_dma source(%dma_start3A_16 : memref<10000x256xf32, #tpu.memory_space<hbm>>) target(%arg12 : memref<64x256xf32, #tpu.memory_space<vmem>>) offsets(%arg9 : memref<64xi32, #tpu.memory_space<vmem>>) semaphore(%arg17 : memref<!tpu.dma_semaphore, #tpu.memory_space<semaphore_mem>>)
      %dma_start3A_17 = arith.constant 0 : i32
      %dma_start3A_18 = arith.constant 0 : i32
      %dma_start3A_19 = tpu.memref_slice %arg4[%dma_start3A_17, %dma_start3A_18] : memref<10000x16xf32, #tpu.memory_space<hbm>> -> memref<10000x16xf32, #tpu.memory_space<hbm>>
      tpu.enqueue_indirect_dma source(%dma_start3A_19 : memref<10000x16xf32, #tpu.memory_space<hbm>>) target(%arg13 : memref<64x16xf32, #tpu.memory_space<vmem>>) offsets(%arg10 : memref<64xi32, #tpu.memory_space<vmem>>) semaphore(%arg18 : memref<!tpu.dma_semaphore, #tpu.memory_space<semaphore_mem>>)
      "tpu.region"() ({
        %run_scoped3A = tpu.sem_alloc : memref<!tpu.dma_semaphore, #tpu.memory_space<semaphore_mem>>
        %dma_start3A_34 = arith.constant 0 : i32
        %dma_start3A_35 = tpu.memref_slice %arg7[%add3A_11, %dma_start3A_34] : memref<163840x16xf32, #tpu.memory_space<hbm>> -> memref<64x16xf32, #tpu.memory_space<hbm>>
        %dma_start3A_36 = arith.constant 0 : i32
        %dma_start3A_37 = tpu.memref_slice %arg7[%add3A_11, %dma_start3A_36] : memref<163840x16xf32, #tpu.memory_space<hbm>> -> memref<64x16xf32, #tpu.memory_space<hbm>>
        tpu.enqueue_dma source(%dma_start3A_37 : memref<64x16xf32, #tpu.memory_space<hbm>>) target(%arg14 : memref<64x16xf32, #tpu.memory_space<vmem>>) target_semaphore(%run_scoped3A : memref<!tpu.dma_semaphore, #tpu.memory_space<semaphore_mem>>)
        %dma_wait3A_38 = arith.constant 0 : i32
        %dma_wait3A_39 = tpu.memref_slice %arg7[%add3A_11, %dma_wait3A_38] : memref<163840x16xf32, #tpu.memory_space<hbm>> -> memref<64x16xf32, #tpu.memory_space<hbm>>
        %dma_wait3A_40 = arith.constant 0 : i32
        %dma_wait3A_41 = tpu.memref_slice %arg7[%add3A_11, %dma_wait3A_40] : memref<163840x16xf32, #tpu.memory_space<hbm>> -> memref<64x16xf32, #tpu.memory_space<hbm>>
        tpu.wait_dma2 semaphore(%run_scoped3A : memref<!tpu.dma_semaphore, #tpu.memory_space<semaphore_mem>>) src(%dma_wait3A_41 : memref<64x16xf32, #tpu.memory_space<hbm>>) dst(%arg14 : memref<64x16xf32, #tpu.memory_space<vmem>>)
        tpu.yield
      }) : () -> ()
      %dma_wait3A = arith.constant 0 : i32
      %dma_wait3A_20 = arith.constant 0 : i32
      %dma_wait3A_21 = tpu.memref_slice %arg2[%dma_wait3A, %dma_wait3A_20] : memref<10000x256xf32, #tpu.memory_space<hbm>> -> memref<10000x256xf32, #tpu.memory_space<hbm>>
      tpu.wait_indirect_dma semaphore(%arg16 : memref<!tpu.dma_semaphore, #tpu.memory_space<semaphore_mem>>) src(%dma_wait3A_21 : memref<10000x256xf32, #tpu.memory_space<hbm>>) dst(%arg11 : memref<64x256xf32, #tpu.memory_space<vmem>>)
      %dma_wait3A_22 = arith.constant 0 : i32
      %dma_wait3A_23 = arith.constant 0 : i32
      %dma_wait3A_24 = tpu.memref_slice %arg3[%dma_wait3A_22, %dma_wait3A_23] : memref<10000x256xf32, #tpu.memory_space<hbm>> -> memref<10000x256xf32, #tpu.memory_space<hbm>>
      tpu.wait_indirect_dma semaphore(%arg17 : memref<!tpu.dma_semaphore, #tpu.memory_space<semaphore_mem>>) src(%dma_wait3A_24 : memref<10000x256xf32, #tpu.memory_space<hbm>>) dst(%arg12 : memref<64x256xf32, #tpu.memory_space<vmem>>)
      %dma_wait3A_25 = arith.constant 0 : i32
      %dma_wait3A_26 = arith.constant 0 : i32
      %dma_wait3A_27 = tpu.memref_slice %arg4[%dma_wait3A_25, %dma_wait3A_26] : memref<10000x16xf32, #tpu.memory_space<hbm>> -> memref<10000x16xf32, #tpu.memory_space<hbm>>
      tpu.wait_indirect_dma semaphore(%arg18 : memref<!tpu.dma_semaphore, #tpu.memory_space<semaphore_mem>>) src(%dma_wait3A_27 : memref<10000x16xf32, #tpu.memory_space<hbm>>) dst(%arg13 : memref<64x16xf32, #tpu.memory_space<vmem>>)
      %scan3A_28 = arith.constant 0 : i32
      %scan3A_29 = arith.constant 0 : i32
      %scan3A_30 = arith.constant 4 : i32
      %scan3A_31 = arith.addi %scan3A_29, %scan3A_30 : i32
      %scan3A_32 = arith.constant 1 : i32
      scf.for %scan3A_34 = %scan3A_29 to %scan3A_31 step %scan3A_32  : i32 {
        %mul3A_35 = arith.constant 16 : i32
        %mul3A_36 = arith.muli %scan3A_34, %mul3A_35 : i32
        %add3A_37 = vector.broadcast %mul3A_36 : i32 to vector<16xi32>
        %add3A_38 = arith.addi %add3A_37, %iota3A : vector<16xi32>
        %broadcast_in_dim3A = arith.constant 0.000000e+00 : f32
        %broadcast_in_dim3A_39 = vector.broadcast %broadcast_in_dim3A : f32 to vector<16xf32>
        %scan3A_40 = arith.constant 0 : i32
        %scan3A_41 = arith.constant 16 : i32
        %scan3A_42 = arith.addi %scan3A_40, %scan3A_41 : i32
        %scan3A_43 = arith.constant 1 : i32
        %scan3A_44 = scf.for %scan3A_158 = %scan3A_40 to %scan3A_42 step %scan3A_43 iter_args(%scan3A_159 = %broadcast_in_dim3A_39) -> (vector<16xf32>)  : i32 {
          %mul3A_160 = arith.constant 16 : i32
          %mul3A_161 = arith.muli %scan3A_158, %mul3A_160 : i32
          %add3A_162 = arith.constant 0 : i32
          %add3A_163 = arith.addi %mul3A_161, %add3A_162 : i32
          %broadcast_in_dim3A_164 = vector.broadcast %add3A_163 : i32 to vector<16xi32>
          %gather3A_165 = tpu.vector_load_idx %arg11[%add3A_38, %broadcast_in_dim3A_164] : memref<64x256xf32, #tpu.memory_space<vmem>>[vector<16xi32>, vector<16xi32>], vector<16xf32>,
          %gather3A_166 = tpu.vector_load_idx %arg12[%add3A_38, %broadcast_in_dim3A_164] : memref<64x256xf32, #tpu.memory_space<vmem>>[vector<16xi32>, vector<16xi32>], vector<16xf32>,
          %mul3A_167 = arith.mulf %gather3A_165, %gather3A_166 : vector<16xf32>
          %add3A_168 = arith.addf %scan3A_159, %mul3A_167 : vector<16xf32>
          %mul3A_169 = arith.constant 16 : i32
          %mul3A_170 = arith.muli %scan3A_158, %mul3A_169 : i32
          %add3A_171 = arith.constant 1 : i32
          %add3A_172 = arith.addi %mul3A_170, %add3A_171 : i32
          %broadcast_in_dim3A_173 = vector.broadcast %add3A_172 : i32 to vector<16xi32>
          %gather3A_174 = tpu.vector_load_idx %arg11[%add3A_38, %broadcast_in_dim3A_173] : memref<64x256xf32, #tpu.memory_space<vmem>>[vector<16xi32>, vector<16xi32>], vector<16xf32>,
          %gather3A_175 = tpu.vector_load_idx %arg12[%add3A_38, %broadcast_in_dim3A_173] : memref<64x256xf32, #tpu.memory_space<vmem>>[vector<16xi32>, vector<16xi32>], vector<16xf32>,
          %mul3A_176 = arith.mulf %gather3A_174, %gather3A_175 : vector<16xf32>
          %add3A_177 = arith.addf %add3A_168, %mul3A_176 : vector<16xf32>
          %mul3A_178 = arith.constant 16 : i32
          %mul3A_179 = arith.muli %scan3A_158, %mul3A_178 : i32
          %add3A_180 = arith.constant 2 : i32
          %add3A_181 = arith.addi %mul3A_179, %add3A_180 : i32
          %broadcast_in_dim3A_182 = vector.broadcast %add3A_181 : i32 to vector<16xi32>
          %gather3A_183 = tpu.vector_load_idx %arg11[%add3A_38, %broadcast_in_dim3A_182] : memref<64x256xf32, #tpu.memory_space<vmem>>[vector<16xi32>, vector<16xi32>], vector<16xf32>,
          %gather3A_184 = tpu.vector_load_idx %arg12[%add3A_38, %broadcast_in_dim3A_182] : memref<64x256xf32, #tpu.memory_space<vmem>>[vector<16xi32>, vector<16xi32>], vector<16xf32>,
          %mul3A_185 = arith.mulf %gather3A_183, %gather3A_184 : vector<16xf32>
          %add3A_186 = arith.addf %add3A_177, %mul3A_185 : vector<16xf32>
          %mul3A_187 = arith.constant 16 : i32
          %mul3A_188 = arith.muli %scan3A_158, %mul3A_187 : i32
          %add3A_189 = arith.constant 3 : i32
          %add3A_190 = arith.addi %mul3A_188, %add3A_189 : i32
          %broadcast_in_dim3A_191 = vector.broadcast %add3A_190 : i32 to vector<16xi32>
          %gather3A_192 = tpu.vector_load_idx %arg11[%add3A_38, %broadcast_in_dim3A_191] : memref<64x256xf32, #tpu.memory_space<vmem>>[vector<16xi32>, vector<16xi32>], vector<16xf32>,
          %gather3A_193 = tpu.vector_load_idx %arg12[%add3A_38, %broadcast_in_dim3A_191] : memref<64x256xf32, #tpu.memory_space<vmem>>[vector<16xi32>, vector<16xi32>], vector<16xf32>,
          %mul3A_194 = arith.mulf %gather3A_192, %gather3A_193 : vector<16xf32>
          %add3A_195 = arith.addf %add3A_186, %mul3A_194 : vector<16xf32>
          %mul3A_196 = arith.constant 16 : i32
          %mul3A_197 = arith.muli %scan3A_158, %mul3A_196 : i32
          %add3A_198 = arith.constant 4 : i32
          %add3A_199 = arith.addi %mul3A_197, %add3A_198 : i32
          %broadcast_in_dim3A_200 = vector.broadcast %add3A_199 : i32 to vector<16xi32>
          %gather3A_201 = tpu.vector_load_idx %arg11[%add3A_38, %broadcast_in_dim3A_200] : memref<64x256xf32, #tpu.memory_space<vmem>>[vector<16xi32>, vector<16xi32>], vector<16xf32>,
          %gather3A_202 = tpu.vector_load_idx %arg12[%add3A_38, %broadcast_in_dim3A_200] : memref<64x256xf32, #tpu.memory_space<vmem>>[vector<16xi32>, vector<16xi32>], vector<16xf32>,
          %mul3A_203 = arith.mulf %gather3A_201, %gather3A_202 : vector<16xf32>
          %add3A_204 = arith.addf %add3A_195, %mul3A_203 : vector<16xf32>
          %mul3A_205 = arith.constant 16 : i32
          %mul3A_206 = arith.muli %scan3A_158, %mul3A_205 : i32
          %add3A_207 = arith.constant 5 : i32
          %add3A_208 = arith.addi %mul3A_206, %add3A_207 : i32
          %broadcast_in_dim3A_209 = vector.broadcast %add3A_208 : i32 to vector<16xi32>
          %gather3A_210 = tpu.vector_load_idx %arg11[%add3A_38, %broadcast_in_dim3A_209] : memref<64x256xf32, #tpu.memory_space<vmem>>[vector<16xi32>, vector<16xi32>], vector<16xf32>,
          %gather3A_211 = tpu.vector_load_idx %arg12[%add3A_38, %broadcast_in_dim3A_209] : memref<64x256xf32, #tpu.memory_space<vmem>>[vector<16xi32>, vector<16xi32>], vector<16xf32>,
          %mul3A_212 = arith.mulf %gather3A_210, %gather3A_211 : vector<16xf32>
          %add3A_213 = arith.addf %add3A_204, %mul3A_212 : vector<16xf32>
          %mul3A_214 = arith.constant 16 : i32
          %mul3A_215 = arith.muli %scan3A_158, %mul3A_214 : i32
          %add3A_216 = arith.constant 6 : i32
          %add3A_217 = arith.addi %mul3A_215, %add3A_216 : i32
          %broadcast_in_dim3A_218 = vector.broadcast %add3A_217 : i32 to vector<16xi32>
          %gather3A_219 = tpu.vector_load_idx %arg11[%add3A_38, %broadcast_in_dim3A_218] : memref<64x256xf32, #tpu.memory_space<vmem>>[vector<16xi32>, vector<16xi32>], vector<16xf32>,
          %gather3A_220 = tpu.vector_load_idx %arg12[%add3A_38, %broadcast_in_dim3A_218] : memref<64x256xf32, #tpu.memory_space<vmem>>[vector<16xi32>, vector<16xi32>], vector<16xf32>,
          %mul3A_221 = arith.mulf %gather3A_219, %gather3A_220 : vector<16xf32>
          %add3A_222 = arith.addf %add3A_213, %mul3A_221 : vector<16xf32>
          %mul3A_223 = arith.constant 16 : i32
          %mul3A_224 = arith.muli %scan3A_158, %mul3A_223 : i32
          %add3A_225 = arith.constant 7 : i32
          %add3A_226 = arith.addi %mul3A_224, %add3A_225 : i32
          %broadcast_in_dim3A_227 = vector.broadcast %add3A_226 : i32 to vector<16xi32>
          %gather3A_228 = tpu.vector_load_idx %arg11[%add3A_38, %broadcast_in_dim3A_227] : memref<64x256xf32, #tpu.memory_space<vmem>>[vector<16xi32>, vector<16xi32>], vector<16xf32>,
          %gather3A_229 = tpu.vector_load_idx %arg12[%add3A_38, %broadcast_in_dim3A_227] : memref<64x256xf32, #tpu.memory_space<vmem>>[vector<16xi32>, vector<16xi32>], vector<16xf32>,
          %mul3A_230 = arith.mulf %gather3A_228, %gather3A_229 : vector<16xf32>
          %add3A_231 = arith.addf %add3A_222, %mul3A_230 : vector<16xf32>
          %mul3A_232 = arith.constant 16 : i32
          %mul3A_233 = arith.muli %scan3A_158, %mul3A_232 : i32
          %add3A_234 = arith.constant 8 : i32
          %add3A_235 = arith.addi %mul3A_233, %add3A_234 : i32
          %broadcast_in_dim3A_236 = vector.broadcast %add3A_235 : i32 to vector<16xi32>
          %gather3A_237 = tpu.vector_load_idx %arg11[%add3A_38, %broadcast_in_dim3A_236] : memref<64x256xf32, #tpu.memory_space<vmem>>[vector<16xi32>, vector<16xi32>], vector<16xf32>,
          %gather3A_238 = tpu.vector_load_idx %arg12[%add3A_38, %broadcast_in_dim3A_236] : memref<64x256xf32, #tpu.memory_space<vmem>>[vector<16xi32>, vector<16xi32>], vector<16xf32>,
          %mul3A_239 = arith.mulf %gather3A_237, %gather3A_238 : vector<16xf32>
          %add3A_240 = arith.addf %add3A_231, %mul3A_239 : vector<16xf32>
          %mul3A_241 = arith.constant 16 : i32
          %mul3A_242 = arith.muli %scan3A_158, %mul3A_241 : i32
          %add3A_243 = arith.constant 9 : i32
          %add3A_244 = arith.addi %mul3A_242, %add3A_243 : i32
          %broadcast_in_dim3A_245 = vector.broadcast %add3A_244 : i32 to vector<16xi32>
          %gather3A_246 = tpu.vector_load_idx %arg11[%add3A_38, %broadcast_in_dim3A_245] : memref<64x256xf32, #tpu.memory_space<vmem>>[vector<16xi32>, vector<16xi32>], vector<16xf32>,
          %gather3A_247 = tpu.vector_load_idx %arg12[%add3A_38, %broadcast_in_dim3A_245] : memref<64x256xf32, #tpu.memory_space<vmem>>[vector<16xi32>, vector<16xi32>], vector<16xf32>,
          %mul3A_248 = arith.mulf %gather3A_246, %gather3A_247 : vector<16xf32>
          %add3A_249 = arith.addf %add3A_240, %mul3A_248 : vector<16xf32>
          %mul3A_250 = arith.constant 16 : i32
          %mul3A_251 = arith.muli %scan3A_158, %mul3A_250 : i32
          %add3A_252 = arith.constant 10 : i32
          %add3A_253 = arith.addi %mul3A_251, %add3A_252 : i32
          %broadcast_in_dim3A_254 = vector.broadcast %add3A_253 : i32 to vector<16xi32>
          %gather3A_255 = tpu.vector_load_idx %arg11[%add3A_38, %broadcast_in_dim3A_254] : memref<64x256xf32, #tpu.memory_space<vmem>>[vector<16xi32>, vector<16xi32>], vector<16xf32>,
          %gather3A_256 = tpu.vector_load_idx %arg12[%add3A_38, %broadcast_in_dim3A_254] : memref<64x256xf32, #tpu.memory_space<vmem>>[vector<16xi32>, vector<16xi32>], vector<16xf32>,
          %mul3A_257 = arith.mulf %gather3A_255, %gather3A_256 : vector<16xf32>
          %add3A_258 = arith.addf %add3A_249, %mul3A_257 : vector<16xf32>
          %mul3A_259 = arith.constant 16 : i32
          %mul3A_260 = arith.muli %scan3A_158, %mul3A_259 : i32
          %add3A_261 = arith.constant 11 : i32
          %add3A_262 = arith.addi %mul3A_260, %add3A_261 : i32
          %broadcast_in_dim3A_263 = vector.broadcast %add3A_262 : i32 to vector<16xi32>
          %gather3A_264 = tpu.vector_load_idx %arg11[%add3A_38, %broadcast_in_dim3A_263] : memref<64x256xf32, #tpu.memory_space<vmem>>[vector<16xi32>, vector<16xi32>], vector<16xf32>,
          %gather3A_265 = tpu.vector_load_idx %arg12[%add3A_38, %broadcast_in_dim3A_263] : memref<64x256xf32, #tpu.memory_space<vmem>>[vector<16xi32>, vector<16xi32>], vector<16xf32>,
          %mul3A_266 = arith.mulf %gather3A_264, %gather3A_265 : vector<16xf32>
          %add3A_267 = arith.addf %add3A_258, %mul3A_266 : vector<16xf32>
          %mul3A_268 = arith.constant 16 : i32
          %mul3A_269 = arith.muli %scan3A_158, %mul3A_268 : i32
          %add3A_270 = arith.constant 12 : i32
          %add3A_271 = arith.addi %mul3A_269, %add3A_270 : i32
          %broadcast_in_dim3A_272 = vector.broadcast %add3A_271 : i32 to vector<16xi32>
          %gather3A_273 = tpu.vector_load_idx %arg11[%add3A_38, %broadcast_in_dim3A_272] : memref<64x256xf32, #tpu.memory_space<vmem>>[vector<16xi32>, vector<16xi32>], vector<16xf32>,
          %gather3A_274 = tpu.vector_load_idx %arg12[%add3A_38, %broadcast_in_dim3A_272] : memref<64x256xf32, #tpu.memory_space<vmem>>[vector<16xi32>, vector<16xi32>], vector<16xf32>,
          %mul3A_275 = arith.mulf %gather3A_273, %gather3A_274 : vector<16xf32>
          %add3A_276 = arith.addf %add3A_267, %mul3A_275 : vector<16xf32>
          %mul3A_277 = arith.constant 16 : i32
          %mul3A_278 = arith.muli %scan3A_158, %mul3A_277 : i32
          %add3A_279 = arith.constant 13 : i32
          %add3A_280 = arith.addi %mul3A_278, %add3A_279 : i32
          %broadcast_in_dim3A_281 = vector.broadcast %add3A_280 : i32 to vector<16xi32>
          %gather3A_282 = tpu.vector_load_idx %arg11[%add3A_38, %broadcast_in_dim3A_281] : memref<64x256xf32, #tpu.memory_space<vmem>>[vector<16xi32>, vector<16xi32>], vector<16xf32>,
          %gather3A_283 = tpu.vector_load_idx %arg12[%add3A_38, %broadcast_in_dim3A_281] : memref<64x256xf32, #tpu.memory_space<vmem>>[vector<16xi32>, vector<16xi32>], vector<16xf32>,
          %mul3A_284 = arith.mulf %gather3A_282, %gather3A_283 : vector<16xf32>
          %add3A_285 = arith.addf %add3A_276, %mul3A_284 : vector<16xf32>
          %mul3A_286 = arith.constant 16 : i32
          %mul3A_287 = arith.muli %scan3A_158, %mul3A_286 : i32
          %add3A_288 = arith.constant 14 : i32
          %add3A_289 = arith.addi %mul3A_287, %add3A_288 : i32
          %broadcast_in_dim3A_290 = vector.broadcast %add3A_289 : i32 to vector<16xi32>
          %gather3A_291 = tpu.vector_load_idx %arg11[%add3A_38, %broadcast_in_dim3A_290] : memref<64x256xf32, #tpu.memory_space<vmem>>[vector<16xi32>, vector<16xi32>], vector<16xf32>,
          %gather3A_292 = tpu.vector_load_idx %arg12[%add3A_38, %broadcast_in_dim3A_290] : memref<64x256xf32, #tpu.memory_space<vmem>>[vector<16xi32>, vector<16xi32>], vector<16xf32>,
          %mul3A_293 = arith.mulf %gather3A_291, %gather3A_292 : vector<16xf32>
          %add3A_294 = arith.addf %add3A_285, %mul3A_293 : vector<16xf32>
          %mul3A_295 = arith.constant 16 : i32
          %mul3A_296 = arith.muli %scan3A_158, %mul3A_295 : i32
          %add3A_297 = arith.constant 15 : i32
          %add3A_298 = arith.addi %mul3A_296, %add3A_297 : i32
          %broadcast_in_dim3A_299 = vector.broadcast %add3A_298 : i32 to vector<16xi32>
          %gather3A_300 = tpu.vector_load_idx %arg11[%add3A_38, %broadcast_in_dim3A_299] : memref<64x256xf32, #tpu.memory_space<vmem>>[vector<16xi32>, vector<16xi32>], vector<16xf32>,
          %gather3A_301 = tpu.vector_load_idx %arg12[%add3A_38, %broadcast_in_dim3A_299] : memref<64x256xf32, #tpu.memory_space<vmem>>[vector<16xi32>, vector<16xi32>], vector<16xf32>,
          %mul3A_302 = arith.mulf %gather3A_300, %gather3A_301 : vector<16xf32>
          %add3A_303 = arith.addf %add3A_294, %mul3A_302 : vector<16xf32>
          scf.yield %add3A_303 : vector<16xf32>
        }
        %scan3A_45 = arith.constant 16 : i32
        %broadcast_in_dim3A_46 = arith.constant 0 : i32
        %broadcast_in_dim3A_47 = vector.broadcast %broadcast_in_dim3A_46 : i32 to vector<16xi32>
        %gather3A = tpu.vector_load_idx %arg14[%add3A_38, %broadcast_in_dim3A_47] : memref<64x16xf32, #tpu.memory_space<vmem>>[vector<16xi32>, vector<16xi32>], vector<16xf32>,
        %gather3A_48 = tpu.vector_load_idx %arg13[%add3A_38, %broadcast_in_dim3A_47] : memref<64x16xf32, #tpu.memory_space<vmem>>[vector<16xi32>, vector<16xi32>], vector<16xf32>,
        %mul3A_49 = arith.mulf %gather3A, %gather3A_48 : vector<16xf32>
        %add3A_50 = arith.addf %scan3A_44, %mul3A_49 : vector<16xf32>
        %broadcast_in_dim3A_51 = arith.constant 1 : i32
        %broadcast_in_dim3A_52 = vector.broadcast %broadcast_in_dim3A_51 : i32 to vector<16xi32>
        %gather3A_53 = tpu.vector_load_idx %arg14[%add3A_38, %broadcast_in_dim3A_52] : memref<64x16xf32, #tpu.memory_space<vmem>>[vector<16xi32>, vector<16xi32>], vector<16xf32>,
        %gather3A_54 = tpu.vector_load_idx %arg13[%add3A_38, %broadcast_in_dim3A_52] : memref<64x16xf32, #tpu.memory_space<vmem>>[vector<16xi32>, vector<16xi32>], vector<16xf32>,
        %mul3A_55 = arith.mulf %gather3A_53, %gather3A_54 : vector<16xf32>
        %add3A_56 = arith.addf %add3A_50, %mul3A_55 : vector<16xf32>
        %broadcast_in_dim3A_57 = arith.constant 2 : i32
        %broadcast_in_dim3A_58 = vector.broadcast %broadcast_in_dim3A_57 : i32 to vector<16xi32>
        %gather3A_59 = tpu.vector_load_idx %arg14[%add3A_38, %broadcast_in_dim3A_58] : memref<64x16xf32, #tpu.memory_space<vmem>>[vector<16xi32>, vector<16xi32>], vector<16xf32>,
        %gather3A_60 = tpu.vector_load_idx %arg13[%add3A_38, %broadcast_in_dim3A_58] : memref<64x16xf32, #tpu.memory_space<vmem>>[vector<16xi32>, vector<16xi32>], vector<16xf32>,
        %mul3A_61 = arith.mulf %gather3A_59, %gather3A_60 : vector<16xf32>
        %add3A_62 = arith.addf %add3A_56, %mul3A_61 : vector<16xf32>
        %broadcast_in_dim3A_63 = arith.constant 3 : i32
        %broadcast_in_dim3A_64 = vector.broadcast %broadcast_in_dim3A_63 : i32 to vector<16xi32>
        %gather3A_65 = tpu.vector_load_idx %arg14[%add3A_38, %broadcast_in_dim3A_64] : memref<64x16xf32, #tpu.memory_space<vmem>>[vector<16xi32>, vector<16xi32>], vector<16xf32>,
        %gather3A_66 = tpu.vector_load_idx %arg13[%add3A_38, %broadcast_in_dim3A_64] : memref<64x16xf32, #tpu.memory_space<vmem>>[vector<16xi32>, vector<16xi32>], vector<16xf32>,
        %mul3A_67 = arith.mulf %gather3A_65, %gather3A_66 : vector<16xf32>
        %add3A_68 = arith.addf %add3A_62, %mul3A_67 : vector<16xf32>
        %broadcast_in_dim3A_69 = arith.constant 4 : i32
        %broadcast_in_dim3A_70 = vector.broadcast %broadcast_in_dim3A_69 : i32 to vector<16xi32>
        %gather3A_71 = tpu.vector_load_idx %arg14[%add3A_38, %broadcast_in_dim3A_70] : memref<64x16xf32, #tpu.memory_space<vmem>>[vector<16xi32>, vector<16xi32>], vector<16xf32>,
        %gather3A_72 = tpu.vector_load_idx %arg13[%add3A_38, %broadcast_in_dim3A_70] : memref<64x16xf32, #tpu.memory_space<vmem>>[vector<16xi32>, vector<16xi32>], vector<16xf32>,
        %mul3A_73 = arith.mulf %gather3A_71, %gather3A_72 : vector<16xf32>
        %add3A_74 = arith.addf %add3A_68, %mul3A_73 : vector<16xf32>
        %broadcast_in_dim3A_75 = arith.constant 5 : i32
        %broadcast_in_dim3A_76 = vector.broadcast %broadcast_in_dim3A_75 : i32 to vector<16xi32>
        %gather3A_77 = tpu.vector_load_idx %arg14[%add3A_38, %broadcast_in_dim3A_76] : memref<64x16xf32, #tpu.memory_space<vmem>>[vector<16xi32>, vector<16xi32>], vector<16xf32>,
        %gather3A_78 = tpu.vector_load_idx %arg13[%add3A_38, %broadcast_in_dim3A_76] : memref<64x16xf32, #tpu.memory_space<vmem>>[vector<16xi32>, vector<16xi32>], vector<16xf32>,
        %mul3A_79 = arith.mulf %gather3A_77, %gather3A_78 : vector<16xf32>
        %add3A_80 = arith.addf %add3A_74, %mul3A_79 : vector<16xf32>
        %broadcast_in_dim3A_81 = arith.constant 6 : i32
        %broadcast_in_dim3A_82 = vector.broadcast %broadcast_in_dim3A_81 : i32 to vector<16xi32>
        %gather3A_83 = tpu.vector_load_idx %arg14[%add3A_38, %broadcast_in_dim3A_82] : memref<64x16xf32, #tpu.memory_space<vmem>>[vector<16xi32>, vector<16xi32>], vector<16xf32>,
        %gather3A_84 = tpu.vector_load_idx %arg13[%add3A_38, %broadcast_in_dim3A_82] : memref<64x16xf32, #tpu.memory_space<vmem>>[vector<16xi32>, vector<16xi32>], vector<16xf32>,
        %mul3A_85 = arith.mulf %gather3A_83, %gather3A_84 : vector<16xf32>
        %add3A_86 = arith.addf %add3A_80, %mul3A_85 : vector<16xf32>
        %broadcast_in_dim3A_87 = arith.constant 7 : i32
        %broadcast_in_dim3A_88 = vector.broadcast %broadcast_in_dim3A_87 : i32 to vector<16xi32>
        %gather3A_89 = tpu.vector_load_idx %arg14[%add3A_38, %broadcast_in_dim3A_88] : memref<64x16xf32, #tpu.memory_space<vmem>>[vector<16xi32>, vector<16xi32>], vector<16xf32>,
        %gather3A_90 = tpu.vector_load_idx %arg13[%add3A_38, %broadcast_in_dim3A_88] : memref<64x16xf32, #tpu.memory_space<vmem>>[vector<16xi32>, vector<16xi32>], vector<16xf32>,
        %mul3A_91 = arith.mulf %gather3A_89, %gather3A_90 : vector<16xf32>
        %add3A_92 = arith.addf %add3A_86, %mul3A_91 : vector<16xf32>
        %broadcast_in_dim3A_93 = arith.constant 8 : i32
        %broadcast_in_dim3A_94 = vector.broadcast %broadcast_in_dim3A_93 : i32 to vector<16xi32>
        %gather3A_95 = tpu.vector_load_idx %arg14[%add3A_38, %broadcast_in_dim3A_94] : memref<64x16xf32, #tpu.memory_space<vmem>>[vector<16xi32>, vector<16xi32>], vector<16xf32>,
        %gather3A_96 = tpu.vector_load_idx %arg13[%add3A_38, %broadcast_in_dim3A_94] : memref<64x16xf32, #tpu.memory_space<vmem>>[vector<16xi32>, vector<16xi32>], vector<16xf32>,
        %mul3A_97 = arith.mulf %gather3A_95, %gather3A_96 : vector<16xf32>
        %add3A_98 = arith.addf %add3A_92, %mul3A_97 : vector<16xf32>
        %broadcast_in_dim3A_99 = arith.constant 9 : i32
        %broadcast_in_dim3A_100 = vector.broadcast %broadcast_in_dim3A_99 : i32 to vector<16xi32>
        %gather3A_101 = tpu.vector_load_idx %arg14[%add3A_38, %broadcast_in_dim3A_100] : memref<64x16xf32, #tpu.memory_space<vmem>>[vector<16xi32>, vector<16xi32>], vector<16xf32>,
        %gather3A_102 = tpu.vector_load_idx %arg13[%add3A_38, %broadcast_in_dim3A_100] : memref<64x16xf32, #tpu.memory_space<vmem>>[vector<16xi32>, vector<16xi32>], vector<16xf32>,
        %mul3A_103 = arith.mulf %gather3A_101, %gather3A_102 : vector<16xf32>
        %add3A_104 = arith.addf %add3A_98, %mul3A_103 : vector<16xf32>
        %broadcast_in_dim3A_105 = arith.constant 10 : i32
        %broadcast_in_dim3A_106 = vector.broadcast %broadcast_in_dim3A_105 : i32 to vector<16xi32>
        %gather3A_107 = tpu.vector_load_idx %arg14[%add3A_38, %broadcast_in_dim3A_106] : memref<64x16xf32, #tpu.memory_space<vmem>>[vector<16xi32>, vector<16xi32>], vector<16xf32>,
        %gather3A_108 = tpu.vector_load_idx %arg13[%add3A_38, %broadcast_in_dim3A_106] : memref<64x16xf32, #tpu.memory_space<vmem>>[vector<16xi32>, vector<16xi32>], vector<16xf32>,
        %mul3A_109 = arith.mulf %gather3A_107, %gather3A_108 : vector<16xf32>
        %add3A_110 = arith.addf %add3A_104, %mul3A_109 : vector<16xf32>
        %broadcast_in_dim3A_111 = arith.constant 11 : i32
        %broadcast_in_dim3A_112 = vector.broadcast %broadcast_in_dim3A_111 : i32 to vector<16xi32>
        %gather3A_113 = tpu.vector_load_idx %arg14[%add3A_38, %broadcast_in_dim3A_112] : memref<64x16xf32, #tpu.memory_space<vmem>>[vector<16xi32>, vector<16xi32>], vector<16xf32>,
        %gather3A_114 = tpu.vector_load_idx %arg13[%add3A_38, %broadcast_in_dim3A_112] : memref<64x16xf32, #tpu.memory_space<vmem>>[vector<16xi32>, vector<16xi32>], vector<16xf32>,
        %mul3A_115 = arith.mulf %gather3A_113, %gather3A_114 : vector<16xf32>
        %add3A_116 = arith.addf %add3A_110, %mul3A_115 : vector<16xf32>
        %broadcast_in_dim3A_117 = arith.constant 12 : i32
        %broadcast_in_dim3A_118 = vector.broadcast %broadcast_in_dim3A_117 : i32 to vector<16xi32>
        %gather3A_119 = tpu.vector_load_idx %arg14[%add3A_38, %broadcast_in_dim3A_118] : memref<64x16xf32, #tpu.memory_space<vmem>>[vector<16xi32>, vector<16xi32>], vector<16xf32>,
        %gather3A_120 = tpu.vector_load_idx %arg13[%add3A_38, %broadcast_in_dim3A_118] : memref<64x16xf32, #tpu.memory_space<vmem>>[vector<16xi32>, vector<16xi32>], vector<16xf32>,
        %mul3A_121 = arith.mulf %gather3A_119, %gather3A_120 : vector<16xf32>
        %add3A_122 = arith.addf %add3A_116, %mul3A_121 : vector<16xf32>
        %broadcast_in_dim3A_123 = arith.constant 13 : i32
        %broadcast_in_dim3A_124 = vector.broadcast %broadcast_in_dim3A_123 : i32 to vector<16xi32>
        %gather3A_125 = tpu.vector_load_idx %arg14[%add3A_38, %broadcast_in_dim3A_124] : memref<64x16xf32, #tpu.memory_space<vmem>>[vector<16xi32>, vector<16xi32>], vector<16xf32>,
        %gather3A_126 = tpu.vector_load_idx %arg13[%add3A_38, %broadcast_in_dim3A_124] : memref<64x16xf32, #tpu.memory_space<vmem>>[vector<16xi32>, vector<16xi32>], vector<16xf32>,
        %mul3A_127 = arith.mulf %gather3A_125, %gather3A_126 : vector<16xf32>
        %add3A_128 = arith.addf %add3A_122, %mul3A_127 : vector<16xf32>
        %broadcast_in_dim3A_129 = arith.constant 14 : i32
        %broadcast_in_dim3A_130 = vector.broadcast %broadcast_in_dim3A_129 : i32 to vector<16xi32>
        %gather3A_131 = tpu.vector_load_idx %arg14[%add3A_38, %broadcast_in_dim3A_130] : memref<64x16xf32, #tpu.memory_space<vmem>>[vector<16xi32>, vector<16xi32>], vector<16xf32>,
        %gather3A_132 = tpu.vector_load_idx %arg13[%add3A_38, %broadcast_in_dim3A_130] : memref<64x16xf32, #tpu.memory_space<vmem>>[vector<16xi32>, vector<16xi32>], vector<16xf32>,
        %mul3A_133 = arith.mulf %gather3A_131, %gather3A_132 : vector<16xf32>
        %add3A_134 = arith.addf %add3A_128, %mul3A_133 : vector<16xf32>
        %broadcast_in_dim3A_135 = arith.constant 15 : i32
        %broadcast_in_dim3A_136 = vector.broadcast %broadcast_in_dim3A_135 : i32 to vector<16xi32>
        %gather3A_137 = tpu.vector_load_idx %arg14[%add3A_38, %broadcast_in_dim3A_136] : memref<64x16xf32, #tpu.memory_space<vmem>>[vector<16xi32>, vector<16xi32>], vector<16xf32>,
        %gather3A_138 = tpu.vector_load_idx %arg13[%add3A_38, %broadcast_in_dim3A_136] : memref<64x16xf32, #tpu.memory_space<vmem>>[vector<16xi32>, vector<16xi32>], vector<16xf32>,
        %mul3A_139 = arith.mulf %gather3A_137, %gather3A_138 : vector<16xf32>
        %add3A_140 = arith.addf %add3A_134, %mul3A_139 : vector<16xf32>
        %mul3A_141 = arith.constant 6.250000e-02 : f32
        %mul3A_142 = vector.broadcast %mul3A_141 : f32 to vector<16xf32>
        %mul3A_143 = arith.mulf %add3A_140, %mul3A_142 : vector<16xf32>
        %exp3A = math.exp %mul3A_143 : vector<16xf32>
        %mul3A_144 = arith.constant 16 : i32
        %mul3A_145 = arith.muli %scan3A_34, %mul3A_144 : i32
        %add3A_146 = arith.addi %add3A_11, %mul3A_145 : i32
        %add3A_147 = vector.broadcast %add3A_146 : i32 to vector<16xi32>
        %add3A_148 = arith.addi %add3A_147, %iota3A : vector<16xi32>
        %lt3A = arith.constant 160000 : i32
        %lt3A_149 = vector.broadcast %lt3A : i32 to vector<16xi32>
        %lt3A_150 = arith.cmpi slt, %add3A_148, %lt3A_149 : vector<16xi32>
        %jit3A = arith.constant 0.000000e+00 : f32
        %broadcast_in_dim3A_151 = vector.broadcast %jit3A : f32 to vector<16xf32>
        %select_n3A = arith.select %lt3A_150, %exp3A, %broadcast_in_dim3A_151 : vector<16xi1>, vector<16xf32>
        %mul3A_152 = arith.constant 64 : i32
        %mul3A_153 = arith.muli %scan3A_8, %mul3A_152 : i32
        %mul3A_154 = arith.constant 16 : i32
        %mul3A_155 = arith.muli %scan3A_34, %mul3A_154 : i32
        %add3A_156 = arith.addi %mul3A_153, %mul3A_155 : i32
        %swap3A = arith.index_cast %add3A_156 : i32 to index
        %swap3A_157 = tpu.vector_load %arg15[%swap3A] {strides = array<i32>} : memref<5120xf32, #tpu.memory_space<vmem>>, vector<16xf32>,
        tpu.vector_store %arg15[%swap3A], %select_n3A {strides = array<i32>} : memref<5120xf32, #tpu.memory_space<vmem>>, vector<16xf32>,
      }
      %scan3A_33 = arith.constant 4 : i32
    }
    %scan3A_7 = arith.constant 80 : i32
    "tpu.region"() ({
      %run_scoped3A = tpu.sem_alloc : memref<!tpu.dma_semaphore, #tpu.memory_space<semaphore_mem>>
      %dma_start3A = tpu.memref_slice %arg8[%mul3A_2] : memref<163840xf32, #tpu.memory_space<hbm>> -> memref<5120xf32, #tpu.memory_space<hbm>>
      %dma_start3A_8 = tpu.memref_slice %arg8[%mul3A_2] : memref<163840xf32, #tpu.memory_space<hbm>> -> memref<5120xf32, #tpu.memory_space<hbm>>
      tpu.enqueue_dma source(%arg15 : memref<5120xf32, #tpu.memory_space<vmem>>) target(%dma_start3A_8 : memref<5120xf32, #tpu.memory_space<hbm>>) target_semaphore(%run_scoped3A : memref<!tpu.dma_semaphore, #tpu.memory_space<semaphore_mem>>)
      %dma_wait3A = tpu.memref_slice %arg8[%mul3A_2] : memref<163840xf32, #tpu.memory_space<hbm>> -> memref<5120xf32, #tpu.memory_space<hbm>>
      %dma_wait3A_9 = tpu.memref_slice %arg8[%mul3A_2] : memref<163840xf32, #tpu.memory_space<hbm>> -> memref<5120xf32, #tpu.memory_space<hbm>>
      tpu.wait_dma2 semaphore(%run_scoped3A : memref<!tpu.dma_semaphore, #tpu.memory_space<semaphore_mem>>) src(%arg15 : memref<5120xf32, #tpu.memory_space<vmem>>) dst(%dma_wait3A_9 : memref<5120xf32, #tpu.memory_space<hbm>>)
      tpu.yield
    }) : () -> ()
    return
  }
}

#map = affine_map<(d0, d1) -> (0, 0)>
#map1 = affine_map<(d0, d1) -> (0)>
module attributes {stable_mosaic.version = 14 : i64} {
  func.func @_passa_body(%arg0: i32, %arg1: i32, %arg2: memref<10000x256xf32, #tpu.memory_space<hbm>>, %arg3: memref<10000x256xf32, #tpu.memory_space<hbm>>, %arg4: memref<10000x16xf32, #tpu.memory_space<hbm>>, %arg5: memref<163840xi32, #tpu.memory_space<hbm>>, %arg6: memref<163840xi32, #tpu.memory_space<hbm>>, %arg7: memref<163840x16xf32, #tpu.memory_space<hbm>>, %arg8: memref<163840xf32, #tpu.memory_space<hbm>>, %arg9: memref<64xi32, #tpu.memory_space<vmem>>, %arg10: memref<64xi32, #tpu.memory_space<vmem>>, %arg11: memref<64x256xf32, #tpu.memory_space<vmem>>, %arg12: memref<64x256xf32, #tpu.memory_space<vmem>>, %arg13: memref<64x16xf32, #tpu.memory_space<vmem>>, %arg14: memref<64x16xf32, #tpu.memory_space<vmem>>, %arg15: memref<5120xf32, #tpu.memory_space<vmem>>, %arg16: memref<!tpu.dma_semaphore, #tpu.memory_space<semaphore_mem>>, %arg17: memref<!tpu.dma_semaphore, #tpu.memory_space<semaphore_mem>>, %arg18: memref<!tpu.dma_semaphore, #tpu.memory_space<semaphore_mem>>) attributes {dimension_semantics = [#tpu.dimension_semantics<core_parallel>, #tpu.dimension_semantics<subcore_parallel>], iteration_bounds = array<i64: 2, 16>, scalar_prefetch = 0 : i64, scratch_operands = 10 : i64, tpu.core_type = #tpu.core_type<sc_vector_subcore>, window_params = [{transform_indices = #map}, {transform_indices = #map}, {transform_indices = #map}, {transform_indices = #map1}, {transform_indices = #map1}, {transform_indices = #map}, {transform_indices = #map1}]} {
    %mul3A = arith.constant 2 : i32
    %mul3A_0 = arith.muli %arg1, %mul3A : i32
    %add3A = arith.addi %mul3A_0, %arg0 : i32
    %mul3A_1 = arith.constant 5120 : i32
    %mul3A_2 = arith.muli %add3A, %mul3A_1 : i32
    %iota3A = tpu.iota {dimensions = array<i32: 0>} : vector<16xi32>
    %scan3A = arith.constant 0 : i32
    %scan3A_3 = arith.constant 0 : i32
    %scan3A_4 = arith.constant 80 : i32
    %scan3A_5 = arith.addi %scan3A_3, %scan3A_4 : i32
    %scan3A_6 = arith.constant 1 : i32
    scf.for %scan3A_8 = %scan3A_3 to %scan3A_5 step %scan3A_6  : i32 {
      %mul3A_9 = arith.constant 64 : i32
      %mul3A_10 = arith.muli %scan3A_8, %mul3A_9 : i32
      %add3A_11 = arith.addi %mul3A_2, %mul3A_10 : i32
      "tpu.region"() ({
        %run_scoped3A = tpu.sem_alloc : memref<!tpu.dma_semaphore, #tpu.memory_space<semaphore_mem>>
        %dma_start3A_34 = tpu.memref_slice %arg5[%add3A_11] : memref<163840xi32, #tpu.memory_space<hbm>> -> memref<64xi32, #tpu.memory_space<hbm>>
        %dma_start3A_35 = tpu.memref_slice %arg5[%add3A_11] : memref<163840xi32, #tpu.memory_space<hbm>> -> memref<64xi32, #tpu.memory_space<hbm>>
        tpu.enqueue_dma source(%dma_start3A_35 : memref<64xi32, #tpu.memory_space<hbm>>) target(%arg9 : memref<64xi32, #tpu.memory_space<vmem>>) target_semaphore(%run_scoped3A : memref<!tpu.dma_semaphore, #tpu.memory_space<semaphore_mem>>)
        %dma_wait3A_36 = tpu.memref_slice %arg5[%add3A_11] : memref<163840xi32, #tpu.memory_space<hbm>> -> memref<64xi32, #tpu.memory_space<hbm>>
        %dma_wait3A_37 = tpu.memref_slice %arg5[%add3A_11] : memref<163840xi32, #tpu.memory_space<hbm>> -> memref<64xi32, #tpu.memory_space<hbm>>
        tpu.wait_dma2 semaphore(%run_scoped3A : memref<!tpu.dma_semaphore, #tpu.memory_space<semaphore_mem>>) src(%dma_wait3A_37 : memref<64xi32, #tpu.memory_space<hbm>>) dst(%arg9 : memref<64xi32, #tpu.memory_space<vmem>>)
        tpu.yield
      }) : () -> ()
      "tpu.region"() ({
        %run_scoped3A = tpu.sem_alloc : memref<!tpu.dma_semaphore, #tpu.memory_space<semaphore_mem>>
        %dma_start3A_34 = tpu.memref_slice %arg6[%add3A_11] : memref<163840xi32, #tpu.memory_space<hbm>> -> memref<64xi32, #tpu.memory_space<hbm>>
        %dma_start3A_35 = tpu.memref_slice %arg6[%add3A_11] : memref<163840xi32, #tpu.memory_space<hbm>> -> memref<64xi32, #tpu.memory_space<hbm>>
        tpu.enqueue_dma source(%dma_start3A_35 : memref<64xi32, #tpu.memory_space<hbm>>) target(%arg10 : memref<64xi32, #tpu.memory_space<vmem>>) target_semaphore(%run_scoped3A : memref<!tpu.dma_semaphore, #tpu.memory_space<semaphore_mem>>)
        %dma_wait3A_36 = tpu.memref_slice %arg6[%add3A_11] : memref<163840xi32, #tpu.memory_space<hbm>> -> memref<64xi32, #tpu.memory_space<hbm>>
        %dma_wait3A_37 = tpu.memref_slice %arg6[%add3A_11] : memref<163840xi32, #tpu.memory_space<hbm>> -> memref<64xi32, #tpu.memory_space<hbm>>
        tpu.wait_dma2 semaphore(%run_scoped3A : memref<!tpu.dma_semaphore, #tpu.memory_space<semaphore_mem>>) src(%dma_wait3A_37 : memref<64xi32, #tpu.memory_space<hbm>>) dst(%arg10 : memref<64xi32, #tpu.memory_space<vmem>>)
        tpu.yield
      }) : () -> ()
      %dma_start3A = arith.constant 0 : i32
      %dma_start3A_12 = arith.constant 0 : i32
      %dma_start3A_13 = tpu.memref_slice %arg2[%dma_start3A, %dma_start3A_12] : memref<10000x256xf32, #tpu.memory_space<hbm>> -> memref<10000x256xf32, #tpu.memory_space<hbm>>
      tpu.enqueue_indirect_dma source(%dma_start3A_13 : memref<10000x256xf32, #tpu.memory_space<hbm>>) target(%arg11 : memref<64x256xf32, #tpu.memory_space<vmem>>) offsets(%arg10 : memref<64xi32, #tpu.memory_space<vmem>>) semaphore(%arg16 : memref<!tpu.dma_semaphore, #tpu.memory_space<semaphore_mem>>)
      %dma_start3A_14 = arith.constant 0 : i32
      %dma_start3A_15 = arith.constant 0 : i32
      %dma_start3A_16 = tpu.memref_slice %arg3[%dma_start3A_14, %dma_start3A_15] : memref<10000x256xf32, #tpu.memory_space<hbm>> -> memref<10000x256xf32, #tpu.memory_space<hbm>>
      tpu.enqueue_indirect_dma source(%dma_start3A_16 : memref<10000x256xf32, #tpu.memory_space<hbm>>) target(%arg12 : memref<64x256xf32, #tpu.memory_space<vmem>>) offsets(%arg9 : memref<64xi32, #tpu.memory_space<vmem>>) semaphore(%arg17 : memref<!tpu.dma_semaphore, #tpu.memory_space<semaphore_mem>>)
      %dma_start3A_17 = arith.constant 0 : i32
      %dma_start3A_18 = arith.constant 0 : i32
      %dma_start3A_19 = tpu.memref_slice %arg4[%dma_start3A_17, %dma_start3A_18] : memref<10000x16xf32, #tpu.memory_space<hbm>> -> memref<10000x16xf32, #tpu.memory_space<hbm>>
      tpu.enqueue_indirect_dma source(%dma_start3A_19 : memref<10000x16xf32, #tpu.memory_space<hbm>>) target(%arg13 : memref<64x16xf32, #tpu.memory_space<vmem>>) offsets(%arg10 : memref<64xi32, #tpu.memory_space<vmem>>) semaphore(%arg18 : memref<!tpu.dma_semaphore, #tpu.memory_space<semaphore_mem>>)
      "tpu.region"() ({
        %run_scoped3A = tpu.sem_alloc : memref<!tpu.dma_semaphore, #tpu.memory_space<semaphore_mem>>
        %dma_start3A_34 = arith.constant 0 : i32
        %dma_start3A_35 = tpu.memref_slice %arg7[%add3A_11, %dma_start3A_34] : memref<163840x16xf32, #tpu.memory_space<hbm>> -> memref<64x16xf32, #tpu.memory_space<hbm>>
        %dma_start3A_36 = arith.constant 0 : i32
        %dma_start3A_37 = tpu.memref_slice %arg7[%add3A_11, %dma_start3A_36] : memref<163840x16xf32, #tpu.memory_space<hbm>> -> memref<64x16xf32, #tpu.memory_space<hbm>>
        tpu.enqueue_dma source(%dma_start3A_37 : memref<64x16xf32, #tpu.memory_space<hbm>>) target(%arg14 : memref<64x16xf32, #tpu.memory_space<vmem>>) target_semaphore(%run_scoped3A : memref<!tpu.dma_semaphore, #tpu.memory_space<semaphore_mem>>)
        %dma_wait3A_38 = arith.constant 0 : i32
        %dma_wait3A_39 = tpu.memref_slice %arg7[%add3A_11, %dma_wait3A_38] : memref<163840x16xf32, #tpu.memory_space<hbm>> -> memref<64x16xf32, #tpu.memory_space<hbm>>
        %dma_wait3A_40 = arith.constant 0 : i32
        %dma_wait3A_41 = tpu.memref_slice %arg7[%add3A_11, %dma_wait3A_40] : memref<163840x16xf32, #tpu.memory_space<hbm>> -> memref<64x16xf32, #tpu.memory_space<hbm>>
        tpu.wait_dma2 semaphore(%run_scoped3A : memref<!tpu.dma_semaphore, #tpu.memory_space<semaphore_mem>>) src(%dma_wait3A_41 : memref<64x16xf32, #tpu.memory_space<hbm>>) dst(%arg14 : memref<64x16xf32, #tpu.memory_space<vmem>>)
        tpu.yield
      }) : () -> ()
      %dma_wait3A = arith.constant 0 : i32
      %dma_wait3A_20 = arith.constant 0 : i32
      %dma_wait3A_21 = tpu.memref_slice %arg2[%dma_wait3A, %dma_wait3A_20] : memref<10000x256xf32, #tpu.memory_space<hbm>> -> memref<10000x256xf32, #tpu.memory_space<hbm>>
      tpu.wait_indirect_dma semaphore(%arg16 : memref<!tpu.dma_semaphore, #tpu.memory_space<semaphore_mem>>) src(%dma_wait3A_21 : memref<10000x256xf32, #tpu.memory_space<hbm>>) dst(%arg11 : memref<64x256xf32, #tpu.memory_space<vmem>>)
      %dma_wait3A_22 = arith.constant 0 : i32
      %dma_wait3A_23 = arith.constant 0 : i32
      %dma_wait3A_24 = tpu.memref_slice %arg3[%dma_wait3A_22, %dma_wait3A_23] : memref<10000x256xf32, #tpu.memory_space<hbm>> -> memref<10000x256xf32, #tpu.memory_space<hbm>>
      tpu.wait_indirect_dma semaphore(%arg17 : memref<!tpu.dma_semaphore, #tpu.memory_space<semaphore_mem>>) src(%dma_wait3A_24 : memref<10000x256xf32, #tpu.memory_space<hbm>>) dst(%arg12 : memref<64x256xf32, #tpu.memory_space<vmem>>)
      %dma_wait3A_25 = arith.constant 0 : i32
      %dma_wait3A_26 = arith.constant 0 : i32
      %dma_wait3A_27 = tpu.memref_slice %arg4[%dma_wait3A_25, %dma_wait3A_26] : memref<10000x16xf32, #tpu.memory_space<hbm>> -> memref<10000x16xf32, #tpu.memory_space<hbm>>
      tpu.wait_indirect_dma semaphore(%arg18 : memref<!tpu.dma_semaphore, #tpu.memory_space<semaphore_mem>>) src(%dma_wait3A_27 : memref<10000x16xf32, #tpu.memory_space<hbm>>) dst(%arg13 : memref<64x16xf32, #tpu.memory_space<vmem>>)
      %scan3A_28 = arith.constant 0 : i32
      %scan3A_29 = arith.constant 0 : i32
      %scan3A_30 = arith.constant 4 : i32
      %scan3A_31 = arith.addi %scan3A_29, %scan3A_30 : i32
      %scan3A_32 = arith.constant 1 : i32
      scf.for %scan3A_34 = %scan3A_29 to %scan3A_31 step %scan3A_32  : i32 {
        %mul3A_35 = arith.constant 16 : i32
        %mul3A_36 = arith.muli %scan3A_34, %mul3A_35 : i32
        %add3A_37 = vector.broadcast %mul3A_36 : i32 to vector<16xi32>
        %add3A_38 = arith.addi %add3A_37, %iota3A : vector<16xi32>
        %broadcast_in_dim3A = arith.constant 0.000000e+00 : f32
        %broadcast_in_dim3A_39 = vector.broadcast %broadcast_in_dim3A : f32 to vector<16xf32>
        %scan3A_40 = arith.constant 0 : i32
        %scan3A_41 = arith.constant 16 : i32
        %scan3A_42 = arith.addi %scan3A_40, %scan3A_41 : i32
        %scan3A_43 = arith.constant 1 : i32
        %scan3A_44 = scf.for %scan3A_158 = %scan3A_40 to %scan3A_42 step %scan3A_43 iter_args(%scan3A_159 = %broadcast_in_dim3A_39) -> (vector<16xf32>)  : i32 {
          %mul3A_160 = arith.constant 16 : i32
          %mul3A_161 = arith.muli %scan3A_158, %mul3A_160 : i32
          %add3A_162 = arith.constant 0 : i32
          %add3A_163 = arith.addi %mul3A_161, %add3A_162 : i32
          %broadcast_in_dim3A_164 = vector.broadcast %add3A_163 : i32 to vector<16xi32>
          %gather3A_165 = tpu.vector_load_idx %arg11[%add3A_38, %broadcast_in_dim3A_164] : memref<64x256xf32, #tpu.memory_space<vmem>>[vector<16xi32>, vector<16xi32>], vector<16xf32>,
          %gather3A_166 = tpu.vector_load_idx %arg12[%add3A_38, %broadcast_in_dim3A_164] : memref<64x256xf32, #tpu.memory_space<vmem>>[vector<16xi32>, vector<16xi32>], vector<16xf32>,
          %mul3A_167 = arith.mulf %gather3A_165, %gather3A_166 : vector<16xf32>
          %add3A_168 = arith.addf %scan3A_159, %mul3A_167 : vector<16xf32>
          %mul3A_169 = arith.constant 16 : i32
          %mul3A_170 = arith.muli %scan3A_158, %mul3A_169 : i32
          %add3A_171 = arith.constant 1 : i32
          %add3A_172 = arith.addi %mul3A_170, %add3A_171 : i32
          %broadcast_in_dim3A_173 = vector.broadcast %add3A_172 : i32 to vector<16xi32>
          %gather3A_174 = tpu.vector_load_idx %arg11[%add3A_38, %broadcast_in_dim3A_173] : memref<64x256xf32, #tpu.memory_space<vmem>>[vector<16xi32>, vector<16xi32>], vector<16xf32>,
          %gather3A_175 = tpu.vector_load_idx %arg12[%add3A_38, %broadcast_in_dim3A_173] : memref<64x256xf32, #tpu.memory_space<vmem>>[vector<16xi32>, vector<16xi32>], vector<16xf32>,
          %mul3A_176 = arith.mulf %gather3A_174, %gather3A_175 : vector<16xf32>
          %add3A_177 = arith.addf %add3A_168, %mul3A_176 : vector<16xf32>
          %mul3A_178 = arith.constant 16 : i32
          %mul3A_179 = arith.muli %scan3A_158, %mul3A_178 : i32
          %add3A_180 = arith.constant 2 : i32
          %add3A_181 = arith.addi %mul3A_179, %add3A_180 : i32
          %broadcast_in_dim3A_182 = vector.broadcast %add3A_181 : i32 to vector<16xi32>
          %gather3A_183 = tpu.vector_load_idx %arg11[%add3A_38, %broadcast_in_dim3A_182] : memref<64x256xf32, #tpu.memory_space<vmem>>[vector<16xi32>, vector<16xi32>], vector<16xf32>,
          %gather3A_184 = tpu.vector_load_idx %arg12[%add3A_38, %broadcast_in_dim3A_182] : memref<64x256xf32, #tpu.memory_space<vmem>>[vector<16xi32>, vector<16xi32>], vector<16xf32>,
          %mul3A_185 = arith.mulf %gather3A_183, %gather3A_184 : vector<16xf32>
          %add3A_186 = arith.addf %add3A_177, %mul3A_185 : vector<16xf32>
          %mul3A_187 = arith.constant 16 : i32
          %mul3A_188 = arith.muli %scan3A_158, %mul3A_187 : i32
          %add3A_189 = arith.constant 3 : i32
          %add3A_190 = arith.addi %mul3A_188, %add3A_189 : i32
          %broadcast_in_dim3A_191 = vector.broadcast %add3A_190 : i32 to vector<16xi32>
          %gather3A_192 = tpu.vector_load_idx %arg11[%add3A_38, %broadcast_in_dim3A_191] : memref<64x256xf32, #tpu.memory_space<vmem>>[vector<16xi32>, vector<16xi32>], vector<16xf32>,
          %gather3A_193 = tpu.vector_load_idx %arg12[%add3A_38, %broadcast_in_dim3A_191] : memref<64x256xf32, #tpu.memory_space<vmem>>[vector<16xi32>, vector<16xi32>], vector<16xf32>,
          %mul3A_194 = arith.mulf %gather3A_192, %gather3A_193 : vector<16xf32>
          %add3A_195 = arith.addf %add3A_186, %mul3A_194 : vector<16xf32>
          %mul3A_196 = arith.constant 16 : i32
          %mul3A_197 = arith.muli %scan3A_158, %mul3A_196 : i32
          %add3A_198 = arith.constant 4 : i32
          %add3A_199 = arith.addi %mul3A_197, %add3A_198 : i32
          %broadcast_in_dim3A_200 = vector.broadcast %add3A_199 : i32 to vector<16xi32>
          %gather3A_201 = tpu.vector_load_idx %arg11[%add3A_38, %broadcast_in_dim3A_200] : memref<64x256xf32, #tpu.memory_space<vmem>>[vector<16xi32>, vector<16xi32>], vector<16xf32>,
          %gather3A_202 = tpu.vector_load_idx %arg12[%add3A_38, %broadcast_in_dim3A_200] : memref<64x256xf32, #tpu.memory_space<vmem>>[vector<16xi32>, vector<16xi32>], vector<16xf32>,
          %mul3A_203 = arith.mulf %gather3A_201, %gather3A_202 : vector<16xf32>
          %add3A_204 = arith.addf %add3A_195, %mul3A_203 : vector<16xf32>
          %mul3A_205 = arith.constant 16 : i32
          %mul3A_206 = arith.muli %scan3A_158, %mul3A_205 : i32
          %add3A_207 = arith.constant 5 : i32
          %add3A_208 = arith.addi %mul3A_206, %add3A_207 : i32
          %broadcast_in_dim3A_209 = vector.broadcast %add3A_208 : i32 to vector<16xi32>
          %gather3A_210 = tpu.vector_load_idx %arg11[%add3A_38, %broadcast_in_dim3A_209] : memref<64x256xf32, #tpu.memory_space<vmem>>[vector<16xi32>, vector<16xi32>], vector<16xf32>,
          %gather3A_211 = tpu.vector_load_idx %arg12[%add3A_38, %broadcast_in_dim3A_209] : memref<64x256xf32, #tpu.memory_space<vmem>>[vector<16xi32>, vector<16xi32>], vector<16xf32>,
          %mul3A_212 = arith.mulf %gather3A_210, %gather3A_211 : vector<16xf32>
          %add3A_213 = arith.addf %add3A_204, %mul3A_212 : vector<16xf32>
          %mul3A_214 = arith.constant 16 : i32
          %mul3A_215 = arith.muli %scan3A_158, %mul3A_214 : i32
          %add3A_216 = arith.constant 6 : i32
          %add3A_217 = arith.addi %mul3A_215, %add3A_216 : i32
          %broadcast_in_dim3A_218 = vector.broadcast %add3A_217 : i32 to vector<16xi32>
          %gather3A_219 = tpu.vector_load_idx %arg11[%add3A_38, %broadcast_in_dim3A_218] : memref<64x256xf32, #tpu.memory_space<vmem>>[vector<16xi32>, vector<16xi32>], vector<16xf32>,
          %gather3A_220 = tpu.vector_load_idx %arg12[%add3A_38, %broadcast_in_dim3A_218] : memref<64x256xf32, #tpu.memory_space<vmem>>[vector<16xi32>, vector<16xi32>], vector<16xf32>,
          %mul3A_221 = arith.mulf %gather3A_219, %gather3A_220 : vector<16xf32>
          %add3A_222 = arith.addf %add3A_213, %mul3A_221 : vector<16xf32>
          %mul3A_223 = arith.constant 16 : i32
          %mul3A_224 = arith.muli %scan3A_158, %mul3A_223 : i32
          %add3A_225 = arith.constant 7 : i32
          %add3A_226 = arith.addi %mul3A_224, %add3A_225 : i32
          %broadcast_in_dim3A_227 = vector.broadcast %add3A_226 : i32 to vector<16xi32>
          %gather3A_228 = tpu.vector_load_idx %arg11[%add3A_38, %broadcast_in_dim3A_227] : memref<64x256xf32, #tpu.memory_space<vmem>>[vector<16xi32>, vector<16xi32>], vector<16xf32>,
          %gather3A_229 = tpu.vector_load_idx %arg12[%add3A_38, %broadcast_in_dim3A_227] : memref<64x256xf32, #tpu.memory_space<vmem>>[vector<16xi32>, vector<16xi32>], vector<16xf32>,
          %mul3A_230 = arith.mulf %gather3A_228, %gather3A_229 : vector<16xf32>
          %add3A_231 = arith.addf %add3A_222, %mul3A_230 : vector<16xf32>
          %mul3A_232 = arith.constant 16 : i32
          %mul3A_233 = arith.muli %scan3A_158, %mul3A_232 : i32
          %add3A_234 = arith.constant 8 : i32
          %add3A_235 = arith.addi %mul3A_233, %add3A_234 : i32
          %broadcast_in_dim3A_236 = vector.broadcast %add3A_235 : i32 to vector<16xi32>
          %gather3A_237 = tpu.vector_load_idx %arg11[%add3A_38, %broadcast_in_dim3A_236] : memref<64x256xf32, #tpu.memory_space<vmem>>[vector<16xi32>, vector<16xi32>], vector<16xf32>,
          %gather3A_238 = tpu.vector_load_idx %arg12[%add3A_38, %broadcast_in_dim3A_236] : memref<64x256xf32, #tpu.memory_space<vmem>>[vector<16xi32>, vector<16xi32>], vector<16xf32>,
          %mul3A_239 = arith.mulf %gather3A_237, %gather3A_238 : vector<16xf32>
          %add3A_240 = arith.addf %add3A_231, %mul3A_239 : vector<16xf32>
          %mul3A_241 = arith.constant 16 : i32
          %mul3A_242 = arith.muli %scan3A_158, %mul3A_241 : i32
          %add3A_243 = arith.constant 9 : i32
          %add3A_244 = arith.addi %mul3A_242, %add3A_243 : i32
          %broadcast_in_dim3A_245 = vector.broadcast %add3A_244 : i32 to vector<16xi32>
          %gather3A_246 = tpu.vector_load_idx %arg11[%add3A_38, %broadcast_in_dim3A_245] : memref<64x256xf32, #tpu.memory_space<vmem>>[vector<16xi32>, vector<16xi32>], vector<16xf32>,
          %gather3A_247 = tpu.vector_load_idx %arg12[%add3A_38, %broadcast_in_dim3A_245] : memref<64x256xf32, #tpu.memory_space<vmem>>[vector<16xi32>, vector<16xi32>], vector<16xf32>,
          %mul3A_248 = arith.mulf %gather3A_246, %gather3A_247 : vector<16xf32>
          %add3A_249 = arith.addf %add3A_240, %mul3A_248 : vector<16xf32>
          %mul3A_250 = arith.constant 16 : i32
          %mul3A_251 = arith.muli %scan3A_158, %mul3A_250 : i32
          %add3A_252 = arith.constant 10 : i32
          %add3A_253 = arith.addi %mul3A_251, %add3A_252 : i32
          %broadcast_in_dim3A_254 = vector.broadcast %add3A_253 : i32 to vector<16xi32>
          %gather3A_255 = tpu.vector_load_idx %arg11[%add3A_38, %broadcast_in_dim3A_254] : memref<64x256xf32, #tpu.memory_space<vmem>>[vector<16xi32>, vector<16xi32>], vector<16xf32>,
          %gather3A_256 = tpu.vector_load_idx %arg12[%add3A_38, %broadcast_in_dim3A_254] : memref<64x256xf32, #tpu.memory_space<vmem>>[vector<16xi32>, vector<16xi32>], vector<16xf32>,
          %mul3A_257 = arith.mulf %gather3A_255, %gather3A_256 : vector<16xf32>
          %add3A_258 = arith.addf %add3A_249, %mul3A_257 : vector<16xf32>
          %mul3A_259 = arith.constant 16 : i32
          %mul3A_260 = arith.muli %scan3A_158, %mul3A_259 : i32
          %add3A_261 = arith.constant 11 : i32
          %add3A_262 = arith.addi %mul3A_260, %add3A_261 : i32
          %broadcast_in_dim3A_263 = vector.broadcast %add3A_262 : i32 to vector<16xi32>
          %gather3A_264 = tpu.vector_load_idx %arg11[%add3A_38, %broadcast_in_dim3A_263] : memref<64x256xf32, #tpu.memory_space<vmem>>[vector<16xi32>, vector<16xi32>], vector<16xf32>,
          %gather3A_265 = tpu.vector_load_idx %arg12[%add3A_38, %broadcast_in_dim3A_263] : memref<64x256xf32, #tpu.memory_space<vmem>>[vector<16xi32>, vector<16xi32>], vector<16xf32>,
          %mul3A_266 = arith.mulf %gather3A_264, %gather3A_265 : vector<16xf32>
          %add3A_267 = arith.addf %add3A_258, %mul3A_266 : vector<16xf32>
          %mul3A_268 = arith.constant 16 : i32
          %mul3A_269 = arith.muli %scan3A_158, %mul3A_268 : i32
          %add3A_270 = arith.constant 12 : i32
          %add3A_271 = arith.addi %mul3A_269, %add3A_270 : i32
          %broadcast_in_dim3A_272 = vector.broadcast %add3A_271 : i32 to vector<16xi32>
          %gather3A_273 = tpu.vector_load_idx %arg11[%add3A_38, %broadcast_in_dim3A_272] : memref<64x256xf32, #tpu.memory_space<vmem>>[vector<16xi32>, vector<16xi32>], vector<16xf32>,
          %gather3A_274 = tpu.vector_load_idx %arg12[%add3A_38, %broadcast_in_dim3A_272] : memref<64x256xf32, #tpu.memory_space<vmem>>[vector<16xi32>, vector<16xi32>], vector<16xf32>,
          %mul3A_275 = arith.mulf %gather3A_273, %gather3A_274 : vector<16xf32>
          %add3A_276 = arith.addf %add3A_267, %mul3A_275 : vector<16xf32>
          %mul3A_277 = arith.constant 16 : i32
          %mul3A_278 = arith.muli %scan3A_158, %mul3A_277 : i32
          %add3A_279 = arith.constant 13 : i32
          %add3A_280 = arith.addi %mul3A_278, %add3A_279 : i32
          %broadcast_in_dim3A_281 = vector.broadcast %add3A_280 : i32 to vector<16xi32>
          %gather3A_282 = tpu.vector_load_idx %arg11[%add3A_38, %broadcast_in_dim3A_281] : memref<64x256xf32, #tpu.memory_space<vmem>>[vector<16xi32>, vector<16xi32>], vector<16xf32>,
          %gather3A_283 = tpu.vector_load_idx %arg12[%add3A_38, %broadcast_in_dim3A_281] : memref<64x256xf32, #tpu.memory_space<vmem>>[vector<16xi32>, vector<16xi32>], vector<16xf32>,
          %mul3A_284 = arith.mulf %gather3A_282, %gather3A_283 : vector<16xf32>
          %add3A_285 = arith.addf %add3A_276, %mul3A_284 : vector<16xf32>
          %mul3A_286 = arith.constant 16 : i32
          %mul3A_287 = arith.muli %scan3A_158, %mul3A_286 : i32
          %add3A_288 = arith.constant 14 : i32
          %add3A_289 = arith.addi %mul3A_287, %add3A_288 : i32
          %broadcast_in_dim3A_290 = vector.broadcast %add3A_289 : i32 to vector<16xi32>
          %gather3A_291 = tpu.vector_load_idx %arg11[%add3A_38, %broadcast_in_dim3A_290] : memref<64x256xf32, #tpu.memory_space<vmem>>[vector<16xi32>, vector<16xi32>], vector<16xf32>,
          %gather3A_292 = tpu.vector_load_idx %arg12[%add3A_38, %broadcast_in_dim3A_290] : memref<64x256xf32, #tpu.memory_space<vmem>>[vector<16xi32>, vector<16xi32>], vector<16xf32>,
          %mul3A_293 = arith.mulf %gather3A_291, %gather3A_292 : vector<16xf32>
          %add3A_294 = arith.addf %add3A_285, %mul3A_293 : vector<16xf32>
          %mul3A_295 = arith.constant 16 : i32
          %mul3A_296 = arith.muli %scan3A_158, %mul3A_295 : i32
          %add3A_297 = arith.constant 15 : i32
          %add3A_298 = arith.addi %mul3A_296, %add3A_297 : i32
          %broadcast_in_dim3A_299 = vector.broadcast %add3A_298 : i32 to vector<16xi32>
          %gather3A_300 = tpu.vector_load_idx %arg11[%add3A_38, %broadcast_in_dim3A_299] : memref<64x256xf32, #tpu.memory_space<vmem>>[vector<16xi32>, vector<16xi32>], vector<16xf32>,
          %gather3A_301 = tpu.vector_load_idx %arg12[%add3A_38, %broadcast_in_dim3A_299] : memref<64x256xf32, #tpu.memory_space<vmem>>[vector<16xi32>, vector<16xi32>], vector<16xf32>,
          %mul3A_302 = arith.mulf %gather3A_300, %gather3A_301 : vector<16xf32>
          %add3A_303 = arith.addf %add3A_294, %mul3A_302 : vector<16xf32>
          scf.yield %add3A_303 : vector<16xf32>
        }
        %scan3A_45 = arith.constant 16 : i32
        %broadcast_in_dim3A_46 = arith.constant 0 : i32
        %broadcast_in_dim3A_47 = vector.broadcast %broadcast_in_dim3A_46 : i32 to vector<16xi32>
        %gather3A = tpu.vector_load_idx %arg14[%add3A_38, %broadcast_in_dim3A_47] : memref<64x16xf32, #tpu.memory_space<vmem>>[vector<16xi32>, vector<16xi32>], vector<16xf32>,
        %gather3A_48 = tpu.vector_load_idx %arg13[%add3A_38, %broadcast_in_dim3A_47] : memref<64x16xf32, #tpu.memory_space<vmem>>[vector<16xi32>, vector<16xi32>], vector<16xf32>,
        %mul3A_49 = arith.mulf %gather3A, %gather3A_48 : vector<16xf32>
        %add3A_50 = arith.addf %scan3A_44, %mul3A_49 : vector<16xf32>
        %broadcast_in_dim3A_51 = arith.constant 1 : i32
        %broadcast_in_dim3A_52 = vector.broadcast %broadcast_in_dim3A_51 : i32 to vector<16xi32>
        %gather3A_53 = tpu.vector_load_idx %arg14[%add3A_38, %broadcast_in_dim3A_52] : memref<64x16xf32, #tpu.memory_space<vmem>>[vector<16xi32>, vector<16xi32>], vector<16xf32>,
        %gather3A_54 = tpu.vector_load_idx %arg13[%add3A_38, %broadcast_in_dim3A_52] : memref<64x16xf32, #tpu.memory_space<vmem>>[vector<16xi32>, vector<16xi32>], vector<16xf32>,
        %mul3A_55 = arith.mulf %gather3A_53, %gather3A_54 : vector<16xf32>
        %add3A_56 = arith.addf %add3A_50, %mul3A_55 : vector<16xf32>
        %broadcast_in_dim3A_57 = arith.constant 2 : i32
        %broadcast_in_dim3A_58 = vector.broadcast %broadcast_in_dim3A_57 : i32 to vector<16xi32>
        %gather3A_59 = tpu.vector_load_idx %arg14[%add3A_38, %broadcast_in_dim3A_58] : memref<64x16xf32, #tpu.memory_space<vmem>>[vector<16xi32>, vector<16xi32>], vector<16xf32>,
        %gather3A_60 = tpu.vector_load_idx %arg13[%add3A_38, %broadcast_in_dim3A_58] : memref<64x16xf32, #tpu.memory_space<vmem>>[vector<16xi32>, vector<16xi32>], vector<16xf32>,
        %mul3A_61 = arith.mulf %gather3A_59, %gather3A_60 : vector<16xf32>
        %add3A_62 = arith.addf %add3A_56, %mul3A_61 : vector<16xf32>
        %broadcast_in_dim3A_63 = arith.constant 3 : i32
        %broadcast_in_dim3A_64 = vector.broadcast %broadcast_in_dim3A_63 : i32 to vector<16xi32>
        %gather3A_65 = tpu.vector_load_idx %arg14[%add3A_38, %broadcast_in_dim3A_64] : memref<64x16xf32, #tpu.memory_space<vmem>>[vector<16xi32>, vector<16xi32>], vector<16xf32>,
        %gather3A_66 = tpu.vector_load_idx %arg13[%add3A_38, %broadcast_in_dim3A_64] : memref<64x16xf32, #tpu.memory_space<vmem>>[vector<16xi32>, vector<16xi32>], vector<16xf32>,
        %mul3A_67 = arith.mulf %gather3A_65, %gather3A_66 : vector<16xf32>
        %add3A_68 = arith.addf %add3A_62, %mul3A_67 : vector<16xf32>
        %broadcast_in_dim3A_69 = arith.constant 4 : i32
        %broadcast_in_dim3A_70 = vector.broadcast %broadcast_in_dim3A_69 : i32 to vector<16xi32>
        %gather3A_71 = tpu.vector_load_idx %arg14[%add3A_38, %broadcast_in_dim3A_70] : memref<64x16xf32, #tpu.memory_space<vmem>>[vector<16xi32>, vector<16xi32>], vector<16xf32>,
        %gather3A_72 = tpu.vector_load_idx %arg13[%add3A_38, %broadcast_in_dim3A_70] : memref<64x16xf32, #tpu.memory_space<vmem>>[vector<16xi32>, vector<16xi32>], vector<16xf32>,
        %mul3A_73 = arith.mulf %gather3A_71, %gather3A_72 : vector<16xf32>
        %add3A_74 = arith.addf %add3A_68, %mul3A_73 : vector<16xf32>
        %broadcast_in_dim3A_75 = arith.constant 5 : i32
        %broadcast_in_dim3A_76 = vector.broadcast %broadcast_in_dim3A_75 : i32 to vector<16xi32>
        %gather3A_77 = tpu.vector_load_idx %arg14[%add3A_38, %broadcast_in_dim3A_76] : memref<64x16xf32, #tpu.memory_space<vmem>>[vector<16xi32>, vector<16xi32>], vector<16xf32>,
        %gather3A_78 = tpu.vector_load_idx %arg13[%add3A_38, %broadcast_in_dim3A_76] : memref<64x16xf32, #tpu.memory_space<vmem>>[vector<16xi32>, vector<16xi32>], vector<16xf32>,
        %mul3A_79 = arith.mulf %gather3A_77, %gather3A_78 : vector<16xf32>
        %add3A_80 = arith.addf %add3A_74, %mul3A_79 : vector<16xf32>
        %broadcast_in_dim3A_81 = arith.constant 6 : i32
        %broadcast_in_dim3A_82 = vector.broadcast %broadcast_in_dim3A_81 : i32 to vector<16xi32>
        %gather3A_83 = tpu.vector_load_idx %arg14[%add3A_38, %broadcast_in_dim3A_82] : memref<64x16xf32, #tpu.memory_space<vmem>>[vector<16xi32>, vector<16xi32>], vector<16xf32>,
        %gather3A_84 = tpu.vector_load_idx %arg13[%add3A_38, %broadcast_in_dim3A_82] : memref<64x16xf32, #tpu.memory_space<vmem>>[vector<16xi32>, vector<16xi32>], vector<16xf32>,
        %mul3A_85 = arith.mulf %gather3A_83, %gather3A_84 : vector<16xf32>
        %add3A_86 = arith.addf %add3A_80, %mul3A_85 : vector<16xf32>
        %broadcast_in_dim3A_87 = arith.constant 7 : i32
        %broadcast_in_dim3A_88 = vector.broadcast %broadcast_in_dim3A_87 : i32 to vector<16xi32>
        %gather3A_89 = tpu.vector_load_idx %arg14[%add3A_38, %broadcast_in_dim3A_88] : memref<64x16xf32, #tpu.memory_space<vmem>>[vector<16xi32>, vector<16xi32>], vector<16xf32>,
        %gather3A_90 = tpu.vector_load_idx %arg13[%add3A_38, %broadcast_in_dim3A_88] : memref<64x16xf32, #tpu.memory_space<vmem>>[vector<16xi32>, vector<16xi32>], vector<16xf32>,
        %mul3A_91 = arith.mulf %gather3A_89, %gather3A_90 : vector<16xf32>
        %add3A_92 = arith.addf %add3A_86, %mul3A_91 : vector<16xf32>
        %broadcast_in_dim3A_93 = arith.constant 8 : i32
        %broadcast_in_dim3A_94 = vector.broadcast %broadcast_in_dim3A_93 : i32 to vector<16xi32>
        %gather3A_95 = tpu.vector_load_idx %arg14[%add3A_38, %broadcast_in_dim3A_94] : memref<64x16xf32, #tpu.memory_space<vmem>>[vector<16xi32>, vector<16xi32>], vector<16xf32>,
        %gather3A_96 = tpu.vector_load_idx %arg13[%add3A_38, %broadcast_in_dim3A_94] : memref<64x16xf32, #tpu.memory_space<vmem>>[vector<16xi32>, vector<16xi32>], vector<16xf32>,
        %mul3A_97 = arith.mulf %gather3A_95, %gather3A_96 : vector<16xf32>
        %add3A_98 = arith.addf %add3A_92, %mul3A_97 : vector<16xf32>
        %broadcast_in_dim3A_99 = arith.constant 9 : i32
        %broadcast_in_dim3A_100 = vector.broadcast %broadcast_in_dim3A_99 : i32 to vector<16xi32>
        %gather3A_101 = tpu.vector_load_idx %arg14[%add3A_38, %broadcast_in_dim3A_100] : memref<64x16xf32, #tpu.memory_space<vmem>>[vector<16xi32>, vector<16xi32>], vector<16xf32>,
        %gather3A_102 = tpu.vector_load_idx %arg13[%add3A_38, %broadcast_in_dim3A_100] : memref<64x16xf32, #tpu.memory_space<vmem>>[vector<16xi32>, vector<16xi32>], vector<16xf32>,
        %mul3A_103 = arith.mulf %gather3A_101, %gather3A_102 : vector<16xf32>
        %add3A_104 = arith.addf %add3A_98, %mul3A_103 : vector<16xf32>
        %broadcast_in_dim3A_105 = arith.constant 10 : i32
        %broadcast_in_dim3A_106 = vector.broadcast %broadcast_in_dim3A_105 : i32 to vector<16xi32>
        %gather3A_107 = tpu.vector_load_idx %arg14[%add3A_38, %broadcast_in_dim3A_106] : memref<64x16xf32, #tpu.memory_space<vmem>>[vector<16xi32>, vector<16xi32>], vector<16xf32>,
        %gather3A_108 = tpu.vector_load_idx %arg13[%add3A_38, %broadcast_in_dim3A_106] : memref<64x16xf32, #tpu.memory_space<vmem>>[vector<16xi32>, vector<16xi32>], vector<16xf32>,
        %mul3A_109 = arith.mulf %gather3A_107, %gather3A_108 : vector<16xf32>
        %add3A_110 = arith.addf %add3A_104, %mul3A_109 : vector<16xf32>
        %broadcast_in_dim3A_111 = arith.constant 11 : i32
        %broadcast_in_dim3A_112 = vector.broadcast %broadcast_in_dim3A_111 : i32 to vector<16xi32>
        %gather3A_113 = tpu.vector_load_idx %arg14[%add3A_38, %broadcast_in_dim3A_112] : memref<64x16xf32, #tpu.memory_space<vmem>>[vector<16xi32>, vector<16xi32>], vector<16xf32>,
        %gather3A_114 = tpu.vector_load_idx %arg13[%add3A_38, %broadcast_in_dim3A_112] : memref<64x16xf32, #tpu.memory_space<vmem>>[vector<16xi32>, vector<16xi32>], vector<16xf32>,
        %mul3A_115 = arith.mulf %gather3A_113, %gather3A_114 : vector<16xf32>
        %add3A_116 = arith.addf %add3A_110, %mul3A_115 : vector<16xf32>
        %broadcast_in_dim3A_117 = arith.constant 12 : i32
        %broadcast_in_dim3A_118 = vector.broadcast %broadcast_in_dim3A_117 : i32 to vector<16xi32>
        %gather3A_119 = tpu.vector_load_idx %arg14[%add3A_38, %broadcast_in_dim3A_118] : memref<64x16xf32, #tpu.memory_space<vmem>>[vector<16xi32>, vector<16xi32>], vector<16xf32>,
        %gather3A_120 = tpu.vector_load_idx %arg13[%add3A_38, %broadcast_in_dim3A_118] : memref<64x16xf32, #tpu.memory_space<vmem>>[vector<16xi32>, vector<16xi32>], vector<16xf32>,
        %mul3A_121 = arith.mulf %gather3A_119, %gather3A_120 : vector<16xf32>
        %add3A_122 = arith.addf %add3A_116, %mul3A_121 : vector<16xf32>
        %broadcast_in_dim3A_123 = arith.constant 13 : i32
        %broadcast_in_dim3A_124 = vector.broadcast %broadcast_in_dim3A_123 : i32 to vector<16xi32>
        %gather3A_125 = tpu.vector_load_idx %arg14[%add3A_38, %broadcast_in_dim3A_124] : memref<64x16xf32, #tpu.memory_space<vmem>>[vector<16xi32>, vector<16xi32>], vector<16xf32>,
        %gather3A_126 = tpu.vector_load_idx %arg13[%add3A_38, %broadcast_in_dim3A_124] : memref<64x16xf32, #tpu.memory_space<vmem>>[vector<16xi32>, vector<16xi32>], vector<16xf32>,
        %mul3A_127 = arith.mulf %gather3A_125, %gather3A_126 : vector<16xf32>
        %add3A_128 = arith.addf %add3A_122, %mul3A_127 : vector<16xf32>
        %broadcast_in_dim3A_129 = arith.constant 14 : i32
        %broadcast_in_dim3A_130 = vector.broadcast %broadcast_in_dim3A_129 : i32 to vector<16xi32>
        %gather3A_131 = tpu.vector_load_idx %arg14[%add3A_38, %broadcast_in_dim3A_130] : memref<64x16xf32, #tpu.memory_space<vmem>>[vector<16xi32>, vector<16xi32>], vector<16xf32>,
        %gather3A_132 = tpu.vector_load_idx %arg13[%add3A_38, %broadcast_in_dim3A_130] : memref<64x16xf32, #tpu.memory_space<vmem>>[vector<16xi32>, vector<16xi32>], vector<16xf32>,
        %mul3A_133 = arith.mulf %gather3A_131, %gather3A_132 : vector<16xf32>
        %add3A_134 = arith.addf %add3A_128, %mul3A_133 : vector<16xf32>
        %broadcast_in_dim3A_135 = arith.constant 15 : i32
        %broadcast_in_dim3A_136 = vector.broadcast %broadcast_in_dim3A_135 : i32 to vector<16xi32>
        %gather3A_137 = tpu.vector_load_idx %arg14[%add3A_38, %broadcast_in_dim3A_136] : memref<64x16xf32, #tpu.memory_space<vmem>>[vector<16xi32>, vector<16xi32>], vector<16xf32>,
        %gather3A_138 = tpu.vector_load_idx %arg13[%add3A_38, %broadcast_in_dim3A_136] : memref<64x16xf32, #tpu.memory_space<vmem>>[vector<16xi32>, vector<16xi32>], vector<16xf32>,
        %mul3A_139 = arith.mulf %gather3A_137, %gather3A_138 : vector<16xf32>
        %add3A_140 = arith.addf %add3A_134, %mul3A_139 : vector<16xf32>
        %mul3A_141 = arith.constant 6.250000e-02 : f32
        %mul3A_142 = vector.broadcast %mul3A_141 : f32 to vector<16xf32>
        %mul3A_143 = arith.mulf %add3A_140, %mul3A_142 : vector<16xf32>
        %exp3A = math.exp %mul3A_143 : vector<16xf32>
        %mul3A_144 = arith.constant 16 : i32
        %mul3A_145 = arith.muli %scan3A_34, %mul3A_144 : i32
        %add3A_146 = arith.addi %add3A_11, %mul3A_145 : i32
        %add3A_147 = vector.broadcast %add3A_146 : i32 to vector<16xi32>
        %add3A_148 = arith.addi %add3A_147, %iota3A : vector<16xi32>
        %lt3A = arith.constant 160000 : i32
        %lt3A_149 = vector.broadcast %lt3A : i32 to vector<16xi32>
        %lt3A_150 = arith.cmpi slt, %add3A_148, %lt3A_149 : vector<16xi32>
        %jit3A = arith.constant 0.000000e+00 : f32
        %broadcast_in_dim3A_151 = vector.broadcast %jit3A : f32 to vector<16xf32>
        %select_n3A = arith.select %lt3A_150, %exp3A, %broadcast_in_dim3A_151 : vector<16xi1>, vector<16xf32>
        %mul3A_152 = arith.constant 64 : i32
        %mul3A_153 = arith.muli %scan3A_8, %mul3A_152 : i32
        %mul3A_154 = arith.constant 16 : i32
        %mul3A_155 = arith.muli %scan3A_34, %mul3A_154 : i32
        %add3A_156 = arith.addi %mul3A_153, %mul3A_155 : i32
        %swap3A = arith.index_cast %add3A_156 : i32 to index
        %swap3A_157 = tpu.vector_load %arg15[%swap3A] {strides = array<i32>} : memref<5120xf32, #tpu.memory_space<vmem>>, vector<16xf32>,
        tpu.vector_store %arg15[%swap3A], %select_n3A {strides = array<i32>} : memref<5120xf32, #tpu.memory_space<vmem>>, vector<16xf32>,
      }
      %scan3A_33 = arith.constant 4 : i32
    }
    %scan3A_7 = arith.constant 80 : i32
    "tpu.region"() ({
      %run_scoped3A = tpu.sem_alloc : memref<!tpu.dma_semaphore, #tpu.memory_space<semaphore_mem>>
      %dma_start3A = tpu.memref_slice %arg8[%mul3A_2] : memref<163840xf32, #tpu.memory_space<hbm>> -> memref<5120xf32, #tpu.memory_space<hbm>>
      %dma_start3A_8 = tpu.memref_slice %arg8[%mul3A_2] : memref<163840xf32, #tpu.memory_space<hbm>> -> memref<5120xf32, #tpu.memory_space<hbm>>
      tpu.enqueue_dma source(%arg15 : memref<5120xf32, #tpu.memory_space<vmem>>) target(%dma_start3A_8 : memref<5120xf32, #tpu.memory_space<hbm>>) target_semaphore(%run_scoped3A : memref<!tpu.dma_semaphore, #tpu.memory_space<semaphore_mem>>)
      %dma_wait3A = tpu.memref_slice %arg8[%mul3A_2] : memref<163840xf32, #tpu.memory_space<hbm>> -> memref<5120xf32, #tpu.memory_space<hbm>>
      %dma_wait3A_9 = tpu.memref_slice %arg8[%mul3A_2] : memref<163840xf32, #tpu.memory_space<hbm>> -> memref<5120xf32, #tpu.memory_space<hbm>>
      tpu.wait_dma2 semaphore(%run_scoped3A : memref<!tpu.dma_semaphore, #tpu.memory_space<semaphore_mem>>) src(%arg15 : memref<5120xf32, #tpu.memory_space<vmem>>) dst(%dma_wait3A_9 : memref<5120xf32, #tpu.memory_space<hbm>>)
      tpu.yield
    }) : () -> ()
    return
  }
}

#map = affine_map<(d0, d1) -> (0, 0)>
#map1 = affine_map<(d0, d1) -> (0)>
module attributes {stable_mosaic.version = 14 : i64} {
  func.func @_passb_body(%arg0: i32, %arg1: i32, %arg2: memref<10000x128xf32, #tpu.memory_space<hbm>>, %arg3: memref<10000x128xf32, #tpu.memory_space<hbm>>, %arg4: memref<163840xi32, #tpu.memory_space<hbm>>, %arg5: memref<163840xi32, #tpu.memory_space<hbm>>, %arg6: memref<163840x16xf32, #tpu.memory_space<hbm>>, %arg7: memref<163840xf32, #tpu.memory_space<hbm>>, %arg8: memref<10000x128xf32, #tpu.memory_space<hbm>>, %arg9: memref<10000x128xf32, #tpu.memory_space<hbm>>, %arg10: memref<10000x32xf32, #tpu.memory_space<hbm>>, %arg11: memref<64xi32, #tpu.memory_space<vmem>>, %arg12: memref<64xi32, #tpu.memory_space<vmem>>, %arg13: memref<64x128xf32, #tpu.memory_space<vmem>>, %arg14: memref<64x32xf32, #tpu.memory_space<vmem>>, %arg15: memref<64xf32, #tpu.memory_space<vmem>>, %arg16: memref<64x16xf32, #tpu.memory_space<vmem>>, %arg17: memref<25x128xf32, #tpu.memory_space<vmem>>, %arg18: memref<25x32xf32, #tpu.memory_space<vmem>>, %arg19: memref<10000x128xf32, #tpu.memory_space<vmem_shared>>, %arg20: memref<10000x32xf32, #tpu.memory_space<vmem_shared>>, %arg21: memref<!tpu.dma_semaphore, #tpu.memory_space<semaphore_mem>>) attributes {dimension_semantics = [#tpu.dimension_semantics<core_parallel>, #tpu.dimension_semantics<subcore_parallel>], iteration_bounds = array<i64: 2, 16>, scalar_prefetch = 0 : i64, scratch_operands = 11 : i64, tpu.core_type = #tpu.core_type<sc_vector_subcore>, window_params = [{transform_indices = #map}, {transform_indices = #map}, {transform_indices = #map1}, {transform_indices = #map1}, {transform_indices = #map}, {transform_indices = #map1}, {transform_indices = #map}, {transform_indices = #map}, {transform_indices = #map}]} {
    %iota3A = tpu.iota {dimensions = array<i32: 0>} : vector<16xi32>
    %broadcast_in_dim3A = arith.constant 0.000000e+00 : f32
    %broadcast_in_dim3A_0 = vector.broadcast %broadcast_in_dim3A : f32 to vector<16xf32>
    %scan3A = arith.constant 0 : i32
    %scan3A_1 = arith.constant 0 : i32
    %scan3A_2 = arith.constant 25 : i32
    %scan3A_3 = arith.addi %scan3A_1, %scan3A_2 : i32
    %scan3A_4 = arith.constant 1 : i32
    scf.for %scan3A_29 = %scan3A_1 to %scan3A_3 step %scan3A_4  : i32 {
      %swap3A = arith.index_cast %scan3A_29 : i32 to index
      %swap3A_30 = arith.constant 0 : index
      %swap3A_31 = tpu.vector_load %arg17[%swap3A, %swap3A_30] {strides = array<i32>} : memref<25x128xf32, #tpu.memory_space<vmem>>, vector<16xf32>,
      tpu.vector_store %arg17[%swap3A, %swap3A_30], %broadcast_in_dim3A_0 {strides = array<i32>} : memref<25x128xf32, #tpu.memory_space<vmem>>, vector<16xf32>,
      %swap3A_32 = arith.index_cast %scan3A_29 : i32 to index
      %swap3A_33 = arith.constant 16 : index
      %swap3A_34 = tpu.vector_load %arg17[%swap3A_32, %swap3A_33] {strides = array<i32>} : memref<25x128xf32, #tpu.memory_space<vmem>>, vector<16xf32>,
      tpu.vector_store %arg17[%swap3A_32, %swap3A_33], %broadcast_in_dim3A_0 {strides = array<i32>} : memref<25x128xf32, #tpu.memory_space<vmem>>, vector<16xf32>,
      %swap3A_35 = arith.index_cast %scan3A_29 : i32 to index
      %swap3A_36 = arith.constant 32 : index
      %swap3A_37 = tpu.vector_load %arg17[%swap3A_35, %swap3A_36] {strides = array<i32>} : memref<25x128xf32, #tpu.memory_space<vmem>>, vector<16xf32>,
      tpu.vector_store %arg17[%swap3A_35, %swap3A_36], %broadcast_in_dim3A_0 {strides = array<i32>} : memref<25x128xf32, #tpu.memory_space<vmem>>, vector<16xf32>,
      %swap3A_38 = arith.index_cast %scan3A_29 : i32 to index
      %swap3A_39 = arith.constant 48 : index
      %swap3A_40 = tpu.vector_load %arg17[%swap3A_38, %swap3A_39] {strides = array<i32>} : memref<25x128xf32, #tpu.memory_space<vmem>>, vector<16xf32>,
      tpu.vector_store %arg17[%swap3A_38, %swap3A_39], %broadcast_in_dim3A_0 {strides = array<i32>} : memref<25x128xf32, #tpu.memory_space<vmem>>, vector<16xf32>,
      %swap3A_41 = arith.index_cast %scan3A_29 : i32 to index
      %swap3A_42 = arith.constant 64 : index
      %swap3A_43 = tpu.vector_load %arg17[%swap3A_41, %swap3A_42] {strides = array<i32>} : memref<25x128xf32, #tpu.memory_space<vmem>>, vector<16xf32>,
      tpu.vector_store %arg17[%swap3A_41, %swap3A_42], %broadcast_in_dim3A_0 {strides = array<i32>} : memref<25x128xf32, #tpu.memory_space<vmem>>, vector<16xf32>,
      %swap3A_44 = arith.index_cast %scan3A_29 : i32 to index
      %swap3A_45 = arith.constant 80 : index
      %swap3A_46 = tpu.vector_load %arg17[%swap3A_44, %swap3A_45] {strides = array<i32>} : memref<25x128xf32, #tpu.memory_space<vmem>>, vector<16xf32>,
      tpu.vector_store %arg17[%swap3A_44, %swap3A_45], %broadcast_in_dim3A_0 {strides = array<i32>} : memref<25x128xf32, #tpu.memory_space<vmem>>, vector<16xf32>,
      %swap3A_47 = arith.index_cast %scan3A_29 : i32 to index
      %swap3A_48 = arith.constant 96 : index
      %swap3A_49 = tpu.vector_load %arg17[%swap3A_47, %swap3A_48] {strides = array<i32>} : memref<25x128xf32, #tpu.memory_space<vmem>>, vector<16xf32>,
      tpu.vector_store %arg17[%swap3A_47, %swap3A_48], %broadcast_in_dim3A_0 {strides = array<i32>} : memref<25x128xf32, #tpu.memory_space<vmem>>, vector<16xf32>,
      %swap3A_50 = arith.index_cast %scan3A_29 : i32 to index
      %swap3A_51 = arith.constant 112 : index
      %swap3A_52 = tpu.vector_load %arg17[%swap3A_50, %swap3A_51] {strides = array<i32>} : memref<25x128xf32, #tpu.memory_space<vmem>>, vector<16xf32>,
      tpu.vector_store %arg17[%swap3A_50, %swap3A_51], %broadcast_in_dim3A_0 {strides = array<i32>} : memref<25x128xf32, #tpu.memory_space<vmem>>, vector<16xf32>,
      %swap3A_53 = arith.index_cast %scan3A_29 : i32 to index
      %swap3A_54 = arith.constant 0 : index
      %swap3A_55 = tpu.vector_load %arg18[%swap3A_53, %swap3A_54] {strides = array<i32>} : memref<25x32xf32, #tpu.memory_space<vmem>>, vector<16xf32>,
      tpu.vector_store %arg18[%swap3A_53, %swap3A_54], %broadcast_in_dim3A_0 {strides = array<i32>} : memref<25x32xf32, #tpu.memory_space<vmem>>, vector<16xf32>,
      %swap3A_56 = arith.index_cast %scan3A_29 : i32 to index
      %swap3A_57 = arith.constant 16 : index
      %swap3A_58 = tpu.vector_load %arg18[%swap3A_56, %swap3A_57] {strides = array<i32>} : memref<25x32xf32, #tpu.memory_space<vmem>>, vector<16xf32>,
      tpu.vector_store %arg18[%swap3A_56, %swap3A_57], %broadcast_in_dim3A_0 {strides = array<i32>} : memref<25x32xf32, #tpu.memory_space<vmem>>, vector<16xf32>,
    }
    %scan3A_5 = arith.constant 25 : i32
    %mul3A = arith.constant 625 : i32
    %mul3A_6 = arith.muli %arg1, %mul3A : i32
    %scan3A_7 = arith.constant 0 : i32
    %scan3A_8 = arith.constant 0 : i32
    %scan3A_9 = arith.constant 25 : i32
    %scan3A_10 = arith.addi %scan3A_8, %scan3A_9 : i32
    %scan3A_11 = arith.constant 1 : i32
    scf.for %scan3A_29 = %scan3A_8 to %scan3A_10 step %scan3A_11  : i32 {
      %mul3A_30 = arith.constant 25 : i32
      %mul3A_31 = arith.muli %scan3A_29, %mul3A_30 : i32
      %add3A = arith.addi %mul3A_6, %mul3A_31 : i32
      "tpu.region"() ({
        %run_scoped3A = tpu.sem_alloc : memref<!tpu.dma_semaphore, #tpu.memory_space<semaphore_mem>>
        %dma_start3A = arith.constant 0 : i32
        %dma_start3A_35 = tpu.memref_slice %arg19[%add3A, %dma_start3A] : memref<10000x128xf32, #tpu.memory_space<vmem_shared>> -> memref<25x128xf32, #tpu.memory_space<vmem_shared>>
        %dma_start3A_36 = arith.constant 0 : i32
        %dma_start3A_37 = tpu.memref_slice %arg19[%add3A, %dma_start3A_36] : memref<10000x128xf32, #tpu.memory_space<vmem_shared>> -> memref<25x128xf32, #tpu.memory_space<vmem_shared>>
        tpu.enqueue_dma source(%arg17 : memref<25x128xf32, #tpu.memory_space<vmem>>) target(%dma_start3A_37 : memref<25x128xf32, #tpu.memory_space<vmem_shared>>) target_semaphore(%run_scoped3A : memref<!tpu.dma_semaphore, #tpu.memory_space<semaphore_mem>>)
        %dma_wait3A = arith.constant 0 : i32
        %dma_wait3A_38 = tpu.memref_slice %arg19[%add3A, %dma_wait3A] : memref<10000x128xf32, #tpu.memory_space<vmem_shared>> -> memref<25x128xf32, #tpu.memory_space<vmem_shared>>
        %dma_wait3A_39 = arith.constant 0 : i32
        %dma_wait3A_40 = tpu.memref_slice %arg19[%add3A, %dma_wait3A_39] : memref<10000x128xf32, #tpu.memory_space<vmem_shared>> -> memref<25x128xf32, #tpu.memory_space<vmem_shared>>
        tpu.wait_dma2 semaphore(%run_scoped3A : memref<!tpu.dma_semaphore, #tpu.memory_space<semaphore_mem>>) src(%arg17 : memref<25x128xf32, #tpu.memory_space<vmem>>) dst(%dma_wait3A_40 : memref<25x128xf32, #tpu.memory_space<vmem_shared>>)
        tpu.yield
      }) : () -> ()
      %mul3A_32 = arith.constant 25 : i32
      %mul3A_33 = arith.muli %scan3A_29, %mul3A_32 : i32
      %add3A_34 = arith.addi %mul3A_6, %mul3A_33 : i32
      "tpu.region"() ({
        %run_scoped3A = tpu.sem_alloc : memref<!tpu.dma_semaphore, #tpu.memory_space<semaphore_mem>>
        %dma_start3A = arith.constant 0 : i32
        %dma_start3A_35 = tpu.memref_slice %arg20[%add3A_34, %dma_start3A] : memref<10000x32xf32, #tpu.memory_space<vmem_shared>> -> memref<25x32xf32, #tpu.memory_space<vmem_shared>>
        %dma_start3A_36 = arith.constant 0 : i32
        %dma_start3A_37 = tpu.memref_slice %arg20[%add3A_34, %dma_start3A_36] : memref<10000x32xf32, #tpu.memory_space<vmem_shared>> -> memref<25x32xf32, #tpu.memory_space<vmem_shared>>
        tpu.enqueue_dma source(%arg18 : memref<25x32xf32, #tpu.memory_space<vmem>>) target(%dma_start3A_37 : memref<25x32xf32, #tpu.memory_space<vmem_shared>>) target_semaphore(%run_scoped3A : memref<!tpu.dma_semaphore, #tpu.memory_space<semaphore_mem>>)
        %dma_wait3A = arith.constant 0 : i32
        %dma_wait3A_38 = tpu.memref_slice %arg20[%add3A_34, %dma_wait3A] : memref<10000x32xf32, #tpu.memory_space<vmem_shared>> -> memref<25x32xf32, #tpu.memory_space<vmem_shared>>
        %dma_wait3A_39 = arith.constant 0 : i32
        %dma_wait3A_40 = tpu.memref_slice %arg20[%add3A_34, %dma_wait3A_39] : memref<10000x32xf32, #tpu.memory_space<vmem_shared>> -> memref<25x32xf32, #tpu.memory_space<vmem_shared>>
        tpu.wait_dma2 semaphore(%run_scoped3A : memref<!tpu.dma_semaphore, #tpu.memory_space<semaphore_mem>>) src(%arg18 : memref<25x32xf32, #tpu.memory_space<vmem>>) dst(%dma_wait3A_40 : memref<25x32xf32, #tpu.memory_space<vmem_shared>>)
        tpu.yield
      }) : () -> ()
    }
    %scan3A_12 = arith.constant 25 : i32
    %barrier3A = arith.constant 0 : index
    tpu.barrier barrier_id(%barrier3A)
    %mul3A_13 = arith.constant 10240 : i32
    %mul3A_14 = arith.muli %arg1, %mul3A_13 : i32
    %scan3A_15 = arith.constant 0 : i32
    %scan3A_16 = arith.constant 0 : i32
    %scan3A_17 = arith.constant 160 : i32
    %scan3A_18 = arith.addi %scan3A_16, %scan3A_17 : i32
    %scan3A_19 = arith.constant 1 : i32
    scf.for %scan3A_29 = %scan3A_16 to %scan3A_18 step %scan3A_19  : i32 {
      %mul3A_30 = arith.constant 64 : i32
      %mul3A_31 = arith.muli %scan3A_29, %mul3A_30 : i32
      %add3A = arith.addi %mul3A_14, %mul3A_31 : i32
      "tpu.region"() ({
        %run_scoped3A = tpu.sem_alloc : memref<!tpu.dma_semaphore, #tpu.memory_space<semaphore_mem>>
        %dma_start3A = tpu.memref_slice %arg4[%add3A] : memref<163840xi32, #tpu.memory_space<hbm>> -> memref<64xi32, #tpu.memory_space<hbm>>
        %dma_start3A_53 = tpu.memref_slice %arg4[%add3A] : memref<163840xi32, #tpu.memory_space<hbm>> -> memref<64xi32, #tpu.memory_space<hbm>>
        tpu.enqueue_dma source(%dma_start3A_53 : memref<64xi32, #tpu.memory_space<hbm>>) target(%arg11 : memref<64xi32, #tpu.memory_space<vmem>>) target_semaphore(%run_scoped3A : memref<!tpu.dma_semaphore, #tpu.memory_space<semaphore_mem>>)
        %dma_wait3A = tpu.memref_slice %arg4[%add3A] : memref<163840xi32, #tpu.memory_space<hbm>> -> memref<64xi32, #tpu.memory_space<hbm>>
        %dma_wait3A_54 = tpu.memref_slice %arg4[%add3A] : memref<163840xi32, #tpu.memory_space<hbm>> -> memref<64xi32, #tpu.memory_space<hbm>>
        tpu.wait_dma2 semaphore(%run_scoped3A : memref<!tpu.dma_semaphore, #tpu.memory_space<semaphore_mem>>) src(%dma_wait3A_54 : memref<64xi32, #tpu.memory_space<hbm>>) dst(%arg11 : memref<64xi32, #tpu.memory_space<vmem>>)
        tpu.yield
      }) : () -> ()
      "tpu.region"() ({
        %run_scoped3A = tpu.sem_alloc : memref<!tpu.dma_semaphore, #tpu.memory_space<semaphore_mem>>
        %dma_start3A = tpu.memref_slice %arg5[%add3A] : memref<163840xi32, #tpu.memory_space<hbm>> -> memref<64xi32, #tpu.memory_space<hbm>>
        %dma_start3A_53 = tpu.memref_slice %arg5[%add3A] : memref<163840xi32, #tpu.memory_space<hbm>> -> memref<64xi32, #tpu.memory_space<hbm>>
        tpu.enqueue_dma source(%dma_start3A_53 : memref<64xi32, #tpu.memory_space<hbm>>) target(%arg12 : memref<64xi32, #tpu.memory_space<vmem>>) target_semaphore(%run_scoped3A : memref<!tpu.dma_semaphore, #tpu.memory_space<semaphore_mem>>)
        %dma_wait3A = tpu.memref_slice %arg5[%add3A] : memref<163840xi32, #tpu.memory_space<hbm>> -> memref<64xi32, #tpu.memory_space<hbm>>
        %dma_wait3A_54 = tpu.memref_slice %arg5[%add3A] : memref<163840xi32, #tpu.memory_space<hbm>> -> memref<64xi32, #tpu.memory_space<hbm>>
        tpu.wait_dma2 semaphore(%run_scoped3A : memref<!tpu.dma_semaphore, #tpu.memory_space<semaphore_mem>>) src(%dma_wait3A_54 : memref<64xi32, #tpu.memory_space<hbm>>) dst(%arg12 : memref<64xi32, #tpu.memory_space<vmem>>)
        tpu.yield
      }) : () -> ()
      "tpu.region"() ({
        %run_scoped3A = tpu.sem_alloc : memref<!tpu.dma_semaphore, #tpu.memory_space<semaphore_mem>>
        %dma_start3A = tpu.memref_slice %arg7[%add3A] : memref<163840xf32, #tpu.memory_space<hbm>> -> memref<64xf32, #tpu.memory_space<hbm>>
        %dma_start3A_53 = tpu.memref_slice %arg7[%add3A] : memref<163840xf32, #tpu.memory_space<hbm>> -> memref<64xf32, #tpu.memory_space<hbm>>
        tpu.enqueue_dma source(%dma_start3A_53 : memref<64xf32, #tpu.memory_space<hbm>>) target(%arg15 : memref<64xf32, #tpu.memory_space<vmem>>) target_semaphore(%run_scoped3A : memref<!tpu.dma_semaphore, #tpu.memory_space<semaphore_mem>>)
        %dma_wait3A = tpu.memref_slice %arg7[%add3A] : memref<163840xf32, #tpu.memory_space<hbm>> -> memref<64xf32, #tpu.memory_space<hbm>>
        %dma_wait3A_54 = tpu.memref_slice %arg7[%add3A] : memref<163840xf32, #tpu.memory_space<hbm>> -> memref<64xf32, #tpu.memory_space<hbm>>
        tpu.wait_dma2 semaphore(%run_scoped3A : memref<!tpu.dma_semaphore, #tpu.memory_space<semaphore_mem>>) src(%dma_wait3A_54 : memref<64xf32, #tpu.memory_space<hbm>>) dst(%arg15 : memref<64xf32, #tpu.memory_space<vmem>>)
        tpu.yield
      }) : () -> ()
      "tpu.region"() ({
        %run_scoped3A = tpu.sem_alloc : memref<!tpu.dma_semaphore, #tpu.memory_space<semaphore_mem>>
        %dma_start3A = arith.constant 0 : i32
        %dma_start3A_53 = tpu.memref_slice %arg6[%add3A, %dma_start3A] : memref<163840x16xf32, #tpu.memory_space<hbm>> -> memref<64x16xf32, #tpu.memory_space<hbm>>
        %dma_start3A_54 = arith.constant 0 : i32
        %dma_start3A_55 = tpu.memref_slice %arg6[%add3A, %dma_start3A_54] : memref<163840x16xf32, #tpu.memory_space<hbm>> -> memref<64x16xf32, #tpu.memory_space<hbm>>
        tpu.enqueue_dma source(%dma_start3A_55 : memref<64x16xf32, #tpu.memory_space<hbm>>) target(%arg16 : memref<64x16xf32, #tpu.memory_space<vmem>>) target_semaphore(%run_scoped3A : memref<!tpu.dma_semaphore, #tpu.memory_space<semaphore_mem>>)
        %dma_wait3A = arith.constant 0 : i32
        %dma_wait3A_56 = tpu.memref_slice %arg6[%add3A, %dma_wait3A] : memref<163840x16xf32, #tpu.memory_space<hbm>> -> memref<64x16xf32, #tpu.memory_space<hbm>>
        %dma_wait3A_57 = arith.constant 0 : i32
        %dma_wait3A_58 = tpu.memref_slice %arg6[%add3A, %dma_wait3A_57] : memref<163840x16xf32, #tpu.memory_space<hbm>> -> memref<64x16xf32, #tpu.memory_space<hbm>>
        tpu.wait_dma2 semaphore(%run_scoped3A : memref<!tpu.dma_semaphore, #tpu.memory_space<semaphore_mem>>) src(%dma_wait3A_58 : memref<64x16xf32, #tpu.memory_space<hbm>>) dst(%arg16 : memref<64x16xf32, #tpu.memory_space<vmem>>)
        tpu.yield
      }) : () -> ()
      %eq3A_32 = arith.constant 0 : i32
      %eq3A_33 = arith.cmpi eq, %arg0, %eq3A_32 : i32
      %convert_element_type3A_34 = arith.extui %eq3A_33 : i1 to i32
      %cond3A_35 = arith.constant 0 : i32
      %cond3A_36 = arith.cmpi ne, %convert_element_type3A_34, %cond3A_35 : i32
      scf.if %cond3A_36 {
        %dma_start3A = arith.constant 0 : i32
        %dma_start3A_53 = arith.constant 0 : i32
        %dma_start3A_54 = tpu.memref_slice %arg2[%dma_start3A, %dma_start3A_53] : memref<10000x128xf32, #tpu.memory_space<hbm>> -> memref<10000x128xf32, #tpu.memory_space<hbm>>
        tpu.enqueue_indirect_dma source(%dma_start3A_54 : memref<10000x128xf32, #tpu.memory_space<hbm>>) target(%arg13 : memref<64x128xf32, #tpu.memory_space<vmem>>) offsets(%arg11 : memref<64xi32, #tpu.memory_space<vmem>>) semaphore(%arg21 : memref<!tpu.dma_semaphore, #tpu.memory_space<semaphore_mem>>)
        %dma_wait3A = arith.constant 0 : i32
        %dma_wait3A_55 = arith.constant 0 : i32
        %dma_wait3A_56 = tpu.memref_slice %arg2[%dma_wait3A, %dma_wait3A_55] : memref<10000x128xf32, #tpu.memory_space<hbm>> -> memref<10000x128xf32, #tpu.memory_space<hbm>>
        tpu.wait_indirect_dma semaphore(%arg21 : memref<!tpu.dma_semaphore, #tpu.memory_space<semaphore_mem>>) src(%dma_wait3A_56 : memref<10000x128xf32, #tpu.memory_space<hbm>>) dst(%arg13 : memref<64x128xf32, #tpu.memory_space<vmem>>)
      } else {
      }
      %eq3A_37 = arith.constant 1 : i32
      %eq3A_38 = arith.cmpi eq, %arg0, %eq3A_37 : i32
      %convert_element_type3A_39 = arith.extui %eq3A_38 : i1 to i32
      %cond3A_40 = arith.constant 0 : i32
      %cond3A_41 = arith.cmpi ne, %convert_element_type3A_39, %cond3A_40 : i32
      scf.if %cond3A_41 {
        %dma_start3A = arith.constant 0 : i32
        %dma_start3A_53 = arith.constant 0 : i32
        %dma_start3A_54 = tpu.memref_slice %arg3[%dma_start3A, %dma_start3A_53] : memref<10000x128xf32, #tpu.memory_space<hbm>> -> memref<10000x128xf32, #tpu.memory_space<hbm>>
        tpu.enqueue_indirect_dma source(%dma_start3A_54 : memref<10000x128xf32, #tpu.memory_space<hbm>>) target(%arg13 : memref<64x128xf32, #tpu.memory_space<vmem>>) offsets(%arg11 : memref<64xi32, #tpu.memory_space<vmem>>) semaphore(%arg21 : memref<!tpu.dma_semaphore, #tpu.memory_space<semaphore_mem>>)
        %dma_wait3A = arith.constant 0 : i32
        %dma_wait3A_55 = arith.constant 0 : i32
        %dma_wait3A_56 = tpu.memref_slice %arg3[%dma_wait3A, %dma_wait3A_55] : memref<10000x128xf32, #tpu.memory_space<hbm>> -> memref<10000x128xf32, #tpu.memory_space<hbm>>
        tpu.wait_indirect_dma semaphore(%arg21 : memref<!tpu.dma_semaphore, #tpu.memory_space<semaphore_mem>>) src(%dma_wait3A_56 : memref<10000x128xf32, #tpu.memory_space<hbm>>) dst(%arg13 : memref<64x128xf32, #tpu.memory_space<vmem>>)
      } else {
      }
      %scan3A_42 = arith.constant 0 : i32
      %scan3A_43 = arith.constant 0 : i32
      %scan3A_44 = arith.constant 64 : i32
      %scan3A_45 = arith.addi %scan3A_43, %scan3A_44 : i32
      %scan3A_46 = arith.constant 1 : i32
      scf.for %scan3A_53 = %scan3A_43 to %scan3A_45 step %scan3A_46  : i32 {
        %broadcast_in_dim3A_54 = vector.broadcast %scan3A_53 : i32 to vector<16xi32>
        %gather3A = tpu.vector_load_idx %arg15[%broadcast_in_dim3A_54] : memref<64xf32, #tpu.memory_space<vmem>>[vector<16xi32>], vector<16xf32>,
        %get3A = arith.index_cast %scan3A_53 : i32 to index
        %get3A_55 = arith.constant 0 : index
        %get3A_56 = tpu.vector_load %arg13[%get3A, %get3A_55] {strides = array<i32>} : memref<64x128xf32, #tpu.memory_space<vmem>>, vector<16xf32>,
        %mul3A_57 = arith.mulf %get3A_56, %gather3A : vector<16xf32>
        %swap3A = arith.index_cast %scan3A_53 : i32 to index
        %swap3A_58 = arith.constant 0 : index
        %swap3A_59 = tpu.vector_load %arg13[%swap3A, %swap3A_58] {strides = array<i32>} : memref<64x128xf32, #tpu.memory_space<vmem>>, vector<16xf32>,
        tpu.vector_store %arg13[%swap3A, %swap3A_58], %mul3A_57 {strides = array<i32>} : memref<64x128xf32, #tpu.memory_space<vmem>>, vector<16xf32>,
        %get3A_60 = arith.index_cast %scan3A_53 : i32 to index
        %get3A_61 = arith.constant 16 : index
        %get3A_62 = tpu.vector_load %arg13[%get3A_60, %get3A_61] {strides = array<i32>} : memref<64x128xf32, #tpu.memory_space<vmem>>, vector<16xf32>,
        %mul3A_63 = arith.mulf %get3A_62, %gather3A : vector<16xf32>
        %swap3A_64 = arith.index_cast %scan3A_53 : i32 to index
        %swap3A_65 = arith.constant 16 : index
        %swap3A_66 = tpu.vector_load %arg13[%swap3A_64, %swap3A_65] {strides = array<i32>} : memref<64x128xf32, #tpu.memory_space<vmem>>, vector<16xf32>,
        tpu.vector_store %arg13[%swap3A_64, %swap3A_65], %mul3A_63 {strides = array<i32>} : memref<64x128xf32, #tpu.memory_space<vmem>>, vector<16xf32>,
        %get3A_67 = arith.index_cast %scan3A_53 : i32 to index
        %get3A_68 = arith.constant 32 : index
        %get3A_69 = tpu.vector_load %arg13[%get3A_67, %get3A_68] {strides = array<i32>} : memref<64x128xf32, #tpu.memory_space<vmem>>, vector<16xf32>,
        %mul3A_70 = arith.mulf %get3A_69, %gather3A : vector<16xf32>
        %swap3A_71 = arith.index_cast %scan3A_53 : i32 to index
        %swap3A_72 = arith.constant 32 : index
        %swap3A_73 = tpu.vector_load %arg13[%swap3A_71, %swap3A_72] {strides = array<i32>} : memref<64x128xf32, #tpu.memory_space<vmem>>, vector<16xf32>,
        tpu.vector_store %arg13[%swap3A_71, %swap3A_72], %mul3A_70 {strides = array<i32>} : memref<64x128xf32, #tpu.memory_space<vmem>>, vector<16xf32>,
        %get3A_74 = arith.index_cast %scan3A_53 : i32 to index
        %get3A_75 = arith.constant 48 : index
        %get3A_76 = tpu.vector_load %arg13[%get3A_74, %get3A_75] {strides = array<i32>} : memref<64x128xf32, #tpu.memory_space<vmem>>, vector<16xf32>,
        %mul3A_77 = arith.mulf %get3A_76, %gather3A : vector<16xf32>
        %swap3A_78 = arith.index_cast %scan3A_53 : i32 to index
        %swap3A_79 = arith.constant 48 : index
        %swap3A_80 = tpu.vector_load %arg13[%swap3A_78, %swap3A_79] {strides = array<i32>} : memref<64x128xf32, #tpu.memory_space<vmem>>, vector<16xf32>,
        tpu.vector_store %arg13[%swap3A_78, %swap3A_79], %mul3A_77 {strides = array<i32>} : memref<64x128xf32, #tpu.memory_space<vmem>>, vector<16xf32>,
        %get3A_81 = arith.index_cast %scan3A_53 : i32 to index
        %get3A_82 = arith.constant 64 : index
        %get3A_83 = tpu.vector_load %arg13[%get3A_81, %get3A_82] {strides = array<i32>} : memref<64x128xf32, #tpu.memory_space<vmem>>, vector<16xf32>,
        %mul3A_84 = arith.mulf %get3A_83, %gather3A : vector<16xf32>
        %swap3A_85 = arith.index_cast %scan3A_53 : i32 to index
        %swap3A_86 = arith.constant 64 : index
        %swap3A_87 = tpu.vector_load %arg13[%swap3A_85, %swap3A_86] {strides = array<i32>} : memref<64x128xf32, #tpu.memory_space<vmem>>, vector<16xf32>,
        tpu.vector_store %arg13[%swap3A_85, %swap3A_86], %mul3A_84 {strides = array<i32>} : memref<64x128xf32, #tpu.memory_space<vmem>>, vector<16xf32>,
        %get3A_88 = arith.index_cast %scan3A_53 : i32 to index
        %get3A_89 = arith.constant 80 : index
        %get3A_90 = tpu.vector_load %arg13[%get3A_88, %get3A_89] {strides = array<i32>} : memref<64x128xf32, #tpu.memory_space<vmem>>, vector<16xf32>,
        %mul3A_91 = arith.mulf %get3A_90, %gather3A : vector<16xf32>
        %swap3A_92 = arith.index_cast %scan3A_53 : i32 to index
        %swap3A_93 = arith.constant 80 : index
        %swap3A_94 = tpu.vector_load %arg13[%swap3A_92, %swap3A_93] {strides = array<i32>} : memref<64x128xf32, #tpu.memory_space<vmem>>, vector<16xf32>,
        tpu.vector_store %arg13[%swap3A_92, %swap3A_93], %mul3A_91 {strides = array<i32>} : memref<64x128xf32, #tpu.memory_space<vmem>>, vector<16xf32>,
        %get3A_95 = arith.index_cast %scan3A_53 : i32 to index
        %get3A_96 = arith.constant 96 : index
        %get3A_97 = tpu.vector_load %arg13[%get3A_95, %get3A_96] {strides = array<i32>} : memref<64x128xf32, #tpu.memory_space<vmem>>, vector<16xf32>,
        %mul3A_98 = arith.mulf %get3A_97, %gather3A : vector<16xf32>
        %swap3A_99 = arith.index_cast %scan3A_53 : i32 to index
        %swap3A_100 = arith.constant 96 : index
        %swap3A_101 = tpu.vector_load %arg13[%swap3A_99, %swap3A_100] {strides = array<i32>} : memref<64x128xf32, #tpu.memory_space<vmem>>, vector<16xf32>,
        tpu.vector_store %arg13[%swap3A_99, %swap3A_100], %mul3A_98 {strides = array<i32>} : memref<64x128xf32, #tpu.memory_space<vmem>>, vector<16xf32>,
        %get3A_102 = arith.index_cast %scan3A_53 : i32 to index
        %get3A_103 = arith.constant 112 : index
        %get3A_104 = tpu.vector_load %arg13[%get3A_102, %get3A_103] {strides = array<i32>} : memref<64x128xf32, #tpu.memory_space<vmem>>, vector<16xf32>,
        %mul3A_105 = arith.mulf %get3A_104, %gather3A : vector<16xf32>
        %swap3A_106 = arith.index_cast %scan3A_53 : i32 to index
        %swap3A_107 = arith.constant 112 : index
        %swap3A_108 = tpu.vector_load %arg13[%swap3A_106, %swap3A_107] {strides = array<i32>} : memref<64x128xf32, #tpu.memory_space<vmem>>, vector<16xf32>,
        tpu.vector_store %arg13[%swap3A_106, %swap3A_107], %mul3A_105 {strides = array<i32>} : memref<64x128xf32, #tpu.memory_space<vmem>>, vector<16xf32>,
        %get3A_109 = arith.index_cast %scan3A_53 : i32 to index
        %get3A_110 = arith.constant 0 : index
        %get3A_111 = tpu.vector_load %arg16[%get3A_109, %get3A_110] {strides = array<i32>} : memref<64x16xf32, #tpu.memory_space<vmem>>, vector<16xf32>,
        %mul3A_112 = arith.mulf %get3A_111, %gather3A : vector<16xf32>
        %swap3A_113 = arith.index_cast %scan3A_53 : i32 to index
        %swap3A_114 = arith.constant 0 : index
        %swap3A_115 = tpu.vector_load %arg14[%swap3A_113, %swap3A_114] {strides = array<i32>} : memref<64x32xf32, #tpu.memory_space<vmem>>, vector<16xf32>,
        tpu.vector_store %arg14[%swap3A_113, %swap3A_114], %mul3A_112 {strides = array<i32>} : memref<64x32xf32, #tpu.memory_space<vmem>>, vector<16xf32>,
        %eq3A_116 = arith.constant 0 : i32
        %eq3A_117 = vector.broadcast %eq3A_116 : i32 to vector<16xi32>
        %eq3A_118 = arith.cmpi eq, %iota3A, %eq3A_117 : vector<16xi32>
        %jit3A = arith.constant 0.000000e+00 : f32
        %broadcast_in_dim3A_119 = vector.broadcast %jit3A : f32 to vector<16xf32>
        %select_n3A = arith.select %eq3A_118, %gather3A, %broadcast_in_dim3A_119 : vector<16xi1>, vector<16xf32>
        %swap3A_120 = arith.index_cast %scan3A_53 : i32 to index
        %swap3A_121 = arith.constant 16 : index
        %swap3A_122 = tpu.vector_load %arg14[%swap3A_120, %swap3A_121] {strides = array<i32>} : memref<64x32xf32, #tpu.memory_space<vmem>>, vector<16xf32>,
        tpu.vector_store %arg14[%swap3A_120, %swap3A_121], %select_n3A {strides = array<i32>} : memref<64x32xf32, #tpu.memory_space<vmem>>, vector<16xf32>,
      }
      %scan3A_47 = arith.constant 64 : i32
      "tpu.region"() ({
        %run_scoped3A = tpu.sem_alloc : memref<!tpu.dma_semaphore, #tpu.memory_space<semaphore_mem>>
        %dma_start3A = arith.constant 0 : i32
        %dma_start3A_53 = arith.constant 0 : i32
        %dma_start3A_54 = tpu.memref_slice %arg19[%dma_start3A, %dma_start3A_53] : memref<10000x128xf32, #tpu.memory_space<vmem_shared>> -> memref<10000x128xf32, #tpu.memory_space<vmem_shared>>
        tpu.enqueue_indirect_dma source(%arg13 : memref<64x128xf32, #tpu.memory_space<vmem>>) target(%dma_start3A_54 : memref<10000x128xf32, #tpu.memory_space<vmem_shared>>) offsets(%arg12 : memref<64xi32, #tpu.memory_space<vmem>>) semaphore(%run_scoped3A : memref<!tpu.dma_semaphore, #tpu.memory_space<semaphore_mem>>) {add = true}
        %dma_wait3A = arith.constant 0 : i32
        %dma_wait3A_55 = arith.constant 0 : i32
        %dma_wait3A_56 = tpu.memref_slice %arg19[%dma_wait3A, %dma_wait3A_55] : memref<10000x128xf32, #tpu.memory_space<vmem_shared>> -> memref<10000x128xf32, #tpu.memory_space<vmem_shared>>
        tpu.wait_indirect_dma semaphore(%run_scoped3A : memref<!tpu.dma_semaphore, #tpu.memory_space<semaphore_mem>>) src(%arg13 : memref<64x128xf32, #tpu.memory_space<vmem>>) dst(%dma_wait3A_56 : memref<10000x128xf32, #tpu.memory_space<vmem_shared>>)
        tpu.yield
      }) : () -> ()
      %eq3A_48 = arith.constant 1 : i32
      %eq3A_49 = arith.cmpi eq, %arg0, %eq3A_48 : i32
      %convert_element_type3A_50 = arith.extui %eq3A_49 : i1 to i32
      %cond3A_51 = arith.constant 0 : i32
      %cond3A_52 = arith.cmpi ne, %convert_element_type3A_50, %cond3A_51 : i32
      scf.if %cond3A_52 {
        "tpu.region"() ({
          %run_scoped3A = tpu.sem_alloc : memref<!tpu.dma_semaphore, #tpu.memory_space<semaphore_mem>>
          %dma_start3A = arith.constant 0 : i32
          %dma_start3A_53 = arith.constant 0 : i32
          %dma_start3A_54 = tpu.memref_slice %arg20[%dma_start3A, %dma_start3A_53] : memref<10000x32xf32, #tpu.memory_space<vmem_shared>> -> memref<10000x32xf32, #tpu.memory_space<vmem_shared>>
          tpu.enqueue_indirect_dma source(%arg14 : memref<64x32xf32, #tpu.memory_space<vmem>>) target(%dma_start3A_54 : memref<10000x32xf32, #tpu.memory_space<vmem_shared>>) offsets(%arg12 : memref<64xi32, #tpu.memory_space<vmem>>) semaphore(%run_scoped3A : memref<!tpu.dma_semaphore, #tpu.memory_space<semaphore_mem>>) {add = true}
          %dma_wait3A = arith.constant 0 : i32
          %dma_wait3A_55 = arith.constant 0 : i32
          %dma_wait3A_56 = tpu.memref_slice %arg20[%dma_wait3A, %dma_wait3A_55] : memref<10000x32xf32, #tpu.memory_space<vmem_shared>> -> memref<10000x32xf32, #tpu.memory_space<vmem_shared>>
          tpu.wait_indirect_dma semaphore(%run_scoped3A : memref<!tpu.dma_semaphore, #tpu.memory_space<semaphore_mem>>) src(%arg14 : memref<64x32xf32, #tpu.memory_space<vmem>>) dst(%dma_wait3A_56 : memref<10000x32xf32, #tpu.memory_space<vmem_shared>>)
          tpu.yield
        }) : () -> ()
      } else {
      }
    }
    %scan3A_20 = arith.constant 160 : i32
    %barrier3A_21 = arith.constant 0 : index
    tpu.barrier barrier_id(%barrier3A_21)
    %eq3A = arith.constant 0 : i32
    %eq3A_22 = arith.cmpi eq, %arg0, %eq3A : i32
    %convert_element_type3A = arith.extui %eq3A_22 : i1 to i32
    %cond3A = arith.constant 0 : i32
    %cond3A_23 = arith.cmpi ne, %convert_element_type3A, %cond3A : i32
    scf.if %cond3A_23 {
      "tpu.region"() ({
        %run_scoped3A = tpu.sem_alloc : memref<!tpu.dma_semaphore, #tpu.memory_space<semaphore_mem>>
        %dma_start3A = arith.constant 0 : i32
        %dma_start3A_29 = tpu.memref_slice %arg8[%mul3A_6, %dma_start3A] : memref<10000x128xf32, #tpu.memory_space<hbm>> -> memref<625x128xf32, #tpu.memory_space<hbm>>
        %dma_start3A_30 = arith.constant 0 : i32
        %dma_start3A_31 = tpu.memref_slice %arg19[%mul3A_6, %dma_start3A_30] : memref<10000x128xf32, #tpu.memory_space<vmem_shared>> -> memref<625x128xf32, #tpu.memory_space<vmem_shared>>
        tpu.enqueue_dma source(%dma_start3A_31 : memref<625x128xf32, #tpu.memory_space<vmem_shared>>) target(%dma_start3A_29 : memref<625x128xf32, #tpu.memory_space<hbm>>) target_semaphore(%run_scoped3A : memref<!tpu.dma_semaphore, #tpu.memory_space<semaphore_mem>>)
        %dma_wait3A = arith.constant 0 : i32
        %dma_wait3A_32 = tpu.memref_slice %arg8[%mul3A_6, %dma_wait3A] : memref<10000x128xf32, #tpu.memory_space<hbm>> -> memref<625x128xf32, #tpu.memory_space<hbm>>
        %dma_wait3A_33 = arith.constant 0 : i32
        %dma_wait3A_34 = tpu.memref_slice %arg19[%mul3A_6, %dma_wait3A_33] : memref<10000x128xf32, #tpu.memory_space<vmem_shared>> -> memref<625x128xf32, #tpu.memory_space<vmem_shared>>
        tpu.wait_dma2 semaphore(%run_scoped3A : memref<!tpu.dma_semaphore, #tpu.memory_space<semaphore_mem>>) src(%dma_wait3A_34 : memref<625x128xf32, #tpu.memory_space<vmem_shared>>) dst(%dma_wait3A_32 : memref<625x128xf32, #tpu.memory_space<hbm>>)
        tpu.yield
      }) : () -> ()
    } else {
    }
    %eq3A_24 = arith.constant 1 : i32
    %eq3A_25 = arith.cmpi eq, %arg0, %eq3A_24 : i32
    %convert_element_type3A_26 = arith.extui %eq3A_25 : i1 to i32
    %cond3A_27 = arith.constant 0 : i32
    %cond3A_28 = arith.cmpi ne, %convert_element_type3A_26, %cond3A_27 : i32
    scf.if %cond3A_28 {
      "tpu.region"() ({
        %run_scoped3A = tpu.sem_alloc : memref<!tpu.dma_semaphore, #tpu.memory_space<semaphore_mem>>
        %dma_start3A = arith.constant 0 : i32
        %dma_start3A_29 = tpu.memref_slice %arg9[%mul3A_6, %dma_start3A] : memref<10000x128xf32, #tpu.memory_space<hbm>> -> memref<625x128xf32, #tpu.memory_space<hbm>>
        %dma_start3A_30 = arith.constant 0 : i32
        %dma_start3A_31 = tpu.memref_slice %arg19[%mul3A_6, %dma_start3A_30] : memref<10000x128xf32, #tpu.memory_space<vmem_shared>> -> memref<625x128xf32, #tpu.memory_space<vmem_shared>>
        tpu.enqueue_dma source(%dma_start3A_31 : memref<625x128xf32, #tpu.memory_space<vmem_shared>>) target(%dma_start3A_29 : memref<625x128xf32, #tpu.memory_space<hbm>>) target_semaphore(%run_scoped3A : memref<!tpu.dma_semaphore, #tpu.memory_space<semaphore_mem>>)
        %dma_wait3A = arith.constant 0 : i32
        %dma_wait3A_32 = tpu.memref_slice %arg9[%mul3A_6, %dma_wait3A] : memref<10000x128xf32, #tpu.memory_space<hbm>> -> memref<625x128xf32, #tpu.memory_space<hbm>>
        %dma_wait3A_33 = arith.constant 0 : i32
        %dma_wait3A_34 = tpu.memref_slice %arg19[%mul3A_6, %dma_wait3A_33] : memref<10000x128xf32, #tpu.memory_space<vmem_shared>> -> memref<625x128xf32, #tpu.memory_space<vmem_shared>>
        tpu.wait_dma2 semaphore(%run_scoped3A : memref<!tpu.dma_semaphore, #tpu.memory_space<semaphore_mem>>) src(%dma_wait3A_34 : memref<625x128xf32, #tpu.memory_space<vmem_shared>>) dst(%dma_wait3A_32 : memref<625x128xf32, #tpu.memory_space<hbm>>)
        tpu.yield
      }) : () -> ()
      "tpu.region"() ({
        %run_scoped3A = tpu.sem_alloc : memref<!tpu.dma_semaphore, #tpu.memory_space<semaphore_mem>>
        %dma_start3A = arith.constant 0 : i32
        %dma_start3A_29 = tpu.memref_slice %arg10[%mul3A_6, %dma_start3A] : memref<10000x32xf32, #tpu.memory_space<hbm>> -> memref<625x32xf32, #tpu.memory_space<hbm>>
        %dma_start3A_30 = arith.constant 0 : i32
        %dma_start3A_31 = tpu.memref_slice %arg20[%mul3A_6, %dma_start3A_30] : memref<10000x32xf32, #tpu.memory_space<vmem_shared>> -> memref<625x32xf32, #tpu.memory_space<vmem_shared>>
        tpu.enqueue_dma source(%dma_start3A_31 : memref<625x32xf32, #tpu.memory_space<vmem_shared>>) target(%dma_start3A_29 : memref<625x32xf32, #tpu.memory_space<hbm>>) target_semaphore(%run_scoped3A : memref<!tpu.dma_semaphore, #tpu.memory_space<semaphore_mem>>)
        %dma_wait3A = arith.constant 0 : i32
        %dma_wait3A_32 = tpu.memref_slice %arg10[%mul3A_6, %dma_wait3A] : memref<10000x32xf32, #tpu.memory_space<hbm>> -> memref<625x32xf32, #tpu.memory_space<hbm>>
        %dma_wait3A_33 = arith.constant 0 : i32
        %dma_wait3A_34 = tpu.memref_slice %arg20[%mul3A_6, %dma_wait3A_33] : memref<10000x32xf32, #tpu.memory_space<vmem_shared>> -> memref<625x32xf32, #tpu.memory_space<vmem_shared>>
        tpu.wait_dma2 semaphore(%run_scoped3A : memref<!tpu.dma_semaphore, #tpu.memory_space<semaphore_mem>>) src(%dma_wait3A_34 : memref<625x32xf32, #tpu.memory_space<vmem_shared>>) dst(%dma_wait3A_32 : memref<625x32xf32, #tpu.memory_space<hbm>>)
        tpu.yield
      }) : () -> ()
    } else {
    }
    return
  }
}

#map = affine_map<(d0, d1) -> (0, 0)>
#map1 = affine_map<(d0, d1) -> (0)>
module attributes {stable_mosaic.version = 14 : i64} {
  func.func @_passb_body(%arg0: i32, %arg1: i32, %arg2: memref<10000x128xf32, #tpu.memory_space<hbm>>, %arg3: memref<10000x128xf32, #tpu.memory_space<hbm>>, %arg4: memref<163840xi32, #tpu.memory_space<hbm>>, %arg5: memref<163840xi32, #tpu.memory_space<hbm>>, %arg6: memref<163840x16xf32, #tpu.memory_space<hbm>>, %arg7: memref<163840xf32, #tpu.memory_space<hbm>>, %arg8: memref<10000x128xf32, #tpu.memory_space<hbm>>, %arg9: memref<10000x128xf32, #tpu.memory_space<hbm>>, %arg10: memref<10000x32xf32, #tpu.memory_space<hbm>>, %arg11: memref<64xi32, #tpu.memory_space<vmem>>, %arg12: memref<64xi32, #tpu.memory_space<vmem>>, %arg13: memref<64x128xf32, #tpu.memory_space<vmem>>, %arg14: memref<64x32xf32, #tpu.memory_space<vmem>>, %arg15: memref<64xf32, #tpu.memory_space<vmem>>, %arg16: memref<64x16xf32, #tpu.memory_space<vmem>>, %arg17: memref<25x128xf32, #tpu.memory_space<vmem>>, %arg18: memref<25x32xf32, #tpu.memory_space<vmem>>, %arg19: memref<10000x128xf32, #tpu.memory_space<vmem_shared>>, %arg20: memref<10000x32xf32, #tpu.memory_space<vmem_shared>>, %arg21: memref<!tpu.dma_semaphore, #tpu.memory_space<semaphore_mem>>) attributes {dimension_semantics = [#tpu.dimension_semantics<core_parallel>, #tpu.dimension_semantics<subcore_parallel>], iteration_bounds = array<i64: 2, 16>, scalar_prefetch = 0 : i64, scratch_operands = 11 : i64, tpu.core_type = #tpu.core_type<sc_vector_subcore>, window_params = [{transform_indices = #map}, {transform_indices = #map}, {transform_indices = #map1}, {transform_indices = #map1}, {transform_indices = #map}, {transform_indices = #map1}, {transform_indices = #map}, {transform_indices = #map}, {transform_indices = #map}]} {
    %iota3A = tpu.iota {dimensions = array<i32: 0>} : vector<16xi32>
    %broadcast_in_dim3A = arith.constant 0.000000e+00 : f32
    %broadcast_in_dim3A_0 = vector.broadcast %broadcast_in_dim3A : f32 to vector<16xf32>
    %scan3A = arith.constant 0 : i32
    %scan3A_1 = arith.constant 0 : i32
    %scan3A_2 = arith.constant 25 : i32
    %scan3A_3 = arith.addi %scan3A_1, %scan3A_2 : i32
    %scan3A_4 = arith.constant 1 : i32
    scf.for %scan3A_29 = %scan3A_1 to %scan3A_3 step %scan3A_4  : i32 {
      %swap3A = arith.index_cast %scan3A_29 : i32 to index
      %swap3A_30 = arith.constant 0 : index
      %swap3A_31 = tpu.vector_load %arg17[%swap3A, %swap3A_30] {strides = array<i32>} : memref<25x128xf32, #tpu.memory_space<vmem>>, vector<16xf32>,
      tpu.vector_store %arg17[%swap3A, %swap3A_30], %broadcast_in_dim3A_0 {strides = array<i32>} : memref<25x128xf32, #tpu.memory_space<vmem>>, vector<16xf32>,
      %swap3A_32 = arith.index_cast %scan3A_29 : i32 to index
      %swap3A_33 = arith.constant 16 : index
      %swap3A_34 = tpu.vector_load %arg17[%swap3A_32, %swap3A_33] {strides = array<i32>} : memref<25x128xf32, #tpu.memory_space<vmem>>, vector<16xf32>,
      tpu.vector_store %arg17[%swap3A_32, %swap3A_33], %broadcast_in_dim3A_0 {strides = array<i32>} : memref<25x128xf32, #tpu.memory_space<vmem>>, vector<16xf32>,
      %swap3A_35 = arith.index_cast %scan3A_29 : i32 to index
      %swap3A_36 = arith.constant 32 : index
      %swap3A_37 = tpu.vector_load %arg17[%swap3A_35, %swap3A_36] {strides = array<i32>} : memref<25x128xf32, #tpu.memory_space<vmem>>, vector<16xf32>,
      tpu.vector_store %arg17[%swap3A_35, %swap3A_36], %broadcast_in_dim3A_0 {strides = array<i32>} : memref<25x128xf32, #tpu.memory_space<vmem>>, vector<16xf32>,
      %swap3A_38 = arith.index_cast %scan3A_29 : i32 to index
      %swap3A_39 = arith.constant 48 : index
      %swap3A_40 = tpu.vector_load %arg17[%swap3A_38, %swap3A_39] {strides = array<i32>} : memref<25x128xf32, #tpu.memory_space<vmem>>, vector<16xf32>,
      tpu.vector_store %arg17[%swap3A_38, %swap3A_39], %broadcast_in_dim3A_0 {strides = array<i32>} : memref<25x128xf32, #tpu.memory_space<vmem>>, vector<16xf32>,
      %swap3A_41 = arith.index_cast %scan3A_29 : i32 to index
      %swap3A_42 = arith.constant 64 : index
      %swap3A_43 = tpu.vector_load %arg17[%swap3A_41, %swap3A_42] {strides = array<i32>} : memref<25x128xf32, #tpu.memory_space<vmem>>, vector<16xf32>,
      tpu.vector_store %arg17[%swap3A_41, %swap3A_42], %broadcast_in_dim3A_0 {strides = array<i32>} : memref<25x128xf32, #tpu.memory_space<vmem>>, vector<16xf32>,
      %swap3A_44 = arith.index_cast %scan3A_29 : i32 to index
      %swap3A_45 = arith.constant 80 : index
      %swap3A_46 = tpu.vector_load %arg17[%swap3A_44, %swap3A_45] {strides = array<i32>} : memref<25x128xf32, #tpu.memory_space<vmem>>, vector<16xf32>,
      tpu.vector_store %arg17[%swap3A_44, %swap3A_45], %broadcast_in_dim3A_0 {strides = array<i32>} : memref<25x128xf32, #tpu.memory_space<vmem>>, vector<16xf32>,
      %swap3A_47 = arith.index_cast %scan3A_29 : i32 to index
      %swap3A_48 = arith.constant 96 : index
      %swap3A_49 = tpu.vector_load %arg17[%swap3A_47, %swap3A_48] {strides = array<i32>} : memref<25x128xf32, #tpu.memory_space<vmem>>, vector<16xf32>,
      tpu.vector_store %arg17[%swap3A_47, %swap3A_48], %broadcast_in_dim3A_0 {strides = array<i32>} : memref<25x128xf32, #tpu.memory_space<vmem>>, vector<16xf32>,
      %swap3A_50 = arith.index_cast %scan3A_29 : i32 to index
      %swap3A_51 = arith.constant 112 : index
      %swap3A_52 = tpu.vector_load %arg17[%swap3A_50, %swap3A_51] {strides = array<i32>} : memref<25x128xf32, #tpu.memory_space<vmem>>, vector<16xf32>,
      tpu.vector_store %arg17[%swap3A_50, %swap3A_51], %broadcast_in_dim3A_0 {strides = array<i32>} : memref<25x128xf32, #tpu.memory_space<vmem>>, vector<16xf32>,
      %swap3A_53 = arith.index_cast %scan3A_29 : i32 to index
      %swap3A_54 = arith.constant 0 : index
      %swap3A_55 = tpu.vector_load %arg18[%swap3A_53, %swap3A_54] {strides = array<i32>} : memref<25x32xf32, #tpu.memory_space<vmem>>, vector<16xf32>,
      tpu.vector_store %arg18[%swap3A_53, %swap3A_54], %broadcast_in_dim3A_0 {strides = array<i32>} : memref<25x32xf32, #tpu.memory_space<vmem>>, vector<16xf32>,
      %swap3A_56 = arith.index_cast %scan3A_29 : i32 to index
      %swap3A_57 = arith.constant 16 : index
      %swap3A_58 = tpu.vector_load %arg18[%swap3A_56, %swap3A_57] {strides = array<i32>} : memref<25x32xf32, #tpu.memory_space<vmem>>, vector<16xf32>,
      tpu.vector_store %arg18[%swap3A_56, %swap3A_57], %broadcast_in_dim3A_0 {strides = array<i32>} : memref<25x32xf32, #tpu.memory_space<vmem>>, vector<16xf32>,
    }
    %scan3A_5 = arith.constant 25 : i32
    %mul3A = arith.constant 625 : i32
    %mul3A_6 = arith.muli %arg1, %mul3A : i32
    %scan3A_7 = arith.constant 0 : i32
    %scan3A_8 = arith.constant 0 : i32
    %scan3A_9 = arith.constant 25 : i32
    %scan3A_10 = arith.addi %scan3A_8, %scan3A_9 : i32
    %scan3A_11 = arith.constant 1 : i32
    scf.for %scan3A_29 = %scan3A_8 to %scan3A_10 step %scan3A_11  : i32 {
      %mul3A_30 = arith.constant 25 : i32
      %mul3A_31 = arith.muli %scan3A_29, %mul3A_30 : i32
      %add3A = arith.addi %mul3A_6, %mul3A_31 : i32
      "tpu.region"() ({
        %run_scoped3A = tpu.sem_alloc : memref<!tpu.dma_semaphore, #tpu.memory_space<semaphore_mem>>
        %dma_start3A = arith.constant 0 : i32
        %dma_start3A_35 = tpu.memref_slice %arg19[%add3A, %dma_start3A] : memref<10000x128xf32, #tpu.memory_space<vmem_shared>> -> memref<25x128xf32, #tpu.memory_space<vmem_shared>>
        %dma_start3A_36 = arith.constant 0 : i32
        %dma_start3A_37 = tpu.memref_slice %arg19[%add3A, %dma_start3A_36] : memref<10000x128xf32, #tpu.memory_space<vmem_shared>> -> memref<25x128xf32, #tpu.memory_space<vmem_shared>>
        tpu.enqueue_dma source(%arg17 : memref<25x128xf32, #tpu.memory_space<vmem>>) target(%dma_start3A_37 : memref<25x128xf32, #tpu.memory_space<vmem_shared>>) target_semaphore(%run_scoped3A : memref<!tpu.dma_semaphore, #tpu.memory_space<semaphore_mem>>)
        %dma_wait3A = arith.constant 0 : i32
        %dma_wait3A_38 = tpu.memref_slice %arg19[%add3A, %dma_wait3A] : memref<10000x128xf32, #tpu.memory_space<vmem_shared>> -> memref<25x128xf32, #tpu.memory_space<vmem_shared>>
        %dma_wait3A_39 = arith.constant 0 : i32
        %dma_wait3A_40 = tpu.memref_slice %arg19[%add3A, %dma_wait3A_39] : memref<10000x128xf32, #tpu.memory_space<vmem_shared>> -> memref<25x128xf32, #tpu.memory_space<vmem_shared>>
        tpu.wait_dma2 semaphore(%run_scoped3A : memref<!tpu.dma_semaphore, #tpu.memory_space<semaphore_mem>>) src(%arg17 : memref<25x128xf32, #tpu.memory_space<vmem>>) dst(%dma_wait3A_40 : memref<25x128xf32, #tpu.memory_space<vmem_shared>>)
        tpu.yield
      }) : () -> ()
      %mul3A_32 = arith.constant 25 : i32
      %mul3A_33 = arith.muli %scan3A_29, %mul3A_32 : i32
      %add3A_34 = arith.addi %mul3A_6, %mul3A_33 : i32
      "tpu.region"() ({
        %run_scoped3A = tpu.sem_alloc : memref<!tpu.dma_semaphore, #tpu.memory_space<semaphore_mem>>
        %dma_start3A = arith.constant 0 : i32
        %dma_start3A_35 = tpu.memref_slice %arg20[%add3A_34, %dma_start3A] : memref<10000x32xf32, #tpu.memory_space<vmem_shared>> -> memref<25x32xf32, #tpu.memory_space<vmem_shared>>
        %dma_start3A_36 = arith.constant 0 : i32
        %dma_start3A_37 = tpu.memref_slice %arg20[%add3A_34, %dma_start3A_36] : memref<10000x32xf32, #tpu.memory_space<vmem_shared>> -> memref<25x32xf32, #tpu.memory_space<vmem_shared>>
        tpu.enqueue_dma source(%arg18 : memref<25x32xf32, #tpu.memory_space<vmem>>) target(%dma_start3A_37 : memref<25x32xf32, #tpu.memory_space<vmem_shared>>) target_semaphore(%run_scoped3A : memref<!tpu.dma_semaphore, #tpu.memory_space<semaphore_mem>>)
        %dma_wait3A = arith.constant 0 : i32
        %dma_wait3A_38 = tpu.memref_slice %arg20[%add3A_34, %dma_wait3A] : memref<10000x32xf32, #tpu.memory_space<vmem_shared>> -> memref<25x32xf32, #tpu.memory_space<vmem_shared>>
        %dma_wait3A_39 = arith.constant 0 : i32
        %dma_wait3A_40 = tpu.memref_slice %arg20[%add3A_34, %dma_wait3A_39] : memref<10000x32xf32, #tpu.memory_space<vmem_shared>> -> memref<25x32xf32, #tpu.memory_space<vmem_shared>>
        tpu.wait_dma2 semaphore(%run_scoped3A : memref<!tpu.dma_semaphore, #tpu.memory_space<semaphore_mem>>) src(%arg18 : memref<25x32xf32, #tpu.memory_space<vmem>>) dst(%dma_wait3A_40 : memref<25x32xf32, #tpu.memory_space<vmem_shared>>)
        tpu.yield
      }) : () -> ()
    }
    %scan3A_12 = arith.constant 25 : i32
    %barrier3A = arith.constant 0 : index
    tpu.barrier barrier_id(%barrier3A)
    %mul3A_13 = arith.constant 10240 : i32
    %mul3A_14 = arith.muli %arg1, %mul3A_13 : i32
    %scan3A_15 = arith.constant 0 : i32
    %scan3A_16 = arith.constant 0 : i32
    %scan3A_17 = arith.constant 160 : i32
    %scan3A_18 = arith.addi %scan3A_16, %scan3A_17 : i32
    %scan3A_19 = arith.constant 1 : i32
    scf.for %scan3A_29 = %scan3A_16 to %scan3A_18 step %scan3A_19  : i32 {
      %mul3A_30 = arith.constant 64 : i32
      %mul3A_31 = arith.muli %scan3A_29, %mul3A_30 : i32
      %add3A = arith.addi %mul3A_14, %mul3A_31 : i32
      "tpu.region"() ({
        %run_scoped3A = tpu.sem_alloc : memref<!tpu.dma_semaphore, #tpu.memory_space<semaphore_mem>>
        %dma_start3A = tpu.memref_slice %arg4[%add3A] : memref<163840xi32, #tpu.memory_space<hbm>> -> memref<64xi32, #tpu.memory_space<hbm>>
        %dma_start3A_53 = tpu.memref_slice %arg4[%add3A] : memref<163840xi32, #tpu.memory_space<hbm>> -> memref<64xi32, #tpu.memory_space<hbm>>
        tpu.enqueue_dma source(%dma_start3A_53 : memref<64xi32, #tpu.memory_space<hbm>>) target(%arg11 : memref<64xi32, #tpu.memory_space<vmem>>) target_semaphore(%run_scoped3A : memref<!tpu.dma_semaphore, #tpu.memory_space<semaphore_mem>>)
        %dma_wait3A = tpu.memref_slice %arg4[%add3A] : memref<163840xi32, #tpu.memory_space<hbm>> -> memref<64xi32, #tpu.memory_space<hbm>>
        %dma_wait3A_54 = tpu.memref_slice %arg4[%add3A] : memref<163840xi32, #tpu.memory_space<hbm>> -> memref<64xi32, #tpu.memory_space<hbm>>
        tpu.wait_dma2 semaphore(%run_scoped3A : memref<!tpu.dma_semaphore, #tpu.memory_space<semaphore_mem>>) src(%dma_wait3A_54 : memref<64xi32, #tpu.memory_space<hbm>>) dst(%arg11 : memref<64xi32, #tpu.memory_space<vmem>>)
        tpu.yield
      }) : () -> ()
      "tpu.region"() ({
        %run_scoped3A = tpu.sem_alloc : memref<!tpu.dma_semaphore, #tpu.memory_space<semaphore_mem>>
        %dma_start3A = tpu.memref_slice %arg5[%add3A] : memref<163840xi32, #tpu.memory_space<hbm>> -> memref<64xi32, #tpu.memory_space<hbm>>
        %dma_start3A_53 = tpu.memref_slice %arg5[%add3A] : memref<163840xi32, #tpu.memory_space<hbm>> -> memref<64xi32, #tpu.memory_space<hbm>>
        tpu.enqueue_dma source(%dma_start3A_53 : memref<64xi32, #tpu.memory_space<hbm>>) target(%arg12 : memref<64xi32, #tpu.memory_space<vmem>>) target_semaphore(%run_scoped3A : memref<!tpu.dma_semaphore, #tpu.memory_space<semaphore_mem>>)
        %dma_wait3A = tpu.memref_slice %arg5[%add3A] : memref<163840xi32, #tpu.memory_space<hbm>> -> memref<64xi32, #tpu.memory_space<hbm>>
        %dma_wait3A_54 = tpu.memref_slice %arg5[%add3A] : memref<163840xi32, #tpu.memory_space<hbm>> -> memref<64xi32, #tpu.memory_space<hbm>>
        tpu.wait_dma2 semaphore(%run_scoped3A : memref<!tpu.dma_semaphore, #tpu.memory_space<semaphore_mem>>) src(%dma_wait3A_54 : memref<64xi32, #tpu.memory_space<hbm>>) dst(%arg12 : memref<64xi32, #tpu.memory_space<vmem>>)
        tpu.yield
      }) : () -> ()
      "tpu.region"() ({
        %run_scoped3A = tpu.sem_alloc : memref<!tpu.dma_semaphore, #tpu.memory_space<semaphore_mem>>
        %dma_start3A = tpu.memref_slice %arg7[%add3A] : memref<163840xf32, #tpu.memory_space<hbm>> -> memref<64xf32, #tpu.memory_space<hbm>>
        %dma_start3A_53 = tpu.memref_slice %arg7[%add3A] : memref<163840xf32, #tpu.memory_space<hbm>> -> memref<64xf32, #tpu.memory_space<hbm>>
        tpu.enqueue_dma source(%dma_start3A_53 : memref<64xf32, #tpu.memory_space<hbm>>) target(%arg15 : memref<64xf32, #tpu.memory_space<vmem>>) target_semaphore(%run_scoped3A : memref<!tpu.dma_semaphore, #tpu.memory_space<semaphore_mem>>)
        %dma_wait3A = tpu.memref_slice %arg7[%add3A] : memref<163840xf32, #tpu.memory_space<hbm>> -> memref<64xf32, #tpu.memory_space<hbm>>
        %dma_wait3A_54 = tpu.memref_slice %arg7[%add3A] : memref<163840xf32, #tpu.memory_space<hbm>> -> memref<64xf32, #tpu.memory_space<hbm>>
        tpu.wait_dma2 semaphore(%run_scoped3A : memref<!tpu.dma_semaphore, #tpu.memory_space<semaphore_mem>>) src(%dma_wait3A_54 : memref<64xf32, #tpu.memory_space<hbm>>) dst(%arg15 : memref<64xf32, #tpu.memory_space<vmem>>)
        tpu.yield
      }) : () -> ()
      "tpu.region"() ({
        %run_scoped3A = tpu.sem_alloc : memref<!tpu.dma_semaphore, #tpu.memory_space<semaphore_mem>>
        %dma_start3A = arith.constant 0 : i32
        %dma_start3A_53 = tpu.memref_slice %arg6[%add3A, %dma_start3A] : memref<163840x16xf32, #tpu.memory_space<hbm>> -> memref<64x16xf32, #tpu.memory_space<hbm>>
        %dma_start3A_54 = arith.constant 0 : i32
        %dma_start3A_55 = tpu.memref_slice %arg6[%add3A, %dma_start3A_54] : memref<163840x16xf32, #tpu.memory_space<hbm>> -> memref<64x16xf32, #tpu.memory_space<hbm>>
        tpu.enqueue_dma source(%dma_start3A_55 : memref<64x16xf32, #tpu.memory_space<hbm>>) target(%arg16 : memref<64x16xf32, #tpu.memory_space<vmem>>) target_semaphore(%run_scoped3A : memref<!tpu.dma_semaphore, #tpu.memory_space<semaphore_mem>>)
        %dma_wait3A = arith.constant 0 : i32
        %dma_wait3A_56 = tpu.memref_slice %arg6[%add3A, %dma_wait3A] : memref<163840x16xf32, #tpu.memory_space<hbm>> -> memref<64x16xf32, #tpu.memory_space<hbm>>
        %dma_wait3A_57 = arith.constant 0 : i32
        %dma_wait3A_58 = tpu.memref_slice %arg6[%add3A, %dma_wait3A_57] : memref<163840x16xf32, #tpu.memory_space<hbm>> -> memref<64x16xf32, #tpu.memory_space<hbm>>
        tpu.wait_dma2 semaphore(%run_scoped3A : memref<!tpu.dma_semaphore, #tpu.memory_space<semaphore_mem>>) src(%dma_wait3A_58 : memref<64x16xf32, #tpu.memory_space<hbm>>) dst(%arg16 : memref<64x16xf32, #tpu.memory_space<vmem>>)
        tpu.yield
      }) : () -> ()
      %eq3A_32 = arith.constant 0 : i32
      %eq3A_33 = arith.cmpi eq, %arg0, %eq3A_32 : i32
      %convert_element_type3A_34 = arith.extui %eq3A_33 : i1 to i32
      %cond3A_35 = arith.constant 0 : i32
      %cond3A_36 = arith.cmpi ne, %convert_element_type3A_34, %cond3A_35 : i32
      scf.if %cond3A_36 {
        %dma_start3A = arith.constant 0 : i32
        %dma_start3A_53 = arith.constant 0 : i32
        %dma_start3A_54 = tpu.memref_slice %arg2[%dma_start3A, %dma_start3A_53] : memref<10000x128xf32, #tpu.memory_space<hbm>> -> memref<10000x128xf32, #tpu.memory_space<hbm>>
        tpu.enqueue_indirect_dma source(%dma_start3A_54 : memref<10000x128xf32, #tpu.memory_space<hbm>>) target(%arg13 : memref<64x128xf32, #tpu.memory_space<vmem>>) offsets(%arg11 : memref<64xi32, #tpu.memory_space<vmem>>) semaphore(%arg21 : memref<!tpu.dma_semaphore, #tpu.memory_space<semaphore_mem>>)
        %dma_wait3A = arith.constant 0 : i32
        %dma_wait3A_55 = arith.constant 0 : i32
        %dma_wait3A_56 = tpu.memref_slice %arg2[%dma_wait3A, %dma_wait3A_55] : memref<10000x128xf32, #tpu.memory_space<hbm>> -> memref<10000x128xf32, #tpu.memory_space<hbm>>
        tpu.wait_indirect_dma semaphore(%arg21 : memref<!tpu.dma_semaphore, #tpu.memory_space<semaphore_mem>>) src(%dma_wait3A_56 : memref<10000x128xf32, #tpu.memory_space<hbm>>) dst(%arg13 : memref<64x128xf32, #tpu.memory_space<vmem>>)
      } else {
      }
      %eq3A_37 = arith.constant 1 : i32
      %eq3A_38 = arith.cmpi eq, %arg0, %eq3A_37 : i32
      %convert_element_type3A_39 = arith.extui %eq3A_38 : i1 to i32
      %cond3A_40 = arith.constant 0 : i32
      %cond3A_41 = arith.cmpi ne, %convert_element_type3A_39, %cond3A_40 : i32
      scf.if %cond3A_41 {
        %dma_start3A = arith.constant 0 : i32
        %dma_start3A_53 = arith.constant 0 : i32
        %dma_start3A_54 = tpu.memref_slice %arg3[%dma_start3A, %dma_start3A_53] : memref<10000x128xf32, #tpu.memory_space<hbm>> -> memref<10000x128xf32, #tpu.memory_space<hbm>>
        tpu.enqueue_indirect_dma source(%dma_start3A_54 : memref<10000x128xf32, #tpu.memory_space<hbm>>) target(%arg13 : memref<64x128xf32, #tpu.memory_space<vmem>>) offsets(%arg11 : memref<64xi32, #tpu.memory_space<vmem>>) semaphore(%arg21 : memref<!tpu.dma_semaphore, #tpu.memory_space<semaphore_mem>>)
        %dma_wait3A = arith.constant 0 : i32
        %dma_wait3A_55 = arith.constant 0 : i32
        %dma_wait3A_56 = tpu.memref_slice %arg3[%dma_wait3A, %dma_wait3A_55] : memref<10000x128xf32, #tpu.memory_space<hbm>> -> memref<10000x128xf32, #tpu.memory_space<hbm>>
        tpu.wait_indirect_dma semaphore(%arg21 : memref<!tpu.dma_semaphore, #tpu.memory_space<semaphore_mem>>) src(%dma_wait3A_56 : memref<10000x128xf32, #tpu.memory_space<hbm>>) dst(%arg13 : memref<64x128xf32, #tpu.memory_space<vmem>>)
      } else {
      }
      %scan3A_42 = arith.constant 0 : i32
      %scan3A_43 = arith.constant 0 : i32
      %scan3A_44 = arith.constant 64 : i32
      %scan3A_45 = arith.addi %scan3A_43, %scan3A_44 : i32
      %scan3A_46 = arith.constant 1 : i32
      scf.for %scan3A_53 = %scan3A_43 to %scan3A_45 step %scan3A_46  : i32 {
        %broadcast_in_dim3A_54 = vector.broadcast %scan3A_53 : i32 to vector<16xi32>
        %gather3A = tpu.vector_load_idx %arg15[%broadcast_in_dim3A_54] : memref<64xf32, #tpu.memory_space<vmem>>[vector<16xi32>], vector<16xf32>,
        %get3A = arith.index_cast %scan3A_53 : i32 to index
        %get3A_55 = arith.constant 0 : index
        %get3A_56 = tpu.vector_load %arg13[%get3A, %get3A_55] {strides = array<i32>} : memref<64x128xf32, #tpu.memory_space<vmem>>, vector<16xf32>,
        %mul3A_57 = arith.mulf %get3A_56, %gather3A : vector<16xf32>
        %swap3A = arith.index_cast %scan3A_53 : i32 to index
        %swap3A_58 = arith.constant 0 : index
        %swap3A_59 = tpu.vector_load %arg13[%swap3A, %swap3A_58] {strides = array<i32>} : memref<64x128xf32, #tpu.memory_space<vmem>>, vector<16xf32>,
        tpu.vector_store %arg13[%swap3A, %swap3A_58], %mul3A_57 {strides = array<i32>} : memref<64x128xf32, #tpu.memory_space<vmem>>, vector<16xf32>,
        %get3A_60 = arith.index_cast %scan3A_53 : i32 to index
        %get3A_61 = arith.constant 16 : index
        %get3A_62 = tpu.vector_load %arg13[%get3A_60, %get3A_61] {strides = array<i32>} : memref<64x128xf32, #tpu.memory_space<vmem>>, vector<16xf32>,
        %mul3A_63 = arith.mulf %get3A_62, %gather3A : vector<16xf32>
        %swap3A_64 = arith.index_cast %scan3A_53 : i32 to index
        %swap3A_65 = arith.constant 16 : index
        %swap3A_66 = tpu.vector_load %arg13[%swap3A_64, %swap3A_65] {strides = array<i32>} : memref<64x128xf32, #tpu.memory_space<vmem>>, vector<16xf32>,
        tpu.vector_store %arg13[%swap3A_64, %swap3A_65], %mul3A_63 {strides = array<i32>} : memref<64x128xf32, #tpu.memory_space<vmem>>, vector<16xf32>,
        %get3A_67 = arith.index_cast %scan3A_53 : i32 to index
        %get3A_68 = arith.constant 32 : index
        %get3A_69 = tpu.vector_load %arg13[%get3A_67, %get3A_68] {strides = array<i32>} : memref<64x128xf32, #tpu.memory_space<vmem>>, vector<16xf32>,
        %mul3A_70 = arith.mulf %get3A_69, %gather3A : vector<16xf32>
        %swap3A_71 = arith.index_cast %scan3A_53 : i32 to index
        %swap3A_72 = arith.constant 32 : index
        %swap3A_73 = tpu.vector_load %arg13[%swap3A_71, %swap3A_72] {strides = array<i32>} : memref<64x128xf32, #tpu.memory_space<vmem>>, vector<16xf32>,
        tpu.vector_store %arg13[%swap3A_71, %swap3A_72], %mul3A_70 {strides = array<i32>} : memref<64x128xf32, #tpu.memory_space<vmem>>, vector<16xf32>,
        %get3A_74 = arith.index_cast %scan3A_53 : i32 to index
        %get3A_75 = arith.constant 48 : index
        %get3A_76 = tpu.vector_load %arg13[%get3A_74, %get3A_75] {strides = array<i32>} : memref<64x128xf32, #tpu.memory_space<vmem>>, vector<16xf32>,
        %mul3A_77 = arith.mulf %get3A_76, %gather3A : vector<16xf32>
        %swap3A_78 = arith.index_cast %scan3A_53 : i32 to index
        %swap3A_79 = arith.constant 48 : index
        %swap3A_80 = tpu.vector_load %arg13[%swap3A_78, %swap3A_79] {strides = array<i32>} : memref<64x128xf32, #tpu.memory_space<vmem>>, vector<16xf32>,
        tpu.vector_store %arg13[%swap3A_78, %swap3A_79], %mul3A_77 {strides = array<i32>} : memref<64x128xf32, #tpu.memory_space<vmem>>, vector<16xf32>,
        %get3A_81 = arith.index_cast %scan3A_53 : i32 to index
        %get3A_82 = arith.constant 64 : index
        %get3A_83 = tpu.vector_load %arg13[%get3A_81, %get3A_82] {strides = array<i32>} : memref<64x128xf32, #tpu.memory_space<vmem>>, vector<16xf32>,
        %mul3A_84 = arith.mulf %get3A_83, %gather3A : vector<16xf32>
        %swap3A_85 = arith.index_cast %scan3A_53 : i32 to index
        %swap3A_86 = arith.constant 64 : index
        %swap3A_87 = tpu.vector_load %arg13[%swap3A_85, %swap3A_86] {strides = array<i32>} : memref<64x128xf32, #tpu.memory_space<vmem>>, vector<16xf32>,
        tpu.vector_store %arg13[%swap3A_85, %swap3A_86], %mul3A_84 {strides = array<i32>} : memref<64x128xf32, #tpu.memory_space<vmem>>, vector<16xf32>,
        %get3A_88 = arith.index_cast %scan3A_53 : i32 to index
        %get3A_89 = arith.constant 80 : index
        %get3A_90 = tpu.vector_load %arg13[%get3A_88, %get3A_89] {strides = array<i32>} : memref<64x128xf32, #tpu.memory_space<vmem>>, vector<16xf32>,
        %mul3A_91 = arith.mulf %get3A_90, %gather3A : vector<16xf32>
        %swap3A_92 = arith.index_cast %scan3A_53 : i32 to index
        %swap3A_93 = arith.constant 80 : index
        %swap3A_94 = tpu.vector_load %arg13[%swap3A_92, %swap3A_93] {strides = array<i32>} : memref<64x128xf32, #tpu.memory_space<vmem>>, vector<16xf32>,
        tpu.vector_store %arg13[%swap3A_92, %swap3A_93], %mul3A_91 {strides = array<i32>} : memref<64x128xf32, #tpu.memory_space<vmem>>, vector<16xf32>,
        %get3A_95 = arith.index_cast %scan3A_53 : i32 to index
        %get3A_96 = arith.constant 96 : index
        %get3A_97 = tpu.vector_load %arg13[%get3A_95, %get3A_96] {strides = array<i32>} : memref<64x128xf32, #tpu.memory_space<vmem>>, vector<16xf32>,
        %mul3A_98 = arith.mulf %get3A_97, %gather3A : vector<16xf32>
        %swap3A_99 = arith.index_cast %scan3A_53 : i32 to index
        %swap3A_100 = arith.constant 96 : index
        %swap3A_101 = tpu.vector_load %arg13[%swap3A_99, %swap3A_100] {strides = array<i32>} : memref<64x128xf32, #tpu.memory_space<vmem>>, vector<16xf32>,
        tpu.vector_store %arg13[%swap3A_99, %swap3A_100], %mul3A_98 {strides = array<i32>} : memref<64x128xf32, #tpu.memory_space<vmem>>, vector<16xf32>,
        %get3A_102 = arith.index_cast %scan3A_53 : i32 to index
        %get3A_103 = arith.constant 112 : index
        %get3A_104 = tpu.vector_load %arg13[%get3A_102, %get3A_103] {strides = array<i32>} : memref<64x128xf32, #tpu.memory_space<vmem>>, vector<16xf32>,
        %mul3A_105 = arith.mulf %get3A_104, %gather3A : vector<16xf32>
        %swap3A_106 = arith.index_cast %scan3A_53 : i32 to index
        %swap3A_107 = arith.constant 112 : index
        %swap3A_108 = tpu.vector_load %arg13[%swap3A_106, %swap3A_107] {strides = array<i32>} : memref<64x128xf32, #tpu.memory_space<vmem>>, vector<16xf32>,
        tpu.vector_store %arg13[%swap3A_106, %swap3A_107], %mul3A_105 {strides = array<i32>} : memref<64x128xf32, #tpu.memory_space<vmem>>, vector<16xf32>,
        %get3A_109 = arith.index_cast %scan3A_53 : i32 to index
        %get3A_110 = arith.constant 0 : index
        %get3A_111 = tpu.vector_load %arg16[%get3A_109, %get3A_110] {strides = array<i32>} : memref<64x16xf32, #tpu.memory_space<vmem>>, vector<16xf32>,
        %mul3A_112 = arith.mulf %get3A_111, %gather3A : vector<16xf32>
        %swap3A_113 = arith.index_cast %scan3A_53 : i32 to index
        %swap3A_114 = arith.constant 0 : index
        %swap3A_115 = tpu.vector_load %arg14[%swap3A_113, %swap3A_114] {strides = array<i32>} : memref<64x32xf32, #tpu.memory_space<vmem>>, vector<16xf32>,
        tpu.vector_store %arg14[%swap3A_113, %swap3A_114], %mul3A_112 {strides = array<i32>} : memref<64x32xf32, #tpu.memory_space<vmem>>, vector<16xf32>,
        %eq3A_116 = arith.constant 0 : i32
        %eq3A_117 = vector.broadcast %eq3A_116 : i32 to vector<16xi32>
        %eq3A_118 = arith.cmpi eq, %iota3A, %eq3A_117 : vector<16xi32>
        %jit3A = arith.constant 0.000000e+00 : f32
        %broadcast_in_dim3A_119 = vector.broadcast %jit3A : f32 to vector<16xf32>
        %select_n3A = arith.select %eq3A_118, %gather3A, %broadcast_in_dim3A_119 : vector<16xi1>, vector<16xf32>
        %swap3A_120 = arith.index_cast %scan3A_53 : i32 to index
        %swap3A_121 = arith.constant 16 : index
        %swap3A_122 = tpu.vector_load %arg14[%swap3A_120, %swap3A_121] {strides = array<i32>} : memref<64x32xf32, #tpu.memory_space<vmem>>, vector<16xf32>,
        tpu.vector_store %arg14[%swap3A_120, %swap3A_121], %select_n3A {strides = array<i32>} : memref<64x32xf32, #tpu.memory_space<vmem>>, vector<16xf32>,
      }
      %scan3A_47 = arith.constant 64 : i32
      "tpu.region"() ({
        %run_scoped3A = tpu.sem_alloc : memref<!tpu.dma_semaphore, #tpu.memory_space<semaphore_mem>>
        %dma_start3A = arith.constant 0 : i32
        %dma_start3A_53 = arith.constant 0 : i32
        %dma_start3A_54 = tpu.memref_slice %arg19[%dma_start3A, %dma_start3A_53] : memref<10000x128xf32, #tpu.memory_space<vmem_shared>> -> memref<10000x128xf32, #tpu.memory_space<vmem_shared>>
        tpu.enqueue_indirect_dma source(%arg13 : memref<64x128xf32, #tpu.memory_space<vmem>>) target(%dma_start3A_54 : memref<10000x128xf32, #tpu.memory_space<vmem_shared>>) offsets(%arg12 : memref<64xi32, #tpu.memory_space<vmem>>) semaphore(%run_scoped3A : memref<!tpu.dma_semaphore, #tpu.memory_space<semaphore_mem>>) {add = true}
        %dma_wait3A = arith.constant 0 : i32
        %dma_wait3A_55 = arith.constant 0 : i32
        %dma_wait3A_56 = tpu.memref_slice %arg19[%dma_wait3A, %dma_wait3A_55] : memref<10000x128xf32, #tpu.memory_space<vmem_shared>> -> memref<10000x128xf32, #tpu.memory_space<vmem_shared>>
        tpu.wait_indirect_dma semaphore(%run_scoped3A : memref<!tpu.dma_semaphore, #tpu.memory_space<semaphore_mem>>) src(%arg13 : memref<64x128xf32, #tpu.memory_space<vmem>>) dst(%dma_wait3A_56 : memref<10000x128xf32, #tpu.memory_space<vmem_shared>>)
        tpu.yield
      }) : () -> ()
      %eq3A_48 = arith.constant 1 : i32
      %eq3A_49 = arith.cmpi eq, %arg0, %eq3A_48 : i32
      %convert_element_type3A_50 = arith.extui %eq3A_49 : i1 to i32
      %cond3A_51 = arith.constant 0 : i32
      %cond3A_52 = arith.cmpi ne, %convert_element_type3A_50, %cond3A_51 : i32
      scf.if %cond3A_52 {
        "tpu.region"() ({
          %run_scoped3A = tpu.sem_alloc : memref<!tpu.dma_semaphore, #tpu.memory_space<semaphore_mem>>
          %dma_start3A = arith.constant 0 : i32
          %dma_start3A_53 = arith.constant 0 : i32
          %dma_start3A_54 = tpu.memref_slice %arg20[%dma_start3A, %dma_start3A_53] : memref<10000x32xf32, #tpu.memory_space<vmem_shared>> -> memref<10000x32xf32, #tpu.memory_space<vmem_shared>>
          tpu.enqueue_indirect_dma source(%arg14 : memref<64x32xf32, #tpu.memory_space<vmem>>) target(%dma_start3A_54 : memref<10000x32xf32, #tpu.memory_space<vmem_shared>>) offsets(%arg12 : memref<64xi32, #tpu.memory_space<vmem>>) semaphore(%run_scoped3A : memref<!tpu.dma_semaphore, #tpu.memory_space<semaphore_mem>>) {add = true}
          %dma_wait3A = arith.constant 0 : i32
          %dma_wait3A_55 = arith.constant 0 : i32
          %dma_wait3A_56 = tpu.memref_slice %arg20[%dma_wait3A, %dma_wait3A_55] : memref<10000x32xf32, #tpu.memory_space<vmem_shared>> -> memref<10000x32xf32, #tpu.memory_space<vmem_shared>>
          tpu.wait_indirect_dma semaphore(%run_scoped3A : memref<!tpu.dma_semaphore, #tpu.memory_space<semaphore_mem>>) src(%arg14 : memref<64x32xf32, #tpu.memory_space<vmem>>) dst(%dma_wait3A_56 : memref<10000x32xf32, #tpu.memory_space<vmem_shared>>)
          tpu.yield
        }) : () -> ()
      } else {
      }
    }
    %scan3A_20 = arith.constant 160 : i32
    %barrier3A_21 = arith.constant 0 : index
    tpu.barrier barrier_id(%barrier3A_21)
    %eq3A = arith.constant 0 : i32
    %eq3A_22 = arith.cmpi eq, %arg0, %eq3A : i32
    %convert_element_type3A = arith.extui %eq3A_22 : i1 to i32
    %cond3A = arith.constant 0 : i32
    %cond3A_23 = arith.cmpi ne, %convert_element_type3A, %cond3A : i32
    scf.if %cond3A_23 {
      "tpu.region"() ({
        %run_scoped3A = tpu.sem_alloc : memref<!tpu.dma_semaphore, #tpu.memory_space<semaphore_mem>>
        %dma_start3A = arith.constant 0 : i32
        %dma_start3A_29 = tpu.memref_slice %arg8[%mul3A_6, %dma_start3A] : memref<10000x128xf32, #tpu.memory_space<hbm>> -> memref<625x128xf32, #tpu.memory_space<hbm>>
        %dma_start3A_30 = arith.constant 0 : i32
        %dma_start3A_31 = tpu.memref_slice %arg19[%mul3A_6, %dma_start3A_30] : memref<10000x128xf32, #tpu.memory_space<vmem_shared>> -> memref<625x128xf32, #tpu.memory_space<vmem_shared>>
        tpu.enqueue_dma source(%dma_start3A_31 : memref<625x128xf32, #tpu.memory_space<vmem_shared>>) target(%dma_start3A_29 : memref<625x128xf32, #tpu.memory_space<hbm>>) target_semaphore(%run_scoped3A : memref<!tpu.dma_semaphore, #tpu.memory_space<semaphore_mem>>)
        %dma_wait3A = arith.constant 0 : i32
        %dma_wait3A_32 = tpu.memref_slice %arg8[%mul3A_6, %dma_wait3A] : memref<10000x128xf32, #tpu.memory_space<hbm>> -> memref<625x128xf32, #tpu.memory_space<hbm>>
        %dma_wait3A_33 = arith.constant 0 : i32
        %dma_wait3A_34 = tpu.memref_slice %arg19[%mul3A_6, %dma_wait3A_33] : memref<10000x128xf32, #tpu.memory_space<vmem_shared>> -> memref<625x128xf32, #tpu.memory_space<vmem_shared>>
        tpu.wait_dma2 semaphore(%run_scoped3A : memref<!tpu.dma_semaphore, #tpu.memory_space<semaphore_mem>>) src(%dma_wait3A_34 : memref<625x128xf32, #tpu.memory_space<vmem_shared>>) dst(%dma_wait3A_32 : memref<625x128xf32, #tpu.memory_space<hbm>>)
        tpu.yield
      }) : () -> ()
    } else {
    }
    %eq3A_24 = arith.constant 1 : i32
    %eq3A_25 = arith.cmpi eq, %arg0, %eq3A_24 : i32
    %convert_element_type3A_26 = arith.extui %eq3A_25 : i1 to i32
    %cond3A_27 = arith.constant 0 : i32
    %cond3A_28 = arith.cmpi ne, %convert_element_type3A_26, %cond3A_27 : i32
    scf.if %cond3A_28 {
      "tpu.region"() ({
        %run_scoped3A = tpu.sem_alloc : memref<!tpu.dma_semaphore, #tpu.memory_space<semaphore_mem>>
        %dma_start3A = arith.constant 0 : i32
        %dma_start3A_29 = tpu.memref_slice %arg9[%mul3A_6, %dma_start3A] : memref<10000x128xf32, #tpu.memory_space<hbm>> -> memref<625x128xf32, #tpu.memory_space<hbm>>
        %dma_start3A_30 = arith.constant 0 : i32
        %dma_start3A_31 = tpu.memref_slice %arg19[%mul3A_6, %dma_start3A_30] : memref<10000x128xf32, #tpu.memory_space<vmem_shared>> -> memref<625x128xf32, #tpu.memory_space<vmem_shared>>
        tpu.enqueue_dma source(%dma_start3A_31 : memref<625x128xf32, #tpu.memory_space<vmem_shared>>) target(%dma_start3A_29 : memref<625x128xf32, #tpu.memory_space<hbm>>) target_semaphore(%run_scoped3A : memref<!tpu.dma_semaphore, #tpu.memory_space<semaphore_mem>>)
        %dma_wait3A = arith.constant 0 : i32
        %dma_wait3A_32 = tpu.memref_slice %arg9[%mul3A_6, %dma_wait3A] : memref<10000x128xf32, #tpu.memory_space<hbm>> -> memref<625x128xf32, #tpu.memory_space<hbm>>
        %dma_wait3A_33 = arith.constant 0 : i32
        %dma_wait3A_34 = tpu.memref_slice %arg19[%mul3A_6, %dma_wait3A_33] : memref<10000x128xf32, #tpu.memory_space<vmem_shared>> -> memref<625x128xf32, #tpu.memory_space<vmem_shared>>
        tpu.wait_dma2 semaphore(%run_scoped3A : memref<!tpu.dma_semaphore, #tpu.memory_space<semaphore_mem>>) src(%dma_wait3A_34 : memref<625x128xf32, #tpu.memory_space<vmem_shared>>) dst(%dma_wait3A_32 : memref<625x128xf32, #tpu.memory_space<hbm>>)
        tpu.yield
      }) : () -> ()
      "tpu.region"() ({
        %run_scoped3A = tpu.sem_alloc : memref<!tpu.dma_semaphore, #tpu.memory_space<semaphore_mem>>
        %dma_start3A = arith.constant 0 : i32
        %dma_start3A_29 = tpu.memref_slice %arg10[%mul3A_6, %dma_start3A] : memref<10000x32xf32, #tpu.memory_space<hbm>> -> memref<625x32xf32, #tpu.memory_space<hbm>>
        %dma_start3A_30 = arith.constant 0 : i32
        %dma_start3A_31 = tpu.memref_slice %arg20[%mul3A_6, %dma_start3A_30] : memref<10000x32xf32, #tpu.memory_space<vmem_shared>> -> memref<625x32xf32, #tpu.memory_space<vmem_shared>>
        tpu.enqueue_dma source(%dma_start3A_31 : memref<625x32xf32, #tpu.memory_space<vmem_shared>>) target(%dma_start3A_29 : memref<625x32xf32, #tpu.memory_space<hbm>>) target_semaphore(%run_scoped3A : memref<!tpu.dma_semaphore, #tpu.memory_space<semaphore_mem>>)
        %dma_wait3A = arith.constant 0 : i32
        %dma_wait3A_32 = tpu.memref_slice %arg10[%mul3A_6, %dma_wait3A] : memref<10000x32xf32, #tpu.memory_space<hbm>> -> memref<625x32xf32, #tpu.memory_space<hbm>>
        %dma_wait3A_33 = arith.constant 0 : i32
        %dma_wait3A_34 = tpu.memref_slice %arg20[%mul3A_6, %dma_wait3A_33] : memref<10000x32xf32, #tpu.memory_space<vmem_shared>> -> memref<625x32xf32, #tpu.memory_space<vmem_shared>>
        tpu.wait_dma2 semaphore(%run_scoped3A : memref<!tpu.dma_semaphore, #tpu.memory_space<semaphore_mem>>) src(%dma_wait3A_34 : memref<625x32xf32, #tpu.memory_space<vmem_shared>>) dst(%dma_wait3A_32 : memref<625x32xf32, #tpu.memory_space<hbm>>)
        tpu.yield
      }) : () -> ()
    } else {
    }
    return
  }
}

#map = affine_map<(d0, d1) -> (0, 0)>
#map1 = affine_map<(d0, d1) -> (0)>
module attributes {stable_mosaic.version = 14 : i64} {
  func.func @_passa_body(%arg0: i32, %arg1: i32, %arg2: memref<10000x256xf32, #tpu.memory_space<hbm>>, %arg3: memref<10000x256xf32, #tpu.memory_space<hbm>>, %arg4: memref<10000x16xf32, #tpu.memory_space<hbm>>, %arg5: memref<163840xi32, #tpu.memory_space<hbm>>, %arg6: memref<163840xi32, #tpu.memory_space<hbm>>, %arg7: memref<163840x16xf32, #tpu.memory_space<hbm>>, %arg8: memref<163840xf32, #tpu.memory_space<hbm>>, %arg9: memref<64xi32, #tpu.memory_space<vmem>>, %arg10: memref<64xi32, #tpu.memory_space<vmem>>, %arg11: memref<64x256xf32, #tpu.memory_space<vmem>>, %arg12: memref<64x256xf32, #tpu.memory_space<vmem>>, %arg13: memref<64x16xf32, #tpu.memory_space<vmem>>, %arg14: memref<64x16xf32, #tpu.memory_space<vmem>>, %arg15: memref<5120xf32, #tpu.memory_space<vmem>>, %arg16: memref<!tpu.dma_semaphore, #tpu.memory_space<semaphore_mem>>, %arg17: memref<!tpu.dma_semaphore, #tpu.memory_space<semaphore_mem>>, %arg18: memref<!tpu.dma_semaphore, #tpu.memory_space<semaphore_mem>>) attributes {dimension_semantics = [#tpu.dimension_semantics<core_parallel>, #tpu.dimension_semantics<subcore_parallel>], iteration_bounds = array<i64: 2, 16>, scalar_prefetch = 0 : i64, scratch_operands = 10 : i64, tpu.core_type = #tpu.core_type<sc_vector_subcore>, window_params = [{transform_indices = #map}, {transform_indices = #map}, {transform_indices = #map}, {transform_indices = #map1}, {transform_indices = #map1}, {transform_indices = #map}, {transform_indices = #map1}]} {
    %mul3A = arith.constant 2 : i32
    %mul3A_0 = arith.muli %arg1, %mul3A : i32
    %add3A = arith.addi %mul3A_0, %arg0 : i32
    %mul3A_1 = arith.constant 5120 : i32
    %mul3A_2 = arith.muli %add3A, %mul3A_1 : i32
    %iota3A = tpu.iota {dimensions = array<i32: 0>} : vector<16xi32>
    %scan3A = arith.constant 0 : i32
    %scan3A_3 = arith.constant 0 : i32
    %scan3A_4 = arith.constant 80 : i32
    %scan3A_5 = arith.addi %scan3A_3, %scan3A_4 : i32
    %scan3A_6 = arith.constant 1 : i32
    scf.for %scan3A_8 = %scan3A_3 to %scan3A_5 step %scan3A_6  : i32 {
      %mul3A_9 = arith.constant 64 : i32
      %mul3A_10 = arith.muli %scan3A_8, %mul3A_9 : i32
      %add3A_11 = arith.addi %mul3A_2, %mul3A_10 : i32
      "tpu.region"() ({
        %run_scoped3A = tpu.sem_alloc : memref<!tpu.dma_semaphore, #tpu.memory_space<semaphore_mem>>
        %dma_start3A_34 = tpu.memref_slice %arg5[%add3A_11] : memref<163840xi32, #tpu.memory_space<hbm>> -> memref<64xi32, #tpu.memory_space<hbm>>
        %dma_start3A_35 = tpu.memref_slice %arg5[%add3A_11] : memref<163840xi32, #tpu.memory_space<hbm>> -> memref<64xi32, #tpu.memory_space<hbm>>
        tpu.enqueue_dma source(%dma_start3A_35 : memref<64xi32, #tpu.memory_space<hbm>>) target(%arg9 : memref<64xi32, #tpu.memory_space<vmem>>) target_semaphore(%run_scoped3A : memref<!tpu.dma_semaphore, #tpu.memory_space<semaphore_mem>>)
        %dma_wait3A_36 = tpu.memref_slice %arg5[%add3A_11] : memref<163840xi32, #tpu.memory_space<hbm>> -> memref<64xi32, #tpu.memory_space<hbm>>
        %dma_wait3A_37 = tpu.memref_slice %arg5[%add3A_11] : memref<163840xi32, #tpu.memory_space<hbm>> -> memref<64xi32, #tpu.memory_space<hbm>>
        tpu.wait_dma2 semaphore(%run_scoped3A : memref<!tpu.dma_semaphore, #tpu.memory_space<semaphore_mem>>) src(%dma_wait3A_37 : memref<64xi32, #tpu.memory_space<hbm>>) dst(%arg9 : memref<64xi32, #tpu.memory_space<vmem>>)
        tpu.yield
      }) : () -> ()
      "tpu.region"() ({
        %run_scoped3A = tpu.sem_alloc : memref<!tpu.dma_semaphore, #tpu.memory_space<semaphore_mem>>
        %dma_start3A_34 = tpu.memref_slice %arg6[%add3A_11] : memref<163840xi32, #tpu.memory_space<hbm>> -> memref<64xi32, #tpu.memory_space<hbm>>
        %dma_start3A_35 = tpu.memref_slice %arg6[%add3A_11] : memref<163840xi32, #tpu.memory_space<hbm>> -> memref<64xi32, #tpu.memory_space<hbm>>
        tpu.enqueue_dma source(%dma_start3A_35 : memref<64xi32, #tpu.memory_space<hbm>>) target(%arg10 : memref<64xi32, #tpu.memory_space<vmem>>) target_semaphore(%run_scoped3A : memref<!tpu.dma_semaphore, #tpu.memory_space<semaphore_mem>>)
        %dma_wait3A_36 = tpu.memref_slice %arg6[%add3A_11] : memref<163840xi32, #tpu.memory_space<hbm>> -> memref<64xi32, #tpu.memory_space<hbm>>
        %dma_wait3A_37 = tpu.memref_slice %arg6[%add3A_11] : memref<163840xi32, #tpu.memory_space<hbm>> -> memref<64xi32, #tpu.memory_space<hbm>>
        tpu.wait_dma2 semaphore(%run_scoped3A : memref<!tpu.dma_semaphore, #tpu.memory_space<semaphore_mem>>) src(%dma_wait3A_37 : memref<64xi32, #tpu.memory_space<hbm>>) dst(%arg10 : memref<64xi32, #tpu.memory_space<vmem>>)
        tpu.yield
      }) : () -> ()
      %dma_start3A = arith.constant 0 : i32
      %dma_start3A_12 = arith.constant 0 : i32
      %dma_start3A_13 = tpu.memref_slice %arg2[%dma_start3A, %dma_start3A_12] : memref<10000x256xf32, #tpu.memory_space<hbm>> -> memref<10000x256xf32, #tpu.memory_space<hbm>>
      tpu.enqueue_indirect_dma source(%dma_start3A_13 : memref<10000x256xf32, #tpu.memory_space<hbm>>) target(%arg11 : memref<64x256xf32, #tpu.memory_space<vmem>>) offsets(%arg10 : memref<64xi32, #tpu.memory_space<vmem>>) semaphore(%arg16 : memref<!tpu.dma_semaphore, #tpu.memory_space<semaphore_mem>>)
      %dma_start3A_14 = arith.constant 0 : i32
      %dma_start3A_15 = arith.constant 0 : i32
      %dma_start3A_16 = tpu.memref_slice %arg3[%dma_start3A_14, %dma_start3A_15] : memref<10000x256xf32, #tpu.memory_space<hbm>> -> memref<10000x256xf32, #tpu.memory_space<hbm>>
      tpu.enqueue_indirect_dma source(%dma_start3A_16 : memref<10000x256xf32, #tpu.memory_space<hbm>>) target(%arg12 : memref<64x256xf32, #tpu.memory_space<vmem>>) offsets(%arg9 : memref<64xi32, #tpu.memory_space<vmem>>) semaphore(%arg17 : memref<!tpu.dma_semaphore, #tpu.memory_space<semaphore_mem>>)
      %dma_start3A_17 = arith.constant 0 : i32
      %dma_start3A_18 = arith.constant 0 : i32
      %dma_start3A_19 = tpu.memref_slice %arg4[%dma_start3A_17, %dma_start3A_18] : memref<10000x16xf32, #tpu.memory_space<hbm>> -> memref<10000x16xf32, #tpu.memory_space<hbm>>
      tpu.enqueue_indirect_dma source(%dma_start3A_19 : memref<10000x16xf32, #tpu.memory_space<hbm>>) target(%arg13 : memref<64x16xf32, #tpu.memory_space<vmem>>) offsets(%arg10 : memref<64xi32, #tpu.memory_space<vmem>>) semaphore(%arg18 : memref<!tpu.dma_semaphore, #tpu.memory_space<semaphore_mem>>)
      "tpu.region"() ({
        %run_scoped3A = tpu.sem_alloc : memref<!tpu.dma_semaphore, #tpu.memory_space<semaphore_mem>>
        %dma_start3A_34 = arith.constant 0 : i32
        %dma_start3A_35 = tpu.memref_slice %arg7[%add3A_11, %dma_start3A_34] : memref<163840x16xf32, #tpu.memory_space<hbm>> -> memref<64x16xf32, #tpu.memory_space<hbm>>
        %dma_start3A_36 = arith.constant 0 : i32
        %dma_start3A_37 = tpu.memref_slice %arg7[%add3A_11, %dma_start3A_36] : memref<163840x16xf32, #tpu.memory_space<hbm>> -> memref<64x16xf32, #tpu.memory_space<hbm>>
        tpu.enqueue_dma source(%dma_start3A_37 : memref<64x16xf32, #tpu.memory_space<hbm>>) target(%arg14 : memref<64x16xf32, #tpu.memory_space<vmem>>) target_semaphore(%run_scoped3A : memref<!tpu.dma_semaphore, #tpu.memory_space<semaphore_mem>>)
        %dma_wait3A_38 = arith.constant 0 : i32
        %dma_wait3A_39 = tpu.memref_slice %arg7[%add3A_11, %dma_wait3A_38] : memref<163840x16xf32, #tpu.memory_space<hbm>> -> memref<64x16xf32, #tpu.memory_space<hbm>>
        %dma_wait3A_40 = arith.constant 0 : i32
        %dma_wait3A_41 = tpu.memref_slice %arg7[%add3A_11, %dma_wait3A_40] : memref<163840x16xf32, #tpu.memory_space<hbm>> -> memref<64x16xf32, #tpu.memory_space<hbm>>
        tpu.wait_dma2 semaphore(%run_scoped3A : memref<!tpu.dma_semaphore, #tpu.memory_space<semaphore_mem>>) src(%dma_wait3A_41 : memref<64x16xf32, #tpu.memory_space<hbm>>) dst(%arg14 : memref<64x16xf32, #tpu.memory_space<vmem>>)
        tpu.yield
      }) : () -> ()
      %dma_wait3A = arith.constant 0 : i32
      %dma_wait3A_20 = arith.constant 0 : i32
      %dma_wait3A_21 = tpu.memref_slice %arg2[%dma_wait3A, %dma_wait3A_20] : memref<10000x256xf32, #tpu.memory_space<hbm>> -> memref<10000x256xf32, #tpu.memory_space<hbm>>
      tpu.wait_indirect_dma semaphore(%arg16 : memref<!tpu.dma_semaphore, #tpu.memory_space<semaphore_mem>>) src(%dma_wait3A_21 : memref<10000x256xf32, #tpu.memory_space<hbm>>) dst(%arg11 : memref<64x256xf32, #tpu.memory_space<vmem>>)
      %dma_wait3A_22 = arith.constant 0 : i32
      %dma_wait3A_23 = arith.constant 0 : i32
      %dma_wait3A_24 = tpu.memref_slice %arg3[%dma_wait3A_22, %dma_wait3A_23] : memref<10000x256xf32, #tpu.memory_space<hbm>> -> memref<10000x256xf32, #tpu.memory_space<hbm>>
      tpu.wait_indirect_dma semaphore(%arg17 : memref<!tpu.dma_semaphore, #tpu.memory_space<semaphore_mem>>) src(%dma_wait3A_24 : memref<10000x256xf32, #tpu.memory_space<hbm>>) dst(%arg12 : memref<64x256xf32, #tpu.memory_space<vmem>>)
      %dma_wait3A_25 = arith.constant 0 : i32
      %dma_wait3A_26 = arith.constant 0 : i32
      %dma_wait3A_27 = tpu.memref_slice %arg4[%dma_wait3A_25, %dma_wait3A_26] : memref<10000x16xf32, #tpu.memory_space<hbm>> -> memref<10000x16xf32, #tpu.memory_space<hbm>>
      tpu.wait_indirect_dma semaphore(%arg18 : memref<!tpu.dma_semaphore, #tpu.memory_space<semaphore_mem>>) src(%dma_wait3A_27 : memref<10000x16xf32, #tpu.memory_space<hbm>>) dst(%arg13 : memref<64x16xf32, #tpu.memory_space<vmem>>)
      %scan3A_28 = arith.constant 0 : i32
      %scan3A_29 = arith.constant 0 : i32
      %scan3A_30 = arith.constant 4 : i32
      %scan3A_31 = arith.addi %scan3A_29, %scan3A_30 : i32
      %scan3A_32 = arith.constant 1 : i32
      scf.for %scan3A_34 = %scan3A_29 to %scan3A_31 step %scan3A_32  : i32 {
        %mul3A_35 = arith.constant 16 : i32
        %mul3A_36 = arith.muli %scan3A_34, %mul3A_35 : i32
        %add3A_37 = vector.broadcast %mul3A_36 : i32 to vector<16xi32>
        %add3A_38 = arith.addi %add3A_37, %iota3A : vector<16xi32>
        %broadcast_in_dim3A = arith.constant 0.000000e+00 : f32
        %broadcast_in_dim3A_39 = vector.broadcast %broadcast_in_dim3A : f32 to vector<16xf32>
        %scan3A_40 = arith.constant 0 : i32
        %scan3A_41 = arith.constant 16 : i32
        %scan3A_42 = arith.addi %scan3A_40, %scan3A_41 : i32
        %scan3A_43 = arith.constant 1 : i32
        %scan3A_44 = scf.for %scan3A_158 = %scan3A_40 to %scan3A_42 step %scan3A_43 iter_args(%scan3A_159 = %broadcast_in_dim3A_39) -> (vector<16xf32>)  : i32 {
          %mul3A_160 = arith.constant 16 : i32
          %mul3A_161 = arith.muli %scan3A_158, %mul3A_160 : i32
          %add3A_162 = arith.constant 0 : i32
          %add3A_163 = arith.addi %mul3A_161, %add3A_162 : i32
          %broadcast_in_dim3A_164 = vector.broadcast %add3A_163 : i32 to vector<16xi32>
          %gather3A_165 = tpu.vector_load_idx %arg11[%add3A_38, %broadcast_in_dim3A_164] : memref<64x256xf32, #tpu.memory_space<vmem>>[vector<16xi32>, vector<16xi32>], vector<16xf32>,
          %gather3A_166 = tpu.vector_load_idx %arg12[%add3A_38, %broadcast_in_dim3A_164] : memref<64x256xf32, #tpu.memory_space<vmem>>[vector<16xi32>, vector<16xi32>], vector<16xf32>,
          %mul3A_167 = arith.mulf %gather3A_165, %gather3A_166 : vector<16xf32>
          %add3A_168 = arith.addf %scan3A_159, %mul3A_167 : vector<16xf32>
          %mul3A_169 = arith.constant 16 : i32
          %mul3A_170 = arith.muli %scan3A_158, %mul3A_169 : i32
          %add3A_171 = arith.constant 1 : i32
          %add3A_172 = arith.addi %mul3A_170, %add3A_171 : i32
          %broadcast_in_dim3A_173 = vector.broadcast %add3A_172 : i32 to vector<16xi32>
          %gather3A_174 = tpu.vector_load_idx %arg11[%add3A_38, %broadcast_in_dim3A_173] : memref<64x256xf32, #tpu.memory_space<vmem>>[vector<16xi32>, vector<16xi32>], vector<16xf32>,
          %gather3A_175 = tpu.vector_load_idx %arg12[%add3A_38, %broadcast_in_dim3A_173] : memref<64x256xf32, #tpu.memory_space<vmem>>[vector<16xi32>, vector<16xi32>], vector<16xf32>,
          %mul3A_176 = arith.mulf %gather3A_174, %gather3A_175 : vector<16xf32>
          %add3A_177 = arith.addf %add3A_168, %mul3A_176 : vector<16xf32>
          %mul3A_178 = arith.constant 16 : i32
          %mul3A_179 = arith.muli %scan3A_158, %mul3A_178 : i32
          %add3A_180 = arith.constant 2 : i32
          %add3A_181 = arith.addi %mul3A_179, %add3A_180 : i32
          %broadcast_in_dim3A_182 = vector.broadcast %add3A_181 : i32 to vector<16xi32>
          %gather3A_183 = tpu.vector_load_idx %arg11[%add3A_38, %broadcast_in_dim3A_182] : memref<64x256xf32, #tpu.memory_space<vmem>>[vector<16xi32>, vector<16xi32>], vector<16xf32>,
          %gather3A_184 = tpu.vector_load_idx %arg12[%add3A_38, %broadcast_in_dim3A_182] : memref<64x256xf32, #tpu.memory_space<vmem>>[vector<16xi32>, vector<16xi32>], vector<16xf32>,
          %mul3A_185 = arith.mulf %gather3A_183, %gather3A_184 : vector<16xf32>
          %add3A_186 = arith.addf %add3A_177, %mul3A_185 : vector<16xf32>
          %mul3A_187 = arith.constant 16 : i32
          %mul3A_188 = arith.muli %scan3A_158, %mul3A_187 : i32
          %add3A_189 = arith.constant 3 : i32
          %add3A_190 = arith.addi %mul3A_188, %add3A_189 : i32
          %broadcast_in_dim3A_191 = vector.broadcast %add3A_190 : i32 to vector<16xi32>
          %gather3A_192 = tpu.vector_load_idx %arg11[%add3A_38, %broadcast_in_dim3A_191] : memref<64x256xf32, #tpu.memory_space<vmem>>[vector<16xi32>, vector<16xi32>], vector<16xf32>,
          %gather3A_193 = tpu.vector_load_idx %arg12[%add3A_38, %broadcast_in_dim3A_191] : memref<64x256xf32, #tpu.memory_space<vmem>>[vector<16xi32>, vector<16xi32>], vector<16xf32>,
          %mul3A_194 = arith.mulf %gather3A_192, %gather3A_193 : vector<16xf32>
          %add3A_195 = arith.addf %add3A_186, %mul3A_194 : vector<16xf32>
          %mul3A_196 = arith.constant 16 : i32
          %mul3A_197 = arith.muli %scan3A_158, %mul3A_196 : i32
          %add3A_198 = arith.constant 4 : i32
          %add3A_199 = arith.addi %mul3A_197, %add3A_198 : i32
          %broadcast_in_dim3A_200 = vector.broadcast %add3A_199 : i32 to vector<16xi32>
          %gather3A_201 = tpu.vector_load_idx %arg11[%add3A_38, %broadcast_in_dim3A_200] : memref<64x256xf32, #tpu.memory_space<vmem>>[vector<16xi32>, vector<16xi32>], vector<16xf32>,
          %gather3A_202 = tpu.vector_load_idx %arg12[%add3A_38, %broadcast_in_dim3A_200] : memref<64x256xf32, #tpu.memory_space<vmem>>[vector<16xi32>, vector<16xi32>], vector<16xf32>,
          %mul3A_203 = arith.mulf %gather3A_201, %gather3A_202 : vector<16xf32>
          %add3A_204 = arith.addf %add3A_195, %mul3A_203 : vector<16xf32>
          %mul3A_205 = arith.constant 16 : i32
          %mul3A_206 = arith.muli %scan3A_158, %mul3A_205 : i32
          %add3A_207 = arith.constant 5 : i32
          %add3A_208 = arith.addi %mul3A_206, %add3A_207 : i32
          %broadcast_in_dim3A_209 = vector.broadcast %add3A_208 : i32 to vector<16xi32>
          %gather3A_210 = tpu.vector_load_idx %arg11[%add3A_38, %broadcast_in_dim3A_209] : memref<64x256xf32, #tpu.memory_space<vmem>>[vector<16xi32>, vector<16xi32>], vector<16xf32>,
          %gather3A_211 = tpu.vector_load_idx %arg12[%add3A_38, %broadcast_in_dim3A_209] : memref<64x256xf32, #tpu.memory_space<vmem>>[vector<16xi32>, vector<16xi32>], vector<16xf32>,
          %mul3A_212 = arith.mulf %gather3A_210, %gather3A_211 : vector<16xf32>
          %add3A_213 = arith.addf %add3A_204, %mul3A_212 : vector<16xf32>
          %mul3A_214 = arith.constant 16 : i32
          %mul3A_215 = arith.muli %scan3A_158, %mul3A_214 : i32
          %add3A_216 = arith.constant 6 : i32
          %add3A_217 = arith.addi %mul3A_215, %add3A_216 : i32
          %broadcast_in_dim3A_218 = vector.broadcast %add3A_217 : i32 to vector<16xi32>
          %gather3A_219 = tpu.vector_load_idx %arg11[%add3A_38, %broadcast_in_dim3A_218] : memref<64x256xf32, #tpu.memory_space<vmem>>[vector<16xi32>, vector<16xi32>], vector<16xf32>,
          %gather3A_220 = tpu.vector_load_idx %arg12[%add3A_38, %broadcast_in_dim3A_218] : memref<64x256xf32, #tpu.memory_space<vmem>>[vector<16xi32>, vector<16xi32>], vector<16xf32>,
          %mul3A_221 = arith.mulf %gather3A_219, %gather3A_220 : vector<16xf32>
          %add3A_222 = arith.addf %add3A_213, %mul3A_221 : vector<16xf32>
          %mul3A_223 = arith.constant 16 : i32
          %mul3A_224 = arith.muli %scan3A_158, %mul3A_223 : i32
          %add3A_225 = arith.constant 7 : i32
          %add3A_226 = arith.addi %mul3A_224, %add3A_225 : i32
          %broadcast_in_dim3A_227 = vector.broadcast %add3A_226 : i32 to vector<16xi32>
          %gather3A_228 = tpu.vector_load_idx %arg11[%add3A_38, %broadcast_in_dim3A_227] : memref<64x256xf32, #tpu.memory_space<vmem>>[vector<16xi32>, vector<16xi32>], vector<16xf32>,
          %gather3A_229 = tpu.vector_load_idx %arg12[%add3A_38, %broadcast_in_dim3A_227] : memref<64x256xf32, #tpu.memory_space<vmem>>[vector<16xi32>, vector<16xi32>], vector<16xf32>,
          %mul3A_230 = arith.mulf %gather3A_228, %gather3A_229 : vector<16xf32>
          %add3A_231 = arith.addf %add3A_222, %mul3A_230 : vector<16xf32>
          %mul3A_232 = arith.constant 16 : i32
          %mul3A_233 = arith.muli %scan3A_158, %mul3A_232 : i32
          %add3A_234 = arith.constant 8 : i32
          %add3A_235 = arith.addi %mul3A_233, %add3A_234 : i32
          %broadcast_in_dim3A_236 = vector.broadcast %add3A_235 : i32 to vector<16xi32>
          %gather3A_237 = tpu.vector_load_idx %arg11[%add3A_38, %broadcast_in_dim3A_236] : memref<64x256xf32, #tpu.memory_space<vmem>>[vector<16xi32>, vector<16xi32>], vector<16xf32>,
          %gather3A_238 = tpu.vector_load_idx %arg12[%add3A_38, %broadcast_in_dim3A_236] : memref<64x256xf32, #tpu.memory_space<vmem>>[vector<16xi32>, vector<16xi32>], vector<16xf32>,
          %mul3A_239 = arith.mulf %gather3A_237, %gather3A_238 : vector<16xf32>
          %add3A_240 = arith.addf %add3A_231, %mul3A_239 : vector<16xf32>
          %mul3A_241 = arith.constant 16 : i32
          %mul3A_242 = arith.muli %scan3A_158, %mul3A_241 : i32
          %add3A_243 = arith.constant 9 : i32
          %add3A_244 = arith.addi %mul3A_242, %add3A_243 : i32
          %broadcast_in_dim3A_245 = vector.broadcast %add3A_244 : i32 to vector<16xi32>
          %gather3A_246 = tpu.vector_load_idx %arg11[%add3A_38, %broadcast_in_dim3A_245] : memref<64x256xf32, #tpu.memory_space<vmem>>[vector<16xi32>, vector<16xi32>], vector<16xf32>,
          %gather3A_247 = tpu.vector_load_idx %arg12[%add3A_38, %broadcast_in_dim3A_245] : memref<64x256xf32, #tpu.memory_space<vmem>>[vector<16xi32>, vector<16xi32>], vector<16xf32>,
          %mul3A_248 = arith.mulf %gather3A_246, %gather3A_247 : vector<16xf32>
          %add3A_249 = arith.addf %add3A_240, %mul3A_248 : vector<16xf32>
          %mul3A_250 = arith.constant 16 : i32
          %mul3A_251 = arith.muli %scan3A_158, %mul3A_250 : i32
          %add3A_252 = arith.constant 10 : i32
          %add3A_253 = arith.addi %mul3A_251, %add3A_252 : i32
          %broadcast_in_dim3A_254 = vector.broadcast %add3A_253 : i32 to vector<16xi32>
          %gather3A_255 = tpu.vector_load_idx %arg11[%add3A_38, %broadcast_in_dim3A_254] : memref<64x256xf32, #tpu.memory_space<vmem>>[vector<16xi32>, vector<16xi32>], vector<16xf32>,
          %gather3A_256 = tpu.vector_load_idx %arg12[%add3A_38, %broadcast_in_dim3A_254] : memref<64x256xf32, #tpu.memory_space<vmem>>[vector<16xi32>, vector<16xi32>], vector<16xf32>,
          %mul3A_257 = arith.mulf %gather3A_255, %gather3A_256 : vector<16xf32>
          %add3A_258 = arith.addf %add3A_249, %mul3A_257 : vector<16xf32>
          %mul3A_259 = arith.constant 16 : i32
          %mul3A_260 = arith.muli %scan3A_158, %mul3A_259 : i32
          %add3A_261 = arith.constant 11 : i32
          %add3A_262 = arith.addi %mul3A_260, %add3A_261 : i32
          %broadcast_in_dim3A_263 = vector.broadcast %add3A_262 : i32 to vector<16xi32>
          %gather3A_264 = tpu.vector_load_idx %arg11[%add3A_38, %broadcast_in_dim3A_263] : memref<64x256xf32, #tpu.memory_space<vmem>>[vector<16xi32>, vector<16xi32>], vector<16xf32>,
          %gather3A_265 = tpu.vector_load_idx %arg12[%add3A_38, %broadcast_in_dim3A_263] : memref<64x256xf32, #tpu.memory_space<vmem>>[vector<16xi32>, vector<16xi32>], vector<16xf32>,
          %mul3A_266 = arith.mulf %gather3A_264, %gather3A_265 : vector<16xf32>
          %add3A_267 = arith.addf %add3A_258, %mul3A_266 : vector<16xf32>
          %mul3A_268 = arith.constant 16 : i32
          %mul3A_269 = arith.muli %scan3A_158, %mul3A_268 : i32
          %add3A_270 = arith.constant 12 : i32
          %add3A_271 = arith.addi %mul3A_269, %add3A_270 : i32
          %broadcast_in_dim3A_272 = vector.broadcast %add3A_271 : i32 to vector<16xi32>
          %gather3A_273 = tpu.vector_load_idx %arg11[%add3A_38, %broadcast_in_dim3A_272] : memref<64x256xf32, #tpu.memory_space<vmem>>[vector<16xi32>, vector<16xi32>], vector<16xf32>,
          %gather3A_274 = tpu.vector_load_idx %arg12[%add3A_38, %broadcast_in_dim3A_272] : memref<64x256xf32, #tpu.memory_space<vmem>>[vector<16xi32>, vector<16xi32>], vector<16xf32>,
          %mul3A_275 = arith.mulf %gather3A_273, %gather3A_274 : vector<16xf32>
          %add3A_276 = arith.addf %add3A_267, %mul3A_275 : vector<16xf32>
          %mul3A_277 = arith.constant 16 : i32
          %mul3A_278 = arith.muli %scan3A_158, %mul3A_277 : i32
          %add3A_279 = arith.constant 13 : i32
          %add3A_280 = arith.addi %mul3A_278, %add3A_279 : i32
          %broadcast_in_dim3A_281 = vector.broadcast %add3A_280 : i32 to vector<16xi32>
          %gather3A_282 = tpu.vector_load_idx %arg11[%add3A_38, %broadcast_in_dim3A_281] : memref<64x256xf32, #tpu.memory_space<vmem>>[vector<16xi32>, vector<16xi32>], vector<16xf32>,
          %gather3A_283 = tpu.vector_load_idx %arg12[%add3A_38, %broadcast_in_dim3A_281] : memref<64x256xf32, #tpu.memory_space<vmem>>[vector<16xi32>, vector<16xi32>], vector<16xf32>,
          %mul3A_284 = arith.mulf %gather3A_282, %gather3A_283 : vector<16xf32>
          %add3A_285 = arith.addf %add3A_276, %mul3A_284 : vector<16xf32>
          %mul3A_286 = arith.constant 16 : i32
          %mul3A_287 = arith.muli %scan3A_158, %mul3A_286 : i32
          %add3A_288 = arith.constant 14 : i32
          %add3A_289 = arith.addi %mul3A_287, %add3A_288 : i32
          %broadcast_in_dim3A_290 = vector.broadcast %add3A_289 : i32 to vector<16xi32>
          %gather3A_291 = tpu.vector_load_idx %arg11[%add3A_38, %broadcast_in_dim3A_290] : memref<64x256xf32, #tpu.memory_space<vmem>>[vector<16xi32>, vector<16xi32>], vector<16xf32>,
          %gather3A_292 = tpu.vector_load_idx %arg12[%add3A_38, %broadcast_in_dim3A_290] : memref<64x256xf32, #tpu.memory_space<vmem>>[vector<16xi32>, vector<16xi32>], vector<16xf32>,
          %mul3A_293 = arith.mulf %gather3A_291, %gather3A_292 : vector<16xf32>
          %add3A_294 = arith.addf %add3A_285, %mul3A_293 : vector<16xf32>
          %mul3A_295 = arith.constant 16 : i32
          %mul3A_296 = arith.muli %scan3A_158, %mul3A_295 : i32
          %add3A_297 = arith.constant 15 : i32
          %add3A_298 = arith.addi %mul3A_296, %add3A_297 : i32
          %broadcast_in_dim3A_299 = vector.broadcast %add3A_298 : i32 to vector<16xi32>
          %gather3A_300 = tpu.vector_load_idx %arg11[%add3A_38, %broadcast_in_dim3A_299] : memref<64x256xf32, #tpu.memory_space<vmem>>[vector<16xi32>, vector<16xi32>], vector<16xf32>,
          %gather3A_301 = tpu.vector_load_idx %arg12[%add3A_38, %broadcast_in_dim3A_299] : memref<64x256xf32, #tpu.memory_space<vmem>>[vector<16xi32>, vector<16xi32>], vector<16xf32>,
          %mul3A_302 = arith.mulf %gather3A_300, %gather3A_301 : vector<16xf32>
          %add3A_303 = arith.addf %add3A_294, %mul3A_302 : vector<16xf32>
          scf.yield %add3A_303 : vector<16xf32>
        }
        %scan3A_45 = arith.constant 16 : i32
        %broadcast_in_dim3A_46 = arith.constant 0 : i32
        %broadcast_in_dim3A_47 = vector.broadcast %broadcast_in_dim3A_46 : i32 to vector<16xi32>
        %gather3A = tpu.vector_load_idx %arg14[%add3A_38, %broadcast_in_dim3A_47] : memref<64x16xf32, #tpu.memory_space<vmem>>[vector<16xi32>, vector<16xi32>], vector<16xf32>,
        %gather3A_48 = tpu.vector_load_idx %arg13[%add3A_38, %broadcast_in_dim3A_47] : memref<64x16xf32, #tpu.memory_space<vmem>>[vector<16xi32>, vector<16xi32>], vector<16xf32>,
        %mul3A_49 = arith.mulf %gather3A, %gather3A_48 : vector<16xf32>
        %add3A_50 = arith.addf %scan3A_44, %mul3A_49 : vector<16xf32>
        %broadcast_in_dim3A_51 = arith.constant 1 : i32
        %broadcast_in_dim3A_52 = vector.broadcast %broadcast_in_dim3A_51 : i32 to vector<16xi32>
        %gather3A_53 = tpu.vector_load_idx %arg14[%add3A_38, %broadcast_in_dim3A_52] : memref<64x16xf32, #tpu.memory_space<vmem>>[vector<16xi32>, vector<16xi32>], vector<16xf32>,
        %gather3A_54 = tpu.vector_load_idx %arg13[%add3A_38, %broadcast_in_dim3A_52] : memref<64x16xf32, #tpu.memory_space<vmem>>[vector<16xi32>, vector<16xi32>], vector<16xf32>,
        %mul3A_55 = arith.mulf %gather3A_53, %gather3A_54 : vector<16xf32>
        %add3A_56 = arith.addf %add3A_50, %mul3A_55 : vector<16xf32>
        %broadcast_in_dim3A_57 = arith.constant 2 : i32
        %broadcast_in_dim3A_58 = vector.broadcast %broadcast_in_dim3A_57 : i32 to vector<16xi32>
        %gather3A_59 = tpu.vector_load_idx %arg14[%add3A_38, %broadcast_in_dim3A_58] : memref<64x16xf32, #tpu.memory_space<vmem>>[vector<16xi32>, vector<16xi32>], vector<16xf32>,
        %gather3A_60 = tpu.vector_load_idx %arg13[%add3A_38, %broadcast_in_dim3A_58] : memref<64x16xf32, #tpu.memory_space<vmem>>[vector<16xi32>, vector<16xi32>], vector<16xf32>,
        %mul3A_61 = arith.mulf %gather3A_59, %gather3A_60 : vector<16xf32>
        %add3A_62 = arith.addf %add3A_56, %mul3A_61 : vector<16xf32>
        %broadcast_in_dim3A_63 = arith.constant 3 : i32
        %broadcast_in_dim3A_64 = vector.broadcast %broadcast_in_dim3A_63 : i32 to vector<16xi32>
        %gather3A_65 = tpu.vector_load_idx %arg14[%add3A_38, %broadcast_in_dim3A_64] : memref<64x16xf32, #tpu.memory_space<vmem>>[vector<16xi32>, vector<16xi32>], vector<16xf32>,
        %gather3A_66 = tpu.vector_load_idx %arg13[%add3A_38, %broadcast_in_dim3A_64] : memref<64x16xf32, #tpu.memory_space<vmem>>[vector<16xi32>, vector<16xi32>], vector<16xf32>,
        %mul3A_67 = arith.mulf %gather3A_65, %gather3A_66 : vector<16xf32>
        %add3A_68 = arith.addf %add3A_62, %mul3A_67 : vector<16xf32>
        %broadcast_in_dim3A_69 = arith.constant 4 : i32
        %broadcast_in_dim3A_70 = vector.broadcast %broadcast_in_dim3A_69 : i32 to vector<16xi32>
        %gather3A_71 = tpu.vector_load_idx %arg14[%add3A_38, %broadcast_in_dim3A_70] : memref<64x16xf32, #tpu.memory_space<vmem>>[vector<16xi32>, vector<16xi32>], vector<16xf32>,
        %gather3A_72 = tpu.vector_load_idx %arg13[%add3A_38, %broadcast_in_dim3A_70] : memref<64x16xf32, #tpu.memory_space<vmem>>[vector<16xi32>, vector<16xi32>], vector<16xf32>,
        %mul3A_73 = arith.mulf %gather3A_71, %gather3A_72 : vector<16xf32>
        %add3A_74 = arith.addf %add3A_68, %mul3A_73 : vector<16xf32>
        %broadcast_in_dim3A_75 = arith.constant 5 : i32
        %broadcast_in_dim3A_76 = vector.broadcast %broadcast_in_dim3A_75 : i32 to vector<16xi32>
        %gather3A_77 = tpu.vector_load_idx %arg14[%add3A_38, %broadcast_in_dim3A_76] : memref<64x16xf32, #tpu.memory_space<vmem>>[vector<16xi32>, vector<16xi32>], vector<16xf32>,
        %gather3A_78 = tpu.vector_load_idx %arg13[%add3A_38, %broadcast_in_dim3A_76] : memref<64x16xf32, #tpu.memory_space<vmem>>[vector<16xi32>, vector<16xi32>], vector<16xf32>,
        %mul3A_79 = arith.mulf %gather3A_77, %gather3A_78 : vector<16xf32>
        %add3A_80 = arith.addf %add3A_74, %mul3A_79 : vector<16xf32>
        %broadcast_in_dim3A_81 = arith.constant 6 : i32
        %broadcast_in_dim3A_82 = vector.broadcast %broadcast_in_dim3A_81 : i32 to vector<16xi32>
        %gather3A_83 = tpu.vector_load_idx %arg14[%add3A_38, %broadcast_in_dim3A_82] : memref<64x16xf32, #tpu.memory_space<vmem>>[vector<16xi32>, vector<16xi32>], vector<16xf32>,
        %gather3A_84 = tpu.vector_load_idx %arg13[%add3A_38, %broadcast_in_dim3A_82] : memref<64x16xf32, #tpu.memory_space<vmem>>[vector<16xi32>, vector<16xi32>], vector<16xf32>,
        %mul3A_85 = arith.mulf %gather3A_83, %gather3A_84 : vector<16xf32>
        %add3A_86 = arith.addf %add3A_80, %mul3A_85 : vector<16xf32>
        %broadcast_in_dim3A_87 = arith.constant 7 : i32
        %broadcast_in_dim3A_88 = vector.broadcast %broadcast_in_dim3A_87 : i32 to vector<16xi32>
        %gather3A_89 = tpu.vector_load_idx %arg14[%add3A_38, %broadcast_in_dim3A_88] : memref<64x16xf32, #tpu.memory_space<vmem>>[vector<16xi32>, vector<16xi32>], vector<16xf32>,
        %gather3A_90 = tpu.vector_load_idx %arg13[%add3A_38, %broadcast_in_dim3A_88] : memref<64x16xf32, #tpu.memory_space<vmem>>[vector<16xi32>, vector<16xi32>], vector<16xf32>,
        %mul3A_91 = arith.mulf %gather3A_89, %gather3A_90 : vector<16xf32>
        %add3A_92 = arith.addf %add3A_86, %mul3A_91 : vector<16xf32>
        %broadcast_in_dim3A_93 = arith.constant 8 : i32
        %broadcast_in_dim3A_94 = vector.broadcast %broadcast_in_dim3A_93 : i32 to vector<16xi32>
        %gather3A_95 = tpu.vector_load_idx %arg14[%add3A_38, %broadcast_in_dim3A_94] : memref<64x16xf32, #tpu.memory_space<vmem>>[vector<16xi32>, vector<16xi32>], vector<16xf32>,
        %gather3A_96 = tpu.vector_load_idx %arg13[%add3A_38, %broadcast_in_dim3A_94] : memref<64x16xf32, #tpu.memory_space<vmem>>[vector<16xi32>, vector<16xi32>], vector<16xf32>,
        %mul3A_97 = arith.mulf %gather3A_95, %gather3A_96 : vector<16xf32>
        %add3A_98 = arith.addf %add3A_92, %mul3A_97 : vector<16xf32>
        %broadcast_in_dim3A_99 = arith.constant 9 : i32
        %broadcast_in_dim3A_100 = vector.broadcast %broadcast_in_dim3A_99 : i32 to vector<16xi32>
        %gather3A_101 = tpu.vector_load_idx %arg14[%add3A_38, %broadcast_in_dim3A_100] : memref<64x16xf32, #tpu.memory_space<vmem>>[vector<16xi32>, vector<16xi32>], vector<16xf32>,
        %gather3A_102 = tpu.vector_load_idx %arg13[%add3A_38, %broadcast_in_dim3A_100] : memref<64x16xf32, #tpu.memory_space<vmem>>[vector<16xi32>, vector<16xi32>], vector<16xf32>,
        %mul3A_103 = arith.mulf %gather3A_101, %gather3A_102 : vector<16xf32>
        %add3A_104 = arith.addf %add3A_98, %mul3A_103 : vector<16xf32>
        %broadcast_in_dim3A_105 = arith.constant 10 : i32
        %broadcast_in_dim3A_106 = vector.broadcast %broadcast_in_dim3A_105 : i32 to vector<16xi32>
        %gather3A_107 = tpu.vector_load_idx %arg14[%add3A_38, %broadcast_in_dim3A_106] : memref<64x16xf32, #tpu.memory_space<vmem>>[vector<16xi32>, vector<16xi32>], vector<16xf32>,
        %gather3A_108 = tpu.vector_load_idx %arg13[%add3A_38, %broadcast_in_dim3A_106] : memref<64x16xf32, #tpu.memory_space<vmem>>[vector<16xi32>, vector<16xi32>], vector<16xf32>,
        %mul3A_109 = arith.mulf %gather3A_107, %gather3A_108 : vector<16xf32>
        %add3A_110 = arith.addf %add3A_104, %mul3A_109 : vector<16xf32>
        %broadcast_in_dim3A_111 = arith.constant 11 : i32
        %broadcast_in_dim3A_112 = vector.broadcast %broadcast_in_dim3A_111 : i32 to vector<16xi32>
        %gather3A_113 = tpu.vector_load_idx %arg14[%add3A_38, %broadcast_in_dim3A_112] : memref<64x16xf32, #tpu.memory_space<vmem>>[vector<16xi32>, vector<16xi32>], vector<16xf32>,
        %gather3A_114 = tpu.vector_load_idx %arg13[%add3A_38, %broadcast_in_dim3A_112] : memref<64x16xf32, #tpu.memory_space<vmem>>[vector<16xi32>, vector<16xi32>], vector<16xf32>,
        %mul3A_115 = arith.mulf %gather3A_113, %gather3A_114 : vector<16xf32>
        %add3A_116 = arith.addf %add3A_110, %mul3A_115 : vector<16xf32>
        %broadcast_in_dim3A_117 = arith.constant 12 : i32
        %broadcast_in_dim3A_118 = vector.broadcast %broadcast_in_dim3A_117 : i32 to vector<16xi32>
        %gather3A_119 = tpu.vector_load_idx %arg14[%add3A_38, %broadcast_in_dim3A_118] : memref<64x16xf32, #tpu.memory_space<vmem>>[vector<16xi32>, vector<16xi32>], vector<16xf32>,
        %gather3A_120 = tpu.vector_load_idx %arg13[%add3A_38, %broadcast_in_dim3A_118] : memref<64x16xf32, #tpu.memory_space<vmem>>[vector<16xi32>, vector<16xi32>], vector<16xf32>,
        %mul3A_121 = arith.mulf %gather3A_119, %gather3A_120 : vector<16xf32>
        %add3A_122 = arith.addf %add3A_116, %mul3A_121 : vector<16xf32>
        %broadcast_in_dim3A_123 = arith.constant 13 : i32
        %broadcast_in_dim3A_124 = vector.broadcast %broadcast_in_dim3A_123 : i32 to vector<16xi32>
        %gather3A_125 = tpu.vector_load_idx %arg14[%add3A_38, %broadcast_in_dim3A_124] : memref<64x16xf32, #tpu.memory_space<vmem>>[vector<16xi32>, vector<16xi32>], vector<16xf32>,
        %gather3A_126 = tpu.vector_load_idx %arg13[%add3A_38, %broadcast_in_dim3A_124] : memref<64x16xf32, #tpu.memory_space<vmem>>[vector<16xi32>, vector<16xi32>], vector<16xf32>,
        %mul3A_127 = arith.mulf %gather3A_125, %gather3A_126 : vector<16xf32>
        %add3A_128 = arith.addf %add3A_122, %mul3A_127 : vector<16xf32>
        %broadcast_in_dim3A_129 = arith.constant 14 : i32
        %broadcast_in_dim3A_130 = vector.broadcast %broadcast_in_dim3A_129 : i32 to vector<16xi32>
        %gather3A_131 = tpu.vector_load_idx %arg14[%add3A_38, %broadcast_in_dim3A_130] : memref<64x16xf32, #tpu.memory_space<vmem>>[vector<16xi32>, vector<16xi32>], vector<16xf32>,
        %gather3A_132 = tpu.vector_load_idx %arg13[%add3A_38, %broadcast_in_dim3A_130] : memref<64x16xf32, #tpu.memory_space<vmem>>[vector<16xi32>, vector<16xi32>], vector<16xf32>,
        %mul3A_133 = arith.mulf %gather3A_131, %gather3A_132 : vector<16xf32>
        %add3A_134 = arith.addf %add3A_128, %mul3A_133 : vector<16xf32>
        %broadcast_in_dim3A_135 = arith.constant 15 : i32
        %broadcast_in_dim3A_136 = vector.broadcast %broadcast_in_dim3A_135 : i32 to vector<16xi32>
        %gather3A_137 = tpu.vector_load_idx %arg14[%add3A_38, %broadcast_in_dim3A_136] : memref<64x16xf32, #tpu.memory_space<vmem>>[vector<16xi32>, vector<16xi32>], vector<16xf32>,
        %gather3A_138 = tpu.vector_load_idx %arg13[%add3A_38, %broadcast_in_dim3A_136] : memref<64x16xf32, #tpu.memory_space<vmem>>[vector<16xi32>, vector<16xi32>], vector<16xf32>,
        %mul3A_139 = arith.mulf %gather3A_137, %gather3A_138 : vector<16xf32>
        %add3A_140 = arith.addf %add3A_134, %mul3A_139 : vector<16xf32>
        %mul3A_141 = arith.constant 6.250000e-02 : f32
        %mul3A_142 = vector.broadcast %mul3A_141 : f32 to vector<16xf32>
        %mul3A_143 = arith.mulf %add3A_140, %mul3A_142 : vector<16xf32>
        %exp3A = math.exp %mul3A_143 : vector<16xf32>
        %mul3A_144 = arith.constant 16 : i32
        %mul3A_145 = arith.muli %scan3A_34, %mul3A_144 : i32
        %add3A_146 = arith.addi %add3A_11, %mul3A_145 : i32
        %add3A_147 = vector.broadcast %add3A_146 : i32 to vector<16xi32>
        %add3A_148 = arith.addi %add3A_147, %iota3A : vector<16xi32>
        %lt3A = arith.constant 160000 : i32
        %lt3A_149 = vector.broadcast %lt3A : i32 to vector<16xi32>
        %lt3A_150 = arith.cmpi slt, %add3A_148, %lt3A_149 : vector<16xi32>
        %jit3A = arith.constant 0.000000e+00 : f32
        %broadcast_in_dim3A_151 = vector.broadcast %jit3A : f32 to vector<16xf32>
        %select_n3A = arith.select %lt3A_150, %exp3A, %broadcast_in_dim3A_151 : vector<16xi1>, vector<16xf32>
        %mul3A_152 = arith.constant 64 : i32
        %mul3A_153 = arith.muli %scan3A_8, %mul3A_152 : i32
        %mul3A_154 = arith.constant 16 : i32
        %mul3A_155 = arith.muli %scan3A_34, %mul3A_154 : i32
        %add3A_156 = arith.addi %mul3A_153, %mul3A_155 : i32
        %swap3A = arith.index_cast %add3A_156 : i32 to index
        %swap3A_157 = tpu.vector_load %arg15[%swap3A] {strides = array<i32>} : memref<5120xf32, #tpu.memory_space<vmem>>, vector<16xf32>,
        tpu.vector_store %arg15[%swap3A], %select_n3A {strides = array<i32>} : memref<5120xf32, #tpu.memory_space<vmem>>, vector<16xf32>,
      }
      %scan3A_33 = arith.constant 4 : i32
    }
    %scan3A_7 = arith.constant 80 : i32
    "tpu.region"() ({
      %run_scoped3A = tpu.sem_alloc : memref<!tpu.dma_semaphore, #tpu.memory_space<semaphore_mem>>
      %dma_start3A = tpu.memref_slice %arg8[%mul3A_2] : memref<163840xf32, #tpu.memory_space<hbm>> -> memref<5120xf32, #tpu.memory_space<hbm>>
      %dma_start3A_8 = tpu.memref_slice %arg8[%mul3A_2] : memref<163840xf32, #tpu.memory_space<hbm>> -> memref<5120xf32, #tpu.memory_space<hbm>>
      tpu.enqueue_dma source(%arg15 : memref<5120xf32, #tpu.memory_space<vmem>>) target(%dma_start3A_8 : memref<5120xf32, #tpu.memory_space<hbm>>) target_semaphore(%run_scoped3A : memref<!tpu.dma_semaphore, #tpu.memory_space<semaphore_mem>>)
      %dma_wait3A = tpu.memref_slice %arg8[%mul3A_2] : memref<163840xf32, #tpu.memory_space<hbm>> -> memref<5120xf32, #tpu.memory_space<hbm>>
      %dma_wait3A_9 = tpu.memref_slice %arg8[%mul3A_2] : memref<163840xf32, #tpu.memory_space<hbm>> -> memref<5120xf32, #tpu.memory_space<hbm>>
      tpu.wait_dma2 semaphore(%run_scoped3A : memref<!tpu.dma_semaphore, #tpu.memory_space<semaphore_mem>>) src(%arg15 : memref<5120xf32, #tpu.memory_space<vmem>>) dst(%dma_wait3A_9 : memref<5120xf32, #tpu.memory_space<hbm>>)
      tpu.yield
    }) : () -> ()
    return
  }
}

module attributes {stable_mosaic.version = 14 : i64} {
  func.func @_prologue_body(%arg0: i32, %arg1: memref<1000x96xf32, #tpu.memory_space<vmem>>, %arg2: memref<1000x4xf32, #tpu.memory_space<vmem>>, %arg3: memref<1000x6xf32, #tpu.memory_space<vmem>>, %arg4: memref<96x256xf32, #tpu.memory_space<vmem>>, %arg5: memref<1x256xf32, #tpu.memory_space<vmem>>, %arg6: memref<256x256xf32, #tpu.memory_space<vmem>>, %arg7: memref<4x256xf32, #tpu.memory_space<vmem>>, %arg8: memref<6x256xf32, #tpu.memory_space<vmem>>, %arg9: memref<1x256xf32, #tpu.memory_space<vmem>>, %arg10: memref<1x256xf32, #tpu.memory_space<vmem>>, %arg11: memref<1x256xf32, #tpu.memory_space<vmem>>, %arg12: memref<1000x256xf32, #tpu.memory_space<vmem>>) attributes {dimension_semantics = [#tpu.dimension_semantics<arbitrary>], iteration_bounds = array<i64: 10>, scalar_prefetch = 0 : i64, scratch_operands = 0 : i64, tpu.core_type = #tpu.core_type<tc>, window_params = [{transform_indices = @transform_0, window_bounds = array<i64: 1000, 96>}, {transform_indices = @transform_1, window_bounds = array<i64: 1000, 4>}, {transform_indices = @transform_2, window_bounds = array<i64: 1000, 6>}, {pipeline_mode = #tpu.pipeline_mode<synchronous>, transform_indices = @transform_3, window_bounds = array<i64: 96, 256>}, {pipeline_mode = #tpu.pipeline_mode<synchronous>, transform_indices = @transform_4, window_bounds = array<i64: 1, 256>}, {pipeline_mode = #tpu.pipeline_mode<synchronous>, transform_indices = @transform_5, window_bounds = array<i64: 256, 256>}, {pipeline_mode = #tpu.pipeline_mode<synchronous>, transform_indices = @transform_6, window_bounds = array<i64: 4, 256>}, {pipeline_mode = #tpu.pipeline_mode<synchronous>, transform_indices = @transform_7, window_bounds = array<i64: 6, 256>}, {pipeline_mode = #tpu.pipeline_mode<synchronous>, transform_indices = @transform_8, window_bounds = array<i64: 1, 256>}, {pipeline_mode = #tpu.pipeline_mode<synchronous>, transform_indices = @transform_9, window_bounds = array<i64: 1, 256>}, {pipeline_mode = #tpu.pipeline_mode<synchronous>, transform_indices = @transform_10, window_bounds = array<i64: 1, 256>}, {transform_indices = @transform_11, window_bounds = array<i64: 1000, 256>}]} {
    %get3A = arith.constant 0 : index
    %get3A_0 = arith.constant 0 : index
    %get3A_1 = vector.load %arg1[%get3A, %get3A_0] : memref<1000x96xf32, #tpu.memory_space<vmem>>, vector<1000x96xf32>
    %get3A_2 = arith.constant 0 : index
    %get3A_3 = arith.constant 0 : index
    %get3A_4 = vector.load %arg4[%get3A_2, %get3A_3] : memref<96x256xf32, #tpu.memory_space<vmem>>, vector<96x256xf32>
    %dot_general3A = arith.constant dense<0.000000e+00> : vector<1000x256xf32>
    %dot_general3A_5 = tpu.matmul %get3A_1, %get3A_4, %dot_general3A {dimension_numbers = #tpu.dot_dimension_numbers<[1], [0], [0], [1], [0, 0, 1, 1], [], []>, transpose_lhs_hint = false} : vector<1000x96xf32>, vector<96x256xf32>, vector<1000x256xf32> -> vector<1000x256xf32>
    %get3A_6 = arith.constant 0 : index
    %get3A_7 = arith.constant 0 : index
    %get3A_8 = vector.load %arg5[%get3A_6, %get3A_7] : memref<1x256xf32, #tpu.memory_space<vmem>>, vector<1x256xf32>
    %add3A = vector.broadcast %get3A_8 : vector<1x256xf32> to vector<1000x256xf32>
    %add3A_9 = arith.addf %dot_general3A_5, %add3A : vector<1000x256xf32>
    %get3A_10 = arith.constant 0 : index
    %get3A_11 = arith.constant 0 : index
    %get3A_12 = vector.load %arg6[%get3A_10, %get3A_11] : memref<256x256xf32, #tpu.memory_space<vmem>>, vector<256x256xf32>
    %dot_general3A_13 = arith.constant dense<0.000000e+00> : vector<1000x256xf32>
    %dot_general3A_14 = tpu.matmul %add3A_9, %get3A_12, %dot_general3A_13 {dimension_numbers = #tpu.dot_dimension_numbers<[1], [0], [0], [1], [0, 0, 1, 1], [], []>, transpose_lhs_hint = false} : vector<1000x256xf32>, vector<256x256xf32>, vector<1000x256xf32> -> vector<1000x256xf32>
    %get3A_15 = arith.constant 0 : index
    %get3A_16 = arith.constant 0 : index
    %get3A_17 = vector.load %arg2[%get3A_15, %get3A_16] : memref<1000x4xf32, #tpu.memory_space<vmem>>, vector<1000x4xf32>
    %get3A_18 = arith.constant 0 : index
    %get3A_19 = arith.constant 0 : index
    %get3A_20 = vector.load %arg7[%get3A_18, %get3A_19] : memref<4x256xf32, #tpu.memory_space<vmem>>, vector<4x256xf32>
    %dot_general3A_21 = arith.constant dense<0.000000e+00> : vector<1000x256xf32>
    %dot_general3A_22 = tpu.matmul %get3A_17, %get3A_20, %dot_general3A_21 {dimension_numbers = #tpu.dot_dimension_numbers<[1], [0], [0], [1], [0, 0, 1, 1], [], []>, transpose_lhs_hint = false} : vector<1000x4xf32>, vector<4x256xf32>, vector<1000x256xf32> -> vector<1000x256xf32>
    %add3A_23 = arith.addf %dot_general3A_14, %dot_general3A_22 : vector<1000x256xf32>
    %get3A_24 = arith.constant 0 : index
    %get3A_25 = arith.constant 0 : index
    %get3A_26 = vector.load %arg3[%get3A_24, %get3A_25] : memref<1000x6xf32, #tpu.memory_space<vmem>>, vector<1000x6xf32>
    %get3A_27 = arith.constant 0 : index
    %get3A_28 = arith.constant 0 : index
    %get3A_29 = vector.load %arg8[%get3A_27, %get3A_28] : memref<6x256xf32, #tpu.memory_space<vmem>>, vector<6x256xf32>
    %dot_general3A_30 = arith.constant dense<0.000000e+00> : vector<1000x256xf32>
    %dot_general3A_31 = tpu.matmul %get3A_26, %get3A_29, %dot_general3A_30 {dimension_numbers = #tpu.dot_dimension_numbers<[1], [0], [0], [1], [0, 0, 1, 1], [], []>, transpose_lhs_hint = false} : vector<1000x6xf32>, vector<6x256xf32>, vector<1000x256xf32> -> vector<1000x256xf32>
    %add3A_32 = arith.addf %add3A_23, %dot_general3A_31 : vector<1000x256xf32>
    %get3A_33 = arith.constant 0 : index
    %get3A_34 = arith.constant 0 : index
    %get3A_35 = vector.load %arg9[%get3A_33, %get3A_34] : memref<1x256xf32, #tpu.memory_space<vmem>>, vector<1x256xf32>
    %add3A_36 = vector.broadcast %get3A_35 : vector<1x256xf32> to vector<1000x256xf32>
    %add3A_37 = arith.addf %add3A_32, %add3A_36 : vector<1000x256xf32>
    %reduce_sum3A = arith.constant dense<0.000000e+00> : vector<1000xf32>
    %reduce_sum3A_38 = vector.multi_reduction <add>, %add3A_37, %reduce_sum3A [1] : vector<1000x256xf32> to vector<1000xf32>
    %broadcast_in_dim3A = vector.shape_cast %reduce_sum3A_38 : vector<1000xf32> to vector<1000x1xf32>
    %div3A = arith.constant 2.560000e+02 : f32
    %div3A_39 = vector.broadcast %div3A : f32 to vector<1000x1xf32>
    %div3A_40 = arith.divf %broadcast_in_dim3A, %div3A_39 : vector<1000x1xf32>
    %sub3A = vector.broadcast %div3A_40 : vector<1000x1xf32> to vector<1000x256xf32>
    %sub3A_41 = arith.subf %add3A_37, %sub3A : vector<1000x256xf32>
    %integer_pow3A = arith.mulf %sub3A_41, %sub3A_41 : vector<1000x256xf32>
    %reduce_sum3A_42 = arith.constant dense<0.000000e+00> : vector<1000xf32>
    %reduce_sum3A_43 = vector.multi_reduction <add>, %integer_pow3A, %reduce_sum3A_42 [1] : vector<1000x256xf32> to vector<1000xf32>
    %broadcast_in_dim3A_44 = vector.shape_cast %reduce_sum3A_43 : vector<1000xf32> to vector<1000x1xf32>
    %div3A_45 = arith.constant 2.560000e+02 : f32
    %div3A_46 = vector.broadcast %div3A_45 : f32 to vector<1000x1xf32>
    %div3A_47 = arith.divf %broadcast_in_dim3A_44, %div3A_46 : vector<1000x1xf32>
    %sub3A_48 = vector.broadcast %div3A_40 : vector<1000x1xf32> to vector<1000x256xf32>
    %sub3A_49 = arith.subf %add3A_37, %sub3A_48 : vector<1000x256xf32>
    %add3A_50 = arith.constant 9.99999974E-6 : f32
    %add3A_51 = vector.broadcast %add3A_50 : f32 to vector<1000x1xf32>
    %add3A_52 = arith.addf %div3A_47, %add3A_51 : vector<1000x1xf32>
    %rsqrt3A = math.rsqrt %add3A_52 : vector<1000x1xf32>
    %mul3A = vector.broadcast %rsqrt3A : vector<1000x1xf32> to vector<1000x256xf32>
    %mul3A_53 = arith.mulf %sub3A_49, %mul3A : vector<1000x256xf32>
    %get3A_54 = arith.constant 0 : index
    %get3A_55 = arith.constant 0 : index
    %get3A_56 = vector.load %arg10[%get3A_54, %get3A_55] : memref<1x256xf32, #tpu.memory_space<vmem>>, vector<1x256xf32>
    %mul3A_57 = vector.broadcast %get3A_56 : vector<1x256xf32> to vector<1000x256xf32>
    %mul3A_58 = arith.mulf %mul3A_53, %mul3A_57 : vector<1000x256xf32>
    %get3A_59 = arith.constant 0 : index
    %get3A_60 = arith.constant 0 : index
    %get3A_61 = vector.load %arg11[%get3A_59, %get3A_60] : memref<1x256xf32, #tpu.memory_space<vmem>>, vector<1x256xf32>
    %add3A_62 = vector.broadcast %get3A_61 : vector<1x256xf32> to vector<1000x256xf32>
    %add3A_63 = arith.addf %mul3A_58, %add3A_62 : vector<1000x256xf32>
    %max3A = arith.constant 0.000000e+00 : f32
    %max3A_64 = vector.broadcast %max3A : f32 to vector<1000x256xf32>
    %max3A_65 = arith.maximumf %add3A_63, %max3A_64 : vector<1000x256xf32>
    %swap3A = arith.constant 0 : index
    %swap3A_66 = arith.constant 0 : index
    %swap3A_67 = vector.load %arg12[%swap3A, %swap3A_66] : memref<1000x256xf32, #tpu.memory_space<vmem>>, vector<1000x256xf32>
    tpu.vector_store %arg12[%swap3A, %swap3A_66], %max3A_65 {strides = array<i32>} : memref<1000x256xf32, #tpu.memory_space<vmem>>, vector<1000x256xf32>,
    return
  }
  func.func @transform_0(%arg0: i32) -> (i32, i32) {
    %c0_i32 = arith.constant 0 : i32
    %c0_i32_0 = arith.constant 0 : i32
    return %arg0, %c0_i32 : i32, i32
  }
  func.func @transform_1(%arg0: i32) -> (i32, i32) {
    %c0_i32 = arith.constant 0 : i32
    %c0_i32_0 = arith.constant 0 : i32
    return %arg0, %c0_i32 : i32, i32
  }
  func.func @transform_2(%arg0: i32) -> (i32, i32) {
    %c0_i32 = arith.constant 0 : i32
    %c0_i32_0 = arith.constant 0 : i32
    return %arg0, %c0_i32 : i32, i32
  }
  func.func @transform_3(%arg0: i32) -> (i32, i32) {
    %c0_i32 = arith.constant 0 : i32
    %c0_i32_0 = arith.constant 0 : i32
    %c0_i32_1 = arith.constant 0 : i32
    return %c0_i32, %c0_i32_0 : i32, i32
  }
  func.func @transform_4(%arg0: i32) -> (i32, i32) {
    %c0_i32 = arith.constant 0 : i32
    %c0_i32_0 = arith.constant 0 : i32
    %c0_i32_1 = arith.constant 0 : i32
    return %c0_i32, %c0_i32_0 : i32, i32
  }
  func.func @transform_5(%arg0: i32) -> (i32, i32) {
    %c0_i32 = arith.constant 0 : i32
    %c0_i32_0 = arith.constant 0 : i32
    %c0_i32_1 = arith.constant 0 : i32
    return %c0_i32, %c0_i32_0 : i32, i32
  }
  func.func @transform_6(%arg0: i32) -> (i32, i32) {
    %c0_i32 = arith.constant 0 : i32
    %c0_i32_0 = arith.constant 0 : i32
    %c0_i32_1 = arith.constant 0 : i32
    return %c0_i32, %c0_i32_0 : i32, i32
  }
  func.func @transform_7(%arg0: i32) -> (i32, i32) {
    %c0_i32 = arith.constant 0 : i32
    %c0_i32_0 = arith.constant 0 : i32
    %c0_i32_1 = arith.constant 0 : i32
    return %c0_i32, %c0_i32_0 : i32, i32
  }
  func.func @transform_8(%arg0: i32) -> (i32, i32) {
    %c0_i32 = arith.constant 0 : i32
    %c0_i32_0 = arith.constant 0 : i32
    %c0_i32_1 = arith.constant 0 : i32
    return %c0_i32, %c0_i32_0 : i32, i32
  }
  func.func @transform_9(%arg0: i32) -> (i32, i32) {
    %c0_i32 = arith.constant 0 : i32
    %c0_i32_0 = arith.constant 0 : i32
    %c0_i32_1 = arith.constant 0 : i32
    return %c0_i32, %c0_i32_0 : i32, i32
  }
  func.func @transform_10(%arg0: i32) -> (i32, i32) {
    %c0_i32 = arith.constant 0 : i32
    %c0_i32_0 = arith.constant 0 : i32
    %c0_i32_1 = arith.constant 0 : i32
    return %c0_i32, %c0_i32_0 : i32, i32
  }
  func.func @transform_11(%arg0: i32) -> (i32, i32) {
    %c0_i32 = arith.constant 0 : i32
    %c0_i32_0 = arith.constant 0 : i32
    return %arg0, %c0_i32 : i32, i32
  }
}

module attributes {stable_mosaic.version = 14 : i64} {
  func.func @_stageq_body(%arg0: i32, %arg1: memref<1000x256xf32, #tpu.memory_space<vmem>>, %arg2: memref<256x256xf32, #tpu.memory_space<vmem>>, %arg3: memref<1x256xf32, #tpu.memory_space<vmem>>, %arg4: memref<256x256xf32, #tpu.memory_space<vmem>>, %arg5: memref<1x256xf32, #tpu.memory_space<vmem>>, %arg6: memref<256x256xf32, #tpu.memory_space<vmem>>, %arg7: memref<1x256xf32, #tpu.memory_space<vmem>>, %arg8: memref<256x16xf32, #tpu.memory_space<vmem>>, %arg9: memref<1000x256xf32, #tpu.memory_space<vmem>>, %arg10: memref<1000x256xf32, #tpu.memory_space<vmem>>, %arg11: memref<1000x16xf32, #tpu.memory_space<vmem>>, %arg12: memref<1000x128xf32, #tpu.memory_space<vmem>>, %arg13: memref<1000x128xf32, #tpu.memory_space<vmem>>) attributes {dimension_semantics = [#tpu.dimension_semantics<arbitrary>], iteration_bounds = array<i64: 10>, scalar_prefetch = 0 : i64, scratch_operands = 0 : i64, tpu.core_type = #tpu.core_type<tc>, window_params = [{transform_indices = @transform_0, window_bounds = array<i64: 1000, 256>}, {pipeline_mode = #tpu.pipeline_mode<synchronous>, transform_indices = @transform_1, window_bounds = array<i64: 256, 256>}, {pipeline_mode = #tpu.pipeline_mode<synchronous>, transform_indices = @transform_2, window_bounds = array<i64: 1, 256>}, {pipeline_mode = #tpu.pipeline_mode<synchronous>, transform_indices = @transform_3, window_bounds = array<i64: 256, 256>}, {pipeline_mode = #tpu.pipeline_mode<synchronous>, transform_indices = @transform_4, window_bounds = array<i64: 1, 256>}, {pipeline_mode = #tpu.pipeline_mode<synchronous>, transform_indices = @transform_5, window_bounds = array<i64: 256, 256>}, {pipeline_mode = #tpu.pipeline_mode<synchronous>, transform_indices = @transform_6, window_bounds = array<i64: 1, 256>}, {pipeline_mode = #tpu.pipeline_mode<synchronous>, transform_indices = @transform_7, window_bounds = array<i64: 256, 16>}, {transform_indices = @transform_8, window_bounds = array<i64: 1000, 256>}, {transform_indices = @transform_9, window_bounds = array<i64: 1000, 256>}, {transform_indices = @transform_10, window_bounds = array<i64: 1000, 16>}, {transform_indices = @transform_11, window_bounds = array<i64: 1000, 128>}, {transform_indices = @transform_12, window_bounds = array<i64: 1000, 128>}]} {
    %get3A = arith.constant 0 : index
    %get3A_0 = arith.constant 0 : index
    %get3A_1 = vector.load %arg1[%get3A, %get3A_0] : memref<1000x256xf32, #tpu.memory_space<vmem>>, vector<1000x256xf32>
    %get3A_2 = arith.constant 0 : index
    %get3A_3 = arith.constant 0 : index
    %get3A_4 = vector.load %arg2[%get3A_2, %get3A_3] : memref<256x256xf32, #tpu.memory_space<vmem>>, vector<256x256xf32>
    %dot_general3A = arith.constant dense<0.000000e+00> : vector<1000x256xf32>
    %dot_general3A_5 = tpu.matmul %get3A_1, %get3A_4, %dot_general3A {dimension_numbers = #tpu.dot_dimension_numbers<[1], [0], [0], [1], [0, 0, 1, 1], [], []>, transpose_lhs_hint = false} : vector<1000x256xf32>, vector<256x256xf32>, vector<1000x256xf32> -> vector<1000x256xf32>
    %get3A_6 = arith.constant 0 : index
    %get3A_7 = arith.constant 0 : index
    %get3A_8 = vector.load %arg3[%get3A_6, %get3A_7] : memref<1x256xf32, #tpu.memory_space<vmem>>, vector<1x256xf32>
    %add3A = vector.broadcast %get3A_8 : vector<1x256xf32> to vector<1000x256xf32>
    %add3A_9 = arith.addf %dot_general3A_5, %add3A : vector<1000x256xf32>
    %get3A_10 = arith.constant 0 : index
    %get3A_11 = arith.constant 0 : index
    %get3A_12 = vector.load %arg4[%get3A_10, %get3A_11] : memref<256x256xf32, #tpu.memory_space<vmem>>, vector<256x256xf32>
    %dot_general3A_13 = arith.constant dense<0.000000e+00> : vector<1000x256xf32>
    %dot_general3A_14 = tpu.matmul %get3A_1, %get3A_12, %dot_general3A_13 {dimension_numbers = #tpu.dot_dimension_numbers<[1], [0], [0], [1], [0, 0, 1, 1], [], []>, transpose_lhs_hint = false} : vector<1000x256xf32>, vector<256x256xf32>, vector<1000x256xf32> -> vector<1000x256xf32>
    %get3A_15 = arith.constant 0 : index
    %get3A_16 = arith.constant 0 : index
    %get3A_17 = vector.load %arg5[%get3A_15, %get3A_16] : memref<1x256xf32, #tpu.memory_space<vmem>>, vector<1x256xf32>
    %add3A_18 = vector.broadcast %get3A_17 : vector<1x256xf32> to vector<1000x256xf32>
    %add3A_19 = arith.addf %dot_general3A_14, %add3A_18 : vector<1000x256xf32>
    %get3A_20 = arith.constant 0 : index
    %get3A_21 = arith.constant 0 : index
    %get3A_22 = vector.load %arg6[%get3A_20, %get3A_21] : memref<256x256xf32, #tpu.memory_space<vmem>>, vector<256x256xf32>
    %dot_general3A_23 = arith.constant dense<0.000000e+00> : vector<1000x256xf32>
    %dot_general3A_24 = tpu.matmul %get3A_1, %get3A_22, %dot_general3A_23 {dimension_numbers = #tpu.dot_dimension_numbers<[1], [0], [0], [1], [0, 0, 1, 1], [], []>, transpose_lhs_hint = false} : vector<1000x256xf32>, vector<256x256xf32>, vector<1000x256xf32> -> vector<1000x256xf32>
    %get3A_25 = arith.constant 0 : index
    %get3A_26 = arith.constant 0 : index
    %get3A_27 = vector.load %arg7[%get3A_25, %get3A_26] : memref<1x256xf32, #tpu.memory_space<vmem>>, vector<1x256xf32>
    %add3A_28 = vector.broadcast %get3A_27 : vector<1x256xf32> to vector<1000x256xf32>
    %add3A_29 = arith.addf %dot_general3A_24, %add3A_28 : vector<1000x256xf32>
    %swap3A = arith.constant 0 : index
    %swap3A_30 = arith.constant 0 : index
    %swap3A_31 = vector.load %arg9[%swap3A, %swap3A_30] : memref<1000x256xf32, #tpu.memory_space<vmem>>, vector<1000x256xf32>
    tpu.vector_store %arg9[%swap3A, %swap3A_30], %add3A_9 {strides = array<i32>} : memref<1000x256xf32, #tpu.memory_space<vmem>>, vector<1000x256xf32>,
    %swap3A_32 = arith.constant 0 : index
    %swap3A_33 = arith.constant 0 : index
    %swap3A_34 = vector.load %arg10[%swap3A_32, %swap3A_33] : memref<1000x256xf32, #tpu.memory_space<vmem>>, vector<1000x256xf32>
    tpu.vector_store %arg10[%swap3A_32, %swap3A_33], %add3A_19 {strides = array<i32>} : memref<1000x256xf32, #tpu.memory_space<vmem>>, vector<1000x256xf32>,
    %get3A_35 = arith.constant 0 : index
    %get3A_36 = arith.constant 0 : index
    %get3A_37 = vector.load %arg8[%get3A_35, %get3A_36] : memref<256x16xf32, #tpu.memory_space<vmem>>, vector<256x16xf32>
    %dot_general3A_38 = arith.constant dense<0.000000e+00> : vector<1000x16xf32>
    %dot_general3A_39 = tpu.matmul %add3A_9, %get3A_37, %dot_general3A_38 {dimension_numbers = #tpu.dot_dimension_numbers<[1], [0], [0], [1], [0, 0, 1, 1], [], []>, transpose_lhs_hint = false} : vector<1000x256xf32>, vector<256x16xf32>, vector<1000x16xf32> -> vector<1000x16xf32>
    %swap3A_40 = arith.constant 0 : index
    %swap3A_41 = arith.constant 0 : index
    %swap3A_42 = vector.load %arg11[%swap3A_40, %swap3A_41] : memref<1000x16xf32, #tpu.memory_space<vmem>>, vector<1000x16xf32>
    tpu.vector_store %arg11[%swap3A_40, %swap3A_41], %dot_general3A_39 {strides = array<i32>} : memref<1000x16xf32, #tpu.memory_space<vmem>>, vector<1000x16xf32>,
    %slice3A = vector.extract_strided_slice %add3A_29 {offsets = [0, 0], sizes = [1000, 128], strides = [1, 1]} : vector<1000x256xf32> to vector<1000x128xf32>
    %swap3A_43 = arith.constant 0 : index
    %swap3A_44 = arith.constant 0 : index
    %swap3A_45 = vector.load %arg12[%swap3A_43, %swap3A_44] : memref<1000x128xf32, #tpu.memory_space<vmem>>, vector<1000x128xf32>
    tpu.vector_store %arg12[%swap3A_43, %swap3A_44], %slice3A {strides = array<i32>} : memref<1000x128xf32, #tpu.memory_space<vmem>>, vector<1000x128xf32>,
    %slice3A_46 = vector.extract_strided_slice %add3A_29 {offsets = [0, 128], sizes = [1000, 128], strides = [1, 1]} : vector<1000x256xf32> to vector<1000x128xf32>
    %swap3A_47 = arith.constant 0 : index
    %swap3A_48 = arith.constant 0 : index
    %swap3A_49 = vector.load %arg13[%swap3A_47, %swap3A_48] : memref<1000x128xf32, #tpu.memory_space<vmem>>, vector<1000x128xf32>
    tpu.vector_store %arg13[%swap3A_47, %swap3A_48], %slice3A_46 {strides = array<i32>} : memref<1000x128xf32, #tpu.memory_space<vmem>>, vector<1000x128xf32>,
    return
  }
  func.func @transform_0(%arg0: i32) -> (i32, i32) {
    %c0_i32 = arith.constant 0 : i32
    %c0_i32_0 = arith.constant 0 : i32
    return %arg0, %c0_i32 : i32, i32
  }
  func.func @transform_1(%arg0: i32) -> (i32, i32) {
    %c0_i32 = arith.constant 0 : i32
    %c0_i32_0 = arith.constant 0 : i32
    %c0_i32_1 = arith.constant 0 : i32
    return %c0_i32, %c0_i32_0 : i32, i32
  }
  func.func @transform_2(%arg0: i32) -> (i32, i32) {
    %c0_i32 = arith.constant 0 : i32
    %c0_i32_0 = arith.constant 0 : i32
    %c0_i32_1 = arith.constant 0 : i32
    return %c0_i32, %c0_i32_0 : i32, i32
  }
  func.func @transform_3(%arg0: i32) -> (i32, i32) {
    %c0_i32 = arith.constant 0 : i32
    %c0_i32_0 = arith.constant 0 : i32
    %c0_i32_1 = arith.constant 0 : i32
    return %c0_i32, %c0_i32_0 : i32, i32
  }
  func.func @transform_4(%arg0: i32) -> (i32, i32) {
    %c0_i32 = arith.constant 0 : i32
    %c0_i32_0 = arith.constant 0 : i32
    %c0_i32_1 = arith.constant 0 : i32
    return %c0_i32, %c0_i32_0 : i32, i32
  }
  func.func @transform_5(%arg0: i32) -> (i32, i32) {
    %c0_i32 = arith.constant 0 : i32
    %c0_i32_0 = arith.constant 0 : i32
    %c0_i32_1 = arith.constant 0 : i32
    return %c0_i32, %c0_i32_0 : i32, i32
  }
  func.func @transform_6(%arg0: i32) -> (i32, i32) {
    %c0_i32 = arith.constant 0 : i32
    %c0_i32_0 = arith.constant 0 : i32
    %c0_i32_1 = arith.constant 0 : i32
    return %c0_i32, %c0_i32_0 : i32, i32
  }
  func.func @transform_7(%arg0: i32) -> (i32, i32) {
    %c0_i32 = arith.constant 0 : i32
    %c0_i32_0 = arith.constant 0 : i32
    %c0_i32_1 = arith.constant 0 : i32
    return %c0_i32, %c0_i32_0 : i32, i32
  }
  func.func @transform_8(%arg0: i32) -> (i32, i32) {
    %c0_i32 = arith.constant 0 : i32
    %c0_i32_0 = arith.constant 0 : i32
    return %arg0, %c0_i32 : i32, i32
  }
  func.func @transform_9(%arg0: i32) -> (i32, i32) {
    %c0_i32 = arith.constant 0 : i32
    %c0_i32_0 = arith.constant 0 : i32
    return %arg0, %c0_i32 : i32, i32
  }
  func.func @transform_10(%arg0: i32) -> (i32, i32) {
    %c0_i32 = arith.constant 0 : i32
    %c0_i32_0 = arith.constant 0 : i32
    return %arg0, %c0_i32 : i32, i32
  }
  func.func @transform_11(%arg0: i32) -> (i32, i32) {
    %c0_i32 = arith.constant 0 : i32
    %c0_i32_0 = arith.constant 0 : i32
    return %arg0, %c0_i32 : i32, i32
  }
  func.func @transform_12(%arg0: i32) -> (i32, i32) {
    %c0_i32 = arith.constant 0 : i32
    %c0_i32_0 = arith.constant 0 : i32
    return %arg0, %c0_i32 : i32, i32
  }
}

module attributes {stable_mosaic.version = 14 : i64} {
  func.func @_epilogue_body(%arg0: i32, %arg1: memref<1000x256xf32, #tpu.memory_space<vmem>>, %arg2: memref<1000x128xf32, #tpu.memory_space<vmem>>, %arg3: memref<1000x128xf32, #tpu.memory_space<vmem>>, %arg4: memref<1000x32xf32, #tpu.memory_space<vmem>>, %arg5: memref<16x256xf32, #tpu.memory_space<vmem>>, %arg6: memref<256x256xf32, #tpu.memory_space<vmem>>, %arg7: memref<1x256xf32, #tpu.memory_space<vmem>>, %arg8: memref<1000x256xf32, #tpu.memory_space<vmem>>) attributes {dimension_semantics = [#tpu.dimension_semantics<arbitrary>], iteration_bounds = array<i64: 10>, scalar_prefetch = 0 : i64, scratch_operands = 0 : i64, tpu.core_type = #tpu.core_type<tc>, window_params = [{transform_indices = @transform_0, window_bounds = array<i64: 1000, 256>}, {transform_indices = @transform_1, window_bounds = array<i64: 1000, 128>}, {transform_indices = @transform_2, window_bounds = array<i64: 1000, 128>}, {transform_indices = @transform_3, window_bounds = array<i64: 1000, 32>}, {pipeline_mode = #tpu.pipeline_mode<synchronous>, transform_indices = @transform_4, window_bounds = array<i64: 16, 256>}, {pipeline_mode = #tpu.pipeline_mode<synchronous>, transform_indices = @transform_5, window_bounds = array<i64: 256, 256>}, {pipeline_mode = #tpu.pipeline_mode<synchronous>, transform_indices = @transform_6, window_bounds = array<i64: 1, 256>}, {transform_indices = @transform_7, window_bounds = array<i64: 1000, 256>}]} {
    %get3A = arith.constant 0 : index
    %get3A_0 = arith.constant 0 : index
    %get3A_1 = vector.load %arg1[%get3A, %get3A_0] : memref<1000x256xf32, #tpu.memory_space<vmem>>, vector<1000x256xf32>
    %get3A_2 = arith.constant 0 : index
    %get3A_3 = arith.constant 0 : index
    %get3A_4 = vector.load %arg4[%get3A_2, %get3A_3] : memref<1000x32xf32, #tpu.memory_space<vmem>>, vector<1000x32xf32>
    %slice3A = vector.extract_strided_slice %get3A_4 {offsets = [0, 0], sizes = [1000, 16], strides = [1, 1]} : vector<1000x32xf32> to vector<1000x16xf32>
    %slice3A_5 = vector.extract_strided_slice %get3A_4 {offsets = [0, 16], sizes = [1000, 1], strides = [1, 1]} : vector<1000x32xf32> to vector<1000x1xf32>
    %max3A = arith.constant 1.000000e-16 : f32
    %max3A_6 = vector.broadcast %max3A : f32 to vector<1000x1xf32>
    %max3A_7 = arith.maximumf %slice3A_5, %max3A_6 : vector<1000x1xf32>
    %get3A_8 = arith.constant 0 : index
    %get3A_9 = arith.constant 0 : index
    %get3A_10 = vector.load %arg2[%get3A_8, %get3A_9] : memref<1000x128xf32, #tpu.memory_space<vmem>>, vector<1000x128xf32>
    %get3A_11 = arith.constant 0 : index
    %get3A_12 = arith.constant 0 : index
    %get3A_13 = vector.load %arg3[%get3A_11, %get3A_12] : memref<1000x128xf32, #tpu.memory_space<vmem>>, vector<1000x128xf32>
    %concatenate3A = tpu.concatenate %get3A_10, %get3A_13 in 1 : vector<1000x128xf32>, vector<1000x128xf32> -> vector<1000x256xf32>
    %get3A_14 = arith.constant 0 : index
    %get3A_15 = arith.constant 0 : index
    %get3A_16 = vector.load %arg5[%get3A_14, %get3A_15] : memref<16x256xf32, #tpu.memory_space<vmem>>, vector<16x256xf32>
    %dot_general3A = arith.constant dense<0.000000e+00> : vector<1000x256xf32>
    %dot_general3A_17 = tpu.matmul %slice3A, %get3A_16, %dot_general3A {dimension_numbers = #tpu.dot_dimension_numbers<[1], [0], [0], [1], [0, 0, 1, 1], [], []>, transpose_lhs_hint = false} : vector<1000x16xf32>, vector<16x256xf32>, vector<1000x256xf32> -> vector<1000x256xf32>
    %add3A = arith.addf %concatenate3A, %dot_general3A_17 : vector<1000x256xf32>
    %div3A = vector.broadcast %max3A_7 : vector<1000x1xf32> to vector<1000x256xf32>
    %div3A_18 = arith.divf %add3A, %div3A : vector<1000x256xf32>
    %get3A_19 = arith.constant 0 : index
    %get3A_20 = arith.constant 0 : index
    %get3A_21 = vector.load %arg6[%get3A_19, %get3A_20] : memref<256x256xf32, #tpu.memory_space<vmem>>, vector<256x256xf32>
    %dot_general3A_22 = arith.constant dense<0.000000e+00> : vector<1000x256xf32>
    %dot_general3A_23 = tpu.matmul %get3A_1, %get3A_21, %dot_general3A_22 {dimension_numbers = #tpu.dot_dimension_numbers<[1], [0], [0], [1], [0, 0, 1, 1], [], []>, transpose_lhs_hint = false} : vector<1000x256xf32>, vector<256x256xf32>, vector<1000x256xf32> -> vector<1000x256xf32>
    %add3A_24 = arith.addf %div3A_18, %dot_general3A_23 : vector<1000x256xf32>
    %get3A_25 = arith.constant 0 : index
    %get3A_26 = arith.constant 0 : index
    %get3A_27 = vector.load %arg7[%get3A_25, %get3A_26] : memref<1x256xf32, #tpu.memory_space<vmem>>, vector<1x256xf32>
    %add3A_28 = vector.broadcast %get3A_27 : vector<1x256xf32> to vector<1000x256xf32>
    %add3A_29 = arith.addf %add3A_24, %add3A_28 : vector<1000x256xf32>
    %max3A_30 = arith.constant 0.000000e+00 : f32
    %max3A_31 = vector.broadcast %max3A_30 : f32 to vector<1000x256xf32>
    %max3A_32 = arith.maximumf %add3A_29, %max3A_31 : vector<1000x256xf32>
    %add3A_33 = arith.addf %get3A_1, %max3A_32 : vector<1000x256xf32>
    %swap3A = arith.constant 0 : index
    %swap3A_34 = arith.constant 0 : index
    %swap3A_35 = vector.load %arg8[%swap3A, %swap3A_34] : memref<1000x256xf32, #tpu.memory_space<vmem>>, vector<1000x256xf32>
    tpu.vector_store %arg8[%swap3A, %swap3A_34], %add3A_33 {strides = array<i32>} : memref<1000x256xf32, #tpu.memory_space<vmem>>, vector<1000x256xf32>,
    return
  }
  func.func @transform_0(%arg0: i32) -> (i32, i32) {
    %c0_i32 = arith.constant 0 : i32
    %c0_i32_0 = arith.constant 0 : i32
    return %arg0, %c0_i32 : i32, i32
  }
  func.func @transform_1(%arg0: i32) -> (i32, i32) {
    %c0_i32 = arith.constant 0 : i32
    %c0_i32_0 = arith.constant 0 : i32
    return %arg0, %c0_i32 : i32, i32
  }
  func.func @transform_2(%arg0: i32) -> (i32, i32) {
    %c0_i32 = arith.constant 0 : i32
    %c0_i32_0 = arith.constant 0 : i32
    return %arg0, %c0_i32 : i32, i32
  }
  func.func @transform_3(%arg0: i32) -> (i32, i32) {
    %c0_i32 = arith.constant 0 : i32
    %c0_i32_0 = arith.constant 0 : i32
    return %arg0, %c0_i32 : i32, i32
  }
  func.func @transform_4(%arg0: i32) -> (i32, i32) {
    %c0_i32 = arith.constant 0 : i32
    %c0_i32_0 = arith.constant 0 : i32
    %c0_i32_1 = arith.constant 0 : i32
    return %c0_i32, %c0_i32_0 : i32, i32
  }
  func.func @transform_5(%arg0: i32) -> (i32, i32) {
    %c0_i32 = arith.constant 0 : i32
    %c0_i32_0 = arith.constant 0 : i32
    %c0_i32_1 = arith.constant 0 : i32
    return %c0_i32, %c0_i32_0 : i32, i32
  }
  func.func @transform_6(%arg0: i32) -> (i32, i32) {
    %c0_i32 = arith.constant 0 : i32
    %c0_i32_0 = arith.constant 0 : i32
    %c0_i32_1 = arith.constant 0 : i32
    return %c0_i32, %c0_i32_0 : i32, i32
  }
  func.func @transform_7(%arg0: i32) -> (i32, i32) {
    %c0_i32 = arith.constant 0 : i32
    %c0_i32_0 = arith.constant 0 : i32
    return %arg0, %c0_i32 : i32, i32
  }
}

module attributes {stable_mosaic.version = 14 : i64} {
  func.func @_decoder_body(%arg0: i32, %arg1: memref<1000x256xf32, #tpu.memory_space<vmem>>, %arg2: memref<256x48xf32, #tpu.memory_space<vmem>>, %arg3: memref<1x48xf32, #tpu.memory_space<vmem>>, %arg4: memref<1000x48xf32, #tpu.memory_space<vmem>>) attributes {dimension_semantics = [#tpu.dimension_semantics<arbitrary>], iteration_bounds = array<i64: 10>, scalar_prefetch = 0 : i64, scratch_operands = 0 : i64, tpu.core_type = #tpu.core_type<tc>, window_params = [{transform_indices = @transform_0, window_bounds = array<i64: 1000, 256>}, {pipeline_mode = #tpu.pipeline_mode<synchronous>, transform_indices = @transform_1, window_bounds = array<i64: 256, 48>}, {pipeline_mode = #tpu.pipeline_mode<synchronous>, transform_indices = @transform_2, window_bounds = array<i64: 1, 48>}, {transform_indices = @transform_3, window_bounds = array<i64: 1000, 48>}]} {
    %get3A = arith.constant 0 : index
    %get3A_0 = arith.constant 0 : index
    %get3A_1 = vector.load %arg1[%get3A, %get3A_0] : memref<1000x256xf32, #tpu.memory_space<vmem>>, vector<1000x256xf32>
    %get3A_2 = arith.constant 0 : index
    %get3A_3 = arith.constant 0 : index
    %get3A_4 = vector.load %arg2[%get3A_2, %get3A_3] : memref<256x48xf32, #tpu.memory_space<vmem>>, vector<256x48xf32>
    %dot_general3A = arith.constant dense<0.000000e+00> : vector<1000x48xf32>
    %dot_general3A_5 = tpu.matmul %get3A_1, %get3A_4, %dot_general3A {dimension_numbers = #tpu.dot_dimension_numbers<[1], [0], [0], [1], [0, 0, 1, 1], [], []>, transpose_lhs_hint = false} : vector<1000x256xf32>, vector<256x48xf32>, vector<1000x48xf32> -> vector<1000x48xf32>
    %get3A_6 = arith.constant 0 : index
    %get3A_7 = arith.constant 0 : index
    %get3A_8 = vector.load %arg3[%get3A_6, %get3A_7] : memref<1x48xf32, #tpu.memory_space<vmem>>, vector<1x48xf32>
    %add3A = vector.broadcast %get3A_8 : vector<1x48xf32> to vector<1000x48xf32>
    %add3A_9 = arith.addf %dot_general3A_5, %add3A : vector<1000x48xf32>
    %swap3A = arith.constant 0 : index
    %swap3A_10 = arith.constant 0 : index
    %swap3A_11 = vector.load %arg4[%swap3A, %swap3A_10] : memref<1000x48xf32, #tpu.memory_space<vmem>>, vector<1000x48xf32>
    tpu.vector_store %arg4[%swap3A, %swap3A_10], %add3A_9 {strides = array<i32>} : memref<1000x48xf32, #tpu.memory_space<vmem>>, vector<1000x48xf32>,
    return
  }
  func.func @transform_0(%arg0: i32) -> (i32, i32) {
    %c0_i32 = arith.constant 0 : i32
    %c0_i32_0 = arith.constant 0 : i32
    return %arg0, %c0_i32 : i32, i32
  }
  func.func @transform_1(%arg0: i32) -> (i32, i32) {
    %c0_i32 = arith.constant 0 : i32
    %c0_i32_0 = arith.constant 0 : i32
    %c0_i32_1 = arith.constant 0 : i32
    return %c0_i32, %c0_i32_0 : i32, i32
  }
  func.func @transform_2(%arg0: i32) -> (i32, i32) {
    %c0_i32 = arith.constant 0 : i32
    %c0_i32_0 = arith.constant 0 : i32
    %c0_i32_1 = arith.constant 0 : i32
    return %c0_i32, %c0_i32_0 : i32, i32
  }
  func.func @transform_3(%arg0: i32) -> (i32, i32) {
    %c0_i32 = arith.constant 0 : i32
    %c0_i32_0 = arith.constant 0 : i32
    return %arg0, %c0_i32 : i32, i32
  }
}

</mosaic_0001>

<sc_bundles>
// kernel: kernel.16.cloned.1.call-start
scs
__scs_entry_jumppad:
0x0: {  	(pc) =	sbr.rel $0x88, $3  }
0x1: {  	(tag) =	ssettag $0x0;
	lr =	simm.s32 $0x1  }
0x2: {  	[smem:$0x3F8B] =	sst lr;
	_ =	strace $0xD0000000  }
0x3: {  	_ = 	snop  }
0x4: {  	_ = 	snop  }
0x5: {  	_ = 	snop  }
0x6: {  	_ = 	snop  }
0x7: {  	_ = 	snop  }
__scs_overlays_trampoline_lowered:
0x8: {  	[smem:$0x3F9A] =	sst s0  }
0x9: {  	[smem:$0x3F9B] =	sst s1  }
0xa: {  	[smem:$0x3F9C] =	sst s2  }
0xb: {  	[smem:$0x3F9D] =	sst s3  }
0xc: {  	[smem:$0x3F9E] =	sst s4  }
0xd: {  	[smem:$0x3F9F] =	sst s5  }
0xe: {  	[smem:$0x3FA0] =	sst s6  }
0xf: {  	[smem:$0x3FA1] =	sst s7  }
0x10: {  	[smem:$0x3FA2] =	sst s8  }
0x11: {  	[smem:$0x3FA3] =	sst s9;
	s0 =	simm.s32 @!p0 $0x0  }
0x12: {  	s1 =	sld [smem:$0x3F89];
	s0 =	simm.s32 @p0 $0x1  }
0x13: {  	[smem:$0x3FA4] =	sst s0;
	s0 =	simm.s32 @!p1 $0x0  }
0x14: {  	s2 =	sld [smem:$0x3F88];
	s0 =	simm.s32 @p1 $0x1  }
0x15: {  	[smem:$0x3FA5] =	sst s0;
	s0 =	simm.s32 @!p2 $0x0  }
0x16: {  	s3 =	sld [smem:$0x3FDB];
	s0 =	simm.s32 @p2 $0x1  }
0x17: {  	s4 =	simm.s32 $0x1BF5;
	[smem:$0x3FA7] =	sst s0  }
0x18: {  	s0 =	sld [smem:$0x3F8A];
	_ =	swait.ge [sflag:s4], $0x0  }
0x19: {  	s7 =	sld [smem:$0x3F8B]  }
0x1a: {  	s8 =	sadd.s32 $0xFFFFE003, lr  }
0x1b: {  	s9 =	sadd.s32 $0xFFFFFEF7, lr;
	s5 =	simm.s32 $0xFFFFFFFF;
	p2 =	slt.u32 s8, $0xFFFFF086  }
0x1c: {  	p1 =	slt.u32 s9, $0xF7A;
	s5 =	simm.s32 @!p2 $0x0  }
0x1d: {  	s5 =	simm.s32 @p1 $0x1;
	p0 =	seq.s32 s7, s2  }
0x1e: {  	s7 =	smul.u32 @!p0 $0xF7A, s2;
	p2 =	seq.s32 @!p0 s5, $0x0  }
0x1f: {  	s9 =	smul.u32 $0xF7A, s1;
	s8 =	simm.s32 @!p0 $0x1BF5;
	p2 =	por !p2, p0  }
0x20: {  	[sflag:s8] =	ssyncset.s32 @!p0 $0xFFFFF086;
	s6 =	sadd.s32 @!p0 s3, s7;
	s7 =	simm.s32 @!p0 $0x108  }
0x21: {  	s3 =	sadd.s32 s3, s9;
	s6 =	sadd.s32 @!p0 $0x88, s6;
	s7 =	simm.s32 @p2 $0x1082  }
0x22: {  	[simem:s7], [sflag:s8] =	dma.local @!p0 [hbm:s6], $0xF7A  }
0x23: {  	s9 =	sor.u32 $0xD0000000, s2;
	s6 =	simm.s32 $0x108;
	_ =	swait.ge @!p0 [sflag:s8], $0x0  }
0x24: {  	s3 =	sadd.s32 $0x88, s3;
	s6 =	simm.s32 @!p1 $0x1082;
	[sflag:s4] =	ssyncset.s32 $0xFFFFF086  }
0x25: {  	[simem:s6], [sflag:s4] =	dma.local [hbm:s3], $0xF7A  }
0x26: {  	[smem:$0x3F8B] =	sst s1;
	(tag) =	ssettag s2;
	_ =	strace s9  }
0x27: {  	s1 =	sld [smem:$0x3F9B]  }
0x28: {  	s2 =	sld [smem:$0x3F9C]  }
0x29: {  	s4 =	sld [smem:$0x3F9E]  }
0x2a: {  	p0 =	seq.s32 s5, $0x0;
	s5 =	sld [smem:$0x3F9F]  }
0x2b: {  	s6 =	sld [smem:$0x3FA0]  }
0x2c: {  	s7 =	sld [smem:$0x3FA1]  }
0x2d: {  	s3 =	simm.s32 $0x108;
	s8 =	sld [smem:$0x3FA2]  }
0x2e: {  	s3 =	simm.s32 @!p0 $0x1082;
	s9 =	sld [smem:$0x3FA3]  }
0x2f: {  	lr =	sadd.s32 s0, s3;
	s0 =	sld [smem:$0x3F9A]  }
0x30: {  	s3 =	sld [smem:$0x3F9D]  }
0x31: {  	[smem:$0x3FA6] =	sst s10  }
0x32: {  	s10 =	sld [smem:$0x3FA4];
	_ =	sdelay $0x3  }
0x33: {  	p0 =	seq.s32 s10, $0x1;
	s10 =	sld [smem:$0x3FA6];
	_ =	sdelay $0x3  }
0x34: {  	[smem:$0x3FA6] =	sst s10  }
0x35: {  	s10 =	sld [smem:$0x3FA5];
	_ =	sdelay $0x3  }
0x36: {  	p1 =	seq.s32 s10, $0x1;
	s10 =	sld [smem:$0x3FA6];
	_ =	sdelay $0x3  }
0x37: {  	[smem:$0x3FA6] =	sst s10  }
0x38: {  	s10 =	sld [smem:$0x3FA7]  }
0x39: {  	_ = 	snop;
	(pc) =	sbr.ind lr, $3  }
0x3a: {  	_ = 	snop  }
0x3b: {  	_ = 	snop  }
0x3c: {  	p2 =	seq.s32 s10, $0x1;
	s10 =	sld [smem:$0x3FA6]  }
0x3d: {  	_ =	shalt  }
0x3e: {  	_ =	shalt  }
0x3f: {  	_ =	shalt  }
0x40: {  	_ =	shalt  }
0x41: {  	_ =	shalt  }
0x42: {  	_ =	shalt  }
0x43: {  	_ =	shalt  }
0x44: {  	_ =	shalt  }
0x45: {  	_ =	shalt  }
0x46: {  	_ =	shalt  }
0x47: {  	_ =	shalt  }
0x48: {  	_ =	shalt  }
0x49: {  	_ =	shalt  }
0x4a: {  	_ =	shalt  }
0x4b: {  	_ =	shalt  }
0x4c: {  	_ =	shalt  }
0x4d: {  	_ =	shalt  }
0x4e: {  	_ =	shalt  }
0x4f: {  	_ =	shalt  }
0x50: {  	_ =	shalt  }
0x51: {  	_ =	shalt  }
0x52: {  	_ =	shalt  }
0x53: {  	_ =	shalt  }
0x54: {  	_ =	shalt  }
0x55: {  	_ =	shalt  }
0x56: {  	_ =	shalt  }
0x57: {  	_ =	shalt  }
0x58: {  	_ =	shalt  }
0x59: {  	_ =	shalt  }
0x5a: {  	_ =	shalt  }
0x5b: {  	_ =	shalt  }
0x5c: {  	_ =	shalt  }
0x5d: {  	_ =	shalt  }
0x5e: {  	_ =	shalt  }
0x5f: {  	_ =	shalt  }
0x60: {  	_ =	shalt  }
0x61: {  	_ =	shalt  }
0x62: {  	_ =	shalt  }
0x63: {  	_ =	shalt  }
0x64: {  	_ =	shalt  }
0x65: {  	_ =	shalt  }
0x66: {  	_ =	shalt  }
0x67: {  	_ =	shalt  }
0x68: {  	_ =	shalt  }
0x69: {  	_ =	shalt  }
0x6a: {  	_ =	shalt  }
0x6b: {  	_ =	shalt  }
0x6c: {  	_ =	shalt  }
0x6d: {  	_ =	shalt  }
0x6e: {  	_ =	shalt  }
0x6f: {  	_ =	shalt  }
0x70: {  	_ =	shalt  }
0x71: {  	_ =	shalt  }
0x72: {  	_ =	shalt  }
0x73: {  	_ =	shalt  }
0x74: {  	_ =	shalt  }
0x75: {  	_ =	shalt  }
0x76: {  	_ =	shalt  }
0x77: {  	_ =	shalt  }
0x78: {  	_ =	shalt  }
0x79: {  	_ =	shalt  }
0x7a: {  	_ =	shalt  }
0x7b: {  	_ =	shalt  }
0x7c: {  	_ =	shalt  }
0x7d: {  	_ =	shalt  }
0x7e: {  	_ =	shalt  }
0x7f: {  	_ =	shalt  }
0x80: {  	_ =	shalt  }
0x81: {  	_ =	shalt  }
0x82: {  	_ =	shalt  }
0x83: {  	_ =	shalt  }
0x84: {  	_ =	shalt  }
0x85: {  	_ =	shalt  }
0x86: {  	_ =	shalt  }
0x87: {  	_ =	shalt  }
.Lfunc_end0:
.L_simem_size_0:
called_computation_lowered:
.L_overlay_start_0:
0x88: {  	s2 =	sld [smem:$0x3FD9]  }
0x89: {  	s3 =	sld [smem:$0x3FFE];
	_ =	sdelay $0x1  }
0x8a: {  	s1 =	srdreg.scid  }
0x8b: {  	s0 =	sand.u32 $0x1, s1  }
0x8c: {  	s17 =	sshll.u32 s0, $0xA;
	s2 =	sadd.s32 s3, s2  }
0x8d: {  	s2 =	sadd.s32 s2, s17  }
0x8e: {  	[smem:$0x3FB2] =	sst s2  }
0x8f: {  	_ = 	snop  }
0x90: {  	s2 =	sld [smem:$0x3FD0];
	(tm) =	ssettm $0x1  }
0x91: {  	s18 =	sld [smem:$0x3FFB];
	_ =	sdelay $0x3  }
0x92: {  	_ =	strace s18  }
0x93: {  	s3 =	sld [smem:$0x3FFC];
	_ =	sdelay $0x3  }
0x94: {  	_ =	strace s3  }
0x95: {  	s3 =	sld [smem:$0x3FFD];
	_ =	sdelay $0x3  }
0x96: {  	_ =	strace s3  }
0x97: {  	_ =	strace $0x8FFFFFFF  }
0x98: {  	s19 =	sld [smem:$0x3FDB];
	_ =	sdelay $0x1  }
0x99: {  	s4 =	simm.s32 $_scs_section_size  }
0x9a: {  	s5 =	simm.s32 $_size__tile_overlayer_lowered;
	s6 =	simm.s32 $_tile_overlayer_lowered  }
0x9b: {  	s22 =	simm.s32 $0x1BFF;
	s21 =	sshll.u32 s6, $0x1;
	s3 =	sadd.s32 s4, s19  }
0x9c: {  	s7 =	simm.s32 $0x0;
	s20 =	sshll.u32 s5, $0x1;
	s5 =	sadd.s32 s21, s3  }
0x9d: {  	[timem:s7], [sflag:s22] =	dma.local [hbm:s5], s20  }
0x9e: {  	_ =	swait.ge [sflag:s22], s20  }
0x9f: {  	s4 =	ssub.s32 $0x0, s20;
	[sflag:s22] =	ssyncset.done $0x0  }
0xa0: {  	[sflag:s22] =	ssyncadd.s32 s4;
	_ =	sdelay $0x1  }
0xa1: {  	s23 =	simm.s32 $0x1B8B  }
0xa2: {  	_ =	swait.ge [sflag:s23], $0x1  }
0xa3: {  	[sflag:s23] =	ssyncset.done $0x0  }
0xa4: {  	s25 =	simm.s32 $0x1B8E;
	s24 =	sld [smem:$0x3FFE];
	[sflag:s23] =	ssyncadd.s32 $0xFFFFFFFF  }
0xa5: {  	s26 =	simm.s32 $execute0_lowered;
	[smem:$0x3FD2] =	sst s25  }
0xa6: {  	s5 =	sshll.u32 s26, $0x1;
	_ =	strace $0x80000046;
	[dreg:$0x1] =	wrdreg $0xFFFFFFFF  }
0xa7: {  	s28 =	simm.s32 $_size_execute0_lowered;
	s3 =	sadd.s32 s3, s5;
	[dreg:$0x0] =	wrdreg $0x0  }
0xa8: {  	s5 =	sshll.u32 s28, $0x1;
	[dreg:$0x2] =	wrdreg s3  }
0xa9: {  	[dreg:$0x3] =	wrdreg s5  }
0xaa: {  	[dreg:$0x4] =	wrdreg $0xC0  }
0xab: {  	_ =	task [dreg:s7], $0x5FFFF  }
0xac: {  	[dreg:$0x1] =	wrdreg $0xFFFFFFFF  }
0xad: {  	[dreg:$0x0] =	wrdreg $0x60  }
0xae: {  	[dreg:$0x2] =	wrdreg s24  }
0xaf: {  	[dreg:$0x3] =	wrdreg s2  }
0xb0: {  	[dreg:$0x4] =	wrdreg $0x9  }
0xb1: {  	_ =	task.clear_ibuf [dreg:s7], $0x5FFFF;
	_ =	strace $0x90000046  }
0xb2: {  	s29 =	simm.s32 $0x9;
	_ =	strace $0x80000048  }
0xb3: {  	_ =	swait.ge [sflag:s29], $0x1  }
0xb4: {  	[sflag:s29] =	ssyncadd.s32 $0xFFFFFFFF  }
0xb5: {  	_ =	strace $0x90000048  }
0xb6: {  	_ =	sfence  }
0xb7: {  	s30 =	sld [smem:$0x0];
	_ =	sdelay $0x2  }
0xb8: {  	s31 =	sshll.u32 s1, $0xD;
	s1 =	sshrl.u32 s1, $0x2  }
0xb9: {  	s3 =	sand.u32 $0x4000, s31;
	s1 =	sadd.s32 s1, s30  }
0xba: {  	s0 =	sor.u32 s3, s0;
	s1 =	sshll.u32 s1, $0x11  }
0xbb: {  	s0 =	sor.u32 s1, s0  }
0xbc: {  	s0 =	sadd.s32 $0x8F2B, s0  }
0xbd: {  	[sflag:s0] =	ssyncadd.remote.s32 $0x1  }
0xbe: {  	_ =	sfence.sel $0xFFFF  }
0xbf: {  	[dreg:$0x0] =	wrdreg $0xFFFFFFFF;
	(pc) =	sbr.abs _section_cstart, $3  }
0xc0: {  	[dreg:$0x1] =	wrdreg $0xFFFFFFFF  }
0xc1: {  	_ =	task.clear_ibuf [dreg:s7], $0x2FFFF;
	_ =	strace $0x9FFFFFFF  }
0xc2: {  	(tm) =	ssettm $0x7FFFFFFF  }
0xc3: {  	_ =	shalt  }
tec
execute0_lowered:
.L_overlay_start_1:
0x0: {  	(tag) =	ssettag $0x1  }
0x1: {  	s9 =	rddreg [dreg:$0x0];
	s1 =	srdreg.scid  }
0x2: {  	s0 =	stileid.u32;
	s2 =	rddreg [dreg:$0x1]  }
0x3: {  	s3 =	simm.s32 $0x0;
	s13 =	simm.s32 $0x40;
	s14 =	simm.s32 $0x80  }
0x4: {  	s15 =	simm.s32 $0x4080;
	s16 =	simm.s32 $0x8080;
	s17 =	simm.s32 $0x8480  }
0x5: {  	s18 =	simm.s32 $0x1;
	s19 =	simm.s32 $0x2;
	s20 =	simm.s32 $0x3  }
0x6: {  	s21 =	simm.s32 $0x8880;
	s8 =	sand.u32 $0x1, s1;
	s4 =	sshll.u32 s0, $0x1  }
0x7: {  	s22 =	simm.s32 $0x0;
	[smem:$0x7FF] =	sst s3;
	s4 =	sor.u32 s8, s4  }
0x8: {  	s5 =	sadd.s32 $0x67800, s9;
	s6 =	sadd.s32 $0x152000, s9;
	s4 =	smul.u32 $0x1400, s4  }
0x9: {  	s7 =	sadd.s32 $0xBAA00, s9;
	_ =	strace $0x80000047;
	s11 =	ssub.s32 $0x2, s8  }
0xa: {  	s8 =	sadd.s32 $0xB5A00, s9;
	s12 =	sshrl.u32 s11, $0x1;
	s10 =	sshrl.u32 s4, $0x3  }
0xb: {  	v1 =	vimm.s32 $0x0;
	vm0 =	vcmask $0x300;
	s11 =	ssub.s32 s11, s12;
	s12 =	simm.s32 $0x4;
	s10 =	sadd.s32 s10, s9  }
0xc: {  	v0 =	vlaneseq.u32;
	v1 =	vsel vm0, $0x3, v1;
	s11 =	smax.u32 s11, $0x1;
	s9 =	sadd.s32 $0x1A0200, s9;
	s10 =	sadd.s32 $0xBFA00, s10  }
.LBB2_1:
0xd: {  	s23 =	simm.s32 $0x0  }
.LBB2_2:
0xe: {  	s26 =	sshll.u32 s23, $0x6  }
0xf: {  	s24 =	sadd.s32 s4, s26  }
0x10: {  	s28 =	sshrl.u32 s24, $0x3  }
0x11: {  	s25 =	simm.s32 $0x0;
	s29 =	sadd.s32 s7, s28  }
0x12: {  	[tilespmem:s25], [sflag:$0x4] =	stream.linear.gather [hbm4b:s29+s25], $0x40, $0x38;
	[tilespmem:$0x9C80] =	vst v63  }
0x13: {  	_ =	swait.ge [sflag:s12], $0x40  }
0x14: {  	[sflag:s12] =	ssyncset.done $0x0  }
0x15: {  	s28 =	sadd.s32 s8, s28;
	[sflag:s12] =	ssyncadd.s32 $0xFFFFFFC0  }
0x16: {  	[tilespmem:s13], [sflag:$0x4] =	stream.linear.gather [hbm4b:s28+s25], $0x40, $0x38;
	[tilespmem:$0x9C80] =	vst v63  }
0x17: {  	_ =	swait.ge [sflag:s12], $0x40  }
0x18: {  	[sflag:s12] =	ssyncset.done $0x0  }
0x19: {  	[sflag:s12] =	ssyncadd.s32 $0xFFFFFFC0  }
0x1a: {  	[tilespmem:s14], [sflag:$0x1] =	stream.indirect.gather [hbm4b:s5+s13], $0x100, s13, s13, $0xb8;
	[tilespmem:$0x9C80] =	vst v63  }
0x1b: {  	_ = 	snop  }
0x1c: {  	[tilespmem:s15], [sflag:$0x2] =	stream.indirect.gather [hbm4b:s6+s13], $0x100, s25, s13, $0xb8;
	[tilespmem:$0x9C80] =	vst v63  }
0x1d: {  	s31 =	sshll.u32 s24, $0x1  }
0x1e: {  	[tilespmem:s16], [sflag:$0x3] =	stream.indirect.gather [hbm4b:s2+s13], $0x10, s13, s13, $0xb8;
	[tilespmem:$0x9C80] =	vst v63  }
0x1f: {  	s28 =	sadd.s32 s9, s31  }
0x20: {  	[tilespmem:s17], [sflag:$0x4] =	stream.linear.gather [hbm4b:s28+s25], $0x400, $0x38;
	[tilespmem:$0x9C80] =	vst v63  }
0x21: {  	_ =	swait.ge [sflag:s12], $0x400  }
0x22: {  	[sflag:s12] =	ssyncset.done $0x0  }
0x23: {  	[sflag:s12] =	ssyncadd.s32 $0xFFFFFC00  }
0x24: {  	_ =	swait.ge [sflag:s18], $0x4000  }
0x25: {  	[sflag:s18] =	ssyncset.done $0x0  }
0x26: {  	[sflag:s18] =	ssyncadd.s32 $0xFFFFC000  }
0x27: {  	_ =	swait.ge [sflag:s19], $0x4000  }
0x28: {  	[sflag:s19] =	ssyncset.done $0x0  }
0x29: {  	[sflag:s19] =	ssyncadd.s32 $0xFFFFC000  }
0x2a: {  	_ =	swait.ge [sflag:s20], $0x400  }
0x2b: {  	s26 =	sadd.s32 $0x8880, s26;
	[sflag:s20] =	ssyncset.done $0x0  }
0x2c: {  	v2 =	vmov s26;
	[sflag:s20] =	ssyncadd.s32 $0xFFFFFC00  }
.LBB2_3:
0x2d: {  	s26 =	simm.s32 $0x0  }
0x2e: {  	v3 =	vmov s26  }
0x2f: {  	v3 =	vshrl.u32 v3, $0x3  }
0x30: {  	s26 =	sshll.u32 s25, $0x4;
	v4 =	vshll.u32 v3, v1  }
0x31: {  	v3 =	vor.u32 s26, v0;
	v12 =	vbroadcast v4, $0x0  }
0x32: {  	v11 =	vshll.u32 v3, $0x8  }
0x33: {  	v4 =	vor.u32 v11, v12  }
0x34: {  	v10 =	vor.u32 $0x1, v11  }
0x35: {  	v13 =	vadd.s32 v10, v12  }
0x36: {  	v9 =	vor.u32 $0x2, v11  }
0x37: {  	v14 =	vadd.s32 v9, v12  }
0x38: {  	v18 =	vimm.f32 $0.0e+00;
	s28 =	simm.s32 $0xF;
	s29 =	simm.s32 $0xE;
	v8 =	vor.u32 $0x3, v11;
	v15 =	vld.idx.msk [tilespmem:v4+s14+$0x0], $0xffff  }
0x39: {  	s30 =	simm.s32 $0xD;
	v20 =	vmov s28;
	v21 =	vmov s29;
	s28 =	simm.s32 $0x8;
	v17 =	vadd.s32 v8, v12;
	v16 =	vld.idx.msk [tilespmem:v4+s15+$0x0], $0xffff  }
0x3a: {  	s29 =	simm.s32 $0xC;
	v25 =	vmov s30;
	v23 =	vmov s28;
	v7 =	vor.u32 $0x4, v11;
	v19 =	vld.idx.msk [tilespmem:v13+s14+$0x0], $0xffff  }
0x3b: {  	v24 =	vmov s29;
	v6 =	vor.u32 $0x5, v11;
	v22 =	vadd.s32 v7, v12;
	v13 =	vld.idx.msk [tilespmem:v13+s15+$0x0], $0xffff  }
0x3c: {  	s28 =	simm.s32 $0x9;
	s29 =	simm.s32 $0xB;
	v25 =	vshrl.u32 v25, $0x3;
	v20 =	vshrl.u32 v20, $0x3;
	v28 =	vadd.s32 v6, v12;
	v26 =	vld.idx.msk [tilespmem:v14+s14+$0x0], $0xffff  }
0x3d: {  	v23 =	vshrl.u32 v23, $0x3;
	v27 =	vmov s28;
	v29 =	vmov s29;
	v14 =	vld.idx.msk [tilespmem:v14+s15+$0x0], $0xffff  }
0x3e: {  	s28 =	simm.s32 $0xA;
	v23 =	vshll.u32 v23, v1;
	v27 =	vshrl.u32 v27, $0x3;
	v5 =	vor.u32 $0x6, v11;
	v30 =	vld.idx.msk [tilespmem:v17+s14+$0x0], $0xffff  }
0x3f: {  	v31 =	vmov s28;
	v15 =	vmul.f32 v16, v15;
	v16 =	vld.idx.msk [tilespmem:v17+s15+$0x0], $0xffff;
	v17 =	vadd.s32 v5, v12  }
0x40: {  	v23 =	vbroadcast v23, $0x0;
	v27 =	vshll.u32 v27, v1;
	v4 =	vor.u32 $0x7, v11;
	v32 =	vld.idx.msk [tilespmem:v22+s14+$0x0], $0xffff  }
0x41: {  	v13 =	vmul.f32 v13, v19;
	v12 =	vadd.s32 v4, v12;
	v19 =	vld.idx.msk [tilespmem:v28+s14+$0x0], $0xffff;
	v15 =	vadd.f32 v15, v18  }
0x42: {  	v31 =	vshrl.u32 v31, $0x3;
	v23 =	vadd.s32 v11, v23;
	v14 =	vmul.f32 v14, v26;
	v18 =	vld.idx.msk [tilespmem:v22+s15+$0x0], $0xffff  }
0x43: {  	v22 =	vbroadcast v27, $0x0;
	v27 =	vshll.u32 v31, v1;
	v13 =	vadd.f32 v13, v15;
	v15 =	vld.idx.msk [tilespmem:v28+s15+$0x0], $0xffff  }
0x44: {  	v24 =	vshrl.u32 v24, $0x3;
	v29 =	vshrl.u32 v29, $0x3;
	v27 =	vbroadcast v27, $0x0;
	v26 =	vld.idx.msk [tilespmem:v17+s14+$0x0], $0xffff  }
0x45: {  	v22 =	vadd.s32 v10, v22;
	v17 =	vld.idx.msk [tilespmem:v17+s15+$0x0], $0xffff;
	v13 =	vadd.f32 v14, v13;
	v14 =	vmul.f32 v16, v30  }
0x46: {  	v24 =	vshll.u32 v24, v1;
	v59 =	vshll.u32 v29, v1;
	v60 =	vld.idx.msk [tilespmem:v12+s14+$0x0], $0xffff;
	v27 =	vadd.s32 v9, v27  }
0x47: {  	v61 =	vld.idx.msk [tilespmem:v12+s15+$0x0], $0xffff;
	v16 =	vbroadcast v59, $0x0;
	v13 =	vadd.f32 v14, v13;
	v14 =	vmul.f32 v18, v32  }
0x48: {  	v21 =	vshrl.u32 v21, $0x3;
	v24 =	vbroadcast v24, $0x0;
	v12 =	vld.idx.msk [tilespmem:v23+s14+$0x0], $0xffff;
	v18 =	vshll.u32 v25, v1  }
0x49: {  	s28 =	simm.s32 $0x10;
	v16 =	vadd.s32 v8, v16;
	v19 =	vmul.f32 v15, v19;
	v15 =	vld.idx.msk [tilespmem:v23+s15+$0x0], $0xffff;
	v14 =	vadd.f32 v14, v13  }
0x4a: {  	v21 =	vshll.u32 v21, v1;
	v23 =	vmov s28;
	v62 =	vbroadcast v18, $0x0;
	v18 =	vld.idx.msk [tilespmem:v22+s15+$0x0], $0xffff  }
0x4b: {  	v13 =	vld.idx.msk [tilespmem:v22+s14+$0x0], $0xffff;
	v25 =	vmul.f32 v17, v26;
	v17 =	vadd.s32 v7, v24;
	v19 =	vadd.f32 v19, v14  }
0x4c: {  	v63 =	vshll.u32 v20, v1;
	v23 =	vshrl.u32 v23, $0x3;
	v22 =	vbroadcast v21, $0x0;
	v21 =	vld.idx.msk [tilespmem:v27+s15+$0x0], $0xffff  }
0x4d: {  	v26 =	vmul.f32 v61, v60;
	v20 =	vadd.s32 v6, v62;
	v14 =	vld.idx.msk [tilespmem:v27+s14+$0x0], $0xffff;
	v25 =	vadd.f32 v25, v19  }
0x4e: {  	s29 =	simm.s32 $0x2F;
	s28 =	simm.s32 $0x1F;
	v24 =	vshll.u32 v23, v1;
	v23 =	vbroadcast v63, $0x0;
	v19 =	vld.idx.msk [tilespmem:v16+s14+$0x0], $0xffff  }
.LBB2_4:
0x4f: {  	p0 =	sne.s32 s29, $0xFF;
	v25 =	vadd.f32 v26, v25;
	v12 =	vmul.f32 v15, v12;
	v15 =	vld.idx.msk [tilespmem:v16+s15+$0x0], $0xffff;
	v16 =	vadd.s32 v5, v22  }
0x50: {  	v22 =	vbroadcast v24, $0x0;
	v24 =	vld.idx.msk [tilespmem:v17+s14+$0x0], $0xffff  }
0x51: {  	v13 =	vmul.f32 v18, v13;
	v18 =	vadd.s32 v4, v23;
	v12 =	vadd.f32 v12, v25;
	v17 =	vld.idx.msk [tilespmem:v17+s15+$0x0], $0xffff  }
0x52: {  	v23 =	vld.idx.msk [tilespmem:v20+s14+$0x0], $0xffff  }
0x53: {  	v25 =	vor.u32 v11, v22;
	v12 =	vadd.f32 v13, v12;
	v13 =	vmul.f32 v21, v14;
	v14 =	vld.idx.msk [tilespmem:v20+s15+$0x0], $0xffff  }
0x54: {  	v20 =	vld.idx.msk [tilespmem:v16+s14+$0x0], $0xffff  }
0x55: {  	v21 =	vadd.s32 v10, v22;
	v12 =	vadd.f32 v13, v12;
	v13 =	vmul.f32 v15, v19;
	v15 =	vld.idx.msk [tilespmem:v16+s15+$0x0], $0xffff  }
0x56: {  	v16 =	vmov s28;
	v19 =	vld.idx.msk [tilespmem:v18+s14+$0x0], $0xffff  }
0x57: {  	s30 =	sadd.s32 $0xFFFFFFFF, s28;
	v26 =	vadd.s32 v9, v22;
	v12 =	vadd.f32 v13, v12;
	v13 =	vmul.f32 v17, v24;
	v17 =	vld.idx.msk [tilespmem:v18+s15+$0x0], $0xffff  }
0x58: {  	v27 =	vshrl.u32 v16, $0x3;
	v24 =	vmov s30;
	v18 =	vld.idx.msk [tilespmem:v25+s14+$0x0], $0xffff  }
0x59: {  	s31 =	sadd.s32 $0xFFFFFFFD, s28;
	s1 =	sadd.s32 $0xFFFFFFFE, s28;
	s30 =	sadd.s32 $0xFFFFFFF9, s28;
	v16 =	vld.idx.msk [tilespmem:v25+s15+$0x0], $0xffff;
	v25 =	vadd.s32 v8, v22;
	v12 =	vadd.f32 v13, v12;
	v13 =	vmul.f32 v14, v23  }
0x5a: {  	v28 =	vmov s31;
	v29 =	vmov s1;
	v23 =	vmov s30;
	v14 =	vld.idx.msk [tilespmem:v21+s14+$0x0], $0xffff  }
0x5b: {  	s1 =	sadd.s32 $0xFFFFFFFA, s28;
	v30 =	vadd.s32 v7, v22;
	s30 =	sadd.s32 $0xFFFFFFFC, s28;
	v21 =	vld.idx.msk [tilespmem:v21+s15+$0x0], $0xffff;
	v12 =	vadd.f32 v13, v12;
	v13 =	vmul.f32 v15, v20  }
0x5c: {  	v31 =	vmov s30;
	v20 =	vshrl.u32 v23, $0x3;
	v23 =	vmov s1;
	v15 =	vld.idx.msk [tilespmem:v26+s14+$0x0], $0xffff  }
0x5d: {  	v32 =	vadd.s32 v6, v22;
	s1 =	sadd.s32 $0xFFFFFFFB, s28;
	s28 =	smov.u32 s29;
	v26 =	vld.idx.msk [tilespmem:v26+s15+$0x0], $0xffff;
	v12 =	vadd.f32 v13, v12;
	v13 =	vmul.f32 v17, v19  }
0x5e: {  	v19 =	vshll.u32 v20, v1;
	v20 =	vshrl.u32 v23, $0x3;
	v23 =	vmov s1;
	v17 =	vld.idx.msk [tilespmem:v25+s14+$0x0], $0xffff  }
0x5f: {  	v16 =	vmul.f32 v16, v18;
	v18 =	vld.idx.msk [tilespmem:v25+s15+$0x0], $0xffff;
	v25 =	vadd.s32 v5, v22;
	v12 =	vadd.f32 v13, v12  }
0x60: {  	v19 =	vbroadcast v19, $0x0;
	v20 =	vshll.u32 v20, v1;
	v23 =	vshrl.u32 v23, $0x3;
	v13 =	vld.idx.msk [tilespmem:v30+s14+$0x0], $0xffff  }
0x61: {  	v14 =	vmul.f32 v21, v14;
	v21 =	vadd.s32 v4, v22;
	v12 =	vadd.f32 v16, v12;
	v16 =	vld.idx.msk [tilespmem:v30+s15+$0x0], $0xffff  }
0x62: {  	v20 =	vbroadcast v20, $0x0;
	v23 =	vshll.u32 v23, v1;
	v30 =	vshrl.u32 v31, $0x3;
	v22 =	vld.idx.msk [tilespmem:v32+s14+$0x0], $0xffff  }
0x63: {  	v19 =	vadd.s32 v11, v19;
	v12 =	vadd.f32 v14, v12;
	v14 =	vmul.f32 v26, v15;
	v15 =	vld.idx.msk [tilespmem:v32+s15+$0x0], $0xffff  }
0x64: {  	v28 =	vshrl.u32 v28, $0x3;
	v23 =	vbroadcast v23, $0x0;
	v30 =	vshll.u32 v30, v1;
	v26 =	vld.idx.msk [tilespmem:v25+s14+$0x0], $0xffff  }
0x65: {  	v12 =	vadd.f32 v14, v12;
	v14 =	vmul.f32 v18, v17;
	v17 =	vld.idx.msk [tilespmem:v25+s15+$0x0], $0xffff;
	v18 =	vadd.s32 v10, v20  }
0x66: {  	v29 =	vshrl.u32 v29, $0x3;
	v28 =	vshll.u32 v28, v1;
	v25 =	vbroadcast v30, $0x0;
	v20 =	vld.idx.msk [tilespmem:v21+s14+$0x0], $0xffff  }
0x67: {  	v23 =	vadd.s32 v9, v23;
	v13 =	vmul.f32 v16, v13;
	v14 =	vadd.f32 v14, v12;
	v21 =	vld.idx.msk [tilespmem:v21+s15+$0x0], $0xffff  }
0x68: {  	v29 =	vshll.u32 v29, v1;
	v28 =	vbroadcast v28, $0x0;
	v24 =	vshrl.u32 v24, $0x3;
	v12 =	vld.idx.msk [tilespmem:v19+s14+$0x0], $0xffff  }
0x69: {  	s1 =	sadd.s32 $0xFFFFFFF1, s29;
	v16 =	vadd.s32 v8, v25;
	v22 =	vmul.f32 v15, v22;
	v14 =	vadd.f32 v13, v14;
	v15 =	vld.idx.msk [tilespmem:v19+s15+$0x0], $0xffff  }
.Ltmp0:
0x6a: {  	v29 =	vbroadcast v29, $0x0;
	v24 =	vshll.u32 v24, v1;
	v19 =	vmov s1;
	v13 =	vld.idx.msk [tilespmem:v18+s14+$0x0], $0xffff;
	(pc) =	sbr.rel @p0 .LBB2_4-.Ltmp0, $4  }
0x6b: {  	v26 =	vmul.f32 v17, v26;
	v17 =	vadd.s32 v7, v28;
	v25 =	vadd.f32 v22, v14;
	v18 =	vld.idx.msk [tilespmem:v18+s15+$0x0], $0xffff  }
0x6c: {  	v27 =	vshll.u32 v27, v1;
	v19 =	vshrl.u32 v19, $0x3;
	v22 =	vbroadcast v24, $0x0;
	v14 =	vld.idx.msk [tilespmem:v23+s14+$0x0], $0xffff  }
0x6d: {  	v25 =	vadd.f32 v26, v25;
	v26 =	vmul.f32 v21, v20;
	v21 =	vld.idx.msk [tilespmem:v23+s15+$0x0], $0xffff;
	v20 =	vadd.s32 v6, v29  }
0x6e: {  	s29 =	sadd.s32 $0x10, s29;
	v24 =	vshll.u32 v19, v1;
	v23 =	vbroadcast v27, $0x0;
	v19 =	vld.idx.msk [tilespmem:v16+s14+$0x0], $0xffff  }
0x6f: {  	_ =	sdelay $0x2  }
0x70: {  	v25 =	vadd.f32 v26, v25;
	v12 =	vmul.f32 v15, v12  }
0x71: {  	v60 =	vld.idx.msk [tilespmem:v16+s15+$0x0], $0xffff;
	v61 =	vadd.s32 v5, v22  }
0x72: {  	v62 =	vld.idx.msk [tilespmem:v17+s14+$0x0], $0xffff;
	v13 =	vmul.f32 v18, v13;
	v12 =	vadd.f32 v12, v25  }
0x73: {  	v63 =	vbroadcast v24, $0x0;
	v29 =	vld.idx.msk [tilespmem:v17+s15+$0x0], $0xffff;
	v23 =	vadd.s32 v4, v23  }
0x74: {  	v30 =	vld.idx.msk [tilespmem:v20+s14+$0x0], $0xffff;
	v31 =	vmul.f32 v21, v14;
	v12 =	vadd.f32 v13, v12  }
0x75: {  	v33 =	vld.idx.msk [tilespmem:v20+s15+$0x0], $0xffff;
	v32 =	vor.u32 v11, v63  }
0x76: {  	v34 =	vld.idx.msk [tilespmem:v61+s14+$0x0], $0xffff;
	v35 =	vmul.f32 v60, v19;
	v12 =	vadd.f32 v31, v12  }
0x77: {  	v36 =	vadd.s32 v10, v63;
	v16 =	vld.idx.msk [tilespmem:v61+s15+$0x0], $0xffff  }
0x78: {  	v38 =	vmul.f32 v29, v62;
	v37 =	vld.idx.msk [tilespmem:v23+s14+$0x0], $0xffff;
	v12 =	vadd.f32 v35, v12  }
0x79: {  	v39 =	vadd.s32 v9, v63;
	v40 =	vld.idx.msk [tilespmem:v23+s15+$0x0], $0xffff  }
0x7a: {  	v42 =	vmul.f32 v33, v30;
	v41 =	vld.idx.msk [tilespmem:v32+s14+$0x0], $0xffff;
	v12 =	vadd.f32 v38, v12  }
0x7b: {  	v43 =	vadd.s32 v8, v63;
	v14 =	vld.idx.msk [tilespmem:v32+s15+$0x0], $0xffff  }
0x7c: {  	v24 =	vmov s28;
	s1 =	sadd.s32 $0xFFFFFFFF, s28;
	s29 =	sadd.s32 $0xFFFFFFF9, s28;
	v44 =	vld.idx.msk [tilespmem:v36+s14+$0x0], $0xffff;
	v45 =	vmul.f32 v16, v34;
	v12 =	vadd.f32 v42, v12  }
0x7d: {  	s31 =	sadd.s32 $0xFFFFFFFE, s28;
	v46 =	vmov s1;
	v47 =	vmov s29;
	v48 =	vadd.s32 v7, v63;
	v15 =	vld.idx.msk [tilespmem:v36+s15+$0x0], $0xffff  }
0x7e: {  	s30 =	sadd.s32 $0xFFFFFFFD, s28;
	v50 =	vmov s31;
	s31 =	sadd.s32 $0xFFFFFFFC, s28;
	v28 =	vld.idx.msk [tilespmem:v39+s14+$0x0], $0xffff;
	v49 =	vmul.f32 v40, v37;
	v12 =	vadd.f32 v45, v12  }
0x7f: {  	v27 =	vmov s30;
	v51 =	vadd.s32 v6, v63;
	v52 =	vmov s31;
	v17 =	vld.idx.msk [tilespmem:v39+s15+$0x0], $0xffff  }
0x80: {  	v21 =	vshrl.u32 v47, $0x3;
	v30 =	vld.idx.msk [tilespmem:v43+s14+$0x0], $0xffff;
	v14 =	vmul.f32 v14, v41;
	v12 =	vadd.f32 v49, v12  }
0x81: {  	s30 =	sadd.s32 $0xFFFFFFFA, s28;
	v53 =	vadd.s32 v5, v63;
	v18 =	vadd.s32 v4, v63;
	v21 =	vshll.u32 v21, v1;
	v20 =	vld.idx.msk [tilespmem:v43+s15+$0x0], $0xffff  }
0x82: {  	v29 =	vmov s30;
	s30 =	sadd.s32 $0xFFFFFFFB, s28;
	v31 =	vld.idx.msk [tilespmem:v48+s14+$0x0], $0xffff;
	v54 =	vmul.f32 v15, v44;
	v12 =	vadd.f32 v14, v12  }
0x83: {  	v21 =	vbroadcast v21, $0x0;
	v29 =	vshrl.u32 v29, $0x3;
	v55 =	vmov s30;
	v56 =	vld.idx.msk [tilespmem:v48+s15+$0x0], $0xffff  }
0x84: {  	v57 =	vshll.u32 v29, v1;
	v58 =	vld.idx.msk [tilespmem:v51+s14+$0x0], $0xffff;
	v59 =	vmul.f32 v17, v28;
	v12 =	vadd.f32 v54, v12  }
0x85: {  	v22 =	vld.idx.msk [tilespmem:v51+s15+$0x0], $0xffff;
	v61 =	vadd.s32 v11, v21;
	v60 =	vbroadcast v57, $0x0;
	v15 =	vshrl.u32 v55, $0x3  }
0x86: {  	v62 =	vld.idx.msk [tilespmem:v53+s14+$0x0], $0xffff;
	v63 =	vmul.f32 v20, v30;
	v15 =	vshll.u32 v15, v1;
	v12 =	vadd.f32 v59, v12  }
0x87: {  	v13 =	vshrl.u32 v52, $0x3;
	v26 =	vld.idx.msk [tilespmem:v53+s15+$0x0], $0xffff;
	v28 =	vadd.s32 v10, v60;
	v15 =	vbroadcast v15, $0x0  }
0x88: {  	v13 =	vshll.u32 v13, v1;
	v30 =	vld.idx.msk [tilespmem:v18+s14+$0x0], $0xffff;
	v31 =	vmul.f32 v56, v31;
	v12 =	vadd.f32 v63, v12  }
0x89: {  	v13 =	vbroadcast v13, $0x0;
	v32 =	vshrl.u32 v27, $0x3;
	v18 =	vld.idx.msk [tilespmem:v18+s15+$0x0], $0xffff;
	v33 =	vadd.s32 v9, v15  }
0x8a: {  	v34 =	vshll.u32 v32, v1;
	v35 =	vld.idx.msk [tilespmem:v61+s14+$0x0], $0xffff;
	v36 =	vmul.f32 v22, v58;
	v12 =	vadd.f32 v31, v12  }
0x8b: {  	v19 =	vshrl.u32 v50, $0x3;
	v37 =	vadd.s32 v8, v13;
	v11 =	vld.idx.msk [tilespmem:v61+s15+$0x0], $0xffff;
	v15 =	vbroadcast v34, $0x0  }
0x8c: {  	v38 =	vshll.u32 v19, v1;
	v40 =	vmul.f32 v26, v62;
	v39 =	vld.idx.msk [tilespmem:v28+s14+$0x0], $0xffff;
	v12 =	vadd.f32 v36, v12  }
0x8d: {  	v16 =	vshrl.u32 v46, $0x3;
	v13 =	vbroadcast v38, $0x0;
	v10 =	vld.idx.msk [tilespmem:v28+s15+$0x0], $0xffff;
	v41 =	vadd.s32 v7, v15  }
0x8e: {  	v42 =	vshll.u32 v16, v1;
	v44 =	vmul.f32 v18, v30;
	v43 =	vld.idx.msk [tilespmem:v33+s14+$0x0], $0xffff;
	v12 =	vadd.f32 v40, v12  }
0x8f: {  	v46 =	vadd.s32 v6, v13;
	v45 =	vshrl.u32 v24, $0x3;
	v15 =	vbroadcast v42, $0x0;
	v9 =	vld.idx.msk [tilespmem:v33+s15+$0x0], $0xffff  }
0x90: {  	v47 =	vshll.u32 v45, v1;
	v48 =	vld.idx.msk [tilespmem:v37+s14+$0x0], $0xffff;
	v11 =	vmul.f32 v11, v35;
	v12 =	vadd.f32 v44, v12  }
0x91: {  	v13 =	vbroadcast v47, $0x0;
	v8 =	vld.idx.msk [tilespmem:v37+s15+$0x0], $0xffff;
	v49 =	vadd.s32 v5, v15  }
0x92: {  	v10 =	vmul.f32 v10, v39;
	v50 =	vld.idx.msk [tilespmem:v41+s14+$0x0], $0xffff;
	v11 =	vadd.f32 v11, v12  }
0x93: {  	v51 =	vadd.s32 v4, v13;
	v7 =	vld.idx.msk [tilespmem:v41+s15+$0x0], $0xffff  }
0x94: {  	v52 =	vld.idx.msk [tilespmem:v46+s14+$0x0], $0xffff;
	v9 =	vmul.f32 v9, v43;
	v10 =	vadd.f32 v10, v11  }
0x95: {  	v3 =	vshll.u32 v3, $0x4;
	v6 =	vld.idx.msk [tilespmem:v46+s15+$0x0], $0xffff  }
0x96: {  	v8 =	vmul.f32 v8, v48;
	v53 =	vld.idx.msk [tilespmem:v49+s14+$0x0], $0xffff;
	v9 =	vadd.f32 v9, v10  }
0x97: {  	v54 =	vor.u32 $0x1, v3;
	v5 =	vld.idx.msk [tilespmem:v49+s15+$0x0], $0xffff  }
0x98: {  	v13 =	vld.idx.msk [tilespmem:v51+s14+$0x0], $0xffff;
	v7 =	vmul.f32 v7, v50;
	v8 =	vadd.f32 v8, v9  }
0x99: {  	v55 =	vor.u32 $0x2, v3;
	v4 =	vld.idx.msk [tilespmem:v51+s15+$0x0], $0xffff  }
0x9a: {  	v57 =	vld.idx.msk [tilespmem:v3+s16+$0x0], $0xffff;
	v6 =	vmul.f32 v6, v52;
	v7 =	vadd.f32 v7, v8  }
0x9b: {  	v56 =	vld.idx.msk [tilespmem:v3+s17+$0x0], $0xffff;
	v58 =	vor.u32 $0x3, v3  }
0x9c: {  	v59 =	vld.idx.msk [tilespmem:v54+s17+$0x0], $0xffff;
	v5 =	vmul.f32 v5, v53;
	v6 =	vadd.f32 v6, v7  }
0x9d: {  	v60 =	vor.u32 $0x4, v3;
	v10 =	vld.idx.msk [tilespmem:v54+s16+$0x0], $0xffff  }
0x9e: {  	v61 =	vld.idx.msk [tilespmem:v55+s17+$0x0], $0xffff;
	v4 =	vmul.f32 v4, v13;
	v5 =	vadd.f32 v5, v6  }
0x9f: {  	v62 =	vor.u32 $0x5, v3;
	v9 =	vld.idx.msk [tilespmem:v55+s16+$0x0], $0xffff  }
0xa0: {  	v16 =	vld.idx.msk [tilespmem:v58+s17+$0x0], $0xffff;
	v63 =	vmul.f32 v57, v56;
	v4 =	vadd.f32 v4, v5  }
0xa1: {  	v17 =	vld.idx.msk [tilespmem:v58+s16+$0x0], $0xffff;
	v18 =	vor.u32 $0x6, v3  }
0xa2: {  	v20 =	vld.idx.msk [tilespmem:v60+s17+$0x0], $0xffff;
	v19 =	vmul.f32 v10, v59;
	v4 =	vadd.f32 v63, v4  }
0xa3: {  	v22 =	vor.u32 $0x7, v3;
	v21 =	vld.idx.msk [tilespmem:v60+s16+$0x0], $0xffff  }
0xa4: {  	v24 =	vld.idx.msk [tilespmem:v62+s17+$0x0], $0xffff;
	v23 =	vmul.f32 v9, v61;
	v4 =	vadd.f32 v19, v4  }
0xa5: {  	v26 =	vor.u32 $0x8, v3;
	v25 =	vld.idx.msk [tilespmem:v62+s16+$0x0], $0xffff  }
0xa6: {  	v27 =	vmul.f32 v17, v16;
	v28 =	vld.idx.msk [tilespmem:v18+s17+$0x0], $0xffff;
	v4 =	vadd.f32 v23, v4  }
0xa7: {  	v30 =	vor.u32 $0x9, v3;
	v29 =	vld.idx.msk [tilespmem:v18+s16+$0x0], $0xffff  }
0xa8: {  	v32 =	vld.idx.msk [tilespmem:v22+s17+$0x0], $0xffff;
	v31 =	vmul.f32 v21, v20;
	v4 =	vadd.f32 v27, v4  }
0xa9: {  	v34 =	vor.u32 $0xA, v3;
	v33 =	vld.idx.msk [tilespmem:v22+s16+$0x0], $0xffff  }
0xaa: {  	v37 =	vld.idx.msk [tilespmem:v26+s16+$0x0], $0xffff;
	v35 =	vmul.f32 v25, v24;
	v4 =	vadd.f32 v31, v4  }
0xab: {  	v38 =	vor.u32 $0xB, v3;
	v36 =	vld.idx.msk [tilespmem:v26+s17+$0x0], $0xffff  }
0xac: {  	v41 =	vld.idx.msk [tilespmem:v30+s16+$0x0], $0xffff;
	v39 =	vmul.f32 v29, v28;
	v4 =	vadd.f32 v35, v4  }
0xad: {  	v42 =	vor.u32 $0xC, v3;
	v40 =	vld.idx.msk [tilespmem:v30+s17+$0x0], $0xffff  }
0xae: {  	v45 =	vld.idx.msk [tilespmem:v34+s16+$0x0], $0xffff;
	v43 =	vmul.f32 v33, v32;
	v4 =	vadd.f32 v39, v4  }
0xaf: {  	v46 =	vor.u32 $0xD, v3;
	v44 =	vld.idx.msk [tilespmem:v34+s17+$0x0], $0xffff  }
0xb0: {  	v48 =	vld.idx.msk [tilespmem:v38+s17+$0x0], $0xffff;
	v47 =	vmul.f32 v37, v36;
	v4 =	vadd.f32 v43, v4  }
0xb1: {  	v49 =	vld.idx.msk [tilespmem:v38+s16+$0x0], $0xffff;
	v50 =	vor.u32 $0xE, v3  }
0xb2: {  	v52 =	vld.idx.msk [tilespmem:v42+s17+$0x0], $0xffff;
	v51 =	vmul.f32 v41, v40;
	v4 =	vadd.f32 v47, v4  }
0xb3: {  	v3 =	vor.u32 $0xF, v3;
	v53 =	vld.idx.msk [tilespmem:v42+s16+$0x0], $0xffff  }
0xb4: {  	v56 =	vld.idx.msk [tilespmem:v46+s16+$0x0], $0xffff;
	v54 =	vmul.f32 v45, v44;
	v4 =	vadd.f32 v51, v4  }
0xb5: {  	v55 =	vld.idx.msk [tilespmem:v46+s17+$0x0], $0xffff  }
0xb6: {  	v57 =	vmul.f32 v49, v48;
	v58 =	vld.idx.msk [tilespmem:v50+s17+$0x0], $0xffff;
	v4 =	vadd.f32 v54, v4  }
0xb7: {  	v59 =	vld.idx.msk [tilespmem:v50+s16+$0x0], $0xffff  }
0xb8: {  	v60 =	vmul.f32 v53, v52;
	v61 =	vld.idx.msk [tilespmem:v3+s17+$0x0], $0xffff;
	v4 =	vadd.f32 v57, v4  }
0xb9: {  	v3 =	vld.idx.msk [tilespmem:v3+s16+$0x0], $0xffff  }
0xba: {  	v62 =	vmul.f32 v56, v55;
	v4 =	vadd.f32 v60, v4;
	_ =	sdelay $0x1  }
0xbb: {  	v63 =	vmul.f32 v59, v58;
	v4 =	vadd.f32 v62, v4;
	_ =	sdelay $0x1  }
0xbc: {  	v3 =	vmul.f32 v3, v61;
	v4 =	vadd.f32 v63, v4;
	_ =	sdelay $0x1  }
0xbd: {  	v3 =	vadd.f32 v3, v4;
	_ =	sdelay $0x1  }
0xbe: {  	v3 =	vmul.f32 $6.250000000e-02, v3;
	_ =	sdelay $0x1  }
0xbf: {  	v3 =	vmul.f32 $1.442695020e+00, v3;
	_ =	sdelay $0x1  }
0xc0: {  	(erf) = vpow2.f32 v3;
	_ =	sdelay $0x7  }
0xc1: {  	s31 =	sor.u32 s24, s26  }
0xc2: {  	s25 =	sadd.s32 $0x1, s25;
	p0 =	slt.u32 s31, $0x27100;
	v3 =	vpop (erf)  }
0xc3: {  	v3 =	vpsel !p0, $0x0, v3;
	p0 =	sne.s32 s25, $0x4  }
.Ltmp1:
0xc4: {  	_ = 	snop;
	(pc) =	sbr.rel @p0 .LBB2_3-.Ltmp1, $2  }
0xc5: {  	_ =	sdelay $0x2  }
0xc6: {  	[tilespmem:v2+s26+$0x0 ss:$0x1] =	vst.idx.msk $0xffff, v3  }
0xc7: {  	s23 =	sadd.s32 $0x1, s23  }
0xc8: {  	p0 =	sne.s32 s23, $0x50  }
.Ltmp2:
0xc9: {  	_ = 	snop;
	(pc) =	sbr.rel @p0 .LBB2_2-.Ltmp2, $1  }
0xca: {  	_ =	sdelay $0x3  }
0xcb: {  	s22 =	sadd.s32 $0x1, s22  }
0xcc: {  	p0 =	sne.s32 s22, s11  }
.Ltmp3:
0xcd: {  	_ = 	snop;
	(pc) =	sbr.rel @p0 .LBB2_1-.Ltmp3, $4  }
0xce: {  	[hbm4b:s10+s3] =	stream.linear.scatter [tilespmem:s21], [sflag:$0x4], $0x1400, $0x38;
	[tilespmem:$0x9C80] =	vst v63  }
0xcf: {  	_ =	swait.ge [sflag:s12], $0x1400  }
0xd0: {  	[sflag:s12] =	ssyncset.done $0x0  }
0xd1: {  	[sflag:s12] =	ssyncadd.s32 $0xFFFFEC00  }
0xd2: {  	_ =	sfence.sel $0x180000  }
0xd3: {  	[bflag:$0x0] =	sbarrier.arrive $0xFFFF  }
0xd4: {  	_ =	strace $0x90000047  }
0xd5: {  	[bflag:$0x2] =	sbarrier.arrive $0xFFFF  }
0xd6: {  	p0 =	sne.s32 s0, $0x0;
	s0 =	rddreg [dreg:$0x2]  }
0xd7: {  	s0 =	sadd.s32 @!p0 $0x100000, s0  }
0xd8: {  	[sflag:s0] =	ssyncadd.tile.s32 @!p0 $0x1;
	_ =	shalt  }
.Lfunc_end2:
_tile_overlayer_lowered:
.L_overlay_start_2:
0xd9: {  	(tag) =	ssettag $0x2  }
0xda: {  	s0 =	rddreg [dreg:$0x0];
	s2 =	stileid.u32  }
0xdb: {  	s1 =	rddreg [dreg:$0x1];
	p0 =	sne.s32 s2, $0x0  }
0xdc: {  	s3 =	rddreg [dreg:$0x2];
	[bflag:$0x3] =	sbarrier.arrive $0xFFFF;
	s2 =	simm.s32 @!p0 $0x1C04  }
0xdd: {  	[timem:s3], [sflag:s2] =	dma.local @!p0 [hbm:s0], s1  }
0xde: {  	s0 =	simm.s32 @!p0 $0x4  }
0xdf: {  	_ =	swait.ge @!p0 [sflag:s0], s1  }
0xe0: {  	s1 =	ssub.s32 @!p0 $0x0, s1;
	[sflag:s0] =	ssyncset.done @!p0 $0x0  }
0xe1: {  	[sflag:s0] =	ssyncadd.s32 @!p0 s1  }
0xe2: {  	[bflag:$0x3] =	sbarrier.arrive $0xFFFF  }
0xe3: {  	_ =	shalt  }

// kernel: kernel.19.cloned.1.call-start
scs
__scs_entry_jumppad:
0x0: {  	(pc) =	sbr.rel $0x88, $3  }
0x1: {  	(tag) =	ssettag $0x0;
	lr =	simm.s32 $0x1  }
0x2: {  	[smem:$0x3F8B] =	sst lr;
	_ =	strace $0xD0000000  }
0x3: {  	_ = 	snop  }
0x4: {  	_ = 	snop  }
0x5: {  	_ = 	snop  }
0x6: {  	_ = 	snop  }
0x7: {  	_ = 	snop  }
__scs_overlays_trampoline_lowered:
0x8: {  	[smem:$0x3F9A] =	sst s0  }
0x9: {  	[smem:$0x3F9B] =	sst s1  }
0xa: {  	[smem:$0x3F9C] =	sst s2  }
0xb: {  	[smem:$0x3F9D] =	sst s3  }
0xc: {  	[smem:$0x3F9E] =	sst s4  }
0xd: {  	[smem:$0x3F9F] =	sst s5  }
0xe: {  	[smem:$0x3FA0] =	sst s6  }
0xf: {  	[smem:$0x3FA1] =	sst s7  }
0x10: {  	[smem:$0x3FA2] =	sst s8  }
0x11: {  	[smem:$0x3FA3] =	sst s9;
	s0 =	simm.s32 @!p0 $0x0  }
0x12: {  	s1 =	sld [smem:$0x3F89];
	s0 =	simm.s32 @p0 $0x1  }
0x13: {  	[smem:$0x3FA4] =	sst s0;
	s0 =	simm.s32 @!p1 $0x0  }
0x14: {  	s2 =	sld [smem:$0x3F88];
	s0 =	simm.s32 @p1 $0x1  }
0x15: {  	[smem:$0x3FA5] =	sst s0;
	s0 =	simm.s32 @!p2 $0x0  }
0x16: {  	s3 =	sld [smem:$0x3FDB];
	s0 =	simm.s32 @p2 $0x1  }
0x17: {  	s4 =	simm.s32 $0x1BF5;
	[smem:$0x3FA7] =	sst s0  }
0x18: {  	s0 =	sld [smem:$0x3F8A];
	_ =	swait.ge [sflag:s4], $0x0  }
0x19: {  	s7 =	sld [smem:$0x3F8B]  }
0x1a: {  	s8 =	sadd.s32 $0xFFFFE003, lr  }
0x1b: {  	s9 =	sadd.s32 $0xFFFFFEF7, lr;
	s5 =	simm.s32 $0xFFFFFFFF;
	p2 =	slt.u32 s8, $0xFFFFF086  }
0x1c: {  	p1 =	slt.u32 s9, $0xF7A;
	s5 =	simm.s32 @!p2 $0x0  }
0x1d: {  	s5 =	simm.s32 @p1 $0x1;
	p0 =	seq.s32 s7, s2  }
0x1e: {  	s7 =	smul.u32 @!p0 $0xF7A, s2;
	p2 =	seq.s32 @!p0 s5, $0x0  }
0x1f: {  	s9 =	smul.u32 $0xF7A, s1;
	s8 =	simm.s32 @!p0 $0x1BF5;
	p2 =	por !p2, p0  }
0x20: {  	[sflag:s8] =	ssyncset.s32 @!p0 $0xFFFFF086;
	s6 =	sadd.s32 @!p0 s3, s7;
	s7 =	simm.s32 @!p0 $0x108  }
0x21: {  	s3 =	sadd.s32 s3, s9;
	s6 =	sadd.s32 @!p0 $0x88, s6;
	s7 =	simm.s32 @p2 $0x1082  }
0x22: {  	[simem:s7], [sflag:s8] =	dma.local @!p0 [hbm:s6], $0xF7A  }
0x23: {  	s9 =	sor.u32 $0xD0000000, s2;
	s6 =	simm.s32 $0x108;
	_ =	swait.ge @!p0 [sflag:s8], $0x0  }
0x24: {  	s3 =	sadd.s32 $0x88, s3;
	s6 =	simm.s32 @!p1 $0x1082;
	[sflag:s4] =	ssyncset.s32 $0xFFFFF086  }
0x25: {  	[simem:s6], [sflag:s4] =	dma.local [hbm:s3], $0xF7A  }
0x26: {  	[smem:$0x3F8B] =	sst s1;
	(tag) =	ssettag s2;
	_ =	strace s9  }
0x27: {  	s1 =	sld [smem:$0x3F9B]  }
0x28: {  	s2 =	sld [smem:$0x3F9C]  }
0x29: {  	s4 =	sld [smem:$0x3F9E]  }
0x2a: {  	p0 =	seq.s32 s5, $0x0;
	s5 =	sld [smem:$0x3F9F]  }
0x2b: {  	s6 =	sld [smem:$0x3FA0]  }
0x2c: {  	s7 =	sld [smem:$0x3FA1]  }
0x2d: {  	s3 =	simm.s32 $0x108;
	s8 =	sld [smem:$0x3FA2]  }
0x2e: {  	s3 =	simm.s32 @!p0 $0x1082;
	s9 =	sld [smem:$0x3FA3]  }
0x2f: {  	lr =	sadd.s32 s0, s3;
	s0 =	sld [smem:$0x3F9A]  }
0x30: {  	s3 =	sld [smem:$0x3F9D]  }
0x31: {  	[smem:$0x3FA6] =	sst s10  }
0x32: {  	s10 =	sld [smem:$0x3FA4];
	_ =	sdelay $0x3  }
0x33: {  	p0 =	seq.s32 s10, $0x1;
	s10 =	sld [smem:$0x3FA6];
	_ =	sdelay $0x3  }
0x34: {  	[smem:$0x3FA6] =	sst s10  }
0x35: {  	s10 =	sld [smem:$0x3FA5];
	_ =	sdelay $0x3  }
0x36: {  	p1 =	seq.s32 s10, $0x1;
	s10 =	sld [smem:$0x3FA6];
	_ =	sdelay $0x3  }
0x37: {  	[smem:$0x3FA6] =	sst s10  }
0x38: {  	s10 =	sld [smem:$0x3FA7]  }
0x39: {  	_ = 	snop;
	(pc) =	sbr.ind lr, $3  }
0x3a: {  	_ = 	snop  }
0x3b: {  	_ = 	snop  }
0x3c: {  	p2 =	seq.s32 s10, $0x1;
	s10 =	sld [smem:$0x3FA6]  }
0x3d: {  	_ =	shalt  }
0x3e: {  	_ =	shalt  }
0x3f: {  	_ =	shalt  }
0x40: {  	_ =	shalt  }
0x41: {  	_ =	shalt  }
0x42: {  	_ =	shalt  }
0x43: {  	_ =	shalt  }
0x44: {  	_ =	shalt  }
0x45: {  	_ =	shalt  }
0x46: {  	_ =	shalt  }
0x47: {  	_ =	shalt  }
0x48: {  	_ =	shalt  }
0x49: {  	_ =	shalt  }
0x4a: {  	_ =	shalt  }
0x4b: {  	_ =	shalt  }
0x4c: {  	_ =	shalt  }
0x4d: {  	_ =	shalt  }
0x4e: {  	_ =	shalt  }
0x4f: {  	_ =	shalt  }
0x50: {  	_ =	shalt  }
0x51: {  	_ =	shalt  }
0x52: {  	_ =	shalt  }
0x53: {  	_ =	shalt  }
0x54: {  	_ =	shalt  }
0x55: {  	_ =	shalt  }
0x56: {  	_ =	shalt  }
0x57: {  	_ =	shalt  }
0x58: {  	_ =	shalt  }
0x59: {  	_ =	shalt  }
0x5a: {  	_ =	shalt  }
0x5b: {  	_ =	shalt  }
0x5c: {  	_ =	shalt  }
0x5d: {  	_ =	shalt  }
0x5e: {  	_ =	shalt  }
0x5f: {  	_ =	shalt  }
0x60: {  	_ =	shalt  }
0x61: {  	_ =	shalt  }
0x62: {  	_ =	shalt  }
0x63: {  	_ =	shalt  }
0x64: {  	_ =	shalt  }
0x65: {  	_ =	shalt  }
0x66: {  	_ =	shalt  }
0x67: {  	_ =	shalt  }
0x68: {  	_ =	shalt  }
0x69: {  	_ =	shalt  }
0x6a: {  	_ =	shalt  }
0x6b: {  	_ =	shalt  }
0x6c: {  	_ =	shalt  }
0x6d: {  	_ =	shalt  }
0x6e: {  	_ =	shalt  }
0x6f: {  	_ =	shalt  }
0x70: {  	_ =	shalt  }
0x71: {  	_ =	shalt  }
0x72: {  	_ =	shalt  }
0x73: {  	_ =	shalt  }
0x74: {  	_ =	shalt  }
0x75: {  	_ =	shalt  }
0x76: {  	_ =	shalt  }
0x77: {  	_ =	shalt  }
0x78: {  	_ =	shalt  }
0x79: {  	_ =	shalt  }
0x7a: {  	_ =	shalt  }
0x7b: {  	_ =	shalt  }
0x7c: {  	_ =	shalt  }
0x7d: {  	_ =	shalt  }
0x7e: {  	_ =	shalt  }
0x7f: {  	_ =	shalt  }
0x80: {  	_ =	shalt  }
0x81: {  	_ =	shalt  }
0x82: {  	_ =	shalt  }
0x83: {  	_ =	shalt  }
0x84: {  	_ =	shalt  }
0x85: {  	_ =	shalt  }
0x86: {  	_ =	shalt  }
0x87: {  	_ =	shalt  }
.Lfunc_end0:
.L_simem_size_0:
called_computation.1_lowered:
.L_overlay_start_0:
0x88: {  	s2 =	sld [smem:$0x3FD9]  }
0x89: {  	s3 =	sld [smem:$0x3FFE];
	_ =	sdelay $0x1  }
0x8a: {  	s1 =	srdreg.scid  }
0x8b: {  	s0 =	sand.u32 $0x1, s1  }
0x8c: {  	s17 =	sshll.u32 s0, $0xA;
	s2 =	sadd.s32 s3, s2  }
0x8d: {  	s2 =	sadd.s32 s2, s17  }
0x8e: {  	[smem:$0x3FB2] =	sst s2  }
0x8f: {  	_ = 	snop  }
0x90: {  	s2 =	sld [smem:$0x3FD0];
	(tm) =	ssettm $0x1  }
0x91: {  	s18 =	sld [smem:$0x3FFB];
	_ =	sdelay $0x3  }
0x92: {  	_ =	strace s18  }
0x93: {  	s3 =	sld [smem:$0x3FFC];
	_ =	sdelay $0x3  }
0x94: {  	_ =	strace s3  }
0x95: {  	s3 =	sld [smem:$0x3FFD];
	_ =	sdelay $0x3  }
0x96: {  	_ =	strace s3  }
0x97: {  	_ =	strace $0x8FFFFFFF  }
0x98: {  	s19 =	sld [smem:$0x3FDB];
	_ =	sdelay $0x1  }
0x99: {  	s4 =	simm.s32 $_scs_section_size  }
0x9a: {  	s5 =	simm.s32 $_size__tile_overlayer_lowered;
	s6 =	simm.s32 $_tile_overlayer_lowered  }
0x9b: {  	s22 =	simm.s32 $0x1BFF;
	s21 =	sshll.u32 s6, $0x1;
	s3 =	sadd.s32 s4, s19  }
0x9c: {  	s7 =	simm.s32 $0x0;
	s20 =	sshll.u32 s5, $0x1;
	s5 =	sadd.s32 s21, s3  }
0x9d: {  	[timem:s7], [sflag:s22] =	dma.local [hbm:s5], s20  }
0x9e: {  	_ =	swait.ge [sflag:s22], s20  }
0x9f: {  	s4 =	ssub.s32 $0x0, s20;
	[sflag:s22] =	ssyncset.done $0x0  }
0xa0: {  	[sflag:s22] =	ssyncadd.s32 s4;
	_ =	sdelay $0x1  }
0xa1: {  	s23 =	simm.s32 $0x1B8B  }
0xa2: {  	_ =	swait.ge [sflag:s23], $0x1  }
0xa3: {  	[sflag:s23] =	ssyncset.done $0x0  }
0xa4: {  	s25 =	simm.s32 $0x1B8E;
	s24 =	sld [smem:$0x3FFE];
	[sflag:s23] =	ssyncadd.s32 $0xFFFFFFFF  }
0xa5: {  	s26 =	simm.s32 $execute0_lowered;
	[smem:$0x3FD2] =	sst s25  }
0xa6: {  	s5 =	sshll.u32 s26, $0x1;
	_ =	strace $0x80000049;
	[dreg:$0x1] =	wrdreg $0xFFFFFFFF  }
0xa7: {  	s28 =	simm.s32 $_size_execute0_lowered;
	s3 =	sadd.s32 s3, s5;
	[dreg:$0x0] =	wrdreg $0x0  }
0xa8: {  	s5 =	sshll.u32 s28, $0x1;
	[dreg:$0x2] =	wrdreg s3  }
0xa9: {  	[dreg:$0x3] =	wrdreg s5  }
0xaa: {  	[dreg:$0x4] =	wrdreg $0xC0  }
0xab: {  	_ =	task [dreg:s7], $0x5FFFF  }
0xac: {  	[dreg:$0x1] =	wrdreg $0xFFFFFFFF  }
0xad: {  	[dreg:$0x0] =	wrdreg $0x60  }
0xae: {  	[dreg:$0x2] =	wrdreg s24  }
0xaf: {  	[dreg:$0x3] =	wrdreg s2  }
0xb0: {  	[dreg:$0x4] =	wrdreg $0x3C600  }
0xb1: {  	[dreg:$0x5] =	wrdreg $0x174E00  }
0xb2: {  	[dreg:$0x6] =	wrdreg $0x9  }
0xb3: {  	_ =	task.clear_ibuf [dreg:s7], $0x7FFFF;
	_ =	strace $0x90000049  }
0xb4: {  	s29 =	simm.s32 $0x9;
	_ =	strace $0x8000004B  }
0xb5: {  	_ =	swait.ge [sflag:s29], $0x1  }
0xb6: {  	[sflag:s29] =	ssyncadd.s32 $0xFFFFFFFF  }
0xb7: {  	_ =	strace $0x9000004B  }
0xb8: {  	_ =	sfence  }
0xb9: {  	s30 =	sld [smem:$0x0];
	_ =	sdelay $0x2  }
0xba: {  	s31 =	sshll.u32 s1, $0xD;
	s1 =	sshrl.u32 s1, $0x2  }
0xbb: {  	s3 =	sand.u32 $0x4000, s31;
	s1 =	sadd.s32 s1, s30  }
0xbc: {  	s0 =	sor.u32 s3, s0;
	s1 =	sshll.u32 s1, $0x11  }
0xbd: {  	s0 =	sor.u32 s1, s0  }
0xbe: {  	s0 =	sadd.s32 $0x8F2B, s0  }
0xbf: {  	[sflag:s0] =	ssyncadd.remote.s32 $0x1  }
0xc0: {  	_ =	sfence.sel $0xFFFF  }
0xc1: {  	[dreg:$0x0] =	wrdreg $0xFFFFFFFF;
	(pc) =	sbr.abs _section_cstart, $3  }
0xc2: {  	[dreg:$0x1] =	wrdreg $0xFFFFFFFF  }
0xc3: {  	_ =	task.clear_ibuf [dreg:s7], $0x2FFFF;
	_ =	strace $0x9FFFFFFF  }
0xc4: {  	(tm) =	ssettm $0x7FFFFFFF  }
0xc5: {  	_ =	shalt  }
tec
execute0_lowered:
.L_overlay_start_1:
0x0: {  	(tag) =	ssettag $0x1  }
0x1: {  	s0 =	rddreg [dreg:$0x0]  }
0x2: {  	s1 =	rddreg [dreg:$0x1]  }
0x3: {  	s2 =	rddreg [dreg:$0x2]  }
0x4: {  	s13 =	rddreg [dreg:$0x3];
	s17 =	simm.s32 $0x0  }
0x5: {  	s14 =	stileid.u32;
	s3 =	srdreg.scid;
	s18 =	simm.s32 $0x2CC0  }
0x6: {  	s19 =	simm.s32 $0x2;
	s20 =	simm.s32 $0x3940;
	s21 =	simm.s32 $0x3  }
0x7: {  	s22 =	simm.s32 $0x40;
	s23 =	simm.s32 $0x2880;
	s28 =	simm.s32 $0x0  }
0x8: {  	[smem:$0x7FF] =	sst s17;
	s5 =	sadd.s32 $0xBAA00, s0;
	s4 =	smul.u32 $0x13880, s14  }
0x9: {  	s3 =	sand.u32 $0x1, s3;
	s6 =	sadd.s32 $0xB5A00, s0;
	s12 =	smul.u32 $0x4E20, s14  }
0xa: {  	s7 =	sadd.s32 $0x1A0200, s0;
	s8 =	sadd.s32 $0xBFA00, s0;
	s29 =	smul.u32 $0x4E200, s14  }
0xb: {  	_ =	strace $0x8000004A;
	s9 =	ssub.s32 $0x2, s3;
	p0 =	seq.s32 s3, $0x0  }
0xc: {  	p1 =	seq.s32 s3, $0x1;
	s10 =	sshrl.u32 s4, $0x3;
	s11 =	sshrl.u32 s9, $0x1  }
0xd: {  	s25 =	sadd.s32 s4, s2;
	s26 =	sshrl.u32 s12, $0x3;
	s3 =	sadd.s32 s12, s13  }
0xe: {  	s4 =	sshrl.u32 s4, $0x2;
	s10 =	sadd.s32 s10, s0;
	s11 =	ssub.s32 s9, s11  }
0xf: {  	s9 =	smul.u32 $0x2800, s14;
	[dreg:$0x7] =	wrdreg s25;
	s1 =	sadd.s32 s1, s26  }
0x10: {  	s16 =	sadd.s32 s4, s13;
	s24 =	sadd.s32 $0xC4A00, s10;
	[dreg:$0x9] =	wrdreg s1  }
0x11: {  	s10 =	sadd.s32 $0x67800, s10;
	s30 =	smax.u32 s11, $0x1;
	[dreg:$0x6] =	wrdreg s24  }
0x12: {  	s1 =	sshrl.u32 s29, $0x2;
	[dreg:$0x8] =	wrdreg s10;
	s10 =	simm.s32 $0x103C00  }
0x13: {  	[dreg:$0xa] =	wrdreg s30;
	s31 =	sadd.s32 s1, s2;
	s10 =	simm.s32 @!p0 $0x12AE00  }
0x14: {  	[dreg:$0xb] =	wrdreg s31;
	s15 =	sadd.s32 s10, s0;
	s0 =	sshrl.u32 @p1 s3, $0x3  }
0x15: {  	v0 =	vimm.f32 $0.0e+00;
	vm0 =	vmmov $0x1;
	s26 =	simm.s32 $0x1;
	s24 =	simm.s32 $0x80;
	[dreg:$0xc] =	wrdreg s0  }
.LBB2_1:
0x16: {  	s0 =	simm.s32 $0x2D00  }
0x17: {  	[tilespmem:s0+$0x20] =	vst v0  }
0x18: {  	[tilespmem:s0+$0x10] =	vst v0  }
0x19: {  	[tilespmem:s0+$0x0] =	vst v0  }
0x1a: {  	[tilespmem:s0+$0xFFFFFFF0] =	vst v0  }
0x1b: {  	[tilespmem:s0+$0xFFFFFFE0] =	vst v0  }
0x1c: {  	[tilespmem:s0+$0xFFFFFFD0] =	vst v0  }
0x1d: {  	[tilespmem:s0+$0xFFFFFFC0] =	vst v0  }
0x1e: {  	s3 =	simm.s32 $0x0;
	s1 =	simm.s32 $0x80;
	[tilespmem:s0+$0x30] =	vst v0  }
.LBB2_2:
0x1f: {  	p2 =	sne.s32 s1, $0xC00;
	[tilespmem:s3+$0x3950] =	vst v0  }
0x20: {  	s0 =	sadd.s32 $0x80, s0;
	[tilespmem:s3+$0x3940] =	vst v0  }
0x21: {  	[tilespmem:s0+$0x20] =	vst v0  }
0x22: {  	[tilespmem:s0+$0x10] =	vst v0  }
0x23: {  	[tilespmem:s0+$0x0] =	vst v0  }
.Ltmp0:
0x24: {  	[tilespmem:s0+$0xFFFFFFF0] =	vst v0;
	(pc) =	sbr.rel @p2 .LBB2_2-.Ltmp0, $4  }
0x25: {  	[tilespmem:s0+$0xFFFFFFE0] =	vst v0  }
0x26: {  	[tilespmem:s0+$0xFFFFFFD0] =	vst v0  }
0x27: {  	[tilespmem:s0+$0xFFFFFFC0] =	vst v0  }
0x28: {  	s3 =	sshra.s32 s1, $0x2;
	s1 =	sadd.s32 $0x80, s1;
	[tilespmem:s0+$0x30] =	vst v0  }
0x29: {  	[dreg:$0x5] =	wrdreg s17;
	[tilespmem:s3+$0x3950] =	vst v0  }
0x2a: {  	[tilespmem:s3+$0x3940] =	vst v0;
	s1 =	rddreg [dreg:$0xb]  }
0x2b: {  	[spmem:s1] =	stream.linear.scatter [tilespmem:s18], [sflag:$0x2], $0xC80, $0x38;
	[tilespmem:$0x1C300] =	vst v63  }
0x2c: {  	_ =	swait.ge [sflag:s19], $0xC80  }
0x2d: {  	[sflag:s19] =	ssyncset.done $0x0  }
0x2e: {  	s0 =	sadd.s32 $0x0, s16;
	[sflag:s19] =	ssyncadd.s32 $0xFFFFF380  }
0x2f: {  	[spmem:s0] =	stream.linear.scatter [tilespmem:s20], [sflag:$0x2], $0x320, $0x38;
	[tilespmem:$0x1C300] =	vst v63  }
0x30: {  	_ =	swait.ge [sflag:s19], $0x320  }
0x31: {  	s0 =	simm.s32 $0xC80;
	[sflag:s19] =	ssyncset.done $0x0  }
.LBB2_4:
0x32: {  	p2 =	sne.s32 s0, $0x12C00;
	[sflag:s19] =	ssyncadd.s32 $0xFFFFFCE0;
	s1 =	sadd.s32 $0xC80, s1  }
0x33: {  	[spmem:s1] =	stream.linear.scatter [tilespmem:s18], [sflag:$0x2], $0xC80, $0x38;
	[tilespmem:$0x1C300] =	vst v63  }
0x34: {  	s3 =	smov.u32 s0;
	s0 =	sadd.s32 $0xC80, s0;
	_ =	swait.ge [sflag:s19], $0xC80  }
.Ltmp1:
0x35: {  	s3 =	sshra.s32 s3, $0x2;
	[sflag:s19] =	ssyncset.done $0x0;
	(pc) =	sbr.rel @p2 .LBB2_4-.Ltmp1, $4  }
0x36: {  	s3 =	sadd.s32 s3, s16;
	[sflag:s19] =	ssyncadd.s32 $0xFFFFF380  }
0x37: {  	[spmem:s3] =	stream.linear.scatter [tilespmem:s20], [sflag:$0x2], $0x320, $0x38;
	[tilespmem:$0x1C300] =	vst v63  }
0x38: {  	_ =	swait.ge [sflag:s19], $0x320  }
0x39: {  	[sflag:s19] =	ssyncset.done $0x0  }
0x3a: {  	[sflag:s19] =	ssyncadd.s32 $0xFFFFFCE0  }
0x3b: {  	s29 =	simm.s32 $0x0;
	[bflag:$0x0] =	sbarrier.arrive $0xFFFF  }
.LBB2_6:
0x3c: {  	s0 =	sshll.u32 s29, $0x6  }
0x3d: {  	s0 =	sadd.s32 s9, s0  }
0x3e: {  	s1 =	sshrl.u32 s0, $0x3  }
0x3f: {  	s3 =	sadd.s32 s5, s1  }
0x40: {  	[tilespmem:s28], [sflag:$0x3] =	stream.linear.gather [hbm4b:s3+s28], $0x40, $0x38;
	[tilespmem:$0x1C300] =	vst v63  }
0x41: {  	_ =	swait.ge [sflag:s21], $0x40  }
0x42: {  	[sflag:s21] =	ssyncset.done $0x0  }
0x43: {  	s25 =	sadd.s32 s6, s1;
	[sflag:s21] =	ssyncadd.s32 $0xFFFFFFC0  }
0x44: {  	[tilespmem:s22], [sflag:$0x3] =	stream.linear.gather [hbm4b:s25+s28], $0x40, $0x38;
	[tilespmem:$0x1C300] =	vst v63  }
0x45: {  	_ =	swait.ge [sflag:s21], $0x40  }
0x46: {  	[sflag:s21] =	ssyncset.done $0x0  }
0x47: {  	s1 =	sadd.s32 s8, s1;
	[sflag:s21] =	ssyncadd.s32 $0xFFFFFFC0  }
0x48: {  	[tilespmem:s23], [sflag:$0x3] =	stream.linear.gather [hbm4b:s1+s28], $0x40, $0x38;
	[tilespmem:$0x1C300] =	vst v63  }
0x49: {  	_ =	swait.ge [sflag:s21], $0x40  }
0x4a: {  	s0 =	sshll.u32 s0, $0x1;
	[sflag:s21] =	ssyncset.done $0x0  }
0x4b: {  	s13 =	simm.s32 $0x28C0;
	s0 =	sadd.s32 s7, s0;
	[sflag:s21] =	ssyncadd.s32 $0xFFFFFFC0  }
0x4c: {  	[tilespmem:s13], [sflag:$0x3] =	stream.linear.gather [hbm4b:s0+s28], $0x400, $0x38;
	[tilespmem:$0x1C300] =	vst v63  }
0x4d: {  	_ =	swait.ge [sflag:s21], $0x400  }
0x4e: {  	[sflag:s21] =	ssyncset.done $0x0  }
0x4f: {  	[sflag:s21] =	ssyncadd.s32 $0xFFFFFC00  }
0x50: {  	[tilespmem:s24], [sflag:$0x1] =	stream.indirect.gather [hbm4b:s15+s22], $0x80, s28, s22, $0xb8;
	[tilespmem:$0x1C300] =	vst v63  }
0x51: {  	v1 =	vmov s28;
	_ =	swait.ge [sflag:s26], $0x2000  }
0x52: {  	[sflag:s26] =	ssyncset.done $0x0  }
0x53: {  	s25 =	simm.s32 $0xC0;
	[sflag:s26] =	ssyncadd.s32 $0xFFFFE000  }
0x54: {  	v4 =	vld [tilespmem:s25+$0xFFFFFFD0]  }
0x55: {  	v6 =	vld [tilespmem:s25+$0xFFFFFFE0]  }
0x56: {  	v3 =	vld.idx.msk [tilespmem:v1+s23+$0x0], $0xffff  }
0x57: {  	s14 =	simm.s32 $0x2090;
	v8 =	vld [tilespmem:s25+$0x10]  }
0x58: {  	s2 =	simm.s32 $0x1;
	s10 =	simm.s32 $0x20B0;
	s12 =	simm.s32 $0x140;
	v9 =	vld [tilespmem:s25+$0x0]  }
0x59: {  	s30 =	simm.s32 $0x2;
	s11 =	simm.s32 $0x28E0;
	s17 =	simm.s32 $0x20D0  }
0x5a: {  	s4 =	simm.s32 $0x1C0;
	s31 =	simm.s32 $0x1C0;
	s3 =	simm.s32 $0x28D0;
	v5 =	vld [tilespmem:s25+$0x30]  }
0x5b: {  	v2 =	vmov s2;
	s1 =	simm.s32 $0x3;
	s0 =	simm.s32 $0x28E0;
	v1 =	vmov s30;
	v7 =	vld [tilespmem:s25+$0x20];
	s30 =	simm.s32 $0x20D0  }
.LBB2_7:
0x5c: {  	s11 =	sadd.s32 $0x10, s11;
	s17 =	sadd.s32 $0x20, s17;
	s4 =	sadd.s32 $0x80, s4;
	v6 =	vmul.f32 v6, v3;
	v10 =	vld [tilespmem:s25+$0xFFFFFFF0];
	v8 =	vmul.f32 v8, v3  }
0x5d: {  	p2 =	sne.s32 s1, $0x3F;
	v4 =	vmul.f32 v4, v3;
	s2 =	smov.u32 s1;
	s1 =	sadd.s32 $0x1, s1;
	v11 =	vld [tilespmem:s25+$0xFFFFFFC0];
	v9 =	vmul.f32 v9, v3  }
0x5e: {  	[tilespmem:s25+$0xFFFFFFE0] =	vst v6  }
0x5f: {  	[tilespmem:s25+$0x0] =	vst v9  }
0x60: {  	[tilespmem:s25+$0x10] =	vst v8;
	v6 =	vmul.f32 v7, v3  }
0x61: {  	v7 =	vmov s2;
	[tilespmem:s25+$0xFFFFFFD0] =	vst v4;
	v4 =	vmul.f32 v5, v3  }
0x62: {  	v8 =	vmul.f32 v10, v3;
	v5 =	vmul.f32 v11, v3;
	[tilespmem:s25+$0x20] =	vst v6  }
0x63: {  	[tilespmem:s25+$0x30] =	vst v4  }
0x64: {  	[tilespmem:s25+$0xFFFFFFF0] =	vst v8  }
0x65: {  	[tilespmem:s25+$0xFFFFFFC0] =	vst v5;
	s25 =	smov.u32 s12;
	s12 =	smov.u32 s31;
	s31 =	smov.u32 s4  }
0x66: {  	v5 =	vnsel vm0, $0x0, v3;
	v4 =	vld [tilespmem:s13+$0x0];
	s13 =	smov.u32 s3;
	s3 =	smov.u32 s0;
	s0 =	smov.u32 s11  }
0x67: {  	[tilespmem:s14+$0x0] =	vst v5;
	_ =	sdelay $0x3  }
0x68: {  	v3 =	vmul.f32 v4, v3;
	_ =	sdelay $0x1  }
0x69: {  	[tilespmem:s14+$0xFFFFFFF0] =	vst v3;
	s14 =	smov.u32 s10;
	s10 =	smov.u32 s30;
	s30 =	smov.u32 s17  }
0x6a: {  	v4 =	vld [tilespmem:s25+$0xFFFFFFD0]  }
0x6b: {  	v6 =	vld [tilespmem:s25+$0xFFFFFFE0]  }
0x6c: {  	v3 =	vld.idx.msk [tilespmem:v2+s23+$0x0], $0xffff;
	v2 =	vmov v1;
	v1 =	vmov v7  }
.Ltmp2:
0x6d: {  	v8 =	vld [tilespmem:s25+$0x10];
	(pc) =	sbr.rel @p2 .LBB2_7-.Ltmp2, $3  }
0x6e: {  	v9 =	vld [tilespmem:s25+$0x0]  }
0x6f: {  	v5 =	vld [tilespmem:s25+$0x30];
	_ =	sdelay $0x1  }
0x70: {  	v7 =	vld [tilespmem:s25+$0x20]  }
0x71: {  	v6 =	vmul.f32 v6, v3  }
0x72: {  	v10 =	vld [tilespmem:s25+$0xFFFFFFF0];
	v8 =	vmul.f32 v8, v3  }
0x73: {  	v11 =	vld [tilespmem:s25+$0xFFFFFFC0];
	v4 =	vmul.f32 v4, v3;
	[tilespmem:s25+$0xFFFFFFE0] =	vst v6  }
0x74: {  	v9 =	vmul.f32 v9, v3;
	[tilespmem:s25+$0x10] =	vst v8  }
0x75: {  	[tilespmem:s25+$0xFFFFFFD0] =	vst v4;
	v48 =	vmul.f32 v5, v3  }
0x76: {  	[tilespmem:s25+$0x0] =	vst v9;
	v47 =	vmul.f32 v7, v3  }
0x77: {  	[tilespmem:s25+$0x30] =	vst v48;
	v49 =	vmul.f32 v10, v3  }
0x78: {  	v50 =	vmul.f32 v11, v3;
	[tilespmem:s25+$0x20] =	vst v47  }
0x79: {  	[tilespmem:s25+$0xFFFFFFF0] =	vst v49  }
0x7a: {  	[tilespmem:s25+$0xFFFFFFC0] =	vst v50  }
0x7b: {  	v4 =	vld [tilespmem:s13+$0x0];
	_ =	sdelay $0x4  }
0x7c: {  	v51 =	vnsel vm0, $0x0, v3;
	v3 =	vmul.f32 v4, v3  }
0x7d: {  	[tilespmem:s14+$0x0] =	vst v51  }
0x7e: {  	[tilespmem:s14+$0xFFFFFFF0] =	vst v3  }
0x7f: {  	v52 =	vld [tilespmem:s12+$0xFFFFFFE0]  }
0x80: {  	v2 =	vld.idx.msk [tilespmem:v2+s23+$0x0], $0xffff  }
0x81: {  	v5 =	vld [tilespmem:s12+$0x0]  }
0x82: {  	v53 =	vld [tilespmem:s12+$0x10]  }
0x83: {  	v3 =	vld [tilespmem:s12+$0xFFFFFFD0]  }
0x84: {  	v8 =	vld [tilespmem:s12+$0x20]  }
0x85: {  	v9 =	vld [tilespmem:s12+$0xFFFFFFF0];
	v4 =	vmul.f32 v52, v2  }
0x86: {  	v55 =	vld [tilespmem:s12+$0xFFFFFFC0];
	v5 =	vmul.f32 v5, v2  }
0x87: {  	v54 =	vld [tilespmem:s12+$0x30];
	v6 =	vmul.f32 v53, v2;
	[tilespmem:s12+$0xFFFFFFE0] =	vst v4  }
0x88: {  	v3 =	vmul.f32 v3, v2;
	[tilespmem:s12+$0x0] =	vst v5  }
0x89: {  	v56 =	vmul.f32 v8, v2;
	[tilespmem:s12+$0x10] =	vst v6  }
0x8a: {  	v57 =	vmul.f32 v9, v2;
	[tilespmem:s12+$0xFFFFFFD0] =	vst v3  }
0x8b: {  	v58 =	vmul.f32 v55, v2;
	[tilespmem:s12+$0x20] =	vst v56  }
0x8c: {  	v3 =	vmul.f32 v54, v2;
	[tilespmem:s12+$0xFFFFFFF0] =	vst v57  }
0x8d: {  	[tilespmem:s12+$0xFFFFFFC0] =	vst v58  }
0x8e: {  	[tilespmem:s12+$0x30] =	vst v3  }
0x8f: {  	v3 =	vld [tilespmem:s3+$0x0];
	_ =	sdelay $0x4  }
0x90: {  	v59 =	vnsel vm0, $0x0, v2;
	v2 =	vmul.f32 v3, v2  }
0x91: {  	[tilespmem:s10+$0x0] =	vst v59  }
0x92: {  	[tilespmem:s10+$0xFFFFFFF0] =	vst v2  }
0x93: {  	v3 =	vld [tilespmem:s31+$0xFFFFFFE0]  }
0x94: {  	v1 =	vld.idx.msk [tilespmem:v1+s23+$0x0], $0xffff  }
0x95: {  	v4 =	vld [tilespmem:s31+$0x0]  }
0x96: {  	v5 =	vld [tilespmem:s31+$0x10]  }
0x97: {  	v2 =	vld [tilespmem:s31+$0xFFFFFFD0]  }
0x98: {  	v61 =	vld [tilespmem:s31+$0xFFFFFFF0]  }
0x99: {  	v60 =	vld [tilespmem:s31+$0x20];
	v3 =	vmul.f32 v3, v1  }
0x9a: {  	v6 =	vld [tilespmem:s31+$0x30];
	v4 =	vmul.f32 v4, v1  }
0x9b: {  	v62 =	vld [tilespmem:s31+$0xFFFFFFC0];
	v5 =	vmul.f32 v5, v1;
	[tilespmem:s31+$0xFFFFFFE0] =	vst v3  }
0x9c: {  	v2 =	vmul.f32 v2, v1;
	[tilespmem:s31+$0x0] =	vst v4  }
0x9d: {  	v63 =	vmul.f32 v61, v1;
	[tilespmem:s31+$0x10] =	vst v5  }
0x9e: {  	v3 =	vmul.f32 v60, v1;
	[tilespmem:s31+$0xFFFFFFD0] =	vst v2  }
0x9f: {  	v2 =	vmul.f32 v6, v1;
	[tilespmem:s31+$0xFFFFFFF0] =	vst v63  }
0xa0: {  	[tilespmem:s31+$0x20] =	vst v3;
	v3 =	vmul.f32 v62, v1  }
0xa1: {  	[tilespmem:s31+$0x30] =	vst v2  }
0xa2: {  	[tilespmem:s31+$0xFFFFFFC0] =	vst v3  }
0xa3: {  	v2 =	vld [tilespmem:s0+$0x0];
	_ =	sdelay $0x4  }
0xa4: {  	v3 =	vnsel vm0, $0x0, v1;
	v1 =	vmul.f32 v2, v1  }
0xa5: {  	[tilespmem:s30+$0x0] =	vst v3  }
0xa6: {  	s31 =	rddreg [dreg:$0x2];
	[tilespmem:s30+$0xFFFFFFF0] =	vst v1  }
0xa7: {  	[spmem:s31] =	stream.indirect.scatter.add.f32 [tilespmem:s24], [sflag:$0x3], $0x80, s22, s22, $0xb8;
	[tilespmem:$0x1C300] =	vst v63  }
0xa8: {  	_ =	swait.ge [sflag:s21], $0x2000  }
0xa9: {  	[sflag:s21] =	ssyncset.done $0x0  }
0xaa: {  	s1 =	simm.s32 @!p0 $0x2080;
	s29 =	sadd.s32 $0x1, s29;
	[sflag:s21] =	ssyncadd.s32 $0xFFFFE000  }
0xab: {  	p2 =	sne.s32 s29, $0xA0;
	s0 =	simm.s32 @!p0 $0x40;
	s2 =	rddreg [dreg:$0x3]  }
0xac: {  	[spmem:s2] =	stream.indirect.scatter.add.f32 @!p0 [tilespmem:s1], [sflag:$0x2], $0x20, s0, s0, $0xb8;
	[tilespmem:$0x1C300] =	vst v63  }
.Ltmp3:
0xad: {  	_ = 	snop;
	(pc) =	sbr.rel @p2 .LBB2_6-.Ltmp3, $4  }
0xae: {  	s0 =	simm.s32 @!p0 $0x2  }
0xaf: {  	_ =	swait.ge @!p0 [sflag:s0], $0x800  }
0xb0: {  	[sflag:s0] =	ssyncset.done @!p0 $0x0  }
0xb1: {  	[sflag:s0] =	ssyncadd.s32 @!p0 $0xFFFFF800  }
0xb2: {  	s3 =	stileid.u32;
	[bflag:$0x0] =	sbarrier.arrive $0xFFFF  }
0xb3: {  	s0 =	sshll.u32 @p1 s3, $0x6;
	s4 =	rddreg [dreg:$0x7]  }
0xb4: {  	s2 =	rddreg [dreg:$0x8];
	s0 =	sor.u32 @p1 $0x1C02, s0;
	s1 =	sshrl.u32 @p1 s4, $0x3  }
0xb5: {  	[hbm:s2], [sflag:s0] =	dma.local @p1 [spmem:s1], $0x2710  }
0xb6: {  	s1 =	simm.s32 @p1 $0x2  }
0xb7: {  	_ =	swait.ge @p1 [sflag:s1], $0x2710  }
0xb8: {  	[sflag:s1] =	ssyncset.done @p1 $0x0;
	s2 =	rddreg [dreg:$0x9]  }
0xb9: {  	s10 =	rddreg [dreg:$0xc];
	[sflag:s1] =	ssyncadd.s32 @p1 $0xFFFFD8F0  }
0xba: {  	[hbm:s2], [sflag:s0] =	dma.local @p1 [spmem:s10], $0x9C4  }
0xbb: {  	s0 =	sshll.u32 @!p1 s3, $0x6;
	_ =	swait.ge @p1 [sflag:s1], $0x9C4  }
0xbc: {  	s0 =	sor.u32 @!p1 $0x1C02, s0;
	[sflag:s1] =	ssyncset.done @p1 $0x0  }
0xbd: {  	s3 =	rddreg [dreg:$0x6];
	[sflag:s1] =	ssyncadd.s32 @p1 $0xFFFFF63C;
	s1 =	sshrl.u32 @!p1 s4, $0x3  }
0xbe: {  	[hbm:s3], [sflag:s0] =	dma.local @!p1 [spmem:s1], $0x2710  }
0xbf: {  	s0 =	simm.s32 @!p1 $0x2  }
0xc0: {  	_ =	swait.ge @!p1 [sflag:s0], $0x2710  }
0xc1: {  	s17 =	rddreg [dreg:$0x5]  }
0xc2: {  	s31 =	rddreg [dreg:$0xa];
	s17 =	sadd.s32 $0x1, s17  }
0xc3: {  	p2 =	sne.s32 s17, s31  }
.Ltmp4:
0xc4: {  	_ = 	snop;
	(pc) =	sbr.rel @p2 .LBB2_1-.Ltmp4, $3  }
0xc5: {  	_ =	sdelay $0x1  }
0xc6: {  	[sflag:s0] =	ssyncset.done @!p1 $0x0  }
0xc7: {  	s2 =	stileid.u32;
	[sflag:s0] =	ssyncadd.s32 @!p1 $0xFFFFD8F0  }
0xc8: {  	_ =	sfence.sel $0x180000  }
0xc9: {  	[bflag:$0x0] =	sbarrier.arrive $0xFFFF  }
0xca: {  	_ =	strace $0x9000004A  }
0xcb: {  	[bflag:$0x2] =	sbarrier.arrive $0xFFFF  }
0xcc: {  	p0 =	sne.s32 s2, $0x0;
	s0 =	rddreg [dreg:$0x4]  }
0xcd: {  	s0 =	sadd.s32 @!p0 $0x100000, s0  }
0xce: {  	[sflag:s0] =	ssyncadd.tile.s32 @!p0 $0x1;
	_ =	shalt  }
.Lfunc_end2:
_tile_overlayer_lowered:
.L_overlay_start_2:
0xcf: {  	(tag) =	ssettag $0x2  }
0xd0: {  	s0 =	rddreg [dreg:$0x0];
	s2 =	stileid.u32  }
0xd1: {  	s1 =	rddreg [dreg:$0x1];
	p0 =	sne.s32 s2, $0x0  }
0xd2: {  	s3 =	rddreg [dreg:$0x2];
	[bflag:$0x3] =	sbarrier.arrive $0xFFFF;
	s2 =	simm.s32 @!p0 $0x1C02  }
0xd3: {  	[timem:s3], [sflag:s2] =	dma.local @!p0 [hbm:s0], s1  }
0xd4: {  	s0 =	simm.s32 @!p0 $0x2  }
0xd5: {  	_ =	swait.ge @!p0 [sflag:s0], s1  }
0xd6: {  	s1 =	ssub.s32 @!p0 $0x0, s1;
	[sflag:s0] =	ssyncset.done @!p0 $0x0  }
0xd7: {  	[sflag:s0] =	ssyncadd.s32 @!p0 s1  }
0xd8: {  	[bflag:$0x3] =	sbarrier.arrive $0xFFFF  }
0xd9: {  	_ =	shalt  }

// kernel: kernel.22.cloned.1.call-start
scs
__scs_entry_jumppad:
0x0: {  	(pc) =	sbr.rel $0x88, $3  }
0x1: {  	(tag) =	ssettag $0x0;
	lr =	simm.s32 $0x1  }
0x2: {  	[smem:$0x3F8B] =	sst lr;
	_ =	strace $0xD0000000  }
0x3: {  	_ = 	snop  }
0x4: {  	_ = 	snop  }
0x5: {  	_ = 	snop  }
0x6: {  	_ = 	snop  }
0x7: {  	_ = 	snop  }
__scs_overlays_trampoline_lowered:
0x8: {  	[smem:$0x3F9A] =	sst s0  }
0x9: {  	[smem:$0x3F9B] =	sst s1  }
0xa: {  	[smem:$0x3F9C] =	sst s2  }
0xb: {  	[smem:$0x3F9D] =	sst s3  }
0xc: {  	[smem:$0x3F9E] =	sst s4  }
0xd: {  	[smem:$0x3F9F] =	sst s5  }
0xe: {  	[smem:$0x3FA0] =	sst s6  }
0xf: {  	[smem:$0x3FA1] =	sst s7  }
0x10: {  	[smem:$0x3FA2] =	sst s8  }
0x11: {  	[smem:$0x3FA3] =	sst s9;
	s0 =	simm.s32 @!p0 $0x0  }
0x12: {  	s1 =	sld [smem:$0x3F89];
	s0 =	simm.s32 @p0 $0x1  }
0x13: {  	[smem:$0x3FA4] =	sst s0;
	s0 =	simm.s32 @!p1 $0x0  }
0x14: {  	s2 =	sld [smem:$0x3F88];
	s0 =	simm.s32 @p1 $0x1  }
0x15: {  	[smem:$0x3FA5] =	sst s0;
	s0 =	simm.s32 @!p2 $0x0  }
0x16: {  	s3 =	sld [smem:$0x3FDB];
	s0 =	simm.s32 @p2 $0x1  }
0x17: {  	s4 =	simm.s32 $0x1BF5;
	[smem:$0x3FA7] =	sst s0  }
0x18: {  	s0 =	sld [smem:$0x3F8A];
	_ =	swait.ge [sflag:s4], $0x0  }
0x19: {  	s7 =	sld [smem:$0x3F8B]  }
0x1a: {  	s8 =	sadd.s32 $0xFFFFE003, lr  }
0x1b: {  	s9 =	sadd.s32 $0xFFFFFEF7, lr;
	s5 =	simm.s32 $0xFFFFFFFF;
	p2 =	slt.u32 s8, $0xFFFFF086  }
0x1c: {  	p1 =	slt.u32 s9, $0xF7A;
	s5 =	simm.s32 @!p2 $0x0  }
0x1d: {  	s5 =	simm.s32 @p1 $0x1;
	p0 =	seq.s32 s7, s2  }
0x1e: {  	s7 =	smul.u32 @!p0 $0xF7A, s2;
	p2 =	seq.s32 @!p0 s5, $0x0  }
0x1f: {  	s9 =	smul.u32 $0xF7A, s1;
	s8 =	simm.s32 @!p0 $0x1BF5;
	p2 =	por !p2, p0  }
0x20: {  	[sflag:s8] =	ssyncset.s32 @!p0 $0xFFFFF086;
	s6 =	sadd.s32 @!p0 s3, s7;
	s7 =	simm.s32 @!p0 $0x108  }
0x21: {  	s3 =	sadd.s32 s3, s9;
	s6 =	sadd.s32 @!p0 $0x88, s6;
	s7 =	simm.s32 @p2 $0x1082  }
0x22: {  	[simem:s7], [sflag:s8] =	dma.local @!p0 [hbm:s6], $0xF7A  }
0x23: {  	s9 =	sor.u32 $0xD0000000, s2;
	s6 =	simm.s32 $0x108;
	_ =	swait.ge @!p0 [sflag:s8], $0x0  }
0x24: {  	s3 =	sadd.s32 $0x88, s3;
	s6 =	simm.s32 @!p1 $0x1082;
	[sflag:s4] =	ssyncset.s32 $0xFFFFF086  }
0x25: {  	[simem:s6], [sflag:s4] =	dma.local [hbm:s3], $0xF7A  }
0x26: {  	[smem:$0x3F8B] =	sst s1;
	(tag) =	ssettag s2;
	_ =	strace s9  }
0x27: {  	s1 =	sld [smem:$0x3F9B]  }
0x28: {  	s2 =	sld [smem:$0x3F9C]  }
0x29: {  	s4 =	sld [smem:$0x3F9E]  }
0x2a: {  	p0 =	seq.s32 s5, $0x0;
	s5 =	sld [smem:$0x3F9F]  }
0x2b: {  	s6 =	sld [smem:$0x3FA0]  }
0x2c: {  	s7 =	sld [smem:$0x3FA1]  }
0x2d: {  	s3 =	simm.s32 $0x108;
	s8 =	sld [smem:$0x3FA2]  }
0x2e: {  	s3 =	simm.s32 @!p0 $0x1082;
	s9 =	sld [smem:$0x3FA3]  }
0x2f: {  	lr =	sadd.s32 s0, s3;
	s0 =	sld [smem:$0x3F9A]  }
0x30: {  	s3 =	sld [smem:$0x3F9D]  }
0x31: {  	[smem:$0x3FA6] =	sst s10  }
0x32: {  	s10 =	sld [smem:$0x3FA4];
	_ =	sdelay $0x3  }
0x33: {  	p0 =	seq.s32 s10, $0x1;
	s10 =	sld [smem:$0x3FA6];
	_ =	sdelay $0x3  }
0x34: {  	[smem:$0x3FA6] =	sst s10  }
0x35: {  	s10 =	sld [smem:$0x3FA5];
	_ =	sdelay $0x3  }
0x36: {  	p1 =	seq.s32 s10, $0x1;
	s10 =	sld [smem:$0x3FA6];
	_ =	sdelay $0x3  }
0x37: {  	[smem:$0x3FA6] =	sst s10  }
0x38: {  	s10 =	sld [smem:$0x3FA7]  }
0x39: {  	_ = 	snop;
	(pc) =	sbr.ind lr, $3  }
0x3a: {  	_ = 	snop  }
0x3b: {  	_ = 	snop  }
0x3c: {  	p2 =	seq.s32 s10, $0x1;
	s10 =	sld [smem:$0x3FA6]  }
0x3d: {  	_ =	shalt  }
0x3e: {  	_ =	shalt  }
0x3f: {  	_ =	shalt  }
0x40: {  	_ =	shalt  }
0x41: {  	_ =	shalt  }
0x42: {  	_ =	shalt  }
0x43: {  	_ =	shalt  }
0x44: {  	_ =	shalt  }
0x45: {  	_ =	shalt  }
0x46: {  	_ =	shalt  }
0x47: {  	_ =	shalt  }
0x48: {  	_ =	shalt  }
0x49: {  	_ =	shalt  }
0x4a: {  	_ =	shalt  }
0x4b: {  	_ =	shalt  }
0x4c: {  	_ =	shalt  }
0x4d: {  	_ =	shalt  }
0x4e: {  	_ =	shalt  }
0x4f: {  	_ =	shalt  }
0x50: {  	_ =	shalt  }
0x51: {  	_ =	shalt  }
0x52: {  	_ =	shalt  }
0x53: {  	_ =	shalt  }
0x54: {  	_ =	shalt  }
0x55: {  	_ =	shalt  }
0x56: {  	_ =	shalt  }
0x57: {  	_ =	shalt  }
0x58: {  	_ =	shalt  }
0x59: {  	_ =	shalt  }
0x5a: {  	_ =	shalt  }
0x5b: {  	_ =	shalt  }
0x5c: {  	_ =	shalt  }
0x5d: {  	_ =	shalt  }
0x5e: {  	_ =	shalt  }
0x5f: {  	_ =	shalt  }
0x60: {  	_ =	shalt  }
0x61: {  	_ =	shalt  }
0x62: {  	_ =	shalt  }
0x63: {  	_ =	shalt  }
0x64: {  	_ =	shalt  }
0x65: {  	_ =	shalt  }
0x66: {  	_ =	shalt  }
0x67: {  	_ =	shalt  }
0x68: {  	_ =	shalt  }
0x69: {  	_ =	shalt  }
0x6a: {  	_ =	shalt  }
0x6b: {  	_ =	shalt  }
0x6c: {  	_ =	shalt  }
0x6d: {  	_ =	shalt  }
0x6e: {  	_ =	shalt  }
0x6f: {  	_ =	shalt  }
0x70: {  	_ =	shalt  }
0x71: {  	_ =	shalt  }
0x72: {  	_ =	shalt  }
0x73: {  	_ =	shalt  }
0x74: {  	_ =	shalt  }
0x75: {  	_ =	shalt  }
0x76: {  	_ =	shalt  }
0x77: {  	_ =	shalt  }
0x78: {  	_ =	shalt  }
0x79: {  	_ =	shalt  }
0x7a: {  	_ =	shalt  }
0x7b: {  	_ =	shalt  }
0x7c: {  	_ =	shalt  }
0x7d: {  	_ =	shalt  }
0x7e: {  	_ =	shalt  }
0x7f: {  	_ =	shalt  }
0x80: {  	_ =	shalt  }
0x81: {  	_ =	shalt  }
0x82: {  	_ =	shalt  }
0x83: {  	_ =	shalt  }
0x84: {  	_ =	shalt  }
0x85: {  	_ =	shalt  }
0x86: {  	_ =	shalt  }
0x87: {  	_ =	shalt  }
.Lfunc_end0:
.L_simem_size_0:
called_computation.2_lowered:
.L_overlay_start_0:
0x88: {  	s2 =	sld [smem:$0x3FD9]  }
0x89: {  	s3 =	sld [smem:$0x3FFE];
	_ =	sdelay $0x1  }
0x8a: {  	s1 =	srdreg.scid  }
0x8b: {  	s0 =	sand.u32 $0x1, s1  }
0x8c: {  	s17 =	sshll.u32 s0, $0xA;
	s2 =	sadd.s32 s3, s2  }
0x8d: {  	s2 =	sadd.s32 s2, s17  }
0x8e: {  	[smem:$0x3FB2] =	sst s2  }
0x8f: {  	_ = 	snop  }
0x90: {  	s2 =	sld [smem:$0x3FD0];
	(tm) =	ssettm $0x1  }
0x91: {  	s18 =	sld [smem:$0x3FFB];
	_ =	sdelay $0x3  }
0x92: {  	_ =	strace s18  }
0x93: {  	s3 =	sld [smem:$0x3FFC];
	_ =	sdelay $0x3  }
0x94: {  	_ =	strace s3  }
0x95: {  	s3 =	sld [smem:$0x3FFD];
	_ =	sdelay $0x3  }
0x96: {  	_ =	strace s3  }
0x97: {  	_ =	strace $0x8FFFFFFF  }
0x98: {  	s19 =	sld [smem:$0x3FDB];
	_ =	sdelay $0x1  }
0x99: {  	s4 =	simm.s32 $_scs_section_size  }
0x9a: {  	s5 =	simm.s32 $_size__tile_overlayer_lowered;
	s6 =	simm.s32 $_tile_overlayer_lowered  }
0x9b: {  	s22 =	simm.s32 $0x1BFF;
	s21 =	sshll.u32 s6, $0x1;
	s3 =	sadd.s32 s4, s19  }
0x9c: {  	s7 =	simm.s32 $0x0;
	s20 =	sshll.u32 s5, $0x1;
	s5 =	sadd.s32 s21, s3  }
0x9d: {  	[timem:s7], [sflag:s22] =	dma.local [hbm:s5], s20  }
0x9e: {  	_ =	swait.ge [sflag:s22], s20  }
0x9f: {  	s4 =	ssub.s32 $0x0, s20;
	[sflag:s22] =	ssyncset.done $0x0  }
0xa0: {  	[sflag:s22] =	ssyncadd.s32 s4;
	_ =	sdelay $0x1  }
0xa1: {  	s23 =	simm.s32 $0x1B8B  }
0xa2: {  	_ =	swait.ge [sflag:s23], $0x1  }
0xa3: {  	[sflag:s23] =	ssyncset.done $0x0  }
0xa4: {  	s25 =	simm.s32 $0x1B8E;
	s24 =	sld [smem:$0x3FFE];
	[sflag:s23] =	ssyncadd.s32 $0xFFFFFFFF  }
0xa5: {  	s26 =	simm.s32 $execute0_lowered;
	[smem:$0x3FD2] =	sst s25  }
0xa6: {  	s5 =	sshll.u32 s26, $0x1;
	_ =	strace $0x8000004C;
	[dreg:$0x1] =	wrdreg $0xFFFFFFFF  }
0xa7: {  	s28 =	simm.s32 $_size_execute0_lowered;
	s3 =	sadd.s32 s3, s5;
	[dreg:$0x0] =	wrdreg $0x0  }
0xa8: {  	s5 =	sshll.u32 s28, $0x1;
	[dreg:$0x2] =	wrdreg s3  }
0xa9: {  	[dreg:$0x3] =	wrdreg s5  }
0xaa: {  	[dreg:$0x4] =	wrdreg $0xC0  }
0xab: {  	_ =	task [dreg:s7], $0x5FFFF  }
0xac: {  	[dreg:$0x1] =	wrdreg $0xFFFFFFFF  }
0xad: {  	[dreg:$0x0] =	wrdreg $0x60  }
0xae: {  	[dreg:$0x2] =	wrdreg s24  }
0xaf: {  	[dreg:$0x3] =	wrdreg s2  }
0xb0: {  	[dreg:$0x4] =	wrdreg $0x9  }
0xb1: {  	_ =	task.clear_ibuf [dreg:s7], $0x5FFFF;
	_ =	strace $0x9000004C  }
0xb2: {  	s29 =	simm.s32 $0x9;
	_ =	strace $0x8000004E  }
0xb3: {  	_ =	swait.ge [sflag:s29], $0x1  }
0xb4: {  	[sflag:s29] =	ssyncadd.s32 $0xFFFFFFFF  }
0xb5: {  	_ =	strace $0x9000004E  }
0xb6: {  	_ =	sfence  }
0xb7: {  	s30 =	sld [smem:$0x0];
	_ =	sdelay $0x2  }
0xb8: {  	s31 =	sshll.u32 s1, $0xD;
	s1 =	sshrl.u32 s1, $0x2  }
0xb9: {  	s3 =	sand.u32 $0x4000, s31;
	s1 =	sadd.s32 s1, s30  }
0xba: {  	s0 =	sor.u32 s3, s0;
	s1 =	sshll.u32 s1, $0x11  }
0xbb: {  	s0 =	sor.u32 s1, s0  }
0xbc: {  	s0 =	sadd.s32 $0x8F2B, s0  }
0xbd: {  	[sflag:s0] =	ssyncadd.remote.s32 $0x1  }
0xbe: {  	_ =	sfence.sel $0xFFFF  }
0xbf: {  	[dreg:$0x0] =	wrdreg $0xFFFFFFFF;
	(pc) =	sbr.abs _section_cstart, $3  }
0xc0: {  	[dreg:$0x1] =	wrdreg $0xFFFFFFFF  }
0xc1: {  	_ =	task.clear_ibuf [dreg:s7], $0x2FFFF;
	_ =	strace $0x9FFFFFFF  }
0xc2: {  	(tm) =	ssettm $0x7FFFFFFF  }
0xc3: {  	_ =	shalt  }
tec
execute0_lowered:
.L_overlay_start_1:
0x0: {  	(tag) =	ssettag $0x1  }
0x1: {  	s9 =	rddreg [dreg:$0x0]  }
0x2: {  	s2 =	rddreg [dreg:$0x1]  }
0x3: {  	s4 =	srdreg.scid;
	s1 =	stileid.u32  }
0x4: {  	s3 =	simm.s32 $0x0;
	s13 =	simm.s32 $0x40;
	s14 =	simm.s32 $0x80  }
0x5: {  	s15 =	simm.s32 $0x4080;
	s16 =	simm.s32 $0x8080;
	s17 =	simm.s32 $0x8480  }
0x6: {  	s18 =	simm.s32 $0x1;
	s19 =	simm.s32 $0x2;
	s20 =	simm.s32 $0x3  }
0x7: {  	s21 =	simm.s32 $0x8880;
	s8 =	sand.u32 $0x1, s4;
	s31 =	sshll.u32 s1, $0x1  }
0x8: {  	s22 =	simm.s32 $0x0;
	[smem:$0x7FF] =	sst s3;
	s4 =	sor.u32 s8, s31  }
0x9: {  	s5 =	sadd.s32 $0x19600, s9;
	s6 =	sadd.s32 $0x1F0200, s9;
	s4 =	smul.u32 $0x1400, s4  }
0xa: {  	s7 =	sadd.s32 $0xBAA00, s9;
	_ =	strace $0x8000004D;
	s11 =	ssub.s32 $0x2, s8  }
0xb: {  	s8 =	sadd.s32 $0xB5A00, s9;
	s12 =	sshrl.u32 s11, $0x1;
	s10 =	sshrl.u32 s4, $0x3  }
0xc: {  	v1 =	vimm.s32 $0x0;
	vm0 =	vcmask $0x300;
	s11 =	ssub.s32 s11, s12;
	s12 =	simm.s32 $0x4;
	s10 =	sadd.s32 s10, s9  }
0xd: {  	v0 =	vlaneseq.u32;
	v1 =	vsel vm0, $0x3, v1;
	s11 =	smax.u32 s11, $0x1;
	s9 =	sadd.s32 $0x1A0200, s9;
	s10 =	sadd.s32 $0x163000, s10  }
.LBB2_1:
0xe: {  	s23 =	simm.s32 $0x0  }
.LBB2_2:
0xf: {  	s26 =	sshll.u32 s23, $0x6  }
0x10: {  	s24 =	sadd.s32 s4, s26  }
0x11: {  	s28 =	sshrl.u32 s24, $0x3  }
0x12: {  	s25 =	simm.s32 $0x0;
	s29 =	sadd.s32 s7, s28  }
0x13: {  	[tilespmem:s25], [sflag:$0x4] =	stream.linear.gather [hbm4b:s29+s25], $0x40, $0x38;
	[tilespmem:$0x9C80] =	vst v63  }
0x14: {  	_ =	swait.ge [sflag:s12], $0x40  }
0x15: {  	[sflag:s12] =	ssyncset.done $0x0  }
0x16: {  	s28 =	sadd.s32 s8, s28;
	[sflag:s12] =	ssyncadd.s32 $0xFFFFFFC0  }
0x17: {  	[tilespmem:s13], [sflag:$0x4] =	stream.linear.gather [hbm4b:s28+s25], $0x40, $0x38;
	[tilespmem:$0x9C80] =	vst v63  }
0x18: {  	_ =	swait.ge [sflag:s12], $0x40  }
0x19: {  	[sflag:s12] =	ssyncset.done $0x0  }
0x1a: {  	[sflag:s12] =	ssyncadd.s32 $0xFFFFFFC0  }
0x1b: {  	[tilespmem:s14], [sflag:$0x1] =	stream.indirect.gather [hbm4b:s5+s13], $0x100, s13, s13, $0xb8;
	[tilespmem:$0x9C80] =	vst v63  }
0x1c: {  	_ = 	snop  }
0x1d: {  	[tilespmem:s15], [sflag:$0x2] =	stream.indirect.gather [hbm4b:s6+s13], $0x100, s25, s13, $0xb8;
	[tilespmem:$0x9C80] =	vst v63  }
0x1e: {  	s31 =	sshll.u32 s24, $0x1  }
0x1f: {  	[tilespmem:s16], [sflag:$0x3] =	stream.indirect.gather [hbm4b:s2+s13], $0x10, s13, s13, $0xb8;
	[tilespmem:$0x9C80] =	vst v63  }
0x20: {  	s28 =	sadd.s32 s9, s31  }
0x21: {  	[tilespmem:s17], [sflag:$0x4] =	stream.linear.gather [hbm4b:s28+s25], $0x400, $0x38;
	[tilespmem:$0x9C80] =	vst v63  }
0x22: {  	_ =	swait.ge [sflag:s12], $0x400  }
0x23: {  	[sflag:s12] =	ssyncset.done $0x0  }
0x24: {  	[sflag:s12] =	ssyncadd.s32 $0xFFFFFC00  }
0x25: {  	_ =	swait.ge [sflag:s18], $0x4000  }
0x26: {  	[sflag:s18] =	ssyncset.done $0x0  }
0x27: {  	[sflag:s18] =	ssyncadd.s32 $0xFFFFC000  }
0x28: {  	_ =	swait.ge [sflag:s19], $0x4000  }
0x29: {  	[sflag:s19] =	ssyncset.done $0x0  }
0x2a: {  	[sflag:s19] =	ssyncadd.s32 $0xFFFFC000  }
0x2b: {  	_ =	swait.ge [sflag:s20], $0x400  }
0x2c: {  	s26 =	sadd.s32 $0x8880, s26;
	[sflag:s20] =	ssyncset.done $0x0  }
0x2d: {  	v2 =	vmov s26;
	[sflag:s20] =	ssyncadd.s32 $0xFFFFFC00  }
.LBB2_3:
0x2e: {  	s26 =	simm.s32 $0x0  }
0x2f: {  	v3 =	vmov s26  }
0x30: {  	v3 =	vshrl.u32 v3, $0x3  }
0x31: {  	s26 =	sshll.u32 s25, $0x4;
	v4 =	vshll.u32 v3, v1  }
0x32: {  	v3 =	vor.u32 s26, v0;
	v12 =	vbroadcast v4, $0x0  }
0x33: {  	v11 =	vshll.u32 v3, $0x8  }
0x34: {  	v4 =	vor.u32 v11, v12  }
0x35: {  	v10 =	vor.u32 $0x1, v11  }
0x36: {  	v13 =	vadd.s32 v10, v12  }
0x37: {  	v9 =	vor.u32 $0x2, v11  }
0x38: {  	v14 =	vadd.s32 v9, v12  }
0x39: {  	v18 =	vimm.f32 $0.0e+00;
	s28 =	simm.s32 $0xF;
	s29 =	simm.s32 $0xE;
	v8 =	vor.u32 $0x3, v11;
	v15 =	vld.idx.msk [tilespmem:v4+s14+$0x0], $0xffff  }
0x3a: {  	s30 =	simm.s32 $0xD;
	v20 =	vmov s28;
	v21 =	vmov s29;
	s28 =	simm.s32 $0x8;
	v17 =	vadd.s32 v8, v12;
	v16 =	vld.idx.msk [tilespmem:v4+s15+$0x0], $0xffff  }
0x3b: {  	s29 =	simm.s32 $0xC;
	v25 =	vmov s30;
	v23 =	vmov s28;
	v7 =	vor.u32 $0x4, v11;
	v19 =	vld.idx.msk [tilespmem:v13+s14+$0x0], $0xffff  }
0x3c: {  	v24 =	vmov s29;
	v6 =	vor.u32 $0x5, v11;
	v22 =	vadd.s32 v7, v12;
	v13 =	vld.idx.msk [tilespmem:v13+s15+$0x0], $0xffff  }
0x3d: {  	s28 =	simm.s32 $0x9;
	s29 =	simm.s32 $0xB;
	v25 =	vshrl.u32 v25, $0x3;
	v20 =	vshrl.u32 v20, $0x3;
	v28 =	vadd.s32 v6, v12;
	v26 =	vld.idx.msk [tilespmem:v14+s14+$0x0], $0xffff  }
0x3e: {  	v23 =	vshrl.u32 v23, $0x3;
	v27 =	vmov s28;
	v29 =	vmov s29;
	v14 =	vld.idx.msk [tilespmem:v14+s15+$0x0], $0xffff  }
0x3f: {  	s28 =	simm.s32 $0xA;
	v23 =	vshll.u32 v23, v1;
	v27 =	vshrl.u32 v27, $0x3;
	v5 =	vor.u32 $0x6, v11;
	v30 =	vld.idx.msk [tilespmem:v17+s14+$0x0], $0xffff  }
0x40: {  	v31 =	vmov s28;
	v15 =	vmul.f32 v16, v15;
	v16 =	vld.idx.msk [tilespmem:v17+s15+$0x0], $0xffff;
	v17 =	vadd.s32 v5, v12  }
0x41: {  	v23 =	vbroadcast v23, $0x0;
	v27 =	vshll.u32 v27, v1;
	v4 =	vor.u32 $0x7, v11;
	v32 =	vld.idx.msk [tilespmem:v22+s14+$0x0], $0xffff  }
0x42: {  	v13 =	vmul.f32 v13, v19;
	v12 =	vadd.s32 v4, v12;
	v19 =	vld.idx.msk [tilespmem:v28+s14+$0x0], $0xffff;
	v15 =	vadd.f32 v15, v18  }
0x43: {  	v31 =	vshrl.u32 v31, $0x3;
	v23 =	vadd.s32 v11, v23;
	v14 =	vmul.f32 v14, v26;
	v18 =	vld.idx.msk [tilespmem:v22+s15+$0x0], $0xffff  }
0x44: {  	v22 =	vbroadcast v27, $0x0;
	v27 =	vshll.u32 v31, v1;
	v13 =	vadd.f32 v13, v15;
	v15 =	vld.idx.msk [tilespmem:v28+s15+$0x0], $0xffff  }
0x45: {  	v24 =	vshrl.u32 v24, $0x3;
	v29 =	vshrl.u32 v29, $0x3;
	v27 =	vbroadcast v27, $0x0;
	v26 =	vld.idx.msk [tilespmem:v17+s14+$0x0], $0xffff  }
0x46: {  	v22 =	vadd.s32 v10, v22;
	v17 =	vld.idx.msk [tilespmem:v17+s15+$0x0], $0xffff;
	v13 =	vadd.f32 v14, v13;
	v14 =	vmul.f32 v16, v30  }
0x47: {  	v24 =	vshll.u32 v24, v1;
	v59 =	vshll.u32 v29, v1;
	v60 =	vld.idx.msk [tilespmem:v12+s14+$0x0], $0xffff;
	v27 =	vadd.s32 v9, v27  }
0x48: {  	v61 =	vld.idx.msk [tilespmem:v12+s15+$0x0], $0xffff;
	v16 =	vbroadcast v59, $0x0;
	v13 =	vadd.f32 v14, v13;
	v14 =	vmul.f32 v18, v32  }
0x49: {  	v21 =	vshrl.u32 v21, $0x3;
	v24 =	vbroadcast v24, $0x0;
	v12 =	vld.idx.msk [tilespmem:v23+s14+$0x0], $0xffff;
	v18 =	vshll.u32 v25, v1  }
0x4a: {  	s28 =	simm.s32 $0x10;
	v16 =	vadd.s32 v8, v16;
	v19 =	vmul.f32 v15, v19;
	v15 =	vld.idx.msk [tilespmem:v23+s15+$0x0], $0xffff;
	v14 =	vadd.f32 v14, v13  }
0x4b: {  	v21 =	vshll.u32 v21, v1;
	v23 =	vmov s28;
	v62 =	vbroadcast v18, $0x0;
	v18 =	vld.idx.msk [tilespmem:v22+s15+$0x0], $0xffff  }
0x4c: {  	v13 =	vld.idx.msk [tilespmem:v22+s14+$0x0], $0xffff;
	v25 =	vmul.f32 v17, v26;
	v17 =	vadd.s32 v7, v24;
	v19 =	vadd.f32 v19, v14  }
0x4d: {  	v63 =	vshll.u32 v20, v1;
	v23 =	vshrl.u32 v23, $0x3;
	v22 =	vbroadcast v21, $0x0;
	v21 =	vld.idx.msk [tilespmem:v27+s15+$0x0], $0xffff  }
0x4e: {  	v26 =	vmul.f32 v61, v60;
	v20 =	vadd.s32 v6, v62;
	v14 =	vld.idx.msk [tilespmem:v27+s14+$0x0], $0xffff;
	v25 =	vadd.f32 v25, v19  }
0x4f: {  	s29 =	simm.s32 $0x2F;
	s28 =	simm.s32 $0x1F;
	v24 =	vshll.u32 v23, v1;
	v23 =	vbroadcast v63, $0x0;
	v19 =	vld.idx.msk [tilespmem:v16+s14+$0x0], $0xffff  }
.LBB2_4:
0x50: {  	p0 =	sne.s32 s29, $0xFF;
	v25 =	vadd.f32 v26, v25;
	v12 =	vmul.f32 v15, v12;
	v15 =	vld.idx.msk [tilespmem:v16+s15+$0x0], $0xffff;
	v16 =	vadd.s32 v5, v22  }
0x51: {  	v22 =	vbroadcast v24, $0x0;
	v24 =	vld.idx.msk [tilespmem:v17+s14+$0x0], $0xffff  }
0x52: {  	v13 =	vmul.f32 v18, v13;
	v18 =	vadd.s32 v4, v23;
	v12 =	vadd.f32 v12, v25;
	v17 =	vld.idx.msk [tilespmem:v17+s15+$0x0], $0xffff  }
0x53: {  	v23 =	vld.idx.msk [tilespmem:v20+s14+$0x0], $0xffff  }
0x54: {  	v25 =	vor.u32 v11, v22;
	v12 =	vadd.f32 v13, v12;
	v13 =	vmul.f32 v21, v14;
	v14 =	vld.idx.msk [tilespmem:v20+s15+$0x0], $0xffff  }
0x55: {  	v20 =	vld.idx.msk [tilespmem:v16+s14+$0x0], $0xffff  }
0x56: {  	v21 =	vadd.s32 v10, v22;
	v12 =	vadd.f32 v13, v12;
	v13 =	vmul.f32 v15, v19;
	v15 =	vld.idx.msk [tilespmem:v16+s15+$0x0], $0xffff  }
0x57: {  	v16 =	vmov s28;
	v19 =	vld.idx.msk [tilespmem:v18+s14+$0x0], $0xffff  }
0x58: {  	s30 =	sadd.s32 $0xFFFFFFFF, s28;
	v26 =	vadd.s32 v9, v22;
	v12 =	vadd.f32 v13, v12;
	v13 =	vmul.f32 v17, v24;
	v17 =	vld.idx.msk [tilespmem:v18+s15+$0x0], $0xffff  }
0x59: {  	v27 =	vshrl.u32 v16, $0x3;
	v24 =	vmov s30;
	v18 =	vld.idx.msk [tilespmem:v25+s14+$0x0], $0xffff  }
0x5a: {  	s31 =	sadd.s32 $0xFFFFFFFD, s28;
	s0 =	sadd.s32 $0xFFFFFFFE, s28;
	s30 =	sadd.s32 $0xFFFFFFF9, s28;
	v16 =	vld.idx.msk [tilespmem:v25+s15+$0x0], $0xffff;
	v25 =	vadd.s32 v8, v22;
	v12 =	vadd.f32 v13, v12;
	v13 =	vmul.f32 v14, v23  }
0x5b: {  	v28 =	vmov s31;
	v29 =	vmov s0;
	v23 =	vmov s30;
	v14 =	vld.idx.msk [tilespmem:v21+s14+$0x0], $0xffff  }
0x5c: {  	s0 =	sadd.s32 $0xFFFFFFFA, s28;
	v30 =	vadd.s32 v7, v22;
	s30 =	sadd.s32 $0xFFFFFFFC, s28;
	v21 =	vld.idx.msk [tilespmem:v21+s15+$0x0], $0xffff;
	v12 =	vadd.f32 v13, v12;
	v13 =	vmul.f32 v15, v20  }
0x5d: {  	v31 =	vmov s30;
	v20 =	vshrl.u32 v23, $0x3;
	v23 =	vmov s0;
	v15 =	vld.idx.msk [tilespmem:v26+s14+$0x0], $0xffff  }
0x5e: {  	v32 =	vadd.s32 v6, v22;
	s0 =	sadd.s32 $0xFFFFFFFB, s28;
	s28 =	smov.u32 s29;
	v26 =	vld.idx.msk [tilespmem:v26+s15+$0x0], $0xffff;
	v12 =	vadd.f32 v13, v12;
	v13 =	vmul.f32 v17, v19  }
0x5f: {  	v19 =	vshll.u32 v20, v1;
	v20 =	vshrl.u32 v23, $0x3;
	v23 =	vmov s0;
	v17 =	vld.idx.msk [tilespmem:v25+s14+$0x0], $0xffff  }
0x60: {  	v16 =	vmul.f32 v16, v18;
	v18 =	vld.idx.msk [tilespmem:v25+s15+$0x0], $0xffff;
	v25 =	vadd.s32 v5, v22;
	v12 =	vadd.f32 v13, v12  }
0x61: {  	v19 =	vbroadcast v19, $0x0;
	v20 =	vshll.u32 v20, v1;
	v23 =	vshrl.u32 v23, $0x3;
	v13 =	vld.idx.msk [tilespmem:v30+s14+$0x0], $0xffff  }
0x62: {  	v14 =	vmul.f32 v21, v14;
	v21 =	vadd.s32 v4, v22;
	v12 =	vadd.f32 v16, v12;
	v16 =	vld.idx.msk [tilespmem:v30+s15+$0x0], $0xffff  }
0x63: {  	v20 =	vbroadcast v20, $0x0;
	v23 =	vshll.u32 v23, v1;
	v30 =	vshrl.u32 v31, $0x3;
	v22 =	vld.idx.msk [tilespmem:v32+s14+$0x0], $0xffff  }
0x64: {  	v19 =	vadd.s32 v11, v19;
	v12 =	vadd.f32 v14, v12;
	v14 =	vmul.f32 v26, v15;
	v15 =	vld.idx.msk [tilespmem:v32+s15+$0x0], $0xffff  }
0x65: {  	v28 =	vshrl.u32 v28, $0x3;
	v23 =	vbroadcast v23, $0x0;
	v30 =	vshll.u32 v30, v1;
	v26 =	vld.idx.msk [tilespmem:v25+s14+$0x0], $0xffff  }
0x66: {  	v12 =	vadd.f32 v14, v12;
	v14 =	vmul.f32 v18, v17;
	v17 =	vld.idx.msk [tilespmem:v25+s15+$0x0], $0xffff;
	v18 =	vadd.s32 v10, v20  }
0x67: {  	v29 =	vshrl.u32 v29, $0x3;
	v28 =	vshll.u32 v28, v1;
	v25 =	vbroadcast v30, $0x0;
	v20 =	vld.idx.msk [tilespmem:v21+s14+$0x0], $0xffff  }
0x68: {  	v23 =	vadd.s32 v9, v23;
	v13 =	vmul.f32 v16, v13;
	v14 =	vadd.f32 v14, v12;
	v21 =	vld.idx.msk [tilespmem:v21+s15+$0x0], $0xffff  }
0x69: {  	v29 =	vshll.u32 v29, v1;
	v28 =	vbroadcast v28, $0x0;
	v24 =	vshrl.u32 v24, $0x3;
	v12 =	vld.idx.msk [tilespmem:v19+s14+$0x0], $0xffff  }
0x6a: {  	s0 =	sadd.s32 $0xFFFFFFF1, s29;
	v16 =	vadd.s32 v8, v25;
	v22 =	vmul.f32 v15, v22;
	v14 =	vadd.f32 v13, v14;
	v15 =	vld.idx.msk [tilespmem:v19+s15+$0x0], $0xffff  }
.Ltmp0:
0x6b: {  	v29 =	vbroadcast v29, $0x0;
	v24 =	vshll.u32 v24, v1;
	v19 =	vmov s0;
	v13 =	vld.idx.msk [tilespmem:v18+s14+$0x0], $0xffff;
	(pc) =	sbr.rel @p0 .LBB2_4-.Ltmp0, $4  }
0x6c: {  	v26 =	vmul.f32 v17, v26;
	v17 =	vadd.s32 v7, v28;
	v25 =	vadd.f32 v22, v14;
	v18 =	vld.idx.msk [tilespmem:v18+s15+$0x0], $0xffff  }
0x6d: {  	v27 =	vshll.u32 v27, v1;
	v19 =	vshrl.u32 v19, $0x3;
	v22 =	vbroadcast v24, $0x0;
	v14 =	vld.idx.msk [tilespmem:v23+s14+$0x0], $0xffff  }
0x6e: {  	v25 =	vadd.f32 v26, v25;
	v26 =	vmul.f32 v21, v20;
	v21 =	vld.idx.msk [tilespmem:v23+s15+$0x0], $0xffff;
	v20 =	vadd.s32 v6, v29  }
0x6f: {  	s29 =	sadd.s32 $0x10, s29;
	v24 =	vshll.u32 v19, v1;
	v23 =	vbroadcast v27, $0x0;
	v19 =	vld.idx.msk [tilespmem:v16+s14+$0x0], $0xffff  }
0x70: {  	_ =	sdelay $0x2  }
0x71: {  	v25 =	vadd.f32 v26, v25;
	v12 =	vmul.f32 v15, v12  }
0x72: {  	v60 =	vld.idx.msk [tilespmem:v16+s15+$0x0], $0xffff;
	v61 =	vadd.s32 v5, v22  }
0x73: {  	v62 =	vld.idx.msk [tilespmem:v17+s14+$0x0], $0xffff;
	v13 =	vmul.f32 v18, v13;
	v12 =	vadd.f32 v12, v25  }
0x74: {  	v63 =	vbroadcast v24, $0x0;
	v29 =	vld.idx.msk [tilespmem:v17+s15+$0x0], $0xffff;
	v23 =	vadd.s32 v4, v23  }
0x75: {  	v30 =	vld.idx.msk [tilespmem:v20+s14+$0x0], $0xffff;
	v31 =	vmul.f32 v21, v14;
	v12 =	vadd.f32 v13, v12  }
0x76: {  	v33 =	vld.idx.msk [tilespmem:v20+s15+$0x0], $0xffff;
	v32 =	vor.u32 v11, v63  }
0x77: {  	v34 =	vld.idx.msk [tilespmem:v61+s14+$0x0], $0xffff;
	v35 =	vmul.f32 v60, v19;
	v12 =	vadd.f32 v31, v12  }
0x78: {  	v36 =	vadd.s32 v10, v63;
	v16 =	vld.idx.msk [tilespmem:v61+s15+$0x0], $0xffff  }
0x79: {  	v38 =	vmul.f32 v29, v62;
	v37 =	vld.idx.msk [tilespmem:v23+s14+$0x0], $0xffff;
	v12 =	vadd.f32 v35, v12  }
0x7a: {  	v39 =	vadd.s32 v9, v63;
	v40 =	vld.idx.msk [tilespmem:v23+s15+$0x0], $0xffff  }
0x7b: {  	v42 =	vmul.f32 v33, v30;
	v41 =	vld.idx.msk [tilespmem:v32+s14+$0x0], $0xffff;
	v12 =	vadd.f32 v38, v12  }
0x7c: {  	v43 =	vadd.s32 v8, v63;
	v14 =	vld.idx.msk [tilespmem:v32+s15+$0x0], $0xffff  }
0x7d: {  	v24 =	vmov s28;
	s0 =	sadd.s32 $0xFFFFFFFF, s28;
	s29 =	sadd.s32 $0xFFFFFFF9, s28;
	v44 =	vld.idx.msk [tilespmem:v36+s14+$0x0], $0xffff;
	v45 =	vmul.f32 v16, v34;
	v12 =	vadd.f32 v42, v12  }
0x7e: {  	s31 =	sadd.s32 $0xFFFFFFFE, s28;
	v46 =	vmov s0;
	v47 =	vmov s29;
	v48 =	vadd.s32 v7, v63;
	v15 =	vld.idx.msk [tilespmem:v36+s15+$0x0], $0xffff  }
0x7f: {  	s30 =	sadd.s32 $0xFFFFFFFD, s28;
	v50 =	vmov s31;
	s31 =	sadd.s32 $0xFFFFFFFC, s28;
	v28 =	vld.idx.msk [tilespmem:v39+s14+$0x0], $0xffff;
	v49 =	vmul.f32 v40, v37;
	v12 =	vadd.f32 v45, v12  }
0x80: {  	v27 =	vmov s30;
	v51 =	vadd.s32 v6, v63;
	v52 =	vmov s31;
	v17 =	vld.idx.msk [tilespmem:v39+s15+$0x0], $0xffff  }
0x81: {  	v21 =	vshrl.u32 v47, $0x3;
	v30 =	vld.idx.msk [tilespmem:v43+s14+$0x0], $0xffff;
	v14 =	vmul.f32 v14, v41;
	v12 =	vadd.f32 v49, v12  }
0x82: {  	s30 =	sadd.s32 $0xFFFFFFFA, s28;
	v53 =	vadd.s32 v5, v63;
	v18 =	vadd.s32 v4, v63;
	v21 =	vshll.u32 v21, v1;
	v20 =	vld.idx.msk [tilespmem:v43+s15+$0x0], $0xffff  }
0x83: {  	v29 =	vmov s30;
	s30 =	sadd.s32 $0xFFFFFFFB, s28;
	v31 =	vld.idx.msk [tilespmem:v48+s14+$0x0], $0xffff;
	v54 =	vmul.f32 v15, v44;
	v12 =	vadd.f32 v14, v12  }
0x84: {  	v21 =	vbroadcast v21, $0x0;
	v29 =	vshrl.u32 v29, $0x3;
	v55 =	vmov s30;
	v56 =	vld.idx.msk [tilespmem:v48+s15+$0x0], $0xffff  }
0x85: {  	v57 =	vshll.u32 v29, v1;
	v58 =	vld.idx.msk [tilespmem:v51+s14+$0x0], $0xffff;
	v59 =	vmul.f32 v17, v28;
	v12 =	vadd.f32 v54, v12  }
0x86: {  	v22 =	vld.idx.msk [tilespmem:v51+s15+$0x0], $0xffff;
	v61 =	vadd.s32 v11, v21;
	v60 =	vbroadcast v57, $0x0;
	v15 =	vshrl.u32 v55, $0x3  }
0x87: {  	v62 =	vld.idx.msk [tilespmem:v53+s14+$0x0], $0xffff;
	v63 =	vmul.f32 v20, v30;
	v15 =	vshll.u32 v15, v1;
	v12 =	vadd.f32 v59, v12  }
0x88: {  	v13 =	vshrl.u32 v52, $0x3;
	v26 =	vld.idx.msk [tilespmem:v53+s15+$0x0], $0xffff;
	v28 =	vadd.s32 v10, v60;
	v15 =	vbroadcast v15, $0x0  }
0x89: {  	v13 =	vshll.u32 v13, v1;
	v30 =	vld.idx.msk [tilespmem:v18+s14+$0x0], $0xffff;
	v31 =	vmul.f32 v56, v31;
	v12 =	vadd.f32 v63, v12  }
0x8a: {  	v13 =	vbroadcast v13, $0x0;
	v32 =	vshrl.u32 v27, $0x3;
	v18 =	vld.idx.msk [tilespmem:v18+s15+$0x0], $0xffff;
	v33 =	vadd.s32 v9, v15  }
0x8b: {  	v34 =	vshll.u32 v32, v1;
	v35 =	vld.idx.msk [tilespmem:v61+s14+$0x0], $0xffff;
	v36 =	vmul.f32 v22, v58;
	v12 =	vadd.f32 v31, v12  }
0x8c: {  	v19 =	vshrl.u32 v50, $0x3;
	v37 =	vadd.s32 v8, v13;
	v11 =	vld.idx.msk [tilespmem:v61+s15+$0x0], $0xffff;
	v15 =	vbroadcast v34, $0x0  }
0x8d: {  	v38 =	vshll.u32 v19, v1;
	v40 =	vmul.f32 v26, v62;
	v39 =	vld.idx.msk [tilespmem:v28+s14+$0x0], $0xffff;
	v12 =	vadd.f32 v36, v12  }
0x8e: {  	v16 =	vshrl.u32 v46, $0x3;
	v13 =	vbroadcast v38, $0x0;
	v10 =	vld.idx.msk [tilespmem:v28+s15+$0x0], $0xffff;
	v41 =	vadd.s32 v7, v15  }
0x8f: {  	v42 =	vshll.u32 v16, v1;
	v44 =	vmul.f32 v18, v30;
	v43 =	vld.idx.msk [tilespmem:v33+s14+$0x0], $0xffff;
	v12 =	vadd.f32 v40, v12  }
0x90: {  	v46 =	vadd.s32 v6, v13;
	v45 =	vshrl.u32 v24, $0x3;
	v15 =	vbroadcast v42, $0x0;
	v9 =	vld.idx.msk [tilespmem:v33+s15+$0x0], $0xffff  }
0x91: {  	v47 =	vshll.u32 v45, v1;
	v48 =	vld.idx.msk [tilespmem:v37+s14+$0x0], $0xffff;
	v11 =	vmul.f32 v11, v35;
	v12 =	vadd.f32 v44, v12  }
0x92: {  	v13 =	vbroadcast v47, $0x0;
	v8 =	vld.idx.msk [tilespmem:v37+s15+$0x0], $0xffff;
	v49 =	vadd.s32 v5, v15  }
0x93: {  	v10 =	vmul.f32 v10, v39;
	v50 =	vld.idx.msk [tilespmem:v41+s14+$0x0], $0xffff;
	v11 =	vadd.f32 v11, v12  }
0x94: {  	v51 =	vadd.s32 v4, v13;
	v7 =	vld.idx.msk [tilespmem:v41+s15+$0x0], $0xffff  }
0x95: {  	v52 =	vld.idx.msk [tilespmem:v46+s14+$0x0], $0xffff;
	v9 =	vmul.f32 v9, v43;
	v10 =	vadd.f32 v10, v11  }
0x96: {  	v3 =	vshll.u32 v3, $0x4;
	v6 =	vld.idx.msk [tilespmem:v46+s15+$0x0], $0xffff  }
0x97: {  	v8 =	vmul.f32 v8, v48;
	v53 =	vld.idx.msk [tilespmem:v49+s14+$0x0], $0xffff;
	v9 =	vadd.f32 v9, v10  }
0x98: {  	v54 =	vor.u32 $0x1, v3;
	v5 =	vld.idx.msk [tilespmem:v49+s15+$0x0], $0xffff  }
0x99: {  	v13 =	vld.idx.msk [tilespmem:v51+s14+$0x0], $0xffff;
	v7 =	vmul.f32 v7, v50;
	v8 =	vadd.f32 v8, v9  }
0x9a: {  	v55 =	vor.u32 $0x2, v3;
	v4 =	vld.idx.msk [tilespmem:v51+s15+$0x0], $0xffff  }
0x9b: {  	v57 =	vld.idx.msk [tilespmem:v3+s16+$0x0], $0xffff;
	v6 =	vmul.f32 v6, v52;
	v7 =	vadd.f32 v7, v8  }
0x9c: {  	v56 =	vld.idx.msk [tilespmem:v3+s17+$0x0], $0xffff;
	v58 =	vor.u32 $0x3, v3  }
0x9d: {  	v59 =	vld.idx.msk [tilespmem:v54+s17+$0x0], $0xffff;
	v5 =	vmul.f32 v5, v53;
	v6 =	vadd.f32 v6, v7  }
0x9e: {  	v60 =	vor.u32 $0x4, v3;
	v10 =	vld.idx.msk [tilespmem:v54+s16+$0x0], $0xffff  }
0x9f: {  	v61 =	vld.idx.msk [tilespmem:v55+s17+$0x0], $0xffff;
	v4 =	vmul.f32 v4, v13;
	v5 =	vadd.f32 v5, v6  }
0xa0: {  	v62 =	vor.u32 $0x5, v3;
	v9 =	vld.idx.msk [tilespmem:v55+s16+$0x0], $0xffff  }
0xa1: {  	v16 =	vld.idx.msk [tilespmem:v58+s17+$0x0], $0xffff;
	v63 =	vmul.f32 v57, v56;
	v4 =	vadd.f32 v4, v5  }
0xa2: {  	v17 =	vld.idx.msk [tilespmem:v58+s16+$0x0], $0xffff;
	v18 =	vor.u32 $0x6, v3  }
0xa3: {  	v20 =	vld.idx.msk [tilespmem:v60+s17+$0x0], $0xffff;
	v19 =	vmul.f32 v10, v59;
	v4 =	vadd.f32 v63, v4  }
0xa4: {  	v22 =	vor.u32 $0x7, v3;
	v21 =	vld.idx.msk [tilespmem:v60+s16+$0x0], $0xffff  }
0xa5: {  	v24 =	vld.idx.msk [tilespmem:v62+s17+$0x0], $0xffff;
	v23 =	vmul.f32 v9, v61;
	v4 =	vadd.f32 v19, v4  }
0xa6: {  	v26 =	vor.u32 $0x8, v3;
	v25 =	vld.idx.msk [tilespmem:v62+s16+$0x0], $0xffff  }
0xa7: {  	v27 =	vmul.f32 v17, v16;
	v28 =	vld.idx.msk [tilespmem:v18+s17+$0x0], $0xffff;
	v4 =	vadd.f32 v23, v4  }
0xa8: {  	v30 =	vor.u32 $0x9, v3;
	v29 =	vld.idx.msk [tilespmem:v18+s16+$0x0], $0xffff  }
0xa9: {  	v32 =	vld.idx.msk [tilespmem:v22+s17+$0x0], $0xffff;
	v31 =	vmul.f32 v21, v20;
	v4 =	vadd.f32 v27, v4  }
0xaa: {  	v34 =	vor.u32 $0xA, v3;
	v33 =	vld.idx.msk [tilespmem:v22+s16+$0x0], $0xffff  }
0xab: {  	v37 =	vld.idx.msk [tilespmem:v26+s16+$0x0], $0xffff;
	v35 =	vmul.f32 v25, v24;
	v4 =	vadd.f32 v31, v4  }
0xac: {  	v38 =	vor.u32 $0xB, v3;
	v36 =	vld.idx.msk [tilespmem:v26+s17+$0x0], $0xffff  }
0xad: {  	v41 =	vld.idx.msk [tilespmem:v30+s16+$0x0], $0xffff;
	v39 =	vmul.f32 v29, v28;
	v4 =	vadd.f32 v35, v4  }
0xae: {  	v42 =	vor.u32 $0xC, v3;
	v40 =	vld.idx.msk [tilespmem:v30+s17+$0x0], $0xffff  }
0xaf: {  	v45 =	vld.idx.msk [tilespmem:v34+s16+$0x0], $0xffff;
	v43 =	vmul.f32 v33, v32;
	v4 =	vadd.f32 v39, v4  }
0xb0: {  	v46 =	vor.u32 $0xD, v3;
	v44 =	vld.idx.msk [tilespmem:v34+s17+$0x0], $0xffff  }
0xb1: {  	v48 =	vld.idx.msk [tilespmem:v38+s17+$0x0], $0xffff;
	v47 =	vmul.f32 v37, v36;
	v4 =	vadd.f32 v43, v4  }
0xb2: {  	v49 =	vld.idx.msk [tilespmem:v38+s16+$0x0], $0xffff;
	v50 =	vor.u32 $0xE, v3  }
0xb3: {  	v52 =	vld.idx.msk [tilespmem:v42+s17+$0x0], $0xffff;
	v51 =	vmul.f32 v41, v40;
	v4 =	vadd.f32 v47, v4  }
0xb4: {  	v3 =	vor.u32 $0xF, v3;
	v53 =	vld.idx.msk [tilespmem:v42+s16+$0x0], $0xffff  }
0xb5: {  	v56 =	vld.idx.msk [tilespmem:v46+s16+$0x0], $0xffff;
	v54 =	vmul.f32 v45, v44;
	v4 =	vadd.f32 v51, v4  }
0xb6: {  	v55 =	vld.idx.msk [tilespmem:v46+s17+$0x0], $0xffff  }
0xb7: {  	v57 =	vmul.f32 v49, v48;
	v58 =	vld.idx.msk [tilespmem:v50+s17+$0x0], $0xffff;
	v4 =	vadd.f32 v54, v4  }
0xb8: {  	v59 =	vld.idx.msk [tilespmem:v50+s16+$0x0], $0xffff  }
0xb9: {  	v60 =	vmul.f32 v53, v52;
	v61 =	vld.idx.msk [tilespmem:v3+s17+$0x0], $0xffff;
	v4 =	vadd.f32 v57, v4  }
0xba: {  	v3 =	vld.idx.msk [tilespmem:v3+s16+$0x0], $0xffff  }
0xbb: {  	v62 =	vmul.f32 v56, v55;
	v4 =	vadd.f32 v60, v4;
	_ =	sdelay $0x1  }
0xbc: {  	v63 =	vmul.f32 v59, v58;
	v4 =	vadd.f32 v62, v4;
	_ =	sdelay $0x1  }
0xbd: {  	v3 =	vmul.f32 v3, v61;
	v4 =	vadd.f32 v63, v4;
	_ =	sdelay $0x1  }
0xbe: {  	v3 =	vadd.f32 v3, v4;
	_ =	sdelay $0x1  }
0xbf: {  	v3 =	vmul.f32 $6.250000000e-02, v3;
	_ =	sdelay $0x1  }
0xc0: {  	v3 =	vmul.f32 $1.442695020e+00, v3;
	_ =	sdelay $0x1  }
0xc1: {  	(erf) = vpow2.f32 v3;
	_ =	sdelay $0x7  }
0xc2: {  	s31 =	sor.u32 s24, s26  }
0xc3: {  	s25 =	sadd.s32 $0x1, s25;
	p0 =	slt.u32 s31, $0x27100;
	v3 =	vpop (erf)  }
0xc4: {  	v3 =	vpsel !p0, $0x0, v3;
	p0 =	sne.s32 s25, $0x4  }
.Ltmp1:
0xc5: {  	_ = 	snop;
	(pc) =	sbr.rel @p0 .LBB2_3-.Ltmp1, $2  }
0xc6: {  	_ =	sdelay $0x2  }
0xc7: {  	[tilespmem:v2+s26+$0x0 ss:$0x1] =	vst.idx.msk $0xffff, v3  }
0xc8: {  	s23 =	sadd.s32 $0x1, s23  }
0xc9: {  	p0 =	sne.s32 s23, $0x50  }
.Ltmp2:
0xca: {  	_ = 	snop;
	(pc) =	sbr.rel @p0 .LBB2_2-.Ltmp2, $1  }
0xcb: {  	_ =	sdelay $0x3  }
0xcc: {  	s22 =	sadd.s32 $0x1, s22  }
0xcd: {  	p0 =	sne.s32 s22, s11  }
.Ltmp3:
0xce: {  	_ = 	snop;
	(pc) =	sbr.rel @p0 .LBB2_1-.Ltmp3, $4  }
0xcf: {  	[hbm4b:s10+s3] =	stream.linear.scatter [tilespmem:s21], [sflag:$0x4], $0x1400, $0x38;
	[tilespmem:$0x9C80] =	vst v63  }
0xd0: {  	_ =	swait.ge [sflag:s12], $0x1400  }
0xd1: {  	[sflag:s12] =	ssyncset.done $0x0  }
0xd2: {  	[sflag:s12] =	ssyncadd.s32 $0xFFFFEC00  }
0xd3: {  	_ =	sfence.sel $0x180000  }
0xd4: {  	[bflag:$0x0] =	sbarrier.arrive $0xFFFF  }
0xd5: {  	_ =	strace $0x9000004D  }
0xd6: {  	[bflag:$0x2] =	sbarrier.arrive $0xFFFF  }
0xd7: {  	p0 =	sne.s32 s1, $0x0;
	s0 =	rddreg [dreg:$0x2]  }
0xd8: {  	s0 =	sadd.s32 @!p0 $0x100000, s0  }
0xd9: {  	[sflag:s0] =	ssyncadd.tile.s32 @!p0 $0x1;
	_ =	shalt  }
.Lfunc_end2:
_tile_overlayer_lowered:
.L_overlay_start_2:
0xda: {  	(tag) =	ssettag $0x2  }
0xdb: {  	s0 =	rddreg [dreg:$0x0];
	s2 =	stileid.u32  }
0xdc: {  	s1 =	rddreg [dreg:$0x1];
	p0 =	sne.s32 s2, $0x0  }
0xdd: {  	s3 =	rddreg [dreg:$0x2];
	[bflag:$0x3] =	sbarrier.arrive $0xFFFF;
	s2 =	simm.s32 @!p0 $0x1C04  }
0xde: {  	[timem:s3], [sflag:s2] =	dma.local @!p0 [hbm:s0], s1  }
0xdf: {  	s0 =	simm.s32 @!p0 $0x4  }
0xe0: {  	_ =	swait.ge @!p0 [sflag:s0], s1  }
0xe1: {  	s1 =	ssub.s32 @!p0 $0x0, s1;
	[sflag:s0] =	ssyncset.done @!p0 $0x0  }
0xe2: {  	[sflag:s0] =	ssyncadd.s32 @!p0 s1  }
0xe3: {  	[bflag:$0x3] =	sbarrier.arrive $0xFFFF  }
0xe4: {  	_ =	shalt  }

// kernel: kernel.25.cloned.1.call-start
scs
__scs_entry_jumppad:
0x0: {  	(pc) =	sbr.rel $0x88, $3  }
0x1: {  	(tag) =	ssettag $0x0;
	lr =	simm.s32 $0x1  }
0x2: {  	[smem:$0x3F8B] =	sst lr;
	_ =	strace $0xD0000000  }
0x3: {  	_ = 	snop  }
0x4: {  	_ = 	snop  }
0x5: {  	_ = 	snop  }
0x6: {  	_ = 	snop  }
0x7: {  	_ = 	snop  }
__scs_overlays_trampoline_lowered:
0x8: {  	[smem:$0x3F9A] =	sst s0  }
0x9: {  	[smem:$0x3F9B] =	sst s1  }
0xa: {  	[smem:$0x3F9C] =	sst s2  }
0xb: {  	[smem:$0x3F9D] =	sst s3  }
0xc: {  	[smem:$0x3F9E] =	sst s4  }
0xd: {  	[smem:$0x3F9F] =	sst s5  }
0xe: {  	[smem:$0x3FA0] =	sst s6  }
0xf: {  	[smem:$0x3FA1] =	sst s7  }
0x10: {  	[smem:$0x3FA2] =	sst s8  }
0x11: {  	[smem:$0x3FA3] =	sst s9;
	s0 =	simm.s32 @!p0 $0x0  }
0x12: {  	s1 =	sld [smem:$0x3F89];
	s0 =	simm.s32 @p0 $0x1  }
0x13: {  	[smem:$0x3FA4] =	sst s0;
	s0 =	simm.s32 @!p1 $0x0  }
0x14: {  	s2 =	sld [smem:$0x3F88];
	s0 =	simm.s32 @p1 $0x1  }
0x15: {  	[smem:$0x3FA5] =	sst s0;
	s0 =	simm.s32 @!p2 $0x0  }
0x16: {  	s3 =	sld [smem:$0x3FDB];
	s0 =	simm.s32 @p2 $0x1  }
0x17: {  	s4 =	simm.s32 $0x1BF5;
	[smem:$0x3FA7] =	sst s0  }
0x18: {  	s0 =	sld [smem:$0x3F8A];
	_ =	swait.ge [sflag:s4], $0x0  }
0x19: {  	s7 =	sld [smem:$0x3F8B]  }
0x1a: {  	s8 =	sadd.s32 $0xFFFFE003, lr  }
0x1b: {  	s9 =	sadd.s32 $0xFFFFFEF7, lr;
	s5 =	simm.s32 $0xFFFFFFFF;
	p2 =	slt.u32 s8, $0xFFFFF086  }
0x1c: {  	p1 =	slt.u32 s9, $0xF7A;
	s5 =	simm.s32 @!p2 $0x0  }
0x1d: {  	s5 =	simm.s32 @p1 $0x1;
	p0 =	seq.s32 s7, s2  }
0x1e: {  	s7 =	smul.u32 @!p0 $0xF7A, s2;
	p2 =	seq.s32 @!p0 s5, $0x0  }
0x1f: {  	s9 =	smul.u32 $0xF7A, s1;
	s8 =	simm.s32 @!p0 $0x1BF5;
	p2 =	por !p2, p0  }
0x20: {  	[sflag:s8] =	ssyncset.s32 @!p0 $0xFFFFF086;
	s6 =	sadd.s32 @!p0 s3, s7;
	s7 =	simm.s32 @!p0 $0x108  }
0x21: {  	s3 =	sadd.s32 s3, s9;
	s6 =	sadd.s32 @!p0 $0x88, s6;
	s7 =	simm.s32 @p2 $0x1082  }
0x22: {  	[simem:s7], [sflag:s8] =	dma.local @!p0 [hbm:s6], $0xF7A  }
0x23: {  	s9 =	sor.u32 $0xD0000000, s2;
	s6 =	simm.s32 $0x108;
	_ =	swait.ge @!p0 [sflag:s8], $0x0  }
0x24: {  	s3 =	sadd.s32 $0x88, s3;
	s6 =	simm.s32 @!p1 $0x1082;
	[sflag:s4] =	ssyncset.s32 $0xFFFFF086  }
0x25: {  	[simem:s6], [sflag:s4] =	dma.local [hbm:s3], $0xF7A  }
0x26: {  	[smem:$0x3F8B] =	sst s1;
	(tag) =	ssettag s2;
	_ =	strace s9  }
0x27: {  	s1 =	sld [smem:$0x3F9B]  }
0x28: {  	s2 =	sld [smem:$0x3F9C]  }
0x29: {  	s4 =	sld [smem:$0x3F9E]  }
0x2a: {  	p0 =	seq.s32 s5, $0x0;
	s5 =	sld [smem:$0x3F9F]  }
0x2b: {  	s6 =	sld [smem:$0x3FA0]  }
0x2c: {  	s7 =	sld [smem:$0x3FA1]  }
0x2d: {  	s3 =	simm.s32 $0x108;
	s8 =	sld [smem:$0x3FA2]  }
0x2e: {  	s3 =	simm.s32 @!p0 $0x1082;
	s9 =	sld [smem:$0x3FA3]  }
0x2f: {  	lr =	sadd.s32 s0, s3;
	s0 =	sld [smem:$0x3F9A]  }
0x30: {  	s3 =	sld [smem:$0x3F9D]  }
0x31: {  	[smem:$0x3FA6] =	sst s10  }
0x32: {  	s10 =	sld [smem:$0x3FA4];
	_ =	sdelay $0x3  }
0x33: {  	p0 =	seq.s32 s10, $0x1;
	s10 =	sld [smem:$0x3FA6];
	_ =	sdelay $0x3  }
0x34: {  	[smem:$0x3FA6] =	sst s10  }
0x35: {  	s10 =	sld [smem:$0x3FA5];
	_ =	sdelay $0x3  }
0x36: {  	p1 =	seq.s32 s10, $0x1;
	s10 =	sld [smem:$0x3FA6];
	_ =	sdelay $0x3  }
0x37: {  	[smem:$0x3FA6] =	sst s10  }
0x38: {  	s10 =	sld [smem:$0x3FA7]  }
0x39: {  	_ = 	snop;
	(pc) =	sbr.ind lr, $3  }
0x3a: {  	_ = 	snop  }
0x3b: {  	_ = 	snop  }
0x3c: {  	p2 =	seq.s32 s10, $0x1;
	s10 =	sld [smem:$0x3FA6]  }
0x3d: {  	_ =	shalt  }
0x3e: {  	_ =	shalt  }
0x3f: {  	_ =	shalt  }
0x40: {  	_ =	shalt  }
0x41: {  	_ =	shalt  }
0x42: {  	_ =	shalt  }
0x43: {  	_ =	shalt  }
0x44: {  	_ =	shalt  }
0x45: {  	_ =	shalt  }
0x46: {  	_ =	shalt  }
0x47: {  	_ =	shalt  }
0x48: {  	_ =	shalt  }
0x49: {  	_ =	shalt  }
0x4a: {  	_ =	shalt  }
0x4b: {  	_ =	shalt  }
0x4c: {  	_ =	shalt  }
0x4d: {  	_ =	shalt  }
0x4e: {  	_ =	shalt  }
0x4f: {  	_ =	shalt  }
0x50: {  	_ =	shalt  }
0x51: {  	_ =	shalt  }
0x52: {  	_ =	shalt  }
0x53: {  	_ =	shalt  }
0x54: {  	_ =	shalt  }
0x55: {  	_ =	shalt  }
0x56: {  	_ =	shalt  }
0x57: {  	_ =	shalt  }
0x58: {  	_ =	shalt  }
0x59: {  	_ =	shalt  }
0x5a: {  	_ =	shalt  }
0x5b: {  	_ =	shalt  }
0x5c: {  	_ =	shalt  }
0x5d: {  	_ =	shalt  }
0x5e: {  	_ =	shalt  }
0x5f: {  	_ =	shalt  }
0x60: {  	_ =	shalt  }
0x61: {  	_ =	shalt  }
0x62: {  	_ =	shalt  }
0x63: {  	_ =	shalt  }
0x64: {  	_ =	shalt  }
0x65: {  	_ =	shalt  }
0x66: {  	_ =	shalt  }
0x67: {  	_ =	shalt  }
0x68: {  	_ =	shalt  }
0x69: {  	_ =	shalt  }
0x6a: {  	_ =	shalt  }
0x6b: {  	_ =	shalt  }
0x6c: {  	_ =	shalt  }
0x6d: {  	_ =	shalt  }
0x6e: {  	_ =	shalt  }
0x6f: {  	_ =	shalt  }
0x70: {  	_ =	shalt  }
0x71: {  	_ =	shalt  }
0x72: {  	_ =	shalt  }
0x73: {  	_ =	shalt  }
0x74: {  	_ =	shalt  }
0x75: {  	_ =	shalt  }
0x76: {  	_ =	shalt  }
0x77: {  	_ =	shalt  }
0x78: {  	_ =	shalt  }
0x79: {  	_ =	shalt  }
0x7a: {  	_ =	shalt  }
0x7b: {  	_ =	shalt  }
0x7c: {  	_ =	shalt  }
0x7d: {  	_ =	shalt  }
0x7e: {  	_ =	shalt  }
0x7f: {  	_ =	shalt  }
0x80: {  	_ =	shalt  }
0x81: {  	_ =	shalt  }
0x82: {  	_ =	shalt  }
0x83: {  	_ =	shalt  }
0x84: {  	_ =	shalt  }
0x85: {  	_ =	shalt  }
0x86: {  	_ =	shalt  }
0x87: {  	_ =	shalt  }
.Lfunc_end0:
.L_simem_size_0:
called_computation.3_lowered:
.L_overlay_start_0:
0x88: {  	s2 =	sld [smem:$0x3FD9]  }
0x89: {  	s3 =	sld [smem:$0x3FFE];
	_ =	sdelay $0x1  }
0x8a: {  	s1 =	srdreg.scid  }
0x8b: {  	s0 =	sand.u32 $0x1, s1  }
0x8c: {  	s17 =	sshll.u32 s0, $0xA;
	s2 =	sadd.s32 s3, s2  }
0x8d: {  	s2 =	sadd.s32 s2, s17  }
0x8e: {  	[smem:$0x3FB2] =	sst s2  }
0x8f: {  	_ = 	snop  }
0x90: {  	s2 =	sld [smem:$0x3FD0];
	(tm) =	ssettm $0x1  }
0x91: {  	s18 =	sld [smem:$0x3FFB];
	_ =	sdelay $0x3  }
0x92: {  	_ =	strace s18  }
0x93: {  	s3 =	sld [smem:$0x3FFC];
	_ =	sdelay $0x3  }
0x94: {  	_ =	strace s3  }
0x95: {  	s3 =	sld [smem:$0x3FFD];
	_ =	sdelay $0x3  }
0x96: {  	_ =	strace s3  }
0x97: {  	_ =	strace $0x8FFFFFFF  }
0x98: {  	s19 =	sld [smem:$0x3FDB];
	_ =	sdelay $0x1  }
0x99: {  	s4 =	simm.s32 $_scs_section_size  }
0x9a: {  	s5 =	simm.s32 $_size__tile_overlayer_lowered;
	s6 =	simm.s32 $_tile_overlayer_lowered  }
0x9b: {  	s22 =	simm.s32 $0x1BFF;
	s21 =	sshll.u32 s6, $0x1;
	s3 =	sadd.s32 s4, s19  }
0x9c: {  	s7 =	simm.s32 $0x0;
	s20 =	sshll.u32 s5, $0x1;
	s5 =	sadd.s32 s21, s3  }
0x9d: {  	[timem:s7], [sflag:s22] =	dma.local [hbm:s5], s20  }
0x9e: {  	_ =	swait.ge [sflag:s22], s20  }
0x9f: {  	s4 =	ssub.s32 $0x0, s20;
	[sflag:s22] =	ssyncset.done $0x0  }
0xa0: {  	[sflag:s22] =	ssyncadd.s32 s4;
	_ =	sdelay $0x1  }
0xa1: {  	s23 =	simm.s32 $0x1B8B  }
0xa2: {  	_ =	swait.ge [sflag:s23], $0x1  }
0xa3: {  	[sflag:s23] =	ssyncset.done $0x0  }
0xa4: {  	s25 =	simm.s32 $0x1B8E;
	s24 =	sld [smem:$0x3FFE];
	[sflag:s23] =	ssyncadd.s32 $0xFFFFFFFF  }
0xa5: {  	s26 =	simm.s32 $execute0_lowered;
	[smem:$0x3FD2] =	sst s25  }
0xa6: {  	s5 =	sshll.u32 s26, $0x1;
	_ =	strace $0x8000004F;
	[dreg:$0x1] =	wrdreg $0xFFFFFFFF  }
0xa7: {  	s28 =	simm.s32 $_size_execute0_lowered;
	s3 =	sadd.s32 s3, s5;
	[dreg:$0x0] =	wrdreg $0x0  }
0xa8: {  	s5 =	sshll.u32 s28, $0x1;
	[dreg:$0x2] =	wrdreg s3  }
0xa9: {  	[dreg:$0x3] =	wrdreg s5  }
0xaa: {  	[dreg:$0x4] =	wrdreg $0xC0  }
0xab: {  	_ =	task [dreg:s7], $0x5FFFF  }
0xac: {  	[dreg:$0x1] =	wrdreg $0xFFFFFFFF  }
0xad: {  	[dreg:$0x0] =	wrdreg $0x60  }
0xae: {  	[dreg:$0x2] =	wrdreg s24  }
0xaf: {  	[dreg:$0x3] =	wrdreg s2  }
0xb0: {  	[dreg:$0x4] =	wrdreg $0x3C600  }
0xb1: {  	[dreg:$0x5] =	wrdreg $0x174E00  }
0xb2: {  	[dreg:$0x6] =	wrdreg $0x9  }
0xb3: {  	_ =	task.clear_ibuf [dreg:s7], $0x7FFFF;
	_ =	strace $0x9000004F  }
0xb4: {  	s29 =	simm.s32 $0x9;
	_ =	strace $0x80000051  }
0xb5: {  	_ =	swait.ge [sflag:s29], $0x1  }
0xb6: {  	[sflag:s29] =	ssyncadd.s32 $0xFFFFFFFF  }
0xb7: {  	_ =	strace $0x90000051  }
0xb8: {  	_ =	sfence  }
0xb9: {  	s30 =	sld [smem:$0x0];
	_ =	sdelay $0x2  }
0xba: {  	s31 =	sshll.u32 s1, $0xD;
	s1 =	sshrl.u32 s1, $0x2  }
0xbb: {  	s3 =	sand.u32 $0x4000, s31;
	s1 =	sadd.s32 s1, s30  }
0xbc: {  	s0 =	sor.u32 s3, s0;
	s1 =	sshll.u32 s1, $0x11  }
0xbd: {  	s0 =	sor.u32 s1, s0  }
0xbe: {  	s0 =	sadd.s32 $0x8F2B, s0  }
0xbf: {  	[sflag:s0] =	ssyncadd.remote.s32 $0x1  }
0xc0: {  	_ =	sfence.sel $0xFFFF  }
0xc1: {  	[dreg:$0x0] =	wrdreg $0xFFFFFFFF;
	(pc) =	sbr.abs _section_cstart, $3  }
0xc2: {  	[dreg:$0x1] =	wrdreg $0xFFFFFFFF  }
0xc3: {  	_ =	task.clear_ibuf [dreg:s7], $0x2FFFF;
	_ =	strace $0x9FFFFFFF  }
0xc4: {  	(tm) =	ssettm $0x7FFFFFFF  }
0xc5: {  	_ =	shalt  }
tec
execute0_lowered:
.L_overlay_start_1:
0x0: {  	(tag) =	ssettag $0x1  }
0x1: {  	s0 =	rddreg [dreg:$0x0]  }
0x2: {  	s1 =	rddreg [dreg:$0x1]  }
0x3: {  	s2 =	rddreg [dreg:$0x2]  }
0x4: {  	s13 =	rddreg [dreg:$0x3];
	s17 =	simm.s32 $0x0  }
0x5: {  	s14 =	stileid.u32;
	s3 =	srdreg.scid;
	s18 =	simm.s32 $0x2CC0  }
0x6: {  	s19 =	simm.s32 $0x2;
	s20 =	simm.s32 $0x3940;
	s21 =	simm.s32 $0x3  }
0x7: {  	s22 =	simm.s32 $0x40;
	s23 =	simm.s32 $0x2880;
	s28 =	simm.s32 $0x0  }
0x8: {  	[smem:$0x7FF] =	sst s17;
	s5 =	sadd.s32 $0xBAA00, s0;
	s4 =	smul.u32 $0x13880, s14  }
0x9: {  	s3 =	sand.u32 $0x1, s3;
	s6 =	sadd.s32 $0xB5A00, s0;
	s12 =	smul.u32 $0x4E20, s14  }
0xa: {  	s7 =	sadd.s32 $0x1A0200, s0;
	s8 =	sadd.s32 $0x163000, s0;
	s29 =	smul.u32 $0x4E200, s14  }
0xb: {  	_ =	strace $0x80000050;
	s9 =	ssub.s32 $0x2, s3;
	p0 =	seq.s32 s3, $0x0  }
0xc: {  	p1 =	seq.s32 s3, $0x1;
	s10 =	sshrl.u32 s4, $0x3;
	s11 =	sshrl.u32 s9, $0x1  }
0xd: {  	s25 =	sadd.s32 s4, s2;
	s26 =	sshrl.u32 s12, $0x3;
	s3 =	sadd.s32 s12, s13  }
0xe: {  	s4 =	sshrl.u32 s4, $0x2;
	s10 =	sadd.s32 s10, s0;
	s11 =	ssub.s32 s9, s11  }
0xf: {  	s9 =	smul.u32 $0x2800, s14;
	[dreg:$0x7] =	wrdreg s25;
	s1 =	sadd.s32 s1, s26  }
0x10: {  	s16 =	sadd.s32 s4, s13;
	s24 =	sadd.s32 $0x168000, s10;
	[dreg:$0x9] =	wrdreg s1  }
0x11: {  	s10 =	sadd.s32 $0x19600, s10;
	s30 =	smax.u32 s11, $0x1;
	[dreg:$0x6] =	wrdreg s24  }
0x12: {  	s1 =	sshrl.u32 s29, $0x2;
	[dreg:$0x8] =	wrdreg s10;
	s10 =	simm.s32 $0xBFA00  }
0x13: {  	[dreg:$0xa] =	wrdreg s30;
	s31 =	sadd.s32 s1, s2;
	s10 =	simm.s32 @!p0 $0x13BE00  }
0x14: {  	[dreg:$0xb] =	wrdreg s31;
	s15 =	sadd.s32 s10, s0;
	s0 =	sshrl.u32 @p1 s3, $0x3  }
0x15: {  	v0 =	vimm.f32 $0.0e+00;
	vm0 =	vmmov $0x1;
	s26 =	simm.s32 $0x1;
	s24 =	simm.s32 $0x80;
	[dreg:$0xc] =	wrdreg s0  }
.LBB2_1:
0x16: {  	s0 =	simm.s32 $0x2D00  }
0x17: {  	[tilespmem:s0+$0x20] =	vst v0  }
0x18: {  	[tilespmem:s0+$0x10] =	vst v0  }
0x19: {  	[tilespmem:s0+$0x0] =	vst v0  }
0x1a: {  	[tilespmem:s0+$0xFFFFFFF0] =	vst v0  }
0x1b: {  	[tilespmem:s0+$0xFFFFFFE0] =	vst v0  }
0x1c: {  	[tilespmem:s0+$0xFFFFFFD0] =	vst v0  }
0x1d: {  	[tilespmem:s0+$0xFFFFFFC0] =	vst v0  }
0x1e: {  	s3 =	simm.s32 $0x0;
	s1 =	simm.s32 $0x80;
	[tilespmem:s0+$0x30] =	vst v0  }
.LBB2_2:
0x1f: {  	p2 =	sne.s32 s1, $0xC00;
	[tilespmem:s3+$0x3950] =	vst v0  }
0x20: {  	s0 =	sadd.s32 $0x80, s0;
	[tilespmem:s3+$0x3940] =	vst v0  }
0x21: {  	[tilespmem:s0+$0x20] =	vst v0  }
0x22: {  	[tilespmem:s0+$0x10] =	vst v0  }
0x23: {  	[tilespmem:s0+$0x0] =	vst v0  }
.Ltmp0:
0x24: {  	[tilespmem:s0+$0xFFFFFFF0] =	vst v0;
	(pc) =	sbr.rel @p2 .LBB2_2-.Ltmp0, $4  }
0x25: {  	[tilespmem:s0+$0xFFFFFFE0] =	vst v0  }
0x26: {  	[tilespmem:s0+$0xFFFFFFD0] =	vst v0  }
0x27: {  	[tilespmem:s0+$0xFFFFFFC0] =	vst v0  }
0x28: {  	s3 =	sshra.s32 s1, $0x2;
	s1 =	sadd.s32 $0x80, s1;
	[tilespmem:s0+$0x30] =	vst v0  }
0x29: {  	[dreg:$0x5] =	wrdreg s17;
	[tilespmem:s3+$0x3950] =	vst v0  }
0x2a: {  	[tilespmem:s3+$0x3940] =	vst v0;
	s1 =	rddreg [dreg:$0xb]  }
0x2b: {  	[spmem:s1] =	stream.linear.scatter [tilespmem:s18], [sflag:$0x2], $0xC80, $0x38;
	[tilespmem:$0x1C300] =	vst v63  }
0x2c: {  	_ =	swait.ge [sflag:s19], $0xC80  }
0x2d: {  	[sflag:s19] =	ssyncset.done $0x0  }
0x2e: {  	s0 =	sadd.s32 $0x0, s16;
	[sflag:s19] =	ssyncadd.s32 $0xFFFFF380  }
0x2f: {  	[spmem:s0] =	stream.linear.scatter [tilespmem:s20], [sflag:$0x2], $0x320, $0x38;
	[tilespmem:$0x1C300] =	vst v63  }
0x30: {  	_ =	swait.ge [sflag:s19], $0x320  }
0x31: {  	s0 =	simm.s32 $0xC80;
	[sflag:s19] =	ssyncset.done $0x0  }
.LBB2_4:
0x32: {  	p2 =	sne.s32 s0, $0x12C00;
	[sflag:s19] =	ssyncadd.s32 $0xFFFFFCE0;
	s1 =	sadd.s32 $0xC80, s1  }
0x33: {  	[spmem:s1] =	stream.linear.scatter [tilespmem:s18], [sflag:$0x2], $0xC80, $0x38;
	[tilespmem:$0x1C300] =	vst v63  }
0x34: {  	s3 =	smov.u32 s0;
	s0 =	sadd.s32 $0xC80, s0;
	_ =	swait.ge [sflag:s19], $0xC80  }
.Ltmp1:
0x35: {  	s3 =	sshra.s32 s3, $0x2;
	[sflag:s19] =	ssyncset.done $0x0;
	(pc) =	sbr.rel @p2 .LBB2_4-.Ltmp1, $4  }
0x36: {  	s3 =	sadd.s32 s3, s16;
	[sflag:s19] =	ssyncadd.s32 $0xFFFFF380  }
0x37: {  	[spmem:s3] =	stream.linear.scatter [tilespmem:s20], [sflag:$0x2], $0x320, $0x38;
	[tilespmem:$0x1C300] =	vst v63  }
0x38: {  	_ =	swait.ge [sflag:s19], $0x320  }
0x39: {  	[sflag:s19] =	ssyncset.done $0x0  }
0x3a: {  	[sflag:s19] =	ssyncadd.s32 $0xFFFFFCE0  }
0x3b: {  	s29 =	simm.s32 $0x0;
	[bflag:$0x0] =	sbarrier.arrive $0xFFFF  }
.LBB2_6:
0x3c: {  	s0 =	sshll.u32 s29, $0x6  }
0x3d: {  	s0 =	sadd.s32 s9, s0  }
0x3e: {  	s1 =	sshrl.u32 s0, $0x3  }
0x3f: {  	s3 =	sadd.s32 s5, s1  }
0x40: {  	[tilespmem:s28], [sflag:$0x3] =	stream.linear.gather [hbm4b:s3+s28], $0x40, $0x38;
	[tilespmem:$0x1C300] =	vst v63  }
0x41: {  	_ =	swait.ge [sflag:s21], $0x40  }
0x42: {  	[sflag:s21] =	ssyncset.done $0x0  }
0x43: {  	s25 =	sadd.s32 s6, s1;
	[sflag:s21] =	ssyncadd.s32 $0xFFFFFFC0  }
0x44: {  	[tilespmem:s22], [sflag:$0x3] =	stream.linear.gather [hbm4b:s25+s28], $0x40, $0x38;
	[tilespmem:$0x1C300] =	vst v63  }
0x45: {  	_ =	swait.ge [sflag:s21], $0x40  }
0x46: {  	[sflag:s21] =	ssyncset.done $0x0  }
0x47: {  	s1 =	sadd.s32 s8, s1;
	[sflag:s21] =	ssyncadd.s32 $0xFFFFFFC0  }
0x48: {  	[tilespmem:s23], [sflag:$0x3] =	stream.linear.gather [hbm4b:s1+s28], $0x40, $0x38;
	[tilespmem:$0x1C300] =	vst v63  }
0x49: {  	_ =	swait.ge [sflag:s21], $0x40  }
0x4a: {  	s0 =	sshll.u32 s0, $0x1;
	[sflag:s21] =	ssyncset.done $0x0  }
0x4b: {  	s13 =	simm.s32 $0x28C0;
	s0 =	sadd.s32 s7, s0;
	[sflag:s21] =	ssyncadd.s32 $0xFFFFFFC0  }
0x4c: {  	[tilespmem:s13], [sflag:$0x3] =	stream.linear.gather [hbm4b:s0+s28], $0x400, $0x38;
	[tilespmem:$0x1C300] =	vst v63  }
0x4d: {  	_ =	swait.ge [sflag:s21], $0x400  }
0x4e: {  	[sflag:s21] =	ssyncset.done $0x0  }
0x4f: {  	[sflag:s21] =	ssyncadd.s32 $0xFFFFFC00  }
0x50: {  	[tilespmem:s24], [sflag:$0x1] =	stream.indirect.gather [hbm4b:s15+s22], $0x80, s28, s22, $0xb8;
	[tilespmem:$0x1C300] =	vst v63  }
0x51: {  	v1 =	vmov s28;
	_ =	swait.ge [sflag:s26], $0x2000  }
0x52: {  	[sflag:s26] =	ssyncset.done $0x0  }
0x53: {  	s25 =	simm.s32 $0xC0;
	[sflag:s26] =	ssyncadd.s32 $0xFFFFE000  }
0x54: {  	v4 =	vld [tilespmem:s25+$0xFFFFFFD0]  }
0x55: {  	v6 =	vld [tilespmem:s25+$0xFFFFFFE0]  }
0x56: {  	v3 =	vld.idx.msk [tilespmem:v1+s23+$0x0], $0xffff  }
0x57: {  	s14 =	simm.s32 $0x2090;
	v8 =	vld [tilespmem:s25+$0x10]  }
0x58: {  	s2 =	simm.s32 $0x1;
	s10 =	simm.s32 $0x20B0;
	s12 =	simm.s32 $0x140;
	v9 =	vld [tilespmem:s25+$0x0]  }
0x59: {  	s30 =	simm.s32 $0x2;
	s11 =	simm.s32 $0x28E0;
	s17 =	simm.s32 $0x20D0  }
0x5a: {  	s4 =	simm.s32 $0x1C0;
	s31 =	simm.s32 $0x1C0;
	s3 =	simm.s32 $0x28D0;
	v5 =	vld [tilespmem:s25+$0x30]  }
0x5b: {  	v2 =	vmov s2;
	s1 =	simm.s32 $0x3;
	s0 =	simm.s32 $0x28E0;
	v1 =	vmov s30;
	v7 =	vld [tilespmem:s25+$0x20];
	s30 =	simm.s32 $0x20D0  }
.LBB2_7:
0x5c: {  	s11 =	sadd.s32 $0x10, s11;
	s17 =	sadd.s32 $0x20, s17;
	s4 =	sadd.s32 $0x80, s4;
	v6 =	vmul.f32 v6, v3;
	v10 =	vld [tilespmem:s25+$0xFFFFFFF0];
	v8 =	vmul.f32 v8, v3  }
0x5d: {  	p2 =	sne.s32 s1, $0x3F;
	v4 =	vmul.f32 v4, v3;
	s2 =	smov.u32 s1;
	s1 =	sadd.s32 $0x1, s1;
	v11 =	vld [tilespmem:s25+$0xFFFFFFC0];
	v9 =	vmul.f32 v9, v3  }
0x5e: {  	[tilespmem:s25+$0xFFFFFFE0] =	vst v6  }
0x5f: {  	[tilespmem:s25+$0x0] =	vst v9  }
0x60: {  	[tilespmem:s25+$0x10] =	vst v8;
	v6 =	vmul.f32 v7, v3  }
0x61: {  	v7 =	vmov s2;
	[tilespmem:s25+$0xFFFFFFD0] =	vst v4;
	v4 =	vmul.f32 v5, v3  }
0x62: {  	v8 =	vmul.f32 v10, v3;
	v5 =	vmul.f32 v11, v3;
	[tilespmem:s25+$0x20] =	vst v6  }
0x63: {  	[tilespmem:s25+$0x30] =	vst v4  }
0x64: {  	[tilespmem:s25+$0xFFFFFFF0] =	vst v8  }
0x65: {  	[tilespmem:s25+$0xFFFFFFC0] =	vst v5;
	s25 =	smov.u32 s12;
	s12 =	smov.u32 s31;
	s31 =	smov.u32 s4  }
0x66: {  	v5 =	vnsel vm0, $0x0, v3;
	v4 =	vld [tilespmem:s13+$0x0];
	s13 =	smov.u32 s3;
	s3 =	smov.u32 s0;
	s0 =	smov.u32 s11  }
0x67: {  	[tilespmem:s14+$0x0] =	vst v5;
	_ =	sdelay $0x3  }
0x68: {  	v3 =	vmul.f32 v4, v3;
	_ =	sdelay $0x1  }
0x69: {  	[tilespmem:s14+$0xFFFFFFF0] =	vst v3;
	s14 =	smov.u32 s10;
	s10 =	smov.u32 s30;
	s30 =	smov.u32 s17  }
0x6a: {  	v4 =	vld [tilespmem:s25+$0xFFFFFFD0]  }
0x6b: {  	v6 =	vld [tilespmem:s25+$0xFFFFFFE0]  }
0x6c: {  	v3 =	vld.idx.msk [tilespmem:v2+s23+$0x0], $0xffff;
	v2 =	vmov v1;
	v1 =	vmov v7  }
.Ltmp2:
0x6d: {  	v8 =	vld [tilespmem:s25+$0x10];
	(pc) =	sbr.rel @p2 .LBB2_7-.Ltmp2, $3  }
0x6e: {  	v9 =	vld [tilespmem:s25+$0x0]  }
0x6f: {  	v5 =	vld [tilespmem:s25+$0x30];
	_ =	sdelay $0x1  }
0x70: {  	v7 =	vld [tilespmem:s25+$0x20]  }
0x71: {  	v6 =	vmul.f32 v6, v3  }
0x72: {  	v10 =	vld [tilespmem:s25+$0xFFFFFFF0];
	v8 =	vmul.f32 v8, v3  }
0x73: {  	v11 =	vld [tilespmem:s25+$0xFFFFFFC0];
	v4 =	vmul.f32 v4, v3;
	[tilespmem:s25+$0xFFFFFFE0] =	vst v6  }
0x74: {  	v9 =	vmul.f32 v9, v3;
	[tilespmem:s25+$0x10] =	vst v8  }
0x75: {  	[tilespmem:s25+$0xFFFFFFD0] =	vst v4;
	v48 =	vmul.f32 v5, v3  }
0x76: {  	[tilespmem:s25+$0x0] =	vst v9;
	v47 =	vmul.f32 v7, v3  }
0x77: {  	[tilespmem:s25+$0x30] =	vst v48;
	v49 =	vmul.f32 v10, v3  }
0x78: {  	v50 =	vmul.f32 v11, v3;
	[tilespmem:s25+$0x20] =	vst v47  }
0x79: {  	[tilespmem:s25+$0xFFFFFFF0] =	vst v49  }
0x7a: {  	[tilespmem:s25+$0xFFFFFFC0] =	vst v50  }
0x7b: {  	v4 =	vld [tilespmem:s13+$0x0];
	_ =	sdelay $0x4  }
0x7c: {  	v51 =	vnsel vm0, $0x0, v3;
	v3 =	vmul.f32 v4, v3  }
0x7d: {  	[tilespmem:s14+$0x0] =	vst v51  }
0x7e: {  	[tilespmem:s14+$0xFFFFFFF0] =	vst v3  }
0x7f: {  	v52 =	vld [tilespmem:s12+$0xFFFFFFE0]  }
0x80: {  	v2 =	vld.idx.msk [tilespmem:v2+s23+$0x0], $0xffff  }
0x81: {  	v5 =	vld [tilespmem:s12+$0x0]  }
0x82: {  	v53 =	vld [tilespmem:s12+$0x10]  }
0x83: {  	v3 =	vld [tilespmem:s12+$0xFFFFFFD0]  }
0x84: {  	v8 =	vld [tilespmem:s12+$0x20]  }
0x85: {  	v9 =	vld [tilespmem:s12+$0xFFFFFFF0];
	v4 =	vmul.f32 v52, v2  }
0x86: {  	v55 =	vld [tilespmem:s12+$0xFFFFFFC0];
	v5 =	vmul.f32 v5, v2  }
0x87: {  	v54 =	vld [tilespmem:s12+$0x30];
	v6 =	vmul.f32 v53, v2;
	[tilespmem:s12+$0xFFFFFFE0] =	vst v4  }
0x88: {  	v3 =	vmul.f32 v3, v2;
	[tilespmem:s12+$0x0] =	vst v5  }
0x89: {  	v56 =	vmul.f32 v8, v2;
	[tilespmem:s12+$0x10] =	vst v6  }
0x8a: {  	v57 =	vmul.f32 v9, v2;
	[tilespmem:s12+$0xFFFFFFD0] =	vst v3  }
0x8b: {  	v58 =	vmul.f32 v55, v2;
	[tilespmem:s12+$0x20] =	vst v56  }
0x8c: {  	v3 =	vmul.f32 v54, v2;
	[tilespmem:s12+$0xFFFFFFF0] =	vst v57  }
0x8d: {  	[tilespmem:s12+$0xFFFFFFC0] =	vst v58  }
0x8e: {  	[tilespmem:s12+$0x30] =	vst v3  }
0x8f: {  	v3 =	vld [tilespmem:s3+$0x0];
	_ =	sdelay $0x4  }
0x90: {  	v59 =	vnsel vm0, $0x0, v2;
	v2 =	vmul.f32 v3, v2  }
0x91: {  	[tilespmem:s10+$0x0] =	vst v59  }
0x92: {  	[tilespmem:s10+$0xFFFFFFF0] =	vst v2  }
0x93: {  	v3 =	vld [tilespmem:s31+$0xFFFFFFE0]  }
0x94: {  	v1 =	vld.idx.msk [tilespmem:v1+s23+$0x0], $0xffff  }
0x95: {  	v4 =	vld [tilespmem:s31+$0x0]  }
0x96: {  	v5 =	vld [tilespmem:s31+$0x10]  }
0x97: {  	v2 =	vld [tilespmem:s31+$0xFFFFFFD0]  }
0x98: {  	v61 =	vld [tilespmem:s31+$0xFFFFFFF0]  }
0x99: {  	v60 =	vld [tilespmem:s31+$0x20];
	v3 =	vmul.f32 v3, v1  }
0x9a: {  	v6 =	vld [tilespmem:s31+$0x30];
	v4 =	vmul.f32 v4, v1  }
0x9b: {  	v62 =	vld [tilespmem:s31+$0xFFFFFFC0];
	v5 =	vmul.f32 v5, v1;
	[tilespmem:s31+$0xFFFFFFE0] =	vst v3  }
0x9c: {  	v2 =	vmul.f32 v2, v1;
	[tilespmem:s31+$0x0] =	vst v4  }
0x9d: {  	v63 =	vmul.f32 v61, v1;
	[tilespmem:s31+$0x10] =	vst v5  }
0x9e: {  	v3 =	vmul.f32 v60, v1;
	[tilespmem:s31+$0xFFFFFFD0] =	vst v2  }
0x9f: {  	v2 =	vmul.f32 v6, v1;
	[tilespmem:s31+$0xFFFFFFF0] =	vst v63  }
0xa0: {  	[tilespmem:s31+$0x20] =	vst v3;
	v3 =	vmul.f32 v62, v1  }
0xa1: {  	[tilespmem:s31+$0x30] =	vst v2  }
0xa2: {  	[tilespmem:s31+$0xFFFFFFC0] =	vst v3  }
0xa3: {  	v2 =	vld [tilespmem:s0+$0x0];
	_ =	sdelay $0x4  }
0xa4: {  	v3 =	vnsel vm0, $0x0, v1;
	v1 =	vmul.f32 v2, v1  }
0xa5: {  	[tilespmem:s30+$0x0] =	vst v3  }
0xa6: {  	s31 =	rddreg [dreg:$0x2];
	[tilespmem:s30+$0xFFFFFFF0] =	vst v1  }
0xa7: {  	[spmem:s31] =	stream.indirect.scatter.add.f32 [tilespmem:s24], [sflag:$0x3], $0x80, s22, s22, $0xb8;
	[tilespmem:$0x1C300] =	vst v63  }
0xa8: {  	_ =	swait.ge [sflag:s21], $0x2000  }
0xa9: {  	[sflag:s21] =	ssyncset.done $0x0  }
0xaa: {  	s1 =	simm.s32 @!p0 $0x2080;
	s29 =	sadd.s32 $0x1, s29;
	[sflag:s21] =	ssyncadd.s32 $0xFFFFE000  }
0xab: {  	p2 =	sne.s32 s29, $0xA0;
	s0 =	simm.s32 @!p0 $0x40;
	s2 =	rddreg [dreg:$0x3]  }
0xac: {  	[spmem:s2] =	stream.indirect.scatter.add.f32 @!p0 [tilespmem:s1], [sflag:$0x2], $0x20, s0, s0, $0xb8;
	[tilespmem:$0x1C300] =	vst v63  }
.Ltmp3:
0xad: {  	_ = 	snop;
	(pc) =	sbr.rel @p2 .LBB2_6-.Ltmp3, $4  }
0xae: {  	s0 =	simm.s32 @!p0 $0x2  }
0xaf: {  	_ =	swait.ge @!p0 [sflag:s0], $0x800  }
0xb0: {  	[sflag:s0] =	ssyncset.done @!p0 $0x0  }
0xb1: {  	[sflag:s0] =	ssyncadd.s32 @!p0 $0xFFFFF800  }
0xb2: {  	s3 =	stileid.u32;
	[bflag:$0x0] =	sbarrier.arrive $0xFFFF  }
0xb3: {  	s0 =	sshll.u32 @p1 s3, $0x6;
	s4 =	rddreg [dreg:$0x7]  }
0xb4: {  	s2 =	rddreg [dreg:$0x8];
	s0 =	sor.u32 @p1 $0x1C02, s0;
	s1 =	sshrl.u32 @p1 s4, $0x3  }
0xb5: {  	[hbm:s2], [sflag:s0] =	dma.local @p1 [spmem:s1], $0x2710  }
0xb6: {  	s1 =	simm.s32 @p1 $0x2  }
0xb7: {  	_ =	swait.ge @p1 [sflag:s1], $0x2710  }
0xb8: {  	[sflag:s1] =	ssyncset.done @p1 $0x0;
	s2 =	rddreg [dreg:$0x9]  }
0xb9: {  	s10 =	rddreg [dreg:$0xc];
	[sflag:s1] =	ssyncadd.s32 @p1 $0xFFFFD8F0  }
0xba: {  	[hbm:s2], [sflag:s0] =	dma.local @p1 [spmem:s10], $0x9C4  }
0xbb: {  	s0 =	sshll.u32 @!p1 s3, $0x6;
	_ =	swait.ge @p1 [sflag:s1], $0x9C4  }
0xbc: {  	s0 =	sor.u32 @!p1 $0x1C02, s0;
	[sflag:s1] =	ssyncset.done @p1 $0x0  }
0xbd: {  	s3 =	rddreg [dreg:$0x6];
	[sflag:s1] =	ssyncadd.s32 @p1 $0xFFFFF63C;
	s1 =	sshrl.u32 @!p1 s4, $0x3  }
0xbe: {  	[hbm:s3], [sflag:s0] =	dma.local @!p1 [spmem:s1], $0x2710  }
0xbf: {  	s0 =	simm.s32 @!p1 $0x2  }
0xc0: {  	_ =	swait.ge @!p1 [sflag:s0], $0x2710  }
0xc1: {  	s17 =	rddreg [dreg:$0x5]  }
0xc2: {  	s31 =	rddreg [dreg:$0xa];
	s17 =	sadd.s32 $0x1, s17  }
0xc3: {  	p2 =	sne.s32 s17, s31  }
.Ltmp4:
0xc4: {  	_ = 	snop;
	(pc) =	sbr.rel @p2 .LBB2_1-.Ltmp4, $3  }
0xc5: {  	_ =	sdelay $0x1  }
0xc6: {  	[sflag:s0] =	ssyncset.done @!p1 $0x0  }
0xc7: {  	s2 =	stileid.u32;
	[sflag:s0] =	ssyncadd.s32 @!p1 $0xFFFFD8F0  }
0xc8: {  	_ =	sfence.sel $0x180000  }
0xc9: {  	[bflag:$0x0] =	sbarrier.arrive $0xFFFF  }
0xca: {  	_ =	strace $0x90000050  }
0xcb: {  	[bflag:$0x2] =	sbarrier.arrive $0xFFFF  }
0xcc: {  	p0 =	sne.s32 s2, $0x0;
	s0 =	rddreg [dreg:$0x4]  }
0xcd: {  	s0 =	sadd.s32 @!p0 $0x100000, s0  }
0xce: {  	[sflag:s0] =	ssyncadd.tile.s32 @!p0 $0x1;
	_ =	shalt  }
.Lfunc_end2:
_tile_overlayer_lowered:
.L_overlay_start_2:
0xcf: {  	(tag) =	ssettag $0x2  }
0xd0: {  	s0 =	rddreg [dreg:$0x0];
	s2 =	stileid.u32  }
0xd1: {  	s1 =	rddreg [dreg:$0x1];
	p0 =	sne.s32 s2, $0x0  }
0xd2: {  	s3 =	rddreg [dreg:$0x2];
	[bflag:$0x3] =	sbarrier.arrive $0xFFFF;
	s2 =	simm.s32 @!p0 $0x1C02  }
0xd3: {  	[timem:s3], [sflag:s2] =	dma.local @!p0 [hbm:s0], s1  }
0xd4: {  	s0 =	simm.s32 @!p0 $0x2  }
0xd5: {  	_ =	swait.ge @!p0 [sflag:s0], s1  }
0xd6: {  	s1 =	ssub.s32 @!p0 $0x0, s1;
	[sflag:s0] =	ssyncset.done @!p0 $0x0  }
0xd7: {  	[sflag:s0] =	ssyncadd.s32 @!p0 s1  }
0xd8: {  	[bflag:$0x3] =	sbarrier.arrive $0xFFFF  }
0xd9: {  	_ =	shalt  }

// kernel: kernel.28.cloned.1.call-start
scs
__scs_entry_jumppad:
0x0: {  	(pc) =	sbr.rel $0x88, $3  }
0x1: {  	(tag) =	ssettag $0x0;
	lr =	simm.s32 $0x1  }
0x2: {  	[smem:$0x3F8B] =	sst lr;
	_ =	strace $0xD0000000  }
0x3: {  	_ = 	snop  }
0x4: {  	_ = 	snop  }
0x5: {  	_ = 	snop  }
0x6: {  	_ = 	snop  }
0x7: {  	_ = 	snop  }
__scs_overlays_trampoline_lowered:
0x8: {  	[smem:$0x3F9A] =	sst s0  }
0x9: {  	[smem:$0x3F9B] =	sst s1  }
0xa: {  	[smem:$0x3F9C] =	sst s2  }
0xb: {  	[smem:$0x3F9D] =	sst s3  }
0xc: {  	[smem:$0x3F9E] =	sst s4  }
0xd: {  	[smem:$0x3F9F] =	sst s5  }
0xe: {  	[smem:$0x3FA0] =	sst s6  }
0xf: {  	[smem:$0x3FA1] =	sst s7  }
0x10: {  	[smem:$0x3FA2] =	sst s8  }
0x11: {  	[smem:$0x3FA3] =	sst s9;
	s0 =	simm.s32 @!p0 $0x0  }
0x12: {  	s1 =	sld [smem:$0x3F89];
	s0 =	simm.s32 @p0 $0x1  }
0x13: {  	[smem:$0x3FA4] =	sst s0;
	s0 =	simm.s32 @!p1 $0x0  }
0x14: {  	s2 =	sld [smem:$0x3F88];
	s0 =	simm.s32 @p1 $0x1  }
0x15: {  	[smem:$0x3FA5] =	sst s0;
	s0 =	simm.s32 @!p2 $0x0  }
0x16: {  	s3 =	sld [smem:$0x3FDB];
	s0 =	simm.s32 @p2 $0x1  }
0x17: {  	s4 =	simm.s32 $0x1BF5;
	[smem:$0x3FA7] =	sst s0  }
0x18: {  	s0 =	sld [smem:$0x3F8A];
	_ =	swait.ge [sflag:s4], $0x0  }
0x19: {  	s7 =	sld [smem:$0x3F8B]  }
0x1a: {  	s8 =	sadd.s32 $0xFFFFE003, lr  }
0x1b: {  	s9 =	sadd.s32 $0xFFFFFEF7, lr;
	s5 =	simm.s32 $0xFFFFFFFF;
	p2 =	slt.u32 s8, $0xFFFFF086  }
0x1c: {  	p1 =	slt.u32 s9, $0xF7A;
	s5 =	simm.s32 @!p2 $0x0  }
0x1d: {  	s5 =	simm.s32 @p1 $0x1;
	p0 =	seq.s32 s7, s2  }
0x1e: {  	s7 =	smul.u32 @!p0 $0xF7A, s2;
	p2 =	seq.s32 @!p0 s5, $0x0  }
0x1f: {  	s9 =	smul.u32 $0xF7A, s1;
	s8 =	simm.s32 @!p0 $0x1BF5;
	p2 =	por !p2, p0  }
0x20: {  	[sflag:s8] =	ssyncset.s32 @!p0 $0xFFFFF086;
	s6 =	sadd.s32 @!p0 s3, s7;
	s7 =	simm.s32 @!p0 $0x108  }
0x21: {  	s3 =	sadd.s32 s3, s9;
	s6 =	sadd.s32 @!p0 $0x88, s6;
	s7 =	simm.s32 @p2 $0x1082  }
0x22: {  	[simem:s7], [sflag:s8] =	dma.local @!p0 [hbm:s6], $0xF7A  }
0x23: {  	s9 =	sor.u32 $0xD0000000, s2;
	s6 =	simm.s32 $0x108;
	_ =	swait.ge @!p0 [sflag:s8], $0x0  }
0x24: {  	s3 =	sadd.s32 $0x88, s3;
	s6 =	simm.s32 @!p1 $0x1082;
	[sflag:s4] =	ssyncset.s32 $0xFFFFF086  }
0x25: {  	[simem:s6], [sflag:s4] =	dma.local [hbm:s3], $0xF7A  }
0x26: {  	[smem:$0x3F8B] =	sst s1;
	(tag) =	ssettag s2;
	_ =	strace s9  }
0x27: {  	s1 =	sld [smem:$0x3F9B]  }
0x28: {  	s2 =	sld [smem:$0x3F9C]  }
0x29: {  	s4 =	sld [smem:$0x3F9E]  }
0x2a: {  	p0 =	seq.s32 s5, $0x0;
	s5 =	sld [smem:$0x3F9F]  }
0x2b: {  	s6 =	sld [smem:$0x3FA0]  }
0x2c: {  	s7 =	sld [smem:$0x3FA1]  }
0x2d: {  	s3 =	simm.s32 $0x108;
	s8 =	sld [smem:$0x3FA2]  }
0x2e: {  	s3 =	simm.s32 @!p0 $0x1082;
	s9 =	sld [smem:$0x3FA3]  }
0x2f: {  	lr =	sadd.s32 s0, s3;
	s0 =	sld [smem:$0x3F9A]  }
0x30: {  	s3 =	sld [smem:$0x3F9D]  }
0x31: {  	[smem:$0x3FA6] =	sst s10  }
0x32: {  	s10 =	sld [smem:$0x3FA4];
	_ =	sdelay $0x3  }
0x33: {  	p0 =	seq.s32 s10, $0x1;
	s10 =	sld [smem:$0x3FA6];
	_ =	sdelay $0x3  }
0x34: {  	[smem:$0x3FA6] =	sst s10  }
0x35: {  	s10 =	sld [smem:$0x3FA5];
	_ =	sdelay $0x3  }
0x36: {  	p1 =	seq.s32 s10, $0x1;
	s10 =	sld [smem:$0x3FA6];
	_ =	sdelay $0x3  }
0x37: {  	[smem:$0x3FA6] =	sst s10  }
0x38: {  	s10 =	sld [smem:$0x3FA7]  }
0x39: {  	_ = 	snop;
	(pc) =	sbr.ind lr, $3  }
0x3a: {  	_ = 	snop  }
0x3b: {  	_ = 	snop  }
0x3c: {  	p2 =	seq.s32 s10, $0x1;
	s10 =	sld [smem:$0x3FA6]  }
0x3d: {  	_ =	shalt  }
0x3e: {  	_ =	shalt  }
0x3f: {  	_ =	shalt  }
0x40: {  	_ =	shalt  }
0x41: {  	_ =	shalt  }
0x42: {  	_ =	shalt  }
0x43: {  	_ =	shalt  }
0x44: {  	_ =	shalt  }
0x45: {  	_ =	shalt  }
0x46: {  	_ =	shalt  }
0x47: {  	_ =	shalt  }
0x48: {  	_ =	shalt  }
0x49: {  	_ =	shalt  }
0x4a: {  	_ =	shalt  }
0x4b: {  	_ =	shalt  }
0x4c: {  	_ =	shalt  }
0x4d: {  	_ =	shalt  }
0x4e: {  	_ =	shalt  }
0x4f: {  	_ =	shalt  }
0x50: {  	_ =	shalt  }
0x51: {  	_ =	shalt  }
0x52: {  	_ =	shalt  }
0x53: {  	_ =	shalt  }
0x54: {  	_ =	shalt  }
0x55: {  	_ =	shalt  }
0x56: {  	_ =	shalt  }
0x57: {  	_ =	shalt  }
0x58: {  	_ =	shalt  }
0x59: {  	_ =	shalt  }
0x5a: {  	_ =	shalt  }
0x5b: {  	_ =	shalt  }
0x5c: {  	_ =	shalt  }
0x5d: {  	_ =	shalt  }
0x5e: {  	_ =	shalt  }
0x5f: {  	_ =	shalt  }
0x60: {  	_ =	shalt  }
0x61: {  	_ =	shalt  }
0x62: {  	_ =	shalt  }
0x63: {  	_ =	shalt  }
0x64: {  	_ =	shalt  }
0x65: {  	_ =	shalt  }
0x66: {  	_ =	shalt  }
0x67: {  	_ =	shalt  }
0x68: {  	_ =	shalt  }
0x69: {  	_ =	shalt  }
0x6a: {  	_ =	shalt  }
0x6b: {  	_ =	shalt  }
0x6c: {  	_ =	shalt  }
0x6d: {  	_ =	shalt  }
0x6e: {  	_ =	shalt  }
0x6f: {  	_ =	shalt  }
0x70: {  	_ =	shalt  }
0x71: {  	_ =	shalt  }
0x72: {  	_ =	shalt  }
0x73: {  	_ =	shalt  }
0x74: {  	_ =	shalt  }
0x75: {  	_ =	shalt  }
0x76: {  	_ =	shalt  }
0x77: {  	_ =	shalt  }
0x78: {  	_ =	shalt  }
0x79: {  	_ =	shalt  }
0x7a: {  	_ =	shalt  }
0x7b: {  	_ =	shalt  }
0x7c: {  	_ =	shalt  }
0x7d: {  	_ =	shalt  }
0x7e: {  	_ =	shalt  }
0x7f: {  	_ =	shalt  }
0x80: {  	_ =	shalt  }
0x81: {  	_ =	shalt  }
0x82: {  	_ =	shalt  }
0x83: {  	_ =	shalt  }
0x84: {  	_ =	shalt  }
0x85: {  	_ =	shalt  }
0x86: {  	_ =	shalt  }
0x87: {  	_ =	shalt  }
.Lfunc_end0:
.L_simem_size_0:
called_computation.4_lowered:
.L_overlay_start_0:
0x88: {  	s2 =	sld [smem:$0x3FD9]  }
0x89: {  	s3 =	sld [smem:$0x3FFE];
	_ =	sdelay $0x1  }
0x8a: {  	s1 =	srdreg.scid  }
0x8b: {  	s0 =	sand.u32 $0x1, s1  }
0x8c: {  	s17 =	sshll.u32 s0, $0xA;
	s2 =	sadd.s32 s3, s2  }
0x8d: {  	s2 =	sadd.s32 s2, s17  }
0x8e: {  	[smem:$0x3FB2] =	sst s2  }
0x8f: {  	_ = 	snop  }
0x90: {  	s2 =	sld [smem:$0x3FD0];
	(tm) =	ssettm $0x1  }
0x91: {  	s18 =	sld [smem:$0x3FFB];
	_ =	sdelay $0x3  }
0x92: {  	_ =	strace s18  }
0x93: {  	s3 =	sld [smem:$0x3FFC];
	_ =	sdelay $0x3  }
0x94: {  	_ =	strace s3  }
0x95: {  	s3 =	sld [smem:$0x3FFD];
	_ =	sdelay $0x3  }
0x96: {  	_ =	strace s3  }
0x97: {  	_ =	strace $0x8FFFFFFF  }
0x98: {  	s19 =	sld [smem:$0x3FDB];
	_ =	sdelay $0x1  }
0x99: {  	s4 =	simm.s32 $_scs_section_size  }
0x9a: {  	s5 =	simm.s32 $_size__tile_overlayer_lowered;
	s6 =	simm.s32 $_tile_overlayer_lowered  }
0x9b: {  	s22 =	simm.s32 $0x1BFF;
	s21 =	sshll.u32 s6, $0x1;
	s3 =	sadd.s32 s4, s19  }
0x9c: {  	s7 =	simm.s32 $0x0;
	s20 =	sshll.u32 s5, $0x1;
	s5 =	sadd.s32 s21, s3  }
0x9d: {  	[timem:s7], [sflag:s22] =	dma.local [hbm:s5], s20  }
0x9e: {  	_ =	swait.ge [sflag:s22], s20  }
0x9f: {  	s4 =	ssub.s32 $0x0, s20;
	[sflag:s22] =	ssyncset.done $0x0  }
0xa0: {  	[sflag:s22] =	ssyncadd.s32 s4;
	_ =	sdelay $0x1  }
0xa1: {  	s23 =	simm.s32 $0x1B8B  }
0xa2: {  	_ =	swait.ge [sflag:s23], $0x1  }
0xa3: {  	[sflag:s23] =	ssyncset.done $0x0  }
0xa4: {  	s25 =	simm.s32 $0x1B8E;
	s24 =	sld [smem:$0x3FFE];
	[sflag:s23] =	ssyncadd.s32 $0xFFFFFFFF  }
0xa5: {  	s26 =	simm.s32 $execute0_lowered;
	[smem:$0x3FD2] =	sst s25  }
0xa6: {  	s5 =	sshll.u32 s26, $0x1;
	_ =	strace $0x80000052;
	[dreg:$0x1] =	wrdreg $0xFFFFFFFF  }
0xa7: {  	s28 =	simm.s32 $_size_execute0_lowered;
	s3 =	sadd.s32 s3, s5;
	[dreg:$0x0] =	wrdreg $0x0  }
0xa8: {  	s5 =	sshll.u32 s28, $0x1;
	[dreg:$0x2] =	wrdreg s3  }
0xa9: {  	[dreg:$0x3] =	wrdreg s5  }
0xaa: {  	[dreg:$0x4] =	wrdreg $0xC0  }
0xab: {  	_ =	task [dreg:s7], $0x5FFFF  }
0xac: {  	[dreg:$0x1] =	wrdreg $0xFFFFFFFF  }
0xad: {  	[dreg:$0x0] =	wrdreg $0x60  }
0xae: {  	[dreg:$0x2] =	wrdreg s24  }
0xaf: {  	[dreg:$0x3] =	wrdreg s2  }
0xb0: {  	[dreg:$0x4] =	wrdreg $0x9  }
0xb1: {  	_ =	task.clear_ibuf [dreg:s7], $0x5FFFF;
	_ =	strace $0x90000052  }
0xb2: {  	s29 =	simm.s32 $0x9;
	_ =	strace $0x80000054  }
0xb3: {  	_ =	swait.ge [sflag:s29], $0x1  }
0xb4: {  	[sflag:s29] =	ssyncadd.s32 $0xFFFFFFFF  }
0xb5: {  	_ =	strace $0x90000054  }
0xb6: {  	_ =	sfence  }
0xb7: {  	s30 =	sld [smem:$0x0];
	_ =	sdelay $0x2  }
0xb8: {  	s31 =	sshll.u32 s1, $0xD;
	s1 =	sshrl.u32 s1, $0x2  }
0xb9: {  	s3 =	sand.u32 $0x4000, s31;
	s1 =	sadd.s32 s1, s30  }
0xba: {  	s0 =	sor.u32 s3, s0;
	s1 =	sshll.u32 s1, $0x11  }
0xbb: {  	s0 =	sor.u32 s1, s0  }
0xbc: {  	s0 =	sadd.s32 $0x8F2B, s0  }
0xbd: {  	[sflag:s0] =	ssyncadd.remote.s32 $0x1  }
0xbe: {  	_ =	sfence.sel $0xFFFF  }
0xbf: {  	[dreg:$0x0] =	wrdreg $0xFFFFFFFF;
	(pc) =	sbr.abs _section_cstart, $3  }
0xc0: {  	[dreg:$0x1] =	wrdreg $0xFFFFFFFF  }
0xc1: {  	_ =	task.clear_ibuf [dreg:s7], $0x2FFFF;
	_ =	strace $0x9FFFFFFF  }
0xc2: {  	(tm) =	ssettm $0x7FFFFFFF  }
0xc3: {  	_ =	shalt  }
tec
execute0_lowered:
.L_overlay_start_1:
0x0: {  	(tag) =	ssettag $0x1  }
0x1: {  	s9 =	rddreg [dreg:$0x0]  }
0x2: {  	s2 =	rddreg [dreg:$0x1]  }
0x3: {  	s4 =	srdreg.scid;
	s1 =	stileid.u32  }
0x4: {  	s3 =	simm.s32 $0x0;
	s13 =	simm.s32 $0x40;
	s14 =	simm.s32 $0x80  }
0x5: {  	s15 =	simm.s32 $0x4080;
	s16 =	simm.s32 $0x8080;
	s17 =	simm.s32 $0x8480  }
0x6: {  	s18 =	simm.s32 $0x1;
	s19 =	simm.s32 $0x2;
	s20 =	simm.s32 $0x3  }
0x7: {  	s21 =	simm.s32 $0x8880;
	s8 =	sand.u32 $0x1, s4;
	s31 =	sshll.u32 s1, $0x1  }
0x8: {  	s22 =	simm.s32 $0x0;
	[smem:$0x7FF] =	sst s3;
	s4 =	sor.u32 s8, s31  }
0x9: {  	s5 =	sadd.s32 $0x67800, s9;
	s6 =	sadd.s32 $0x1F0200, s9;
	s4 =	smul.u32 $0x1400, s4  }
0xa: {  	s7 =	sadd.s32 $0xBAA00, s9;
	_ =	strace $0x80000053;
	s11 =	ssub.s32 $0x2, s8  }
0xb: {  	s8 =	sadd.s32 $0xB5A00, s9;
	s12 =	sshrl.u32 s11, $0x1;
	s10 =	sshrl.u32 s4, $0x3  }
0xc: {  	v1 =	vimm.s32 $0x0;
	vm0 =	vcmask $0x300;
	s11 =	ssub.s32 s11, s12;
	s12 =	simm.s32 $0x4;
	s10 =	sadd.s32 s10, s9  }
0xd: {  	v0 =	vlaneseq.u32;
	v1 =	vsel vm0, $0x3, v1;
	s11 =	smax.u32 s11, $0x1;
	s9 =	sadd.s32 $0x1A0200, s9;
	s10 =	sadd.s32 $0xCA00, s10  }
.LBB2_1:
0xe: {  	s23 =	simm.s32 $0x0  }
.LBB2_2:
0xf: {  	s26 =	sshll.u32 s23, $0x6  }
0x10: {  	s24 =	sadd.s32 s4, s26  }
0x11: {  	s28 =	sshrl.u32 s24, $0x3  }
0x12: {  	s25 =	simm.s32 $0x0;
	s29 =	sadd.s32 s7, s28  }
0x13: {  	[tilespmem:s25], [sflag:$0x4] =	stream.linear.gather [hbm4b:s29+s25], $0x40, $0x38;
	[tilespmem:$0x9C80] =	vst v63  }
0x14: {  	_ =	swait.ge [sflag:s12], $0x40  }
0x15: {  	[sflag:s12] =	ssyncset.done $0x0  }
0x16: {  	s28 =	sadd.s32 s8, s28;
	[sflag:s12] =	ssyncadd.s32 $0xFFFFFFC0  }
0x17: {  	[tilespmem:s13], [sflag:$0x4] =	stream.linear.gather [hbm4b:s28+s25], $0x40, $0x38;
	[tilespmem:$0x9C80] =	vst v63  }
0x18: {  	_ =	swait.ge [sflag:s12], $0x40  }
0x19: {  	[sflag:s12] =	ssyncset.done $0x0  }
0x1a: {  	[sflag:s12] =	ssyncadd.s32 $0xFFFFFFC0  }
0x1b: {  	[tilespmem:s14], [sflag:$0x1] =	stream.indirect.gather [hbm4b:s5+s13], $0x100, s13, s13, $0xb8;
	[tilespmem:$0x9C80] =	vst v63  }
0x1c: {  	_ = 	snop  }
0x1d: {  	[tilespmem:s15], [sflag:$0x2] =	stream.indirect.gather [hbm4b:s6+s13], $0x100, s25, s13, $0xb8;
	[tilespmem:$0x9C80] =	vst v63  }
0x1e: {  	s31 =	sshll.u32 s24, $0x1  }
0x1f: {  	[tilespmem:s16], [sflag:$0x3] =	stream.indirect.gather [hbm4b:s2+s13], $0x10, s13, s13, $0xb8;
	[tilespmem:$0x9C80] =	vst v63  }
0x20: {  	s28 =	sadd.s32 s9, s31  }
0x21: {  	[tilespmem:s17], [sflag:$0x4] =	stream.linear.gather [hbm4b:s28+s25], $0x400, $0x38;
	[tilespmem:$0x9C80] =	vst v63  }
0x22: {  	_ =	swait.ge [sflag:s12], $0x400  }
0x23: {  	[sflag:s12] =	ssyncset.done $0x0  }
0x24: {  	[sflag:s12] =	ssyncadd.s32 $0xFFFFFC00  }
0x25: {  	_ =	swait.ge [sflag:s18], $0x4000  }
0x26: {  	[sflag:s18] =	ssyncset.done $0x0  }
0x27: {  	[sflag:s18] =	ssyncadd.s32 $0xFFFFC000  }
0x28: {  	_ =	swait.ge [sflag:s19], $0x4000  }
0x29: {  	[sflag:s19] =	ssyncset.done $0x0  }
0x2a: {  	[sflag:s19] =	ssyncadd.s32 $0xFFFFC000  }
0x2b: {  	_ =	swait.ge [sflag:s20], $0x400  }
0x2c: {  	s26 =	sadd.s32 $0x8880, s26;
	[sflag:s20] =	ssyncset.done $0x0  }
0x2d: {  	v2 =	vmov s26;
	[sflag:s20] =	ssyncadd.s32 $0xFFFFFC00  }
.LBB2_3:
0x2e: {  	s26 =	simm.s32 $0x0  }
0x2f: {  	v3 =	vmov s26  }
0x30: {  	v3 =	vshrl.u32 v3, $0x3  }
0x31: {  	s26 =	sshll.u32 s25, $0x4;
	v4 =	vshll.u32 v3, v1  }
0x32: {  	v3 =	vor.u32 s26, v0;
	v12 =	vbroadcast v4, $0x0  }
0x33: {  	v11 =	vshll.u32 v3, $0x8  }
0x34: {  	v4 =	vor.u32 v11, v12  }
0x35: {  	v10 =	vor.u32 $0x1, v11  }
0x36: {  	v13 =	vadd.s32 v10, v12  }
0x37: {  	v9 =	vor.u32 $0x2, v11  }
0x38: {  	v14 =	vadd.s32 v9, v12  }
0x39: {  	v18 =	vimm.f32 $0.0e+00;
	s28 =	simm.s32 $0xF;
	s29 =	simm.s32 $0xE;
	v8 =	vor.u32 $0x3, v11;
	v15 =	vld.idx.msk [tilespmem:v4+s14+$0x0], $0xffff  }
0x3a: {  	s30 =	simm.s32 $0xD;
	v20 =	vmov s28;
	v21 =	vmov s29;
	s28 =	simm.s32 $0x8;
	v17 =	vadd.s32 v8, v12;
	v16 =	vld.idx.msk [tilespmem:v4+s15+$0x0], $0xffff  }
0x3b: {  	s29 =	simm.s32 $0xC;
	v25 =	vmov s30;
	v23 =	vmov s28;
	v7 =	vor.u32 $0x4, v11;
	v19 =	vld.idx.msk [tilespmem:v13+s14+$0x0], $0xffff  }
0x3c: {  	v24 =	vmov s29;
	v6 =	vor.u32 $0x5, v11;
	v22 =	vadd.s32 v7, v12;
	v13 =	vld.idx.msk [tilespmem:v13+s15+$0x0], $0xffff  }
0x3d: {  	s28 =	simm.s32 $0x9;
	s29 =	simm.s32 $0xB;
	v25 =	vshrl.u32 v25, $0x3;
	v20 =	vshrl.u32 v20, $0x3;
	v28 =	vadd.s32 v6, v12;
	v26 =	vld.idx.msk [tilespmem:v14+s14+$0x0], $0xffff  }
0x3e: {  	v23 =	vshrl.u32 v23, $0x3;
	v27 =	vmov s28;
	v29 =	vmov s29;
	v14 =	vld.idx.msk [tilespmem:v14+s15+$0x0], $0xffff  }
0x3f: {  	s28 =	simm.s32 $0xA;
	v23 =	vshll.u32 v23, v1;
	v27 =	vshrl.u32 v27, $0x3;
	v5 =	vor.u32 $0x6, v11;
	v30 =	vld.idx.msk [tilespmem:v17+s14+$0x0], $0xffff  }
0x40: {  	v31 =	vmov s28;
	v15 =	vmul.f32 v16, v15;
	v16 =	vld.idx.msk [tilespmem:v17+s15+$0x0], $0xffff;
	v17 =	vadd.s32 v5, v12  }
0x41: {  	v23 =	vbroadcast v23, $0x0;
	v27 =	vshll.u32 v27, v1;
	v4 =	vor.u32 $0x7, v11;
	v32 =	vld.idx.msk [tilespmem:v22+s14+$0x0], $0xffff  }
0x42: {  	v13 =	vmul.f32 v13, v19;
	v12 =	vadd.s32 v4, v12;
	v19 =	vld.idx.msk [tilespmem:v28+s14+$0x0], $0xffff;
	v15 =	vadd.f32 v15, v18  }
0x43: {  	v31 =	vshrl.u32 v31, $0x3;
	v23 =	vadd.s32 v11, v23;
	v14 =	vmul.f32 v14, v26;
	v18 =	vld.idx.msk [tilespmem:v22+s15+$0x0], $0xffff  }
0x44: {  	v22 =	vbroadcast v27, $0x0;
	v27 =	vshll.u32 v31, v1;
	v13 =	vadd.f32 v13, v15;
	v15 =	vld.idx.msk [tilespmem:v28+s15+$0x0], $0xffff  }
0x45: {  	v24 =	vshrl.u32 v24, $0x3;
	v29 =	vshrl.u32 v29, $0x3;
	v27 =	vbroadcast v27, $0x0;
	v26 =	vld.idx.msk [tilespmem:v17+s14+$0x0], $0xffff  }
0x46: {  	v22 =	vadd.s32 v10, v22;
	v17 =	vld.idx.msk [tilespmem:v17+s15+$0x0], $0xffff;
	v13 =	vadd.f32 v14, v13;
	v14 =	vmul.f32 v16, v30  }
0x47: {  	v24 =	vshll.u32 v24, v1;
	v59 =	vshll.u32 v29, v1;
	v60 =	vld.idx.msk [tilespmem:v12+s14+$0x0], $0xffff;
	v27 =	vadd.s32 v9, v27  }
0x48: {  	v61 =	vld.idx.msk [tilespmem:v12+s15+$0x0], $0xffff;
	v16 =	vbroadcast v59, $0x0;
	v13 =	vadd.f32 v14, v13;
	v14 =	vmul.f32 v18, v32  }
0x49: {  	v21 =	vshrl.u32 v21, $0x3;
	v24 =	vbroadcast v24, $0x0;
	v12 =	vld.idx.msk [tilespmem:v23+s14+$0x0], $0xffff;
	v18 =	vshll.u32 v25, v1  }
0x4a: {  	s28 =	simm.s32 $0x10;
	v16 =	vadd.s32 v8, v16;
	v19 =	vmul.f32 v15, v19;
	v15 =	vld.idx.msk [tilespmem:v23+s15+$0x0], $0xffff;
	v14 =	vadd.f32 v14, v13  }
0x4b: {  	v21 =	vshll.u32 v21, v1;
	v23 =	vmov s28;
	v62 =	vbroadcast v18, $0x0;
	v18 =	vld.idx.msk [tilespmem:v22+s15+$0x0], $0xffff  }
0x4c: {  	v13 =	vld.idx.msk [tilespmem:v22+s14+$0x0], $0xffff;
	v25 =	vmul.f32 v17, v26;
	v17 =	vadd.s32 v7, v24;
	v19 =	vadd.f32 v19, v14  }
0x4d: {  	v63 =	vshll.u32 v20, v1;
	v23 =	vshrl.u32 v23, $0x3;
	v22 =	vbroadcast v21, $0x0;
	v21 =	vld.idx.msk [tilespmem:v27+s15+$0x0], $0xffff  }
0x4e: {  	v26 =	vmul.f32 v61, v60;
	v20 =	vadd.s32 v6, v62;
	v14 =	vld.idx.msk [tilespmem:v27+s14+$0x0], $0xffff;
	v25 =	vadd.f32 v25, v19  }
0x4f: {  	s29 =	simm.s32 $0x2F;
	s28 =	simm.s32 $0x1F;
	v24 =	vshll.u32 v23, v1;
	v23 =	vbroadcast v63, $0x0;
	v19 =	vld.idx.msk [tilespmem:v16+s14+$0x0], $0xffff  }
.LBB2_4:
0x50: {  	p0 =	sne.s32 s29, $0xFF;
	v25 =	vadd.f32 v26, v25;
	v12 =	vmul.f32 v15, v12;
	v15 =	vld.idx.msk [tilespmem:v16+s15+$0x0], $0xffff;
	v16 =	vadd.s32 v5, v22  }
0x51: {  	v22 =	vbroadcast v24, $0x0;
	v24 =	vld.idx.msk [tilespmem:v17+s14+$0x0], $0xffff  }
0x52: {  	v13 =	vmul.f32 v18, v13;
	v18 =	vadd.s32 v4, v23;
	v12 =	vadd.f32 v12, v25;
	v17 =	vld.idx.msk [tilespmem:v17+s15+$0x0], $0xffff  }
0x53: {  	v23 =	vld.idx.msk [tilespmem:v20+s14+$0x0], $0xffff  }
0x54: {  	v25 =	vor.u32 v11, v22;
	v12 =	vadd.f32 v13, v12;
	v13 =	vmul.f32 v21, v14;
	v14 =	vld.idx.msk [tilespmem:v20+s15+$0x0], $0xffff  }
0x55: {  	v20 =	vld.idx.msk [tilespmem:v16+s14+$0x0], $0xffff  }
0x56: {  	v21 =	vadd.s32 v10, v22;
	v12 =	vadd.f32 v13, v12;
	v13 =	vmul.f32 v15, v19;
	v15 =	vld.idx.msk [tilespmem:v16+s15+$0x0], $0xffff  }
0x57: {  	v16 =	vmov s28;
	v19 =	vld.idx.msk [tilespmem:v18+s14+$0x0], $0xffff  }
0x58: {  	s30 =	sadd.s32 $0xFFFFFFFF, s28;
	v26 =	vadd.s32 v9, v22;
	v12 =	vadd.f32 v13, v12;
	v13 =	vmul.f32 v17, v24;
	v17 =	vld.idx.msk [tilespmem:v18+s15+$0x0], $0xffff  }
0x59: {  	v27 =	vshrl.u32 v16, $0x3;
	v24 =	vmov s30;
	v18 =	vld.idx.msk [tilespmem:v25+s14+$0x0], $0xffff  }
0x5a: {  	s31 =	sadd.s32 $0xFFFFFFFD, s28;
	s0 =	sadd.s32 $0xFFFFFFFE, s28;
	s30 =	sadd.s32 $0xFFFFFFF9, s28;
	v16 =	vld.idx.msk [tilespmem:v25+s15+$0x0], $0xffff;
	v25 =	vadd.s32 v8, v22;
	v12 =	vadd.f32 v13, v12;
	v13 =	vmul.f32 v14, v23  }
0x5b: {  	v28 =	vmov s31;
	v29 =	vmov s0;
	v23 =	vmov s30;
	v14 =	vld.idx.msk [tilespmem:v21+s14+$0x0], $0xffff  }
0x5c: {  	s0 =	sadd.s32 $0xFFFFFFFA, s28;
	v30 =	vadd.s32 v7, v22;
	s30 =	sadd.s32 $0xFFFFFFFC, s28;
	v21 =	vld.idx.msk [tilespmem:v21+s15+$0x0], $0xffff;
	v12 =	vadd.f32 v13, v12;
	v13 =	vmul.f32 v15, v20  }
0x5d: {  	v31 =	vmov s30;
	v20 =	vshrl.u32 v23, $0x3;
	v23 =	vmov s0;
	v15 =	vld.idx.msk [tilespmem:v26+s14+$0x0], $0xffff  }
0x5e: {  	v32 =	vadd.s32 v6, v22;
	s0 =	sadd.s32 $0xFFFFFFFB, s28;
	s28 =	smov.u32 s29;
	v26 =	vld.idx.msk [tilespmem:v26+s15+$0x0], $0xffff;
	v12 =	vadd.f32 v13, v12;
	v13 =	vmul.f32 v17, v19  }
0x5f: {  	v19 =	vshll.u32 v20, v1;
	v20 =	vshrl.u32 v23, $0x3;
	v23 =	vmov s0;
	v17 =	vld.idx.msk [tilespmem:v25+s14+$0x0], $0xffff  }
0x60: {  	v16 =	vmul.f32 v16, v18;
	v18 =	vld.idx.msk [tilespmem:v25+s15+$0x0], $0xffff;
	v25 =	vadd.s32 v5, v22;
	v12 =	vadd.f32 v13, v12  }
0x61: {  	v19 =	vbroadcast v19, $0x0;
	v20 =	vshll.u32 v20, v1;
	v23 =	vshrl.u32 v23, $0x3;
	v13 =	vld.idx.msk [tilespmem:v30+s14+$0x0], $0xffff  }
0x62: {  	v14 =	vmul.f32 v21, v14;
	v21 =	vadd.s32 v4, v22;
	v12 =	vadd.f32 v16, v12;
	v16 =	vld.idx.msk [tilespmem:v30+s15+$0x0], $0xffff  }
0x63: {  	v20 =	vbroadcast v20, $0x0;
	v23 =	vshll.u32 v23, v1;
	v30 =	vshrl.u32 v31, $0x3;
	v22 =	vld.idx.msk [tilespmem:v32+s14+$0x0], $0xffff  }
0x64: {  	v19 =	vadd.s32 v11, v19;
	v12 =	vadd.f32 v14, v12;
	v14 =	vmul.f32 v26, v15;
	v15 =	vld.idx.msk [tilespmem:v32+s15+$0x0], $0xffff  }
0x65: {  	v28 =	vshrl.u32 v28, $0x3;
	v23 =	vbroadcast v23, $0x0;
	v30 =	vshll.u32 v30, v1;
	v26 =	vld.idx.msk [tilespmem:v25+s14+$0x0], $0xffff  }
0x66: {  	v12 =	vadd.f32 v14, v12;
	v14 =	vmul.f32 v18, v17;
	v17 =	vld.idx.msk [tilespmem:v25+s15+$0x0], $0xffff;
	v18 =	vadd.s32 v10, v20  }
0x67: {  	v29 =	vshrl.u32 v29, $0x3;
	v28 =	vshll.u32 v28, v1;
	v25 =	vbroadcast v30, $0x0;
	v20 =	vld.idx.msk [tilespmem:v21+s14+$0x0], $0xffff  }
0x68: {  	v23 =	vadd.s32 v9, v23;
	v13 =	vmul.f32 v16, v13;
	v14 =	vadd.f32 v14, v12;
	v21 =	vld.idx.msk [tilespmem:v21+s15+$0x0], $0xffff  }
0x69: {  	v29 =	vshll.u32 v29, v1;
	v28 =	vbroadcast v28, $0x0;
	v24 =	vshrl.u32 v24, $0x3;
	v12 =	vld.idx.msk [tilespmem:v19+s14+$0x0], $0xffff  }
0x6a: {  	s0 =	sadd.s32 $0xFFFFFFF1, s29;
	v16 =	vadd.s32 v8, v25;
	v22 =	vmul.f32 v15, v22;
	v14 =	vadd.f32 v13, v14;
	v15 =	vld.idx.msk [tilespmem:v19+s15+$0x0], $0xffff  }
.Ltmp0:
0x6b: {  	v29 =	vbroadcast v29, $0x0;
	v24 =	vshll.u32 v24, v1;
	v19 =	vmov s0;
	v13 =	vld.idx.msk [tilespmem:v18+s14+$0x0], $0xffff;
	(pc) =	sbr.rel @p0 .LBB2_4-.Ltmp0, $4  }
0x6c: {  	v26 =	vmul.f32 v17, v26;
	v17 =	vadd.s32 v7, v28;
	v25 =	vadd.f32 v22, v14;
	v18 =	vld.idx.msk [tilespmem:v18+s15+$0x0], $0xffff  }
0x6d: {  	v27 =	vshll.u32 v27, v1;
	v19 =	vshrl.u32 v19, $0x3;
	v22 =	vbroadcast v24, $0x0;
	v14 =	vld.idx.msk [tilespmem:v23+s14+$0x0], $0xffff  }
0x6e: {  	v25 =	vadd.f32 v26, v25;
	v26 =	vmul.f32 v21, v20;
	v21 =	vld.idx.msk [tilespmem:v23+s15+$0x0], $0xffff;
	v20 =	vadd.s32 v6, v29  }
0x6f: {  	s29 =	sadd.s32 $0x10, s29;
	v24 =	vshll.u32 v19, v1;
	v23 =	vbroadcast v27, $0x0;
	v19 =	vld.idx.msk [tilespmem:v16+s14+$0x0], $0xffff  }
0x70: {  	_ =	sdelay $0x2  }
0x71: {  	v25 =	vadd.f32 v26, v25;
	v12 =	vmul.f32 v15, v12  }
0x72: {  	v60 =	vld.idx.msk [tilespmem:v16+s15+$0x0], $0xffff;
	v61 =	vadd.s32 v5, v22  }
0x73: {  	v62 =	vld.idx.msk [tilespmem:v17+s14+$0x0], $0xffff;
	v13 =	vmul.f32 v18, v13;
	v12 =	vadd.f32 v12, v25  }
0x74: {  	v63 =	vbroadcast v24, $0x0;
	v29 =	vld.idx.msk [tilespmem:v17+s15+$0x0], $0xffff;
	v23 =	vadd.s32 v4, v23  }
0x75: {  	v30 =	vld.idx.msk [tilespmem:v20+s14+$0x0], $0xffff;
	v31 =	vmul.f32 v21, v14;
	v12 =	vadd.f32 v13, v12  }
0x76: {  	v33 =	vld.idx.msk [tilespmem:v20+s15+$0x0], $0xffff;
	v32 =	vor.u32 v11, v63  }
0x77: {  	v34 =	vld.idx.msk [tilespmem:v61+s14+$0x0], $0xffff;
	v35 =	vmul.f32 v60, v19;
	v12 =	vadd.f32 v31, v12  }
0x78: {  	v36 =	vadd.s32 v10, v63;
	v16 =	vld.idx.msk [tilespmem:v61+s15+$0x0], $0xffff  }
0x79: {  	v38 =	vmul.f32 v29, v62;
	v37 =	vld.idx.msk [tilespmem:v23+s14+$0x0], $0xffff;
	v12 =	vadd.f32 v35, v12  }
0x7a: {  	v39 =	vadd.s32 v9, v63;
	v40 =	vld.idx.msk [tilespmem:v23+s15+$0x0], $0xffff  }
0x7b: {  	v42 =	vmul.f32 v33, v30;
	v41 =	vld.idx.msk [tilespmem:v32+s14+$0x0], $0xffff;
	v12 =	vadd.f32 v38, v12  }
0x7c: {  	v43 =	vadd.s32 v8, v63;
	v14 =	vld.idx.msk [tilespmem:v32+s15+$0x0], $0xffff  }
0x7d: {  	v24 =	vmov s28;
	s0 =	sadd.s32 $0xFFFFFFFF, s28;
	s29 =	sadd.s32 $0xFFFFFFF9, s28;
	v44 =	vld.idx.msk [tilespmem:v36+s14+$0x0], $0xffff;
	v45 =	vmul.f32 v16, v34;
	v12 =	vadd.f32 v42, v12  }
0x7e: {  	s31 =	sadd.s32 $0xFFFFFFFE, s28;
	v46 =	vmov s0;
	v47 =	vmov s29;
	v48 =	vadd.s32 v7, v63;
	v15 =	vld.idx.msk [tilespmem:v36+s15+$0x0], $0xffff  }
0x7f: {  	s30 =	sadd.s32 $0xFFFFFFFD, s28;
	v50 =	vmov s31;
	s31 =	sadd.s32 $0xFFFFFFFC, s28;
	v28 =	vld.idx.msk [tilespmem:v39+s14+$0x0], $0xffff;
	v49 =	vmul.f32 v40, v37;
	v12 =	vadd.f32 v45, v12  }
0x80: {  	v27 =	vmov s30;
	v51 =	vadd.s32 v6, v63;
	v52 =	vmov s31;
	v17 =	vld.idx.msk [tilespmem:v39+s15+$0x0], $0xffff  }
0x81: {  	v21 =	vshrl.u32 v47, $0x3;
	v30 =	vld.idx.msk [tilespmem:v43+s14+$0x0], $0xffff;
	v14 =	vmul.f32 v14, v41;
	v12 =	vadd.f32 v49, v12  }
0x82: {  	s30 =	sadd.s32 $0xFFFFFFFA, s28;
	v53 =	vadd.s32 v5, v63;
	v18 =	vadd.s32 v4, v63;
	v21 =	vshll.u32 v21, v1;
	v20 =	vld.idx.msk [tilespmem:v43+s15+$0x0], $0xffff  }
0x83: {  	v29 =	vmov s30;
	s30 =	sadd.s32 $0xFFFFFFFB, s28;
	v31 =	vld.idx.msk [tilespmem:v48+s14+$0x0], $0xffff;
	v54 =	vmul.f32 v15, v44;
	v12 =	vadd.f32 v14, v12  }
0x84: {  	v21 =	vbroadcast v21, $0x0;
	v29 =	vshrl.u32 v29, $0x3;
	v55 =	vmov s30;
	v56 =	vld.idx.msk [tilespmem:v48+s15+$0x0], $0xffff  }
0x85: {  	v57 =	vshll.u32 v29, v1;
	v58 =	vld.idx.msk [tilespmem:v51+s14+$0x0], $0xffff;
	v59 =	vmul.f32 v17, v28;
	v12 =	vadd.f32 v54, v12  }
0x86: {  	v22 =	vld.idx.msk [tilespmem:v51+s15+$0x0], $0xffff;
	v61 =	vadd.s32 v11, v21;
	v60 =	vbroadcast v57, $0x0;
	v15 =	vshrl.u32 v55, $0x3  }
0x87: {  	v62 =	vld.idx.msk [tilespmem:v53+s14+$0x0], $0xffff;
	v63 =	vmul.f32 v20, v30;
	v15 =	vshll.u32 v15, v1;
	v12 =	vadd.f32 v59, v12  }
0x88: {  	v13 =	vshrl.u32 v52, $0x3;
	v26 =	vld.idx.msk [tilespmem:v53+s15+$0x0], $0xffff;
	v28 =	vadd.s32 v10, v60;
	v15 =	vbroadcast v15, $0x0  }
0x89: {  	v13 =	vshll.u32 v13, v1;
	v30 =	vld.idx.msk [tilespmem:v18+s14+$0x0], $0xffff;
	v31 =	vmul.f32 v56, v31;
	v12 =	vadd.f32 v63, v12  }
0x8a: {  	v13 =	vbroadcast v13, $0x0;
	v32 =	vshrl.u32 v27, $0x3;
	v18 =	vld.idx.msk [tilespmem:v18+s15+$0x0], $0xffff;
	v33 =	vadd.s32 v9, v15  }
0x8b: {  	v34 =	vshll.u32 v32, v1;
	v35 =	vld.idx.msk [tilespmem:v61+s14+$0x0], $0xffff;
	v36 =	vmul.f32 v22, v58;
	v12 =	vadd.f32 v31, v12  }
0x8c: {  	v19 =	vshrl.u32 v50, $0x3;
	v37 =	vadd.s32 v8, v13;
	v11 =	vld.idx.msk [tilespmem:v61+s15+$0x0], $0xffff;
	v15 =	vbroadcast v34, $0x0  }
0x8d: {  	v38 =	vshll.u32 v19, v1;
	v40 =	vmul.f32 v26, v62;
	v39 =	vld.idx.msk [tilespmem:v28+s14+$0x0], $0xffff;
	v12 =	vadd.f32 v36, v12  }
0x8e: {  	v16 =	vshrl.u32 v46, $0x3;
	v13 =	vbroadcast v38, $0x0;
	v10 =	vld.idx.msk [tilespmem:v28+s15+$0x0], $0xffff;
	v41 =	vadd.s32 v7, v15  }
0x8f: {  	v42 =	vshll.u32 v16, v1;
	v44 =	vmul.f32 v18, v30;
	v43 =	vld.idx.msk [tilespmem:v33+s14+$0x0], $0xffff;
	v12 =	vadd.f32 v40, v12  }
0x90: {  	v46 =	vadd.s32 v6, v13;
	v45 =	vshrl.u32 v24, $0x3;
	v15 =	vbroadcast v42, $0x0;
	v9 =	vld.idx.msk [tilespmem:v33+s15+$0x0], $0xffff  }
0x91: {  	v47 =	vshll.u32 v45, v1;
	v48 =	vld.idx.msk [tilespmem:v37+s14+$0x0], $0xffff;
	v11 =	vmul.f32 v11, v35;
	v12 =	vadd.f32 v44, v12  }
0x92: {  	v13 =	vbroadcast v47, $0x0;
	v8 =	vld.idx.msk [tilespmem:v37+s15+$0x0], $0xffff;
	v49 =	vadd.s32 v5, v15  }
0x93: {  	v10 =	vmul.f32 v10, v39;
	v50 =	vld.idx.msk [tilespmem:v41+s14+$0x0], $0xffff;
	v11 =	vadd.f32 v11, v12  }
0x94: {  	v51 =	vadd.s32 v4, v13;
	v7 =	vld.idx.msk [tilespmem:v41+s15+$0x0], $0xffff  }
0x95: {  	v52 =	vld.idx.msk [tilespmem:v46+s14+$0x0], $0xffff;
	v9 =	vmul.f32 v9, v43;
	v10 =	vadd.f32 v10, v11  }
0x96: {  	v3 =	vshll.u32 v3, $0x4;
	v6 =	vld.idx.msk [tilespmem:v46+s15+$0x0], $0xffff  }
0x97: {  	v8 =	vmul.f32 v8, v48;
	v53 =	vld.idx.msk [tilespmem:v49+s14+$0x0], $0xffff;
	v9 =	vadd.f32 v9, v10  }
0x98: {  	v54 =	vor.u32 $0x1, v3;
	v5 =	vld.idx.msk [tilespmem:v49+s15+$0x0], $0xffff  }
0x99: {  	v13 =	vld.idx.msk [tilespmem:v51+s14+$0x0], $0xffff;
	v7 =	vmul.f32 v7, v50;
	v8 =	vadd.f32 v8, v9  }
0x9a: {  	v55 =	vor.u32 $0x2, v3;
	v4 =	vld.idx.msk [tilespmem:v51+s15+$0x0], $0xffff  }
0x9b: {  	v57 =	vld.idx.msk [tilespmem:v3+s16+$0x0], $0xffff;
	v6 =	vmul.f32 v6, v52;
	v7 =	vadd.f32 v7, v8  }
0x9c: {  	v56 =	vld.idx.msk [tilespmem:v3+s17+$0x0], $0xffff;
	v58 =	vor.u32 $0x3, v3  }
0x9d: {  	v59 =	vld.idx.msk [tilespmem:v54+s17+$0x0], $0xffff;
	v5 =	vmul.f32 v5, v53;
	v6 =	vadd.f32 v6, v7  }
0x9e: {  	v60 =	vor.u32 $0x4, v3;
	v10 =	vld.idx.msk [tilespmem:v54+s16+$0x0], $0xffff  }
0x9f: {  	v61 =	vld.idx.msk [tilespmem:v55+s17+$0x0], $0xffff;
	v4 =	vmul.f32 v4, v13;
	v5 =	vadd.f32 v5, v6  }
0xa0: {  	v62 =	vor.u32 $0x5, v3;
	v9 =	vld.idx.msk [tilespmem:v55+s16+$0x0], $0xffff  }
0xa1: {  	v16 =	vld.idx.msk [tilespmem:v58+s17+$0x0], $0xffff;
	v63 =	vmul.f32 v57, v56;
	v4 =	vadd.f32 v4, v5  }
0xa2: {  	v17 =	vld.idx.msk [tilespmem:v58+s16+$0x0], $0xffff;
	v18 =	vor.u32 $0x6, v3  }
0xa3: {  	v20 =	vld.idx.msk [tilespmem:v60+s17+$0x0], $0xffff;
	v19 =	vmul.f32 v10, v59;
	v4 =	vadd.f32 v63, v4  }
0xa4: {  	v22 =	vor.u32 $0x7, v3;
	v21 =	vld.idx.msk [tilespmem:v60+s16+$0x0], $0xffff  }
0xa5: {  	v24 =	vld.idx.msk [tilespmem:v62+s17+$0x0], $0xffff;
	v23 =	vmul.f32 v9, v61;
	v4 =	vadd.f32 v19, v4  }
0xa6: {  	v26 =	vor.u32 $0x8, v3;
	v25 =	vld.idx.msk [tilespmem:v62+s16+$0x0], $0xffff  }
0xa7: {  	v27 =	vmul.f32 v17, v16;
	v28 =	vld.idx.msk [tilespmem:v18+s17+$0x0], $0xffff;
	v4 =	vadd.f32 v23, v4  }
0xa8: {  	v30 =	vor.u32 $0x9, v3;
	v29 =	vld.idx.msk [tilespmem:v18+s16+$0x0], $0xffff  }
0xa9: {  	v32 =	vld.idx.msk [tilespmem:v22+s17+$0x0], $0xffff;
	v31 =	vmul.f32 v21, v20;
	v4 =	vadd.f32 v27, v4  }
0xaa: {  	v34 =	vor.u32 $0xA, v3;
	v33 =	vld.idx.msk [tilespmem:v22+s16+$0x0], $0xffff  }
0xab: {  	v37 =	vld.idx.msk [tilespmem:v26+s16+$0x0], $0xffff;
	v35 =	vmul.f32 v25, v24;
	v4 =	vadd.f32 v31, v4  }
0xac: {  	v38 =	vor.u32 $0xB, v3;
	v36 =	vld.idx.msk [tilespmem:v26+s17+$0x0], $0xffff  }
0xad: {  	v41 =	vld.idx.msk [tilespmem:v30+s16+$0x0], $0xffff;
	v39 =	vmul.f32 v29, v28;
	v4 =	vadd.f32 v35, v4  }
0xae: {  	v42 =	vor.u32 $0xC, v3;
	v40 =	vld.idx.msk [tilespmem:v30+s17+$0x0], $0xffff  }
0xaf: {  	v45 =	vld.idx.msk [tilespmem:v34+s16+$0x0], $0xffff;
	v43 =	vmul.f32 v33, v32;
	v4 =	vadd.f32 v39, v4  }
0xb0: {  	v46 =	vor.u32 $0xD, v3;
	v44 =	vld.idx.msk [tilespmem:v34+s17+$0x0], $0xffff  }
0xb1: {  	v48 =	vld.idx.msk [tilespmem:v38+s17+$0x0], $0xffff;
	v47 =	vmul.f32 v37, v36;
	v4 =	vadd.f32 v43, v4  }
0xb2: {  	v49 =	vld.idx.msk [tilespmem:v38+s16+$0x0], $0xffff;
	v50 =	vor.u32 $0xE, v3  }
0xb3: {  	v52 =	vld.idx.msk [tilespmem:v42+s17+$0x0], $0xffff;
	v51 =	vmul.f32 v41, v40;
	v4 =	vadd.f32 v47, v4  }
0xb4: {  	v3 =	vor.u32 $0xF, v3;
	v53 =	vld.idx.msk [tilespmem:v42+s16+$0x0], $0xffff  }
0xb5: {  	v56 =	vld.idx.msk [tilespmem:v46+s16+$0x0], $0xffff;
	v54 =	vmul.f32 v45, v44;
	v4 =	vadd.f32 v51, v4  }
0xb6: {  	v55 =	vld.idx.msk [tilespmem:v46+s17+$0x0], $0xffff  }
0xb7: {  	v57 =	vmul.f32 v49, v48;
	v58 =	vld.idx.msk [tilespmem:v50+s17+$0x0], $0xffff;
	v4 =	vadd.f32 v54, v4  }
0xb8: {  	v59 =	vld.idx.msk [tilespmem:v50+s16+$0x0], $0xffff  }
0xb9: {  	v60 =	vmul.f32 v53, v52;
	v61 =	vld.idx.msk [tilespmem:v3+s17+$0x0], $0xffff;
	v4 =	vadd.f32 v57, v4  }
0xba: {  	v3 =	vld.idx.msk [tilespmem:v3+s16+$0x0], $0xffff  }
0xbb: {  	v62 =	vmul.f32 v56, v55;
	v4 =	vadd.f32 v60, v4;
	_ =	sdelay $0x1  }
0xbc: {  	v63 =	vmul.f32 v59, v58;
	v4 =	vadd.f32 v62, v4;
	_ =	sdelay $0x1  }
0xbd: {  	v3 =	vmul.f32 v3, v61;
	v4 =	vadd.f32 v63, v4;
	_ =	sdelay $0x1  }
0xbe: {  	v3 =	vadd.f32 v3, v4;
	_ =	sdelay $0x1  }
0xbf: {  	v3 =	vmul.f32 $6.250000000e-02, v3;
	_ =	sdelay $0x1  }
0xc0: {  	v3 =	vmul.f32 $1.442695020e+00, v3;
	_ =	sdelay $0x1  }
0xc1: {  	(erf) = vpow2.f32 v3;
	_ =	sdelay $0x7  }
0xc2: {  	s31 =	sor.u32 s24, s26  }
0xc3: {  	s25 =	sadd.s32 $0x1, s25;
	p0 =	slt.u32 s31, $0x27100;
	v3 =	vpop (erf)  }
0xc4: {  	v3 =	vpsel !p0, $0x0, v3;
	p0 =	sne.s32 s25, $0x4  }
.Ltmp1:
0xc5: {  	_ = 	snop;
	(pc) =	sbr.rel @p0 .LBB2_3-.Ltmp1, $2  }
0xc6: {  	_ =	sdelay $0x2  }
0xc7: {  	[tilespmem:v2+s26+$0x0 ss:$0x1] =	vst.idx.msk $0xffff, v3  }
0xc8: {  	s23 =	sadd.s32 $0x1, s23  }
0xc9: {  	p0 =	sne.s32 s23, $0x50  }
.Ltmp2:
0xca: {  	_ = 	snop;
	(pc) =	sbr.rel @p0 .LBB2_2-.Ltmp2, $1  }
0xcb: {  	_ =	sdelay $0x3  }
0xcc: {  	s22 =	sadd.s32 $0x1, s22  }
0xcd: {  	p0 =	sne.s32 s22, s11  }
.Ltmp3:
0xce: {  	_ = 	snop;
	(pc) =	sbr.rel @p0 .LBB2_1-.Ltmp3, $4  }
0xcf: {  	[hbm4b:s10+s3] =	stream.linear.scatter [tilespmem:s21], [sflag:$0x4], $0x1400, $0x38;
	[tilespmem:$0x9C80] =	vst v63  }
0xd0: {  	_ =	swait.ge [sflag:s12], $0x1400  }
0xd1: {  	[sflag:s12] =	ssyncset.done $0x0  }
0xd2: {  	[sflag:s12] =	ssyncadd.s32 $0xFFFFEC00  }
0xd3: {  	_ =	sfence.sel $0x180000  }
0xd4: {  	[bflag:$0x0] =	sbarrier.arrive $0xFFFF  }
0xd5: {  	_ =	strace $0x90000053  }
0xd6: {  	[bflag:$0x2] =	sbarrier.arrive $0xFFFF  }
0xd7: {  	p0 =	sne.s32 s1, $0x0;
	s0 =	rddreg [dreg:$0x2]  }
0xd8: {  	s0 =	sadd.s32 @!p0 $0x100000, s0  }
0xd9: {  	[sflag:s0] =	ssyncadd.tile.s32 @!p0 $0x1;
	_ =	shalt  }
.Lfunc_end2:
_tile_overlayer_lowered:
.L_overlay_start_2:
0xda: {  	(tag) =	ssettag $0x2  }
0xdb: {  	s0 =	rddreg [dreg:$0x0];
	s2 =	stileid.u32  }
0xdc: {  	s1 =	rddreg [dreg:$0x1];
	p0 =	sne.s32 s2, $0x0  }
0xdd: {  	s3 =	rddreg [dreg:$0x2];
	[bflag:$0x3] =	sbarrier.arrive $0xFFFF;
	s2 =	simm.s32 @!p0 $0x1C04  }
0xde: {  	[timem:s3], [sflag:s2] =	dma.local @!p0 [hbm:s0], s1  }
0xdf: {  	s0 =	simm.s32 @!p0 $0x4  }
0xe0: {  	_ =	swait.ge @!p0 [sflag:s0], s1  }
0xe1: {  	s1 =	ssub.s32 @!p0 $0x0, s1;
	[sflag:s0] =	ssyncset.done @!p0 $0x0  }
0xe2: {  	[sflag:s0] =	ssyncadd.s32 @!p0 s1  }
0xe3: {  	[bflag:$0x3] =	sbarrier.arrive $0xFFFF  }
0xe4: {  	_ =	shalt  }

// kernel: kernel.31.cloned.1.call-start
scs
__scs_entry_jumppad:
0x0: {  	(pc) =	sbr.rel $0x88, $3  }
0x1: {  	(tag) =	ssettag $0x0;
	lr =	simm.s32 $0x1  }
0x2: {  	[smem:$0x3F8B] =	sst lr;
	_ =	strace $0xD0000000  }
0x3: {  	_ = 	snop  }
0x4: {  	_ = 	snop  }
0x5: {  	_ = 	snop  }
0x6: {  	_ = 	snop  }
0x7: {  	_ = 	snop  }
__scs_overlays_trampoline_lowered:
0x8: {  	[smem:$0x3F9A] =	sst s0  }
0x9: {  	[smem:$0x3F9B] =	sst s1  }
0xa: {  	[smem:$0x3F9C] =	sst s2  }
0xb: {  	[smem:$0x3F9D] =	sst s3  }
0xc: {  	[smem:$0x3F9E] =	sst s4  }
0xd: {  	[smem:$0x3F9F] =	sst s5  }
0xe: {  	[smem:$0x3FA0] =	sst s6  }
0xf: {  	[smem:$0x3FA1] =	sst s7  }
0x10: {  	[smem:$0x3FA2] =	sst s8  }
0x11: {  	[smem:$0x3FA3] =	sst s9;
	s0 =	simm.s32 @!p0 $0x0  }
0x12: {  	s1 =	sld [smem:$0x3F89];
	s0 =	simm.s32 @p0 $0x1  }
0x13: {  	[smem:$0x3FA4] =	sst s0;
	s0 =	simm.s32 @!p1 $0x0  }
0x14: {  	s2 =	sld [smem:$0x3F88];
	s0 =	simm.s32 @p1 $0x1  }
0x15: {  	[smem:$0x3FA5] =	sst s0;
	s0 =	simm.s32 @!p2 $0x0  }
0x16: {  	s3 =	sld [smem:$0x3FDB];
	s0 =	simm.s32 @p2 $0x1  }
0x17: {  	s4 =	simm.s32 $0x1BF5;
	[smem:$0x3FA7] =	sst s0  }
0x18: {  	s0 =	sld [smem:$0x3F8A];
	_ =	swait.ge [sflag:s4], $0x0  }
0x19: {  	s7 =	sld [smem:$0x3F8B]  }
0x1a: {  	s8 =	sadd.s32 $0xFFFFE003, lr  }
0x1b: {  	s9 =	sadd.s32 $0xFFFFFEF7, lr;
	s5 =	simm.s32 $0xFFFFFFFF;
	p2 =	slt.u32 s8, $0xFFFFF086  }
0x1c: {  	p1 =	slt.u32 s9, $0xF7A;
	s5 =	simm.s32 @!p2 $0x0  }
0x1d: {  	s5 =	simm.s32 @p1 $0x1;
	p0 =	seq.s32 s7, s2  }
0x1e: {  	s7 =	smul.u32 @!p0 $0xF7A, s2;
	p2 =	seq.s32 @!p0 s5, $0x0  }
0x1f: {  	s9 =	smul.u32 $0xF7A, s1;
	s8 =	simm.s32 @!p0 $0x1BF5;
	p2 =	por !p2, p0  }
0x20: {  	[sflag:s8] =	ssyncset.s32 @!p0 $0xFFFFF086;
	s6 =	sadd.s32 @!p0 s3, s7;
	s7 =	simm.s32 @!p0 $0x108  }
0x21: {  	s3 =	sadd.s32 s3, s9;
	s6 =	sadd.s32 @!p0 $0x88, s6;
	s7 =	simm.s32 @p2 $0x1082  }
0x22: {  	[simem:s7], [sflag:s8] =	dma.local @!p0 [hbm:s6], $0xF7A  }
0x23: {  	s9 =	sor.u32 $0xD0000000, s2;
	s6 =	simm.s32 $0x108;
	_ =	swait.ge @!p0 [sflag:s8], $0x0  }
0x24: {  	s3 =	sadd.s32 $0x88, s3;
	s6 =	simm.s32 @!p1 $0x1082;
	[sflag:s4] =	ssyncset.s32 $0xFFFFF086  }
0x25: {  	[simem:s6], [sflag:s4] =	dma.local [hbm:s3], $0xF7A  }
0x26: {  	[smem:$0x3F8B] =	sst s1;
	(tag) =	ssettag s2;
	_ =	strace s9  }
0x27: {  	s1 =	sld [smem:$0x3F9B]  }
0x28: {  	s2 =	sld [smem:$0x3F9C]  }
0x29: {  	s4 =	sld [smem:$0x3F9E]  }
0x2a: {  	p0 =	seq.s32 s5, $0x0;
	s5 =	sld [smem:$0x3F9F]  }
0x2b: {  	s6 =	sld [smem:$0x3FA0]  }
0x2c: {  	s7 =	sld [smem:$0x3FA1]  }
0x2d: {  	s3 =	simm.s32 $0x108;
	s8 =	sld [smem:$0x3FA2]  }
0x2e: {  	s3 =	simm.s32 @!p0 $0x1082;
	s9 =	sld [smem:$0x3FA3]  }
0x2f: {  	lr =	sadd.s32 s0, s3;
	s0 =	sld [smem:$0x3F9A]  }
0x30: {  	s3 =	sld [smem:$0x3F9D]  }
0x31: {  	[smem:$0x3FA6] =	sst s10  }
0x32: {  	s10 =	sld [smem:$0x3FA4];
	_ =	sdelay $0x3  }
0x33: {  	p0 =	seq.s32 s10, $0x1;
	s10 =	sld [smem:$0x3FA6];
	_ =	sdelay $0x3  }
0x34: {  	[smem:$0x3FA6] =	sst s10  }
0x35: {  	s10 =	sld [smem:$0x3FA5];
	_ =	sdelay $0x3  }
0x36: {  	p1 =	seq.s32 s10, $0x1;
	s10 =	sld [smem:$0x3FA6];
	_ =	sdelay $0x3  }
0x37: {  	[smem:$0x3FA6] =	sst s10  }
0x38: {  	s10 =	sld [smem:$0x3FA7]  }
0x39: {  	_ = 	snop;
	(pc) =	sbr.ind lr, $3  }
0x3a: {  	_ = 	snop  }
0x3b: {  	_ = 	snop  }
0x3c: {  	p2 =	seq.s32 s10, $0x1;
	s10 =	sld [smem:$0x3FA6]  }
0x3d: {  	_ =	shalt  }
0x3e: {  	_ =	shalt  }
0x3f: {  	_ =	shalt  }
0x40: {  	_ =	shalt  }
0x41: {  	_ =	shalt  }
0x42: {  	_ =	shalt  }
0x43: {  	_ =	shalt  }
0x44: {  	_ =	shalt  }
0x45: {  	_ =	shalt  }
0x46: {  	_ =	shalt  }
0x47: {  	_ =	shalt  }
0x48: {  	_ =	shalt  }
0x49: {  	_ =	shalt  }
0x4a: {  	_ =	shalt  }
0x4b: {  	_ =	shalt  }
0x4c: {  	_ =	shalt  }
0x4d: {  	_ =	shalt  }
0x4e: {  	_ =	shalt  }
0x4f: {  	_ =	shalt  }
0x50: {  	_ =	shalt  }
0x51: {  	_ =	shalt  }
0x52: {  	_ =	shalt  }
0x53: {  	_ =	shalt  }
0x54: {  	_ =	shalt  }
0x55: {  	_ =	shalt  }
0x56: {  	_ =	shalt  }
0x57: {  	_ =	shalt  }
0x58: {  	_ =	shalt  }
0x59: {  	_ =	shalt  }
0x5a: {  	_ =	shalt  }
0x5b: {  	_ =	shalt  }
0x5c: {  	_ =	shalt  }
0x5d: {  	_ =	shalt  }
0x5e: {  	_ =	shalt  }
0x5f: {  	_ =	shalt  }
0x60: {  	_ =	shalt  }
0x61: {  	_ =	shalt  }
0x62: {  	_ =	shalt  }
0x63: {  	_ =	shalt  }
0x64: {  	_ =	shalt  }
0x65: {  	_ =	shalt  }
0x66: {  	_ =	shalt  }
0x67: {  	_ =	shalt  }
0x68: {  	_ =	shalt  }
0x69: {  	_ =	shalt  }
0x6a: {  	_ =	shalt  }
0x6b: {  	_ =	shalt  }
0x6c: {  	_ =	shalt  }
0x6d: {  	_ =	shalt  }
0x6e: {  	_ =	shalt  }
0x6f: {  	_ =	shalt  }
0x70: {  	_ =	shalt  }
0x71: {  	_ =	shalt  }
0x72: {  	_ =	shalt  }
0x73: {  	_ =	shalt  }
0x74: {  	_ =	shalt  }
0x75: {  	_ =	shalt  }
0x76: {  	_ =	shalt  }
0x77: {  	_ =	shalt  }
0x78: {  	_ =	shalt  }
0x79: {  	_ =	shalt  }
0x7a: {  	_ =	shalt  }
0x7b: {  	_ =	shalt  }
0x7c: {  	_ =	shalt  }
0x7d: {  	_ =	shalt  }
0x7e: {  	_ =	shalt  }
0x7f: {  	_ =	shalt  }
0x80: {  	_ =	shalt  }
0x81: {  	_ =	shalt  }
0x82: {  	_ =	shalt  }
0x83: {  	_ =	shalt  }
0x84: {  	_ =	shalt  }
0x85: {  	_ =	shalt  }
0x86: {  	_ =	shalt  }
0x87: {  	_ =	shalt  }
.Lfunc_end0:
.L_simem_size_0:
called_computation.5_lowered:
.L_overlay_start_0:
0x88: {  	s2 =	sld [smem:$0x3FD9]  }
0x89: {  	s3 =	sld [smem:$0x3FFE];
	_ =	sdelay $0x1  }
0x8a: {  	s1 =	srdreg.scid  }
0x8b: {  	s0 =	sand.u32 $0x1, s1  }
0x8c: {  	s17 =	sshll.u32 s0, $0xA;
	s2 =	sadd.s32 s3, s2  }
0x8d: {  	s2 =	sadd.s32 s2, s17  }
0x8e: {  	[smem:$0x3FB2] =	sst s2  }
0x8f: {  	_ = 	snop  }
0x90: {  	s2 =	sld [smem:$0x3FD0];
	(tm) =	ssettm $0x1  }
0x91: {  	s18 =	sld [smem:$0x3FFB];
	_ =	sdelay $0x3  }
0x92: {  	_ =	strace s18  }
0x93: {  	s3 =	sld [smem:$0x3FFC];
	_ =	sdelay $0x3  }
0x94: {  	_ =	strace s3  }
0x95: {  	s3 =	sld [smem:$0x3FFD];
	_ =	sdelay $0x3  }
0x96: {  	_ =	strace s3  }
0x97: {  	_ =	strace $0x8FFFFFFF  }
0x98: {  	s19 =	sld [smem:$0x3FDB];
	_ =	sdelay $0x1  }
0x99: {  	s4 =	simm.s32 $_scs_section_size  }
0x9a: {  	s5 =	simm.s32 $_size__tile_overlayer_lowered;
	s6 =	simm.s32 $_tile_overlayer_lowered  }
0x9b: {  	s22 =	simm.s32 $0x1BFF;
	s21 =	sshll.u32 s6, $0x1;
	s3 =	sadd.s32 s4, s19  }
0x9c: {  	s7 =	simm.s32 $0x0;
	s20 =	sshll.u32 s5, $0x1;
	s5 =	sadd.s32 s21, s3  }
0x9d: {  	[timem:s7], [sflag:s22] =	dma.local [hbm:s5], s20  }
0x9e: {  	_ =	swait.ge [sflag:s22], s20  }
0x9f: {  	s4 =	ssub.s32 $0x0, s20;
	[sflag:s22] =	ssyncset.done $0x0  }
0xa0: {  	[sflag:s22] =	ssyncadd.s32 s4;
	_ =	sdelay $0x1  }
0xa1: {  	s23 =	simm.s32 $0x1B8B  }
0xa2: {  	_ =	swait.ge [sflag:s23], $0x1  }
0xa3: {  	[sflag:s23] =	ssyncset.done $0x0  }
0xa4: {  	s25 =	simm.s32 $0x1B8E;
	s24 =	sld [smem:$0x3FFE];
	[sflag:s23] =	ssyncadd.s32 $0xFFFFFFFF  }
0xa5: {  	s26 =	simm.s32 $execute0_lowered;
	[smem:$0x3FD2] =	sst s25  }
0xa6: {  	s5 =	sshll.u32 s26, $0x1;
	_ =	strace $0x80000055;
	[dreg:$0x1] =	wrdreg $0xFFFFFFFF  }
0xa7: {  	s28 =	simm.s32 $_size_execute0_lowered;
	s3 =	sadd.s32 s3, s5;
	[dreg:$0x0] =	wrdreg $0x0  }
0xa8: {  	s5 =	sshll.u32 s28, $0x1;
	[dreg:$0x2] =	wrdreg s3  }
0xa9: {  	[dreg:$0x3] =	wrdreg s5  }
0xaa: {  	[dreg:$0x4] =	wrdreg $0xC0  }
0xab: {  	_ =	task [dreg:s7], $0x5FFFF  }
0xac: {  	[dreg:$0x1] =	wrdreg $0xFFFFFFFF  }
0xad: {  	[dreg:$0x0] =	wrdreg $0x60  }
0xae: {  	[dreg:$0x2] =	wrdreg s24  }
0xaf: {  	[dreg:$0x3] =	wrdreg s2  }
0xb0: {  	[dreg:$0x4] =	wrdreg $0x3C600  }
0xb1: {  	[dreg:$0x5] =	wrdreg $0x174E00  }
0xb2: {  	[dreg:$0x6] =	wrdreg $0x9  }
0xb3: {  	_ =	task.clear_ibuf [dreg:s7], $0x7FFFF;
	_ =	strace $0x90000055  }
0xb4: {  	s29 =	simm.s32 $0x9;
	_ =	strace $0x80000057  }
0xb5: {  	_ =	swait.ge [sflag:s29], $0x1  }
0xb6: {  	[sflag:s29] =	ssyncadd.s32 $0xFFFFFFFF  }
0xb7: {  	_ =	strace $0x90000057  }
0xb8: {  	_ =	sfence  }
0xb9: {  	s30 =	sld [smem:$0x0];
	_ =	sdelay $0x2  }
0xba: {  	s31 =	sshll.u32 s1, $0xD;
	s1 =	sshrl.u32 s1, $0x2  }
0xbb: {  	s3 =	sand.u32 $0x4000, s31;
	s1 =	sadd.s32 s1, s30  }
0xbc: {  	s0 =	sor.u32 s3, s0;
	s1 =	sshll.u32 s1, $0x11  }
0xbd: {  	s0 =	sor.u32 s1, s0  }
0xbe: {  	s0 =	sadd.s32 $0x8F2B, s0  }
0xbf: {  	[sflag:s0] =	ssyncadd.remote.s32 $0x1  }
0xc0: {  	_ =	sfence.sel $0xFFFF  }
0xc1: {  	[dreg:$0x0] =	wrdreg $0xFFFFFFFF;
	(pc) =	sbr.abs _section_cstart, $3  }
0xc2: {  	[dreg:$0x1] =	wrdreg $0xFFFFFFFF  }
0xc3: {  	_ =	task.clear_ibuf [dreg:s7], $0x2FFFF;
	_ =	strace $0x9FFFFFFF  }
0xc4: {  	(tm) =	ssettm $0x7FFFFFFF  }
0xc5: {  	_ =	shalt  }
tec
execute0_lowered:
.L_overlay_start_1:
0x0: {  	(tag) =	ssettag $0x1  }
0x1: {  	s0 =	rddreg [dreg:$0x0]  }
0x2: {  	s1 =	rddreg [dreg:$0x1]  }
0x3: {  	s2 =	rddreg [dreg:$0x2]  }
0x4: {  	s13 =	rddreg [dreg:$0x3];
	s17 =	simm.s32 $0x0  }
0x5: {  	s14 =	stileid.u32;
	s3 =	srdreg.scid;
	s18 =	simm.s32 $0x2CC0  }
0x6: {  	s19 =	simm.s32 $0x2;
	s20 =	simm.s32 $0x3940;
	s21 =	simm.s32 $0x3  }
0x7: {  	s22 =	simm.s32 $0x40;
	s23 =	simm.s32 $0x2880;
	s28 =	simm.s32 $0x0  }
0x8: {  	[smem:$0x7FF] =	sst s17;
	s5 =	sadd.s32 $0xBAA00, s0;
	s4 =	smul.u32 $0x13880, s14  }
0x9: {  	s3 =	sand.u32 $0x1, s3;
	s6 =	sadd.s32 $0xB5A00, s0;
	s12 =	smul.u32 $0x4E20, s14  }
0xa: {  	s7 =	sadd.s32 $0x1A0200, s0;
	s8 =	sadd.s32 $0xCA00, s0;
	s29 =	smul.u32 $0x4E200, s14  }
0xb: {  	_ =	strace $0x80000056;
	s9 =	ssub.s32 $0x2, s3;
	p0 =	seq.s32 s3, $0x0  }
0xc: {  	p1 =	seq.s32 s3, $0x1;
	s10 =	sshrl.u32 s4, $0x3;
	s11 =	sshrl.u32 s9, $0x1  }
0xd: {  	s25 =	sadd.s32 s4, s2;
	s26 =	sshrl.u32 s12, $0x3;
	s3 =	sadd.s32 s12, s13  }
0xe: {  	s4 =	sshrl.u32 s4, $0x2;
	s10 =	sadd.s32 s10, s0;
	s11 =	ssub.s32 s9, s11  }
0xf: {  	s9 =	smul.u32 $0x2800, s14;
	[dreg:$0x7] =	wrdreg s25;
	s1 =	sadd.s32 s1, s26  }
0x10: {  	s16 =	sadd.s32 s4, s13;
	s24 =	sadd.s32 $0x163000, s10;
	[dreg:$0x9] =	wrdreg s1  }
0x11: {  	s10 =	sadd.s32 $0x67800, s10;
	s30 =	smax.u32 s11, $0x1;
	[dreg:$0x6] =	wrdreg s24  }
0x12: {  	s1 =	sshrl.u32 s29, $0x2;
	[dreg:$0x8] =	wrdreg s10;
	s10 =	simm.s32 $0xBFA00  }
0x13: {  	[dreg:$0xa] =	wrdreg s30;
	s31 =	sadd.s32 s1, s2;
	s10 =	simm.s32 @!p0 $0x13BE00  }
0x14: {  	[dreg:$0xb] =	wrdreg s31;
	s15 =	sadd.s32 s10, s0;
	s0 =	sshrl.u32 @p1 s3, $0x3  }
0x15: {  	v0 =	vimm.f32 $0.0e+00;
	vm0 =	vmmov $0x1;
	s26 =	simm.s32 $0x1;
	s24 =	simm.s32 $0x80;
	[dreg:$0xc] =	wrdreg s0  }
.LBB2_1:
0x16: {  	s0 =	simm.s32 $0x2D00  }
0x17: {  	[tilespmem:s0+$0x20] =	vst v0  }
0x18: {  	[tilespmem:s0+$0x10] =	vst v0  }
0x19: {  	[tilespmem:s0+$0x0] =	vst v0  }
0x1a: {  	[tilespmem:s0+$0xFFFFFFF0] =	vst v0  }
0x1b: {  	[tilespmem:s0+$0xFFFFFFE0] =	vst v0  }
0x1c: {  	[tilespmem:s0+$0xFFFFFFD0] =	vst v0  }
0x1d: {  	[tilespmem:s0+$0xFFFFFFC0] =	vst v0  }
0x1e: {  	s3 =	simm.s32 $0x0;
	s1 =	simm.s32 $0x80;
	[tilespmem:s0+$0x30] =	vst v0  }
.LBB2_2:
0x1f: {  	p2 =	sne.s32 s1, $0xC00;
	[tilespmem:s3+$0x3950] =	vst v0  }
0x20: {  	s0 =	sadd.s32 $0x80, s0;
	[tilespmem:s3+$0x3940] =	vst v0  }
0x21: {  	[tilespmem:s0+$0x20] =	vst v0  }
0x22: {  	[tilespmem:s0+$0x10] =	vst v0  }
0x23: {  	[tilespmem:s0+$0x0] =	vst v0  }
.Ltmp0:
0x24: {  	[tilespmem:s0+$0xFFFFFFF0] =	vst v0;
	(pc) =	sbr.rel @p2 .LBB2_2-.Ltmp0, $4  }
0x25: {  	[tilespmem:s0+$0xFFFFFFE0] =	vst v0  }
0x26: {  	[tilespmem:s0+$0xFFFFFFD0] =	vst v0  }
0x27: {  	[tilespmem:s0+$0xFFFFFFC0] =	vst v0  }
0x28: {  	s3 =	sshra.s32 s1, $0x2;
	s1 =	sadd.s32 $0x80, s1;
	[tilespmem:s0+$0x30] =	vst v0  }
0x29: {  	[dreg:$0x5] =	wrdreg s17;
	[tilespmem:s3+$0x3950] =	vst v0  }
0x2a: {  	[tilespmem:s3+$0x3940] =	vst v0;
	s1 =	rddreg [dreg:$0xb]  }
0x2b: {  	[spmem:s1] =	stream.linear.scatter [tilespmem:s18], [sflag:$0x2], $0xC80, $0x38;
	[tilespmem:$0x1C300] =	vst v63  }
0x2c: {  	_ =	swait.ge [sflag:s19], $0xC80  }
0x2d: {  	[sflag:s19] =	ssyncset.done $0x0  }
0x2e: {  	s0 =	sadd.s32 $0x0, s16;
	[sflag:s19] =	ssyncadd.s32 $0xFFFFF380  }
0x2f: {  	[spmem:s0] =	stream.linear.scatter [tilespmem:s20], [sflag:$0x2], $0x320, $0x38;
	[tilespmem:$0x1C300] =	vst v63  }
0x30: {  	_ =	swait.ge [sflag:s19], $0x320  }
0x31: {  	s0 =	simm.s32 $0xC80;
	[sflag:s19] =	ssyncset.done $0x0  }
.LBB2_4:
0x32: {  	p2 =	sne.s32 s0, $0x12C00;
	[sflag:s19] =	ssyncadd.s32 $0xFFFFFCE0;
	s1 =	sadd.s32 $0xC80, s1  }
0x33: {  	[spmem:s1] =	stream.linear.scatter [tilespmem:s18], [sflag:$0x2], $0xC80, $0x38;
	[tilespmem:$0x1C300] =	vst v63  }
0x34: {  	s3 =	smov.u32 s0;
	s0 =	sadd.s32 $0xC80, s0;
	_ =	swait.ge [sflag:s19], $0xC80  }
.Ltmp1:
0x35: {  	s3 =	sshra.s32 s3, $0x2;
	[sflag:s19] =	ssyncset.done $0x0;
	(pc) =	sbr.rel @p2 .LBB2_4-.Ltmp1, $4  }
0x36: {  	s3 =	sadd.s32 s3, s16;
	[sflag:s19] =	ssyncadd.s32 $0xFFFFF380  }
0x37: {  	[spmem:s3] =	stream.linear.scatter [tilespmem:s20], [sflag:$0x2], $0x320, $0x38;
	[tilespmem:$0x1C300] =	vst v63  }
0x38: {  	_ =	swait.ge [sflag:s19], $0x320  }
0x39: {  	[sflag:s19] =	ssyncset.done $0x0  }
0x3a: {  	[sflag:s19] =	ssyncadd.s32 $0xFFFFFCE0  }
0x3b: {  	s29 =	simm.s32 $0x0;
	[bflag:$0x0] =	sbarrier.arrive $0xFFFF  }
.LBB2_6:
0x3c: {  	s0 =	sshll.u32 s29, $0x6  }
0x3d: {  	s0 =	sadd.s32 s9, s0  }
0x3e: {  	s1 =	sshrl.u32 s0, $0x3  }
0x3f: {  	s3 =	sadd.s32 s5, s1  }
0x40: {  	[tilespmem:s28], [sflag:$0x3] =	stream.linear.gather [hbm4b:s3+s28], $0x40, $0x38;
	[tilespmem:$0x1C300] =	vst v63  }
0x41: {  	_ =	swait.ge [sflag:s21], $0x40  }
0x42: {  	[sflag:s21] =	ssyncset.done $0x0  }
0x43: {  	s25 =	sadd.s32 s6, s1;
	[sflag:s21] =	ssyncadd.s32 $0xFFFFFFC0  }
0x44: {  	[tilespmem:s22], [sflag:$0x3] =	stream.linear.gather [hbm4b:s25+s28], $0x40, $0x38;
	[tilespmem:$0x1C300] =	vst v63  }
0x45: {  	_ =	swait.ge [sflag:s21], $0x40  }
0x46: {  	[sflag:s21] =	ssyncset.done $0x0  }
0x47: {  	s1 =	sadd.s32 s8, s1;
	[sflag:s21] =	ssyncadd.s32 $0xFFFFFFC0  }
0x48: {  	[tilespmem:s23], [sflag:$0x3] =	stream.linear.gather [hbm4b:s1+s28], $0x40, $0x38;
	[tilespmem:$0x1C300] =	vst v63  }
0x49: {  	_ =	swait.ge [sflag:s21], $0x40  }
0x4a: {  	s0 =	sshll.u32 s0, $0x1;
	[sflag:s21] =	ssyncset.done $0x0  }
0x4b: {  	s13 =	simm.s32 $0x28C0;
	s0 =	sadd.s32 s7, s0;
	[sflag:s21] =	ssyncadd.s32 $0xFFFFFFC0  }
0x4c: {  	[tilespmem:s13], [sflag:$0x3] =	stream.linear.gather [hbm4b:s0+s28], $0x400, $0x38;
	[tilespmem:$0x1C300] =	vst v63  }
0x4d: {  	_ =	swait.ge [sflag:s21], $0x400  }
0x4e: {  	[sflag:s21] =	ssyncset.done $0x0  }
0x4f: {  	[sflag:s21] =	ssyncadd.s32 $0xFFFFFC00  }
0x50: {  	[tilespmem:s24], [sflag:$0x1] =	stream.indirect.gather [hbm4b:s15+s22], $0x80, s28, s22, $0xb8;
	[tilespmem:$0x1C300] =	vst v63  }
0x51: {  	v1 =	vmov s28;
	_ =	swait.ge [sflag:s26], $0x2000  }
0x52: {  	[sflag:s26] =	ssyncset.done $0x0  }
0x53: {  	s25 =	simm.s32 $0xC0;
	[sflag:s26] =	ssyncadd.s32 $0xFFFFE000  }
0x54: {  	v4 =	vld [tilespmem:s25+$0xFFFFFFD0]  }
0x55: {  	v6 =	vld [tilespmem:s25+$0xFFFFFFE0]  }
0x56: {  	v3 =	vld.idx.msk [tilespmem:v1+s23+$0x0], $0xffff  }
0x57: {  	s14 =	simm.s32 $0x2090;
	v8 =	vld [tilespmem:s25+$0x10]  }
0x58: {  	s2 =	simm.s32 $0x1;
	s10 =	simm.s32 $0x20B0;
	s12 =	simm.s32 $0x140;
	v9 =	vld [tilespmem:s25+$0x0]  }
0x59: {  	s30 =	simm.s32 $0x2;
	s11 =	simm.s32 $0x28E0;
	s17 =	simm.s32 $0x20D0  }
0x5a: {  	s4 =	simm.s32 $0x1C0;
	s31 =	simm.s32 $0x1C0;
	s3 =	simm.s32 $0x28D0;
	v5 =	vld [tilespmem:s25+$0x30]  }
0x5b: {  	v2 =	vmov s2;
	s1 =	simm.s32 $0x3;
	s0 =	simm.s32 $0x28E0;
	v1 =	vmov s30;
	v7 =	vld [tilespmem:s25+$0x20];
	s30 =	simm.s32 $0x20D0  }
.LBB2_7:
0x5c: {  	s11 =	sadd.s32 $0x10, s11;
	s17 =	sadd.s32 $0x20, s17;
	s4 =	sadd.s32 $0x80, s4;
	v6 =	vmul.f32 v6, v3;
	v10 =	vld [tilespmem:s25+$0xFFFFFFF0];
	v8 =	vmul.f32 v8, v3  }
0x5d: {  	p2 =	sne.s32 s1, $0x3F;
	v4 =	vmul.f32 v4, v3;
	s2 =	smov.u32 s1;
	s1 =	sadd.s32 $0x1, s1;
	v11 =	vld [tilespmem:s25+$0xFFFFFFC0];
	v9 =	vmul.f32 v9, v3  }
0x5e: {  	[tilespmem:s25+$0xFFFFFFE0] =	vst v6  }
0x5f: {  	[tilespmem:s25+$0x0] =	vst v9  }
0x60: {  	[tilespmem:s25+$0x10] =	vst v8;
	v6 =	vmul.f32 v7, v3  }
0x61: {  	v7 =	vmov s2;
	[tilespmem:s25+$0xFFFFFFD0] =	vst v4;
	v4 =	vmul.f32 v5, v3  }
0x62: {  	v8 =	vmul.f32 v10, v3;
	v5 =	vmul.f32 v11, v3;
	[tilespmem:s25+$0x20] =	vst v6  }
0x63: {  	[tilespmem:s25+$0x30] =	vst v4  }
0x64: {  	[tilespmem:s25+$0xFFFFFFF0] =	vst v8  }
0x65: {  	[tilespmem:s25+$0xFFFFFFC0] =	vst v5;
	s25 =	smov.u32 s12;
	s12 =	smov.u32 s31;
	s31 =	smov.u32 s4  }
0x66: {  	v5 =	vnsel vm0, $0x0, v3;
	v4 =	vld [tilespmem:s13+$0x0];
	s13 =	smov.u32 s3;
	s3 =	smov.u32 s0;
	s0 =	smov.u32 s11  }
0x67: {  	[tilespmem:s14+$0x0] =	vst v5;
	_ =	sdelay $0x3  }
0x68: {  	v3 =	vmul.f32 v4, v3;
	_ =	sdelay $0x1  }
0x69: {  	[tilespmem:s14+$0xFFFFFFF0] =	vst v3;
	s14 =	smov.u32 s10;
	s10 =	smov.u32 s30;
	s30 =	smov.u32 s17  }
0x6a: {  	v4 =	vld [tilespmem:s25+$0xFFFFFFD0]  }
0x6b: {  	v6 =	vld [tilespmem:s25+$0xFFFFFFE0]  }
0x6c: {  	v3 =	vld.idx.msk [tilespmem:v2+s23+$0x0], $0xffff;
	v2 =	vmov v1;
	v1 =	vmov v7  }
.Ltmp2:
0x6d: {  	v8 =	vld [tilespmem:s25+$0x10];
	(pc) =	sbr.rel @p2 .LBB2_7-.Ltmp2, $3  }
0x6e: {  	v9 =	vld [tilespmem:s25+$0x0]  }
0x6f: {  	v5 =	vld [tilespmem:s25+$0x30];
	_ =	sdelay $0x1  }
0x70: {  	v7 =	vld [tilespmem:s25+$0x20]  }
0x71: {  	v6 =	vmul.f32 v6, v3  }
0x72: {  	v10 =	vld [tilespmem:s25+$0xFFFFFFF0];
	v8 =	vmul.f32 v8, v3  }
0x73: {  	v11 =	vld [tilespmem:s25+$0xFFFFFFC0];
	v4 =	vmul.f32 v4, v3;
	[tilespmem:s25+$0xFFFFFFE0] =	vst v6  }
0x74: {  	v9 =	vmul.f32 v9, v3;
	[tilespmem:s25+$0x10] =	vst v8  }
0x75: {  	[tilespmem:s25+$0xFFFFFFD0] =	vst v4;
	v48 =	vmul.f32 v5, v3  }
0x76: {  	[tilespmem:s25+$0x0] =	vst v9;
	v47 =	vmul.f32 v7, v3  }
0x77: {  	[tilespmem:s25+$0x30] =	vst v48;
	v49 =	vmul.f32 v10, v3  }
0x78: {  	v50 =	vmul.f32 v11, v3;
	[tilespmem:s25+$0x20] =	vst v47  }
0x79: {  	[tilespmem:s25+$0xFFFFFFF0] =	vst v49  }
0x7a: {  	[tilespmem:s25+$0xFFFFFFC0] =	vst v50  }
0x7b: {  	v4 =	vld [tilespmem:s13+$0x0];
	_ =	sdelay $0x4  }
0x7c: {  	v51 =	vnsel vm0, $0x0, v3;
	v3 =	vmul.f32 v4, v3  }
0x7d: {  	[tilespmem:s14+$0x0] =	vst v51  }
0x7e: {  	[tilespmem:s14+$0xFFFFFFF0] =	vst v3  }
0x7f: {  	v52 =	vld [tilespmem:s12+$0xFFFFFFE0]  }
0x80: {  	v2 =	vld.idx.msk [tilespmem:v2+s23+$0x0], $0xffff  }
0x81: {  	v5 =	vld [tilespmem:s12+$0x0]  }
0x82: {  	v53 =	vld [tilespmem:s12+$0x10]  }
0x83: {  	v3 =	vld [tilespmem:s12+$0xFFFFFFD0]  }
0x84: {  	v8 =	vld [tilespmem:s12+$0x20]  }
0x85: {  	v9 =	vld [tilespmem:s12+$0xFFFFFFF0];
	v4 =	vmul.f32 v52, v2  }
0x86: {  	v55 =	vld [tilespmem:s12+$0xFFFFFFC0];
	v5 =	vmul.f32 v5, v2  }
0x87: {  	v54 =	vld [tilespmem:s12+$0x30];
	v6 =	vmul.f32 v53, v2;
	[tilespmem:s12+$0xFFFFFFE0] =	vst v4  }
0x88: {  	v3 =	vmul.f32 v3, v2;
	[tilespmem:s12+$0x0] =	vst v5  }
0x89: {  	v56 =	vmul.f32 v8, v2;
	[tilespmem:s12+$0x10] =	vst v6  }
0x8a: {  	v57 =	vmul.f32 v9, v2;
	[tilespmem:s12+$0xFFFFFFD0] =	vst v3  }
0x8b: {  	v58 =	vmul.f32 v55, v2;
	[tilespmem:s12+$0x20] =	vst v56  }
0x8c: {  	v3 =	vmul.f32 v54, v2;
	[tilespmem:s12+$0xFFFFFFF0] =	vst v57  }
0x8d: {  	[tilespmem:s12+$0xFFFFFFC0] =	vst v58  }
0x8e: {  	[tilespmem:s12+$0x30] =	vst v3  }
0x8f: {  	v3 =	vld [tilespmem:s3+$0x0];
	_ =	sdelay $0x4  }
0x90: {  	v59 =	vnsel vm0, $0x0, v2;
	v2 =	vmul.f32 v3, v2  }
0x91: {  	[tilespmem:s10+$0x0] =	vst v59  }
0x92: {  	[tilespmem:s10+$0xFFFFFFF0] =	vst v2  }
0x93: {  	v3 =	vld [tilespmem:s31+$0xFFFFFFE0]  }
0x94: {  	v1 =	vld.idx.msk [tilespmem:v1+s23+$0x0], $0xffff  }
0x95: {  	v4 =	vld [tilespmem:s31+$0x0]  }
0x96: {  	v5 =	vld [tilespmem:s31+$0x10]  }
0x97: {  	v2 =	vld [tilespmem:s31+$0xFFFFFFD0]  }
0x98: {  	v61 =	vld [tilespmem:s31+$0xFFFFFFF0]  }
0x99: {  	v60 =	vld [tilespmem:s31+$0x20];
	v3 =	vmul.f32 v3, v1  }
0x9a: {  	v6 =	vld [tilespmem:s31+$0x30];
	v4 =	vmul.f32 v4, v1  }
0x9b: {  	v62 =	vld [tilespmem:s31+$0xFFFFFFC0];
	v5 =	vmul.f32 v5, v1;
	[tilespmem:s31+$0xFFFFFFE0] =	vst v3  }
0x9c: {  	v2 =	vmul.f32 v2, v1;
	[tilespmem:s31+$0x0] =	vst v4  }
0x9d: {  	v63 =	vmul.f32 v61, v1;
	[tilespmem:s31+$0x10] =	vst v5  }
0x9e: {  	v3 =	vmul.f32 v60, v1;
	[tilespmem:s31+$0xFFFFFFD0] =	vst v2  }
0x9f: {  	v2 =	vmul.f32 v6, v1;
	[tilespmem:s31+$0xFFFFFFF0] =	vst v63  }
0xa0: {  	[tilespmem:s31+$0x20] =	vst v3;
	v3 =	vmul.f32 v62, v1  }
0xa1: {  	[tilespmem:s31+$0x30] =	vst v2  }
0xa2: {  	[tilespmem:s31+$0xFFFFFFC0] =	vst v3  }
0xa3: {  	v2 =	vld [tilespmem:s0+$0x0];
	_ =	sdelay $0x4  }
0xa4: {  	v3 =	vnsel vm0, $0x0, v1;
	v1 =	vmul.f32 v2, v1  }
0xa5: {  	[tilespmem:s30+$0x0] =	vst v3  }
0xa6: {  	s31 =	rddreg [dreg:$0x2];
	[tilespmem:s30+$0xFFFFFFF0] =	vst v1  }
0xa7: {  	[spmem:s31] =	stream.indirect.scatter.add.f32 [tilespmem:s24], [sflag:$0x3], $0x80, s22, s22, $0xb8;
	[tilespmem:$0x1C300] =	vst v63  }
0xa8: {  	_ =	swait.ge [sflag:s21], $0x2000  }
0xa9: {  	[sflag:s21] =	ssyncset.done $0x0  }
0xaa: {  	s1 =	simm.s32 @!p0 $0x2080;
	s29 =	sadd.s32 $0x1, s29;
	[sflag:s21] =	ssyncadd.s32 $0xFFFFE000  }
0xab: {  	p2 =	sne.s32 s29, $0xA0;
	s0 =	simm.s32 @!p0 $0x40;
	s2 =	rddreg [dreg:$0x3]  }
0xac: {  	[spmem:s2] =	stream.indirect.scatter.add.f32 @!p0 [tilespmem:s1], [sflag:$0x2], $0x20, s0, s0, $0xb8;
	[tilespmem:$0x1C300] =	vst v63  }
.Ltmp3:
0xad: {  	_ = 	snop;
	(pc) =	sbr.rel @p2 .LBB2_6-.Ltmp3, $4  }
0xae: {  	s0 =	simm.s32 @!p0 $0x2  }
0xaf: {  	_ =	swait.ge @!p0 [sflag:s0], $0x800  }
0xb0: {  	[sflag:s0] =	ssyncset.done @!p0 $0x0  }
0xb1: {  	[sflag:s0] =	ssyncadd.s32 @!p0 $0xFFFFF800  }
0xb2: {  	s3 =	stileid.u32;
	[bflag:$0x0] =	sbarrier.arrive $0xFFFF  }
0xb3: {  	s0 =	sshll.u32 @p1 s3, $0x6;
	s4 =	rddreg [dreg:$0x7]  }
0xb4: {  	s2 =	rddreg [dreg:$0x8];
	s0 =	sor.u32 @p1 $0x1C02, s0;
	s1 =	sshrl.u32 @p1 s4, $0x3  }
0xb5: {  	[hbm:s2], [sflag:s0] =	dma.local @p1 [spmem:s1], $0x2710  }
0xb6: {  	s1 =	simm.s32 @p1 $0x2  }
0xb7: {  	_ =	swait.ge @p1 [sflag:s1], $0x2710  }
0xb8: {  	[sflag:s1] =	ssyncset.done @p1 $0x0;
	s2 =	rddreg [dreg:$0x9]  }
0xb9: {  	s10 =	rddreg [dreg:$0xc];
	[sflag:s1] =	ssyncadd.s32 @p1 $0xFFFFD8F0  }
0xba: {  	[hbm:s2], [sflag:s0] =	dma.local @p1 [spmem:s10], $0x9C4  }
0xbb: {  	s0 =	sshll.u32 @!p1 s3, $0x6;
	_ =	swait.ge @p1 [sflag:s1], $0x9C4  }
0xbc: {  	s0 =	sor.u32 @!p1 $0x1C02, s0;
	[sflag:s1] =	ssyncset.done @p1 $0x0  }
0xbd: {  	s3 =	rddreg [dreg:$0x6];
	[sflag:s1] =	ssyncadd.s32 @p1 $0xFFFFF63C;
	s1 =	sshrl.u32 @!p1 s4, $0x3  }
0xbe: {  	[hbm:s3], [sflag:s0] =	dma.local @!p1 [spmem:s1], $0x2710  }
0xbf: {  	s0 =	simm.s32 @!p1 $0x2  }
0xc0: {  	_ =	swait.ge @!p1 [sflag:s0], $0x2710  }
0xc1: {  	s17 =	rddreg [dreg:$0x5]  }
0xc2: {  	s31 =	rddreg [dreg:$0xa];
	s17 =	sadd.s32 $0x1, s17  }
0xc3: {  	p2 =	sne.s32 s17, s31  }
.Ltmp4:
0xc4: {  	_ = 	snop;
	(pc) =	sbr.rel @p2 .LBB2_1-.Ltmp4, $3  }
0xc5: {  	_ =	sdelay $0x1  }
0xc6: {  	[sflag:s0] =	ssyncset.done @!p1 $0x0  }
0xc7: {  	s2 =	stileid.u32;
	[sflag:s0] =	ssyncadd.s32 @!p1 $0xFFFFD8F0  }
0xc8: {  	_ =	sfence.sel $0x180000  }
0xc9: {  	[bflag:$0x0] =	sbarrier.arrive $0xFFFF  }
0xca: {  	_ =	strace $0x90000056  }
0xcb: {  	[bflag:$0x2] =	sbarrier.arrive $0xFFFF  }
0xcc: {  	p0 =	sne.s32 s2, $0x0;
	s0 =	rddreg [dreg:$0x4]  }
0xcd: {  	s0 =	sadd.s32 @!p0 $0x100000, s0  }
0xce: {  	[sflag:s0] =	ssyncadd.tile.s32 @!p0 $0x1;
	_ =	shalt  }
.Lfunc_end2:
_tile_overlayer_lowered:
.L_overlay_start_2:
0xcf: {  	(tag) =	ssettag $0x2  }
0xd0: {  	s0 =	rddreg [dreg:$0x0];
	s2 =	stileid.u32  }
0xd1: {  	s1 =	rddreg [dreg:$0x1];
	p0 =	sne.s32 s2, $0x0  }
0xd2: {  	s3 =	rddreg [dreg:$0x2];
	[bflag:$0x3] =	sbarrier.arrive $0xFFFF;
	s2 =	simm.s32 @!p0 $0x1C02  }
0xd3: {  	[timem:s3], [sflag:s2] =	dma.local @!p0 [hbm:s0], s1  }
0xd4: {  	s0 =	simm.s32 @!p0 $0x2  }
0xd5: {  	_ =	swait.ge @!p0 [sflag:s0], s1  }
0xd6: {  	s1 =	ssub.s32 @!p0 $0x0, s1;
	[sflag:s0] =	ssyncset.done @!p0 $0x0  }
0xd7: {  	[sflag:s0] =	ssyncadd.s32 @!p0 s1  }
0xd8: {  	[bflag:$0x3] =	sbarrier.arrive $0xFFFF  }
0xd9: {  	_ =	shalt  }

</sc_bundles>
